<compile_context>
chip_gen: v7x
topology: tpu7x:2x2x1
jax: 0.10.2.dev20260603
libtpu: 0.0.44.dev20260713+nightly
codegen_flags: <defaults>
</compile_context>

<pallas_src>
import functools

import jax
import jax.numpy as jnp
from jax import lax
from jax.experimental import pallas as pl
from jax.experimental.pallas import tpu as pltpu
from jax.experimental.pallas import tpu_sc as plsc

N = 10000
E = 160000
D = 128
H = 64
G4 = 4 * H
HID = 128
TPAD = 48
NW = 32
ECH = E // NW
NG = 40
EPAD = NG * 128
NB = 2000
NBLK = N // NB
NPD = 10240
NROW = NPD // 128

_MESH = plsc.VectorSubcoreMesh(core_axis_name="c", subcore_axis_name="s")
_SCPARAMS = pltpu.CompilerParams(needs_layout_passes=False)
_f32 = jnp.float32
_i32 = jnp.int32


def _wid():
    return lax.axis_index("s") * 2 + lax.axis_index("c")


def _iota16():
    return lax.iota(_i32, 16)


@functools.partial(
    pl.kernel,
    out_type=jax.ShapeDtypeStruct((NW, NPD), _i32),
    mesh=_MESH,
    compiler_params=_SCPARAMS,
    scratch_types=[pltpu.VMEM((EPAD,), _i32), pltpu.VMEM((NPD + 16,), _i32)],
)
def _k1(dst_hbm, hist_hbm, dst_v, hist_v):
    wid = _wid()
    zeros16 = jnp.zeros((16,), _i32)

    def zb(i, c):
        hist_v[pl.ds(i * 16, 16)] = zeros16
        return c
    lax.fori_loop(0, (NPD + 16) // 16, zb, 0)

    pltpu.sync_copy(dst_hbm.at[pl.ds(wid * ECH, ECH)], dst_v.at[pl.ds(0, ECH)])
    tv = dst_v[pl.ds(ECH - 8, 16)]
    dst_v[pl.ds(ECH - 8, 16)] = jnp.where(_iota16() < 8, tv, N)

    def step(i, c):
        dvec = dst_v[pl.ds(i * 16, 16)]
        occ, lastm = plsc.scan_count(dvec)
        cur = plsc.load_gather(hist_v, [dvec])
        plsc.store_scatter(hist_v, [dvec], cur + occ, mask=lastm)
        return c
    lax.fori_loop(0, (ECH + 8) // 16, step, 0)

    pltpu.sync_copy(hist_v.at[pl.ds(0, NPD)], hist_hbm.at[wid])


def _k2_body(hist_ref, counts_ref, starts_ref, pref_ref, bm_ref):
    h = hist_ref[...]
    counts = jnp.sum(h, axis=0)

    def shift_lanes(x, k):
        return jnp.concatenate(
            [jnp.zeros((NROW, k), _i32), x[:, :128 - k]], axis=1)

    def shift_rows(x, k):
        return jnp.concatenate(
            [jnp.zeros((k, 128), _i32), x[:NROW - k, :]], axis=0)

    cum = counts
    k = 1
    while k < 128:
        cum = cum + shift_lanes(cum, k)
        k *= 2
    row_tot = jnp.broadcast_to(cum[:, 127:128], (NROW, 128))
    ex_rows = row_tot
    k = 1
    while k < NROW:
        ex_rows = ex_rows + shift_rows(ex_rows, k)
        k *= 2
    ex_rows = ex_rows - row_tot
    starts_excl = ex_rows + cum - counts
    counts_ref[...] = counts
    starts_ref[...] = starts_excl
    acc = jnp.zeros((NROW, 128), _i32)
    for w in range(NW):
        pref_ref[w] = acc
        acc = acc + h[w]
    ci = counts
    nid = (lax.broadcasted_iota(_i32, (NROW, 128), 0) * 128
           + lax.broadcasted_iota(_i32, (NROW, 128), 1))
    for b in range(NBLK):
        m = (nid >= b * NB) & (nid < (b + 1) * NB)
        bmb = jnp.max(jnp.where(m, ci, 0))
        bm_ref[b, :] = jnp.full((128,), 0, _i32) + bmb


def _k2(hist3):
    return pl.pallas_call(
        _k2_body,
        out_shape=(
            jax.ShapeDtypeStruct((NROW, 128), _i32),
            jax.ShapeDtypeStruct((NROW, 128), _i32),
            jax.ShapeDtypeStruct((NW, NROW, 128), _i32),
            jax.ShapeDtypeStruct((NBLK, 128), _i32),
        ),
    )(hist3)


_SENT = 1 << 30


@functools.partial(
    pl.kernel,
    out_type=[jax.ShapeDtypeStruct((NW * EPAD,), _i32),
              jax.ShapeDtypeStruct((NW * EPAD,), _i32)],
    mesh=_MESH,
    compiler_params=_SCPARAMS,
    scratch_types=[
        pltpu.VMEM((EPAD,), _i32),
        pltpu.VMEM((EPAD,), _i32),
        pltpu.VMEM((NPD + 16,), _i32),
        pltpu.VMEM((NPD + 16,), _i32),
        pltpu.VMEM((NPD + 16,), _i32),
        pltpu.VMEM((EPAD,), _i32),
        pltpu.VMEM((EPAD,), _i32),
    ],
)
def _k3a(src_hbm, dst_hbm, starts_hbm, pref_hbm, posarr_hbm, wordarr_hbm,
         dst_v, src_v, lhist_v, starts_v, pref_v, pos_l, word_l):
    wid = _wid()
    zeros16 = jnp.zeros((16,), _i32)
    it16 = _iota16()

    def zb(i, c):
        lhist_v[pl.ds(i * 16, 16)] = zeros16
        return c
    lax.fori_loop(0, (NPD + 16) // 16, zb, 0)

    pltpu.sync_copy(dst_hbm.at[pl.ds(wid * ECH, ECH)], dst_v.at[pl.ds(0, ECH)])
    pltpu.sync_copy(src_hbm.at[pl.ds(wid * ECH, ECH)], src_v.at[pl.ds(0, ECH)])
    pltpu.sync_copy(starts_hbm, starts_v.at[pl.ds(0, NPD)])
    pltpu.sync_copy(pref_hbm.at[wid], pref_v.at[pl.ds(0, NPD)])
    tv = dst_v[pl.ds(ECH - 8, 16)]
    dst_v[pl.ds(ECH - 8, 16)] = jnp.where(it16 < 8, tv, N)

    def step(i, c):
        dvec = dst_v[pl.ds(i * 16, 16)]
        svec = src_v[pl.ds(i * 16, 16)]
        occ, lastm = plsc.scan_count(dvec)
        cur = plsc.load_gather(lhist_v, [dvec])
        plsc.store_scatter(lhist_v, [dvec], cur + occ, mask=lastm)
        sv = plsc.load_gather(starts_v, [dvec])
        pv = plsc.load_gather(pref_v, [dvec])
        pos = sv + pv + cur + occ - 1
        k = i * 16 + it16
        pos_l[pl.ds(i * 16, 16)] = jnp.where(k < ECH, pos, _SENT)
        word_l[pl.ds(i * 16, 16)] = svec + (dvec << 14)
        return c
    lax.fori_loop(0, (ECH + 8) // 16, step, 0)

    for j in range(7):
        pos_l[pl.ds(ECH + 8 + 16 * j, 16)] = jnp.zeros((16,), _i32) + _SENT
        word_l[pl.ds(ECH + 8 + 16 * j, 16)] = zeros16

    pltpu.sync_copy(pos_l, posarr_hbm.at[pl.ds(wid * EPAD, EPAD)])
    pltpu.sync_copy(word_l, wordarr_hbm.at[pl.ds(wid * EPAD, EPAD)])


@functools.partial(
    pl.kernel,
    out_type=[jax.ShapeDtypeStruct((E,), _i32),
              jax.ShapeDtypeStruct((E,), _i32)],
    mesh=_MESH,
    compiler_params=_SCPARAMS,
    scratch_types=[
        pltpu.VMEM((2, EPAD), _i32),
        pltpu.VMEM((2, EPAD), _i32),
        pltpu.VMEM((EPAD,), _i32),
        pltpu.VMEM((EPAD,), _i32),
        pltpu.VMEM((EPAD,), _i32),
        pltpu.SemaphoreType.DMA,
        pltpu.SemaphoreType.DMA,
    ],
)
def _k3b(posarr_hbm, wordarr_hbm, ssrt_hbm, nods_hbm,
         pos_ch, word_ch, loc_v, s_loc, n_loc, s1, s2):
    wid = _wid()
    base = wid * ECH

    def chunk(c, carry):
        pltpu.sync_copy(posarr_hbm.at[pl.ds(c * EPAD, EPAD)], pos_ch.at[c % 2])
        pltpu.sync_copy(wordarr_hbm.at[pl.ds(c * EPAD, EPAD)], word_ch.at[c % 2])

        def step(i, cc):
            pv = pos_ch[c % 2, pl.ds(i * 16, 16)]
            wv = word_ch[c % 2, pl.ds(i * 16, 16)]
            rel = pv - base
            m = (rel >= 0) & (rel < ECH)
            rel = jnp.where(m, rel, 0)
            plsc.store_scatter(loc_v, [rel], wv, mask=m)
            return cc
        lax.fori_loop(0, EPAD // 16, step, 0)
        return carry
    lax.fori_loop(0, NW, chunk, 0)

    def unpack(i, c):
        w16 = loc_v[pl.ds(i * 16, 16)]
        s_loc[pl.ds(i * 16, 16)] = w16 & 0x3FFF
        n_loc[pl.ds(i * 16, 16)] = w16 >> 14
        return c
    lax.fori_loop(0, (ECH + 8) // 16, unpack, 0)

    pltpu.sync_copy(s_loc.at[pl.ds(0, ECH)], ssrt_hbm.at[pl.ds(base, ECH)])
    pltpu.sync_copy(n_loc.at[pl.ds(0, ECH)], nods_hbm.at[pl.ds(base, ECH)])


@functools.partial(
    pl.kernel,
    out_type=jax.ShapeDtypeStruct(((TPAD + 1) * N, D), _f32),
    mesh=_MESH,
    compiler_params=_SCPARAMS,
    scratch_types=[
        pltpu.VMEM((EPAD,), _i32),
        pltpu.VMEM((EPAD,), _i32),
        pltpu.VMEM((NPD + 16,), _i32),
        pltpu.VMEM((NG, 128), _i32),
        pltpu.VMEM((6, 128, D), _f32),
        pltpu.SemaphoreType.DMA,
        pltpu.SemaphoreType.DMA,
    ],
)
def _k4(tab_hbm, ssrt_hbm, nods_hbm, starts_hbm, xd_hbm,
        sid_v, nod_v, starts_v, drow_v, rows_v, s1, s2):
    wid = _wid()
    base = wid * ECH
    it16 = _iota16()
    zeros16 = jnp.zeros((16,), _i32)
    for j in range(8):
        sid_v[pl.ds(ECH - 8 + 16 * j, 16)] = zeros16
        nod_v[pl.ds(ECH - 8 + 16 * j, 16)] = zeros16
    pltpu.sync_copy(ssrt_hbm.at[pl.ds(base, ECH)], sid_v.at[pl.ds(0, ECH)])
    pltpu.sync_copy(nods_hbm.at[pl.ds(base, ECH)], nod_v.at[pl.ds(0, ECH)])
    pltpu.sync_copy(starts_hbm, starts_v.at[pl.ds(0, NPD)])

    def step(i, c):
        k = i * 16 + it16
        nodev = nod_v[pl.ds(i * 16, 16)]
        sv = plsc.load_gather(starts_v, [nodev])
        tvec = jnp.minimum(jnp.maximum(base + k - sv, 0), TPAD)
        dr = tvec * N + nodev
        dr = jnp.where(k < ECH, dr, TPAD * N + 16 + (k - ECH))
        drow_v[i // 8, pl.ds((i % 8) * 16, 16)] = dr
        return c
    lax.fori_loop(0, (ECH + 8) // 16, step, 0)

    for j in range(7):
        k0 = ECH + 8 + 16 * j
        drow_v[NG - 1, pl.ds(16 + 16 * j, 16)] = TPAD * N + 16 + 8 + (k0 - ECH) + it16

    def _gather(g, fire):
        cp = pltpu.make_async_copy(
            tab_hbm.at[sid_v.at[pl.ds(g * 128, 128)]], rows_v.at[g % 6], s1)
        cp.start() if fire else cp.wait()

    def _scatter(g, fire):
        cp = pltpu.make_async_copy(
            rows_v.at[g % 6], xd_hbm.at[drow_v.at[g]], s2)
        cp.start() if fire else cp.wait()

    for g in range(3):
        _gather(g, True)

    def dma(g, c):
        _gather(g, False)
        _scatter(g, True)

        @pl.when(g >= 3)
        def _():
            _scatter(g - 3, False)

        @pl.when(g + 3 < NG)
        def _():
            _gather(g + 3, True)
        return c
    lax.fori_loop(0, NG, dma, 0)
    for g in range(NG - 3, NG):
        _scatter(g, False)


def _sigmoid(x):
    return 1.0 / (1.0 + jnp.exp(-x))


def _k5_body(bm_ref, xd_ref, xs_ref, cnt_ref, st_ref, ssrt_ref, xfull_ref,
             wih_ref, whh_ref, bg_ref, wx_ref, wh_ref,
             bo_ref, gl_ref, bl_ref, out_ref, h_sc, c_sc, xt_sc,
             *, final_relu):
    b = pl.program_id(0)
    t = pl.program_id(1)

    @pl.when(t == 0)
    def _():
        h_sc[...] = jnp.zeros((NB, H), _f32)
        c_sc[...] = jnp.zeros((NB, H), _f32)

    def lstm_step(xw, tt):
        gates = (
            xw
            + jax.lax.dot(h_sc[...], whh_ref[...], preferred_element_type=_f32)
            + bg_ref[...]
        )
        ig = _sigmoid(gates[:, 0 * H:1 * H])
        fg = _sigmoid(gates[:, 1 * H:2 * H])
        gg = jnp.tanh(gates[:, 2 * H:3 * H])
        og = _sigmoid(gates[:, 3 * H:4 * H])
        cn = fg * c_sc[...] + ig * gg
        hn = og * jnp.tanh(cn)
        valid = cnt_ref[...] > tt
        h_sc[...] = jnp.where(valid, hn, h_sc[...])
        c_sc[...] = jnp.where(valid, cn, c_sc[...])

    @pl.when(t < bm_ref[b])
    def _():
        xw = jax.lax.dot(xd_ref[0], wih_ref[...],
                         preferred_element_type=_f32)
        lstm_step(xw, t)

    @pl.when(t == TPAD - 1)
    def _():
        bmax = jnp.max(cnt_ref[...])

        def tail_body(tt):
            def per_node(n, c):
                @pl.when(cnt_ref[n, 0] > tt)
                def _():
                    p = st_ref[n, 0] + tt
                    row = ssrt_ref[pl.ds(p // 128, 1), :]
                    lid = lax.broadcasted_iota(_i32, (1, 128), 1)
                    sid = jnp.sum(jnp.where(lid == p % 128, row, 0))
                    xt_sc[pl.ds(n, 1), :] = xfull_ref[pl.ds(sid, 1), :]
                return c
            lax.fori_loop(0, NB, per_node, 0)
            xw = jax.lax.dot(xt_sc[...], wih_ref[...],
                             preferred_element_type=_f32)
            lstm_step(xw, tt)
            return tt + 1

        lax.while_loop(lambda tt: tt < bmax, tail_body, jnp.int32(TPAD))

        lin = (
            jax.lax.dot(xs_ref[...], wx_ref[...], preferred_element_type=_f32)
            + jax.lax.dot(h_sc[...], wh_ref[...], preferred_element_type=_f32)
            + bo_ref[...]
        )
        r = jnp.maximum(lin, 0.0)
        mu = jnp.mean(r, axis=1, keepdims=True)
        var = jnp.mean((r - mu) ** 2, axis=1, keepdims=True)
        ln = (r - mu) * lax.rsqrt(var + 1e-5) * gl_ref[...] + bl_ref[...]
        out_ref[...] = jnp.maximum(ln, 0.0) if final_relu else ln


def _k5(final_relu):
    body = functools.partial(_k5_body, final_relu=final_relu)
    full = lambda shape: pl.BlockSpec(shape, lambda b, t, bm: (0,) * len(shape))
    grid_spec = pltpu.PrefetchScalarGridSpec(
        num_scalar_prefetch=1,
        grid=(NBLK, TPAD),
        in_specs=[
            pl.BlockSpec(
                (1, NB, D),
                lambda b, t, bm: (jnp.maximum(jnp.minimum(t, bm[b] - 1), 0), b, 0)),
            pl.BlockSpec((NB, D), lambda b, t, bm: (b, 0)),
            pl.BlockSpec((NB, 1), lambda b, t, bm: (b, 0)),
            pl.BlockSpec((NB, 1), lambda b, t, bm: (b, 0)),
            full((E // 128, 128)),
            full((N, D)),
            full((D, G4)),
            full((H, G4)),
            full((1, G4)),
            full((D, HID)),
            full((H, HID)),
            full((1, HID)),
            full((1, HID)),
            full((1, HID)),
        ],
        out_specs=pl.BlockSpec((NB, HID), lambda b, t, bm: (b, 0)),
        scratch_shapes=[
            pltpu.VMEM((NB, H), _f32),
            pltpu.VMEM((NB, H), _f32),
            pltpu.VMEM((NB, D), _f32),
        ],
    )
    return pl.pallas_call(
        body,
        grid_spec=grid_spec,
        out_shape=jax.ShapeDtypeStruct((N, HID), _f32),
        compiler_params=pltpu.CompilerParams(
            dimension_semantics=("arbitrary", "arbitrary")),
    )


def kernel(x, edge_index, Wih1, Whh1, bih1, bhh1, W1, b1, g1, be1,
           Wih2, Whh2, bih2, bhh2, W2, b2, g2, be2):
    src = edge_index[0]
    dst = edge_index[1]

    hist = _k1(dst)
    counts80, starts80, pref3, bm5 = _k2(hist.reshape(NW, NROW, 128))
    counts = counts80.reshape(NPD)
    starts = starts80.reshape(NPD)
    pref = pref3.reshape(NW, NPD)
    bm_pf = jnp.minimum(bm5[:, 0], TPAD)

    posarr, wordarr = _k3a(src, dst, starts, pref)
    ssrt, nods = _k3b(posarr, wordarr)
    ssrt2d = ssrt.reshape(E // 128, 128)
    counts2 = counts[:N].reshape(N, 1)
    starts2 = starts[:N].reshape(N, 1)

    def layer(xin, Wih, Whh, bih, bhh, W, bb, gg, be, final_relu):
        xd = _k4(xin, ssrt, nods, starts)
        return _k5(final_relu)(
            bm_pf, xd.reshape(TPAD + 1, N, D), xin, counts2, starts2,
            ssrt2d, xin, Wih.T, Whh.T,
            (bih + bhh).reshape(1, G4), W[:, :D].T,
            W[:, D:].T, bb.reshape(1, HID), gg.reshape(1, HID),
            be.reshape(1, HID))

    h1 = layer(x, Wih1, Whh1, bih1, bhh1, W1, b1, g1, be1, True)
    return layer(h1, Wih2, Whh2, bih2, bhh2, W2, b2, g2, be2, False)

# --- scband reference (transcript-rebuilt; emitter-appended) ---
"""Pipeline reference for scband-graph-sage-41635412967695 (READ-ONLY COPY).

The authoritative reference and input builder live on the scoring server;
editing this copy changes nothing except your own understanding.
"""

import jax, jax.numpy as jnp
import numpy as np

N_NODES = 10000
N_EDGES = 160000
D_FEAT = 128
HID = 128
LSTM_H = 64

def setup_inputs(seed: int = 0):
    key = jax.random.key(seed)
    ks = jax.random.split(key, 24)
    s = 0.05
    inp = {}
    inp["x"] = jax.random.normal(ks[0], (N_NODES, D_FEAT), jnp.float32)
    inp["edge_index"] = jax.random.randint(ks[1], (2, N_EDGES), 0, N_NODES, dtype=jnp.int32)
    inp["Wih1"] = jax.random.normal(ks[2], (4 * LSTM_H, D_FEAT), jnp.float32) * s
    inp["Whh1"] = jax.random.normal(ks[3], (4 * LSTM_H, LSTM_H), jnp.float32) * s
    inp["bih1"] = jnp.zeros((4 * LSTM_H,), jnp.float32)
    inp["bhh1"] = jnp.zeros((4 * LSTM_H,), jnp.float32)
    inp["W1"] = jax.random.normal(ks[4], (HID, D_FEAT + LSTM_H), jnp.float32) * s
    inp["b1"] = jnp.zeros((HID,), jnp.float32)
    inp["g1"] = jnp.ones((HID,), jnp.float32)
    inp["be1"] = jnp.zeros((HID,), jnp.float32)
    inp["Wih2"] = jax.random.normal(ks[5], (4 * LSTM_H, HID), jnp.float32) * s
    inp["Whh2"] = jax.random.normal(ks[6], (4 * LSTM_H, LSTM_H), jnp.float32) * s
    inp["bih2"] = jnp.zeros((4 * LSTM_H,), jnp.float32)
    inp["bhh2"] = jnp.zeros((4 * LSTM_H,), jnp.float32)
    inp["W2"] = jax.random.normal(ks[7], (HID, HID + LSTM_H), jnp.float32) * s
    inp["b2"] = jnp.zeros((HID,), jnp.float32)
    inp["g2"] = jnp.ones((HID,), jnp.float32)
    inp["be2"] = jnp.zeros((HID,), jnp.float32)
    return inp

def _sorted_by_dest(msgs, index, num_nodes):
    counts = jnp.bincount(index, length=num_nodes)
    perm = jnp.argsort(index)  # stable by default in JAX
    sorted_msgs = msgs[perm]
    starts = jnp.cumsum(counts) - counts
    return sorted_msgs, starts, counts

def _lstm_last_hidden(sorted_msgs, starts, lengths, Wih, Whh, bih, bhh):
    # Matches torch pack_padded_sequence + nn.LSTM final hidden h_n (gate order i,f,g,o)
    N = lengths.shape[0]
    E = sorted_msgs.shape[0]
    H = Whh.shape[1]
    h0 = jnp.zeros((N, H), sorted_msgs.dtype)
    c0 = jnp.zeros((N, H), sorted_msgs.dtype)
    max_deg = lengths.max()
    t0 = jnp.zeros((), lengths.dtype)
    def cond(carry):
        t, h, c = carry
        return t < max_deg
    def body(carry):
        t, h, c = carry
        idx = jnp.clip(starts + t, 0, E - 1)
        x_t = sorted_msgs[idx]
        gates = x_t @ Wih.T + h @ Whh.T + bih + bhh
        i, f, g, o = jnp.split(gates, 4, axis=1)
        i = jax.nn.sigmoid(i)
        f = jax.nn.sigmoid(f)
        g = jnp.tanh(g)
        o = jax.nn.sigmoid(o)
        c_new = f * c + i * g
        h_new = o * jnp.tanh(c_new)
        valid = (t < lengths)[:, None]
        return (t + 1, jnp.where(valid, h_new, h), jnp.where(valid, c_new, c))
    _, h, c = jax.lax.while_loop(cond, body, (t0, h0, c0))
    return h

def _layer_norm(x, g, b):
    mu = jnp.mean(x, axis=-1, keepdims=True)
    var = jnp.var(x, axis=-1, keepdims=True)
    return (x - mu) / jnp.sqrt(var + 1e-5) * g + b

def _sage_layer(x, edge_index, Wih, Whh, bih, bhh, W, b, g, be):
    src = edge_index[0]
    dst = edge_index[1]
    msgs = x[src]  # message(x_j)
    sorted_msgs, starts, counts = _sorted_by_dest(msgs, dst, x.shape[0])
    aggr = _lstm_last_hidden(sorted_msgs, starts, counts, Wih, Whh, bih, bhh)
    concat = jnp.concatenate([x, aggr], axis=1)
    out = concat @ W.T + b
    out = jax.nn.relu(out)
    out = _layer_norm(out, g, be)
    # dropout is identity in eval mode
    return out

def reference(x, edge_index, Wih1, Whh1, bih1, bhh1, W1, b1, g1, be1, Wih2, Whh2, bih2, bhh2, W2, b2, g2, be2):
    h = _sage_layer(x, edge_index, Wih1, Whh1, bih1, bhh1, W1, b1, g1, be1)
    h = jax.nn.relu(h)
    out = _sage_layer(h, edge_index, Wih2, Whh2, bih2, bhh2, W2, b2, g2, be2)
    return out

if __name__ == "__main__":
    import jax
    _d = setup_inputs()
    print(jax.jit(kernel)(*tuple(_d.values())))

</pallas_src>

<mosaic_0001>
#map = affine_map<(d0, d1) -> (0, 0)>
#map1 = affine_map<(d0, d1) -> (0)>
module attributes {stable_mosaic.version = 14 : i64} {
  func.func @_k4(%arg0: i32, %arg1: i32, %arg2: memref<10000x128xf32, #tpu.memory_space<hbm>>, %arg3: memref<160000xi32, #tpu.memory_space<hbm>>, %arg4: memref<160000xi32, #tpu.memory_space<hbm>>, %arg5: memref<10240xi32, #tpu.memory_space<hbm>>, %arg6: memref<490000x128xf32, #tpu.memory_space<hbm>>, %arg7: memref<5120xi32, #tpu.memory_space<vmem>>, %arg8: memref<5120xi32, #tpu.memory_space<vmem>>, %arg9: memref<10256xi32, #tpu.memory_space<vmem>>, %arg10: memref<40x128xi32, #tpu.memory_space<vmem>>, %arg11: memref<6x128x128xf32, #tpu.memory_space<vmem>>, %arg12: memref<!tpu.dma_semaphore, #tpu.memory_space<semaphore_mem>>, %arg13: memref<!tpu.dma_semaphore, #tpu.memory_space<semaphore_mem>>) attributes {dimension_semantics = [#tpu.dimension_semantics<core_parallel>, #tpu.dimension_semantics<subcore_parallel>], iteration_bounds = array<i64: 2, 16>, scalar_prefetch = 0 : i64, scratch_operands = 7 : i64, tpu.core_type = #tpu.core_type<sc_vector_subcore>, window_params = [{transform_indices = #map}, {transform_indices = #map1}, {transform_indices = #map1}, {transform_indices = #map1}, {transform_indices = #map}]} {
    %mul3A = arith.constant 2 : i32
    %mul3A_0 = arith.muli %arg1, %mul3A : i32
    %add3A = arith.addi %mul3A_0, %arg0 : i32
    %mul3A_1 = arith.constant 5000 : i32
    %mul3A_2 = arith.muli %add3A, %mul3A_1 : i32
    %iota3A = tpu.iota {dimensions = array<i32: 0>} : vector<16xi32>
    %broadcast_in_dim3A = arith.constant 0 : i32
    %broadcast_in_dim3A_3 = vector.broadcast %broadcast_in_dim3A : i32 to vector<16xi32>
    %swap3A = arith.constant 4992 : index
    %swap3A_4 = tpu.vector_load %arg7[%swap3A] {strides = array<i32>} : memref<5120xi32, #tpu.memory_space<vmem>>, vector<16xi32>,
    tpu.vector_store %arg7[%swap3A], %broadcast_in_dim3A_3 {strides = array<i32>} : memref<5120xi32, #tpu.memory_space<vmem>>, vector<16xi32>,
    %swap3A_5 = arith.constant 4992 : index
    %swap3A_6 = tpu.vector_load %arg8[%swap3A_5] {strides = array<i32>} : memref<5120xi32, #tpu.memory_space<vmem>>, vector<16xi32>,
    tpu.vector_store %arg8[%swap3A_5], %broadcast_in_dim3A_3 {strides = array<i32>} : memref<5120xi32, #tpu.memory_space<vmem>>, vector<16xi32>,
    %swap3A_7 = arith.constant 5008 : index
    %swap3A_8 = tpu.vector_load %arg7[%swap3A_7] {strides = array<i32>} : memref<5120xi32, #tpu.memory_space<vmem>>, vector<16xi32>,
    tpu.vector_store %arg7[%swap3A_7], %broadcast_in_dim3A_3 {strides = array<i32>} : memref<5120xi32, #tpu.memory_space<vmem>>, vector<16xi32>,
    %swap3A_9 = arith.constant 5008 : index
    %swap3A_10 = tpu.vector_load %arg8[%swap3A_9] {strides = array<i32>} : memref<5120xi32, #tpu.memory_space<vmem>>, vector<16xi32>,
    tpu.vector_store %arg8[%swap3A_9], %broadcast_in_dim3A_3 {strides = array<i32>} : memref<5120xi32, #tpu.memory_space<vmem>>, vector<16xi32>,
    %swap3A_11 = arith.constant 5024 : index
    %swap3A_12 = tpu.vector_load %arg7[%swap3A_11] {strides = array<i32>} : memref<5120xi32, #tpu.memory_space<vmem>>, vector<16xi32>,
    tpu.vector_store %arg7[%swap3A_11], %broadcast_in_dim3A_3 {strides = array<i32>} : memref<5120xi32, #tpu.memory_space<vmem>>, vector<16xi32>,
    %swap3A_13 = arith.constant 5024 : index
    %swap3A_14 = tpu.vector_load %arg8[%swap3A_13] {strides = array<i32>} : memref<5120xi32, #tpu.memory_space<vmem>>, vector<16xi32>,
    tpu.vector_store %arg8[%swap3A_13], %broadcast_in_dim3A_3 {strides = array<i32>} : memref<5120xi32, #tpu.memory_space<vmem>>, vector<16xi32>,
    %swap3A_15 = arith.constant 5040 : index
    %swap3A_16 = tpu.vector_load %arg7[%swap3A_15] {strides = array<i32>} : memref<5120xi32, #tpu.memory_space<vmem>>, vector<16xi32>,
    tpu.vector_store %arg7[%swap3A_15], %broadcast_in_dim3A_3 {strides = array<i32>} : memref<5120xi32, #tpu.memory_space<vmem>>, vector<16xi32>,
    %swap3A_17 = arith.constant 5040 : index
    %swap3A_18 = tpu.vector_load %arg8[%swap3A_17] {strides = array<i32>} : memref<5120xi32, #tpu.memory_space<vmem>>, vector<16xi32>,
    tpu.vector_store %arg8[%swap3A_17], %broadcast_in_dim3A_3 {strides = array<i32>} : memref<5120xi32, #tpu.memory_space<vmem>>, vector<16xi32>,
    %swap3A_19 = arith.constant 5056 : index
    %swap3A_20 = tpu.vector_load %arg7[%swap3A_19] {strides = array<i32>} : memref<5120xi32, #tpu.memory_space<vmem>>, vector<16xi32>,
    tpu.vector_store %arg7[%swap3A_19], %broadcast_in_dim3A_3 {strides = array<i32>} : memref<5120xi32, #tpu.memory_space<vmem>>, vector<16xi32>,
    %swap3A_21 = arith.constant 5056 : index
    %swap3A_22 = tpu.vector_load %arg8[%swap3A_21] {strides = array<i32>} : memref<5120xi32, #tpu.memory_space<vmem>>, vector<16xi32>,
    tpu.vector_store %arg8[%swap3A_21], %broadcast_in_dim3A_3 {strides = array<i32>} : memref<5120xi32, #tpu.memory_space<vmem>>, vector<16xi32>,
    %swap3A_23 = arith.constant 5072 : index
    %swap3A_24 = tpu.vector_load %arg7[%swap3A_23] {strides = array<i32>} : memref<5120xi32, #tpu.memory_space<vmem>>, vector<16xi32>,
    tpu.vector_store %arg7[%swap3A_23], %broadcast_in_dim3A_3 {strides = array<i32>} : memref<5120xi32, #tpu.memory_space<vmem>>, vector<16xi32>,
    %swap3A_25 = arith.constant 5072 : index
    %swap3A_26 = tpu.vector_load %arg8[%swap3A_25] {strides = array<i32>} : memref<5120xi32, #tpu.memory_space<vmem>>, vector<16xi32>,
    tpu.vector_store %arg8[%swap3A_25], %broadcast_in_dim3A_3 {strides = array<i32>} : memref<5120xi32, #tpu.memory_space<vmem>>, vector<16xi32>,
    %swap3A_27 = arith.constant 5088 : index
    %swap3A_28 = tpu.vector_load %arg7[%swap3A_27] {strides = array<i32>} : memref<5120xi32, #tpu.memory_space<vmem>>, vector<16xi32>,
    tpu.vector_store %arg7[%swap3A_27], %broadcast_in_dim3A_3 {strides = array<i32>} : memref<5120xi32, #tpu.memory_space<vmem>>, vector<16xi32>,
    %swap3A_29 = arith.constant 5088 : index
    %swap3A_30 = tpu.vector_load %arg8[%swap3A_29] {strides = array<i32>} : memref<5120xi32, #tpu.memory_space<vmem>>, vector<16xi32>,
    tpu.vector_store %arg8[%swap3A_29], %broadcast_in_dim3A_3 {strides = array<i32>} : memref<5120xi32, #tpu.memory_space<vmem>>, vector<16xi32>,
    %swap3A_31 = arith.constant 5104 : index
    %swap3A_32 = tpu.vector_load %arg7[%swap3A_31] {strides = array<i32>} : memref<5120xi32, #tpu.memory_space<vmem>>, vector<16xi32>,
    tpu.vector_store %arg7[%swap3A_31], %broadcast_in_dim3A_3 {strides = array<i32>} : memref<5120xi32, #tpu.memory_space<vmem>>, vector<16xi32>,
    %swap3A_33 = arith.constant 5104 : index
    %swap3A_34 = tpu.vector_load %arg8[%swap3A_33] {strides = array<i32>} : memref<5120xi32, #tpu.memory_space<vmem>>, vector<16xi32>,
    tpu.vector_store %arg8[%swap3A_33], %broadcast_in_dim3A_3 {strides = array<i32>} : memref<5120xi32, #tpu.memory_space<vmem>>, vector<16xi32>,
    "tpu.region"() ({
      %run_scoped3A = tpu.sem_alloc : memref<!tpu.dma_semaphore, #tpu.memory_space<semaphore_mem>>
      %dma_start3A_159 = arith.constant 0 : i32
      %dma_start3A_160 = tpu.memref_slice %arg7[%dma_start3A_159] : memref<5120xi32, #tpu.memory_space<vmem>> -> memref<5000xi32, #tpu.memory_space<vmem>>
      %dma_start3A_161 = tpu.memref_slice %arg3[%mul3A_2] : memref<160000xi32, #tpu.memory_space<hbm>> -> memref<5000xi32, #tpu.memory_space<hbm>>
      %dma_start3A_162 = arith.constant 0 : i32
      %dma_start3A_163 = tpu.memref_slice %arg7[%dma_start3A_162] : memref<5120xi32, #tpu.memory_space<vmem>> -> memref<5000xi32, #tpu.memory_space<vmem>>
      %dma_start3A_164 = tpu.memref_slice %arg3[%mul3A_2] : memref<160000xi32, #tpu.memory_space<hbm>> -> memref<5000xi32, #tpu.memory_space<hbm>>
      tpu.enqueue_dma source(%dma_start3A_164 : memref<5000xi32, #tpu.memory_space<hbm>>) target(%dma_start3A_163 : memref<5000xi32, #tpu.memory_space<vmem>>) target_semaphore(%run_scoped3A : memref<!tpu.dma_semaphore, #tpu.memory_space<semaphore_mem>>)
      %dma_wait3A_165 = arith.constant 0 : i32
      %dma_wait3A_166 = tpu.memref_slice %arg7[%dma_wait3A_165] : memref<5120xi32, #tpu.memory_space<vmem>> -> memref<5000xi32, #tpu.memory_space<vmem>>
      %dma_wait3A_167 = tpu.memref_slice %arg3[%mul3A_2] : memref<160000xi32, #tpu.memory_space<hbm>> -> memref<5000xi32, #tpu.memory_space<hbm>>
      %dma_wait3A_168 = arith.constant 0 : i32
      %dma_wait3A_169 = tpu.memref_slice %arg7[%dma_wait3A_168] : memref<5120xi32, #tpu.memory_space<vmem>> -> memref<5000xi32, #tpu.memory_space<vmem>>
      %dma_wait3A_170 = tpu.memref_slice %arg3[%mul3A_2] : memref<160000xi32, #tpu.memory_space<hbm>> -> memref<5000xi32, #tpu.memory_space<hbm>>
      tpu.wait_dma2 semaphore(%run_scoped3A : memref<!tpu.dma_semaphore, #tpu.memory_space<semaphore_mem>>) src(%dma_wait3A_170 : memref<5000xi32, #tpu.memory_space<hbm>>) dst(%dma_wait3A_169 : memref<5000xi32, #tpu.memory_space<vmem>>)
      tpu.yield
    }) : () -> ()
    "tpu.region"() ({
      %run_scoped3A = tpu.sem_alloc : memref<!tpu.dma_semaphore, #tpu.memory_space<semaphore_mem>>
      %dma_start3A_159 = arith.constant 0 : i32
      %dma_start3A_160 = tpu.memref_slice %arg8[%dma_start3A_159] : memref<5120xi32, #tpu.memory_space<vmem>> -> memref<5000xi32, #tpu.memory_space<vmem>>
      %dma_start3A_161 = tpu.memref_slice %arg4[%mul3A_2] : memref<160000xi32, #tpu.memory_space<hbm>> -> memref<5000xi32, #tpu.memory_space<hbm>>
      %dma_start3A_162 = arith.constant 0 : i32
      %dma_start3A_163 = tpu.memref_slice %arg8[%dma_start3A_162] : memref<5120xi32, #tpu.memory_space<vmem>> -> memref<5000xi32, #tpu.memory_space<vmem>>
      %dma_start3A_164 = tpu.memref_slice %arg4[%mul3A_2] : memref<160000xi32, #tpu.memory_space<hbm>> -> memref<5000xi32, #tpu.memory_space<hbm>>
      tpu.enqueue_dma source(%dma_start3A_164 : memref<5000xi32, #tpu.memory_space<hbm>>) target(%dma_start3A_163 : memref<5000xi32, #tpu.memory_space<vmem>>) target_semaphore(%run_scoped3A : memref<!tpu.dma_semaphore, #tpu.memory_space<semaphore_mem>>)
      %dma_wait3A_165 = arith.constant 0 : i32
      %dma_wait3A_166 = tpu.memref_slice %arg8[%dma_wait3A_165] : memref<5120xi32, #tpu.memory_space<vmem>> -> memref<5000xi32, #tpu.memory_space<vmem>>
      %dma_wait3A_167 = tpu.memref_slice %arg4[%mul3A_2] : memref<160000xi32, #tpu.memory_space<hbm>> -> memref<5000xi32, #tpu.memory_space<hbm>>
      %dma_wait3A_168 = arith.constant 0 : i32
      %dma_wait3A_169 = tpu.memref_slice %arg8[%dma_wait3A_168] : memref<5120xi32, #tpu.memory_space<vmem>> -> memref<5000xi32, #tpu.memory_space<vmem>>
      %dma_wait3A_170 = tpu.memref_slice %arg4[%mul3A_2] : memref<160000xi32, #tpu.memory_space<hbm>> -> memref<5000xi32, #tpu.memory_space<hbm>>
      tpu.wait_dma2 semaphore(%run_scoped3A : memref<!tpu.dma_semaphore, #tpu.memory_space<semaphore_mem>>) src(%dma_wait3A_170 : memref<5000xi32, #tpu.memory_space<hbm>>) dst(%dma_wait3A_169 : memref<5000xi32, #tpu.memory_space<vmem>>)
      tpu.yield
    }) : () -> ()
    "tpu.region"() ({
      %run_scoped3A = tpu.sem_alloc : memref<!tpu.dma_semaphore, #tpu.memory_space<semaphore_mem>>
      %dma_start3A_159 = arith.constant 0 : i32
      %dma_start3A_160 = tpu.memref_slice %arg9[%dma_start3A_159] : memref<10256xi32, #tpu.memory_space<vmem>> -> memref<10240xi32, #tpu.memory_space<vmem>>
      %dma_start3A_161 = arith.constant 0 : i32
      %dma_start3A_162 = tpu.memref_slice %arg9[%dma_start3A_161] : memref<10256xi32, #tpu.memory_space<vmem>> -> memref<10240xi32, #tpu.memory_space<vmem>>
      tpu.enqueue_dma source(%arg5 : memref<10240xi32, #tpu.memory_space<hbm>>) target(%dma_start3A_162 : memref<10240xi32, #tpu.memory_space<vmem>>) target_semaphore(%run_scoped3A : memref<!tpu.dma_semaphore, #tpu.memory_space<semaphore_mem>>)
      %dma_wait3A_163 = arith.constant 0 : i32
      %dma_wait3A_164 = tpu.memref_slice %arg9[%dma_wait3A_163] : memref<10256xi32, #tpu.memory_space<vmem>> -> memref<10240xi32, #tpu.memory_space<vmem>>
      %dma_wait3A_165 = arith.constant 0 : i32
      %dma_wait3A_166 = tpu.memref_slice %arg9[%dma_wait3A_165] : memref<10256xi32, #tpu.memory_space<vmem>> -> memref<10240xi32, #tpu.memory_space<vmem>>
      tpu.wait_dma2 semaphore(%run_scoped3A : memref<!tpu.dma_semaphore, #tpu.memory_space<semaphore_mem>>) src(%arg5 : memref<10240xi32, #tpu.memory_space<hbm>>) dst(%dma_wait3A_166 : memref<10240xi32, #tpu.memory_space<vmem>>)
      tpu.yield
    }) : () -> ()
    %scan3A = arith.constant 0 : i32
    %scan3A_35 = arith.constant 0 : i32
    %scan3A_36 = arith.constant 313 : i32
    %scan3A_37 = arith.addi %scan3A_35, %scan3A_36 : i32
    %scan3A_38 = arith.constant 1 : i32
    scf.for %scan3A_159 = %scan3A_35 to %scan3A_37 step %scan3A_38  : i32 {
      %mul3A_160 = arith.constant 16 : i32
      %mul3A_161 = arith.muli %scan3A_159, %mul3A_160 : i32
      %add3A_162 = vector.broadcast %mul3A_161 : i32 to vector<16xi32>
      %add3A_163 = arith.addi %add3A_162, %iota3A : vector<16xi32>
      %mul3A_164 = arith.constant 16 : i32
      %mul3A_165 = arith.muli %scan3A_159, %mul3A_164 : i32
      %get3A = arith.index_cast %mul3A_165 : i32 to index
      %get3A_166 = tpu.vector_load %arg8[%get3A] {strides = array<i32>} : memref<5120xi32, #tpu.memory_space<vmem>>, vector<16xi32>,
      %gather3A = tpu.vector_load_idx %arg9[%get3A_166] : memref<10256xi32, #tpu.memory_space<vmem>>[vector<16xi32>], vector<16xi32>,
      %add3A_167 = vector.broadcast %mul3A_2 : i32 to vector<16xi32>
      %add3A_168 = arith.addi %add3A_167, %add3A_163 : vector<16xi32>
      %sub3A = arith.subi %add3A_168, %gather3A : vector<16xi32>
      %max3A = arith.constant 0 : i32
      %max3A_169 = vector.broadcast %max3A : i32 to vector<16xi32>
      %max3A_170 = arith.maxsi %sub3A, %max3A_169 : vector<16xi32>
      %min3A = arith.constant 48 : i32
      %min3A_171 = vector.broadcast %min3A : i32 to vector<16xi32>
      %min3A_172 = arith.minsi %max3A_170, %min3A_171 : vector<16xi32>
      %mul3A_173 = arith.constant 10000 : i32
      %mul3A_174 = vector.broadcast %mul3A_173 : i32 to vector<16xi32>
      %mul3A_175 = arith.muli %min3A_172, %mul3A_174 : vector<16xi32>
      %add3A_176 = arith.addi %mul3A_175, %get3A_166 : vector<16xi32>
      %lt3A = arith.constant 5000 : i32
      %lt3A_177 = vector.broadcast %lt3A : i32 to vector<16xi32>
      %lt3A_178 = arith.cmpi slt, %add3A_163, %lt3A_177 : vector<16xi32>
      %sub3A_179 = arith.constant 5000 : i32
      %sub3A_180 = vector.broadcast %sub3A_179 : i32 to vector<16xi32>
      %sub3A_181 = arith.subi %add3A_163, %sub3A_180 : vector<16xi32>
      %add3A_182 = arith.constant 480016 : i32
      %add3A_183 = vector.broadcast %add3A_182 : i32 to vector<16xi32>
      %add3A_184 = arith.addi %add3A_183, %sub3A_181 : vector<16xi32>
      %select_n3A = arith.select %lt3A_178, %add3A_176, %add3A_184 : vector<16xi1>, vector<16xi32>
      %jit3A = arith.constant 8 : i32
      %div3A = arith.divsi %scan3A_159, %jit3A : i32
      %sign3A = arith.constant 0 : i32
      %sign3A_185 = arith.cmpi sgt, %scan3A_159, %sign3A : i32
      %sign3A_186 = arith.extui %sign3A_185 : i1 to i32
      %sign3A_187 = arith.constant 0 : i32
      %sign3A_188 = arith.cmpi slt, %scan3A_159, %sign3A_187 : i32
      %sign3A_189 = arith.extui %sign3A_188 : i1 to i32
      %sign3A_190 = arith.subi %sign3A_186, %sign3A_189 : i32
      %sign3A_191 = arith.constant 0 : i32
      %sign3A_192 = arith.cmpi sgt, %jit3A, %sign3A_191 : i32
      %sign3A_193 = arith.extui %sign3A_192 : i1 to i32
      %sign3A_194 = arith.constant 0 : i32
      %sign3A_195 = arith.cmpi slt, %jit3A, %sign3A_194 : i32
      %sign3A_196 = arith.extui %sign3A_195 : i1 to i32
      %sign3A_197 = arith.subi %sign3A_193, %sign3A_196 : i32
      %ne3A = arith.cmpi ne, %sign3A_190, %sign3A_197 : i32
      %rem3A = arith.remsi %scan3A_159, %jit3A : i32
      %ne3A_198 = arith.constant 0 : i32
      %ne3A_199 = arith.cmpi ne, %rem3A, %ne3A_198 : i32
      %and3A = arith.andi %ne3A, %ne3A_199 : i1
      %sub3A_200 = arith.constant 1 : i32
      %sub3A_201 = arith.subi %div3A, %sub3A_200 : i32
      %select_n3A_202 = arith.select %and3A, %sub3A_201, %div3A : i32
      %jit3A_203 = arith.constant 8 : i32
      %eq3A = arith.constant 0 : i32
      %eq3A_204 = arith.cmpi eq, %jit3A_203, %eq3A : i32
      %jit3A_205 = arith.constant 1 : i32
      %select_n3A_206 = arith.select %eq3A_204, %jit3A_205, %jit3A_203 : i32
      %rem3A_207 = arith.remsi %scan3A_159, %select_n3A_206 : i32
      %ne3A_208 = arith.constant 0 : i32
      %ne3A_209 = arith.cmpi ne, %rem3A_207, %ne3A_208 : i32
      %lt3A_210 = arith.constant 0 : i32
      %lt3A_211 = arith.cmpi slt, %rem3A_207, %lt3A_210 : i32
      %lt3A_212 = arith.constant 0 : i32
      %lt3A_213 = arith.cmpi slt, %select_n3A_206, %lt3A_212 : i32
      %ne3A_214 = arith.xori %lt3A_211, %lt3A_213 : i1
      %and3A_215 = arith.andi %ne3A_214, %ne3A_209 : i1
      %add3A_216 = arith.addi %rem3A_207, %select_n3A_206 : i32
      %select_n3A_217 = arith.select %and3A_215, %add3A_216, %rem3A_207 : i32
      %mul3A_218 = arith.constant 16 : i32
      %mul3A_219 = arith.muli %select_n3A_217, %mul3A_218 : i32
      %swap3A_220 = arith.index_cast %select_n3A_202 : i32 to index
      %swap3A_221 = arith.index_cast %mul3A_219 : i32 to index
      %swap3A_222 = tpu.vector_load %arg10[%swap3A_220, %swap3A_221] {strides = array<i32>} : memref<40x128xi32, #tpu.memory_space<vmem>>, vector<16xi32>,
      tpu.vector_store %arg10[%swap3A_220, %swap3A_221], %select_n3A {strides = array<i32>} : memref<40x128xi32, #tpu.memory_space<vmem>>, vector<16xi32>,
    }
    %scan3A_39 = arith.constant 313 : i32
    %add3A_40 = arith.constant 480032 : i32
    %add3A_41 = vector.broadcast %add3A_40 : i32 to vector<16xi32>
    %add3A_42 = arith.addi %add3A_41, %iota3A : vector<16xi32>
    %swap3A_43 = arith.constant 39 : i32
    %swap3A_44 = arith.index_cast %swap3A_43 : i32 to index
    %swap3A_45 = arith.constant 16 : index
    %swap3A_46 = tpu.vector_load %arg10[%swap3A_44, %swap3A_45] {strides = array<i32>} : memref<40x128xi32, #tpu.memory_space<vmem>>, vector<16xi32>,
    tpu.vector_store %arg10[%swap3A_44, %swap3A_45], %add3A_42 {strides = array<i32>} : memref<40x128xi32, #tpu.memory_space<vmem>>, vector<16xi32>,
    %add3A_47 = arith.constant 480048 : i32
    %add3A_48 = vector.broadcast %add3A_47 : i32 to vector<16xi32>
    %add3A_49 = arith.addi %add3A_48, %iota3A : vector<16xi32>
    %swap3A_50 = arith.constant 39 : i32
    %swap3A_51 = arith.index_cast %swap3A_50 : i32 to index
    %swap3A_52 = arith.constant 32 : index
    %swap3A_53 = tpu.vector_load %arg10[%swap3A_51, %swap3A_52] {strides = array<i32>} : memref<40x128xi32, #tpu.memory_space<vmem>>, vector<16xi32>,
    tpu.vector_store %arg10[%swap3A_51, %swap3A_52], %add3A_49 {strides = array<i32>} : memref<40x128xi32, #tpu.memory_space<vmem>>, vector<16xi32>,
    %add3A_54 = arith.constant 480064 : i32
    %add3A_55 = vector.broadcast %add3A_54 : i32 to vector<16xi32>
    %add3A_56 = arith.addi %add3A_55, %iota3A : vector<16xi32>
    %swap3A_57 = arith.constant 39 : i32
    %swap3A_58 = arith.index_cast %swap3A_57 : i32 to index
    %swap3A_59 = arith.constant 48 : index
    %swap3A_60 = tpu.vector_load %arg10[%swap3A_58, %swap3A_59] {strides = array<i32>} : memref<40x128xi32, #tpu.memory_space<vmem>>, vector<16xi32>,
    tpu.vector_store %arg10[%swap3A_58, %swap3A_59], %add3A_56 {strides = array<i32>} : memref<40x128xi32, #tpu.memory_space<vmem>>, vector<16xi32>,
    %add3A_61 = arith.constant 480080 : i32
    %add3A_62 = vector.broadcast %add3A_61 : i32 to vector<16xi32>
    %add3A_63 = arith.addi %add3A_62, %iota3A : vector<16xi32>
    %swap3A_64 = arith.constant 39 : i32
    %swap3A_65 = arith.index_cast %swap3A_64 : i32 to index
    %swap3A_66 = arith.constant 64 : index
    %swap3A_67 = tpu.vector_load %arg10[%swap3A_65, %swap3A_66] {strides = array<i32>} : memref<40x128xi32, #tpu.memory_space<vmem>>, vector<16xi32>,
    tpu.vector_store %arg10[%swap3A_65, %swap3A_66], %add3A_63 {strides = array<i32>} : memref<40x128xi32, #tpu.memory_space<vmem>>, vector<16xi32>,
    %add3A_68 = arith.constant 480096 : i32
    %add3A_69 = vector.broadcast %add3A_68 : i32 to vector<16xi32>
    %add3A_70 = arith.addi %add3A_69, %iota3A : vector<16xi32>
    %swap3A_71 = arith.constant 39 : i32
    %swap3A_72 = arith.index_cast %swap3A_71 : i32 to index
    %swap3A_73 = arith.constant 80 : index
    %swap3A_74 = tpu.vector_load %arg10[%swap3A_72, %swap3A_73] {strides = array<i32>} : memref<40x128xi32, #tpu.memory_space<vmem>>, vector<16xi32>,
    tpu.vector_store %arg10[%swap3A_72, %swap3A_73], %add3A_70 {strides = array<i32>} : memref<40x128xi32, #tpu.memory_space<vmem>>, vector<16xi32>,
    %add3A_75 = arith.constant 480112 : i32
    %add3A_76 = vector.broadcast %add3A_75 : i32 to vector<16xi32>
    %add3A_77 = arith.addi %add3A_76, %iota3A : vector<16xi32>
    %swap3A_78 = arith.constant 39 : i32
    %swap3A_79 = arith.index_cast %swap3A_78 : i32 to index
    %swap3A_80 = arith.constant 96 : index
    %swap3A_81 = tpu.vector_load %arg10[%swap3A_79, %swap3A_80] {strides = array<i32>} : memref<40x128xi32, #tpu.memory_space<vmem>>, vector<16xi32>,
    tpu.vector_store %arg10[%swap3A_79, %swap3A_80], %add3A_77 {strides = array<i32>} : memref<40x128xi32, #tpu.memory_space<vmem>>, vector<16xi32>,
    %add3A_82 = arith.constant 480128 : i32
    %add3A_83 = vector.broadcast %add3A_82 : i32 to vector<16xi32>
    %add3A_84 = arith.addi %add3A_83, %iota3A : vector<16xi32>
    %swap3A_85 = arith.constant 39 : i32
    %swap3A_86 = arith.index_cast %swap3A_85 : i32 to index
    %swap3A_87 = arith.constant 112 : index
    %swap3A_88 = tpu.vector_load %arg10[%swap3A_86, %swap3A_87] {strides = array<i32>} : memref<40x128xi32, #tpu.memory_space<vmem>>, vector<16xi32>,
    tpu.vector_store %arg10[%swap3A_86, %swap3A_87], %add3A_84 {strides = array<i32>} : memref<40x128xi32, #tpu.memory_space<vmem>>, vector<16xi32>,
    %dma_start3A = arith.constant 0 : i32
    %dma_start3A_89 = arith.constant 0 : i32
    %dma_start3A_90 = arith.constant 0 : i32
    %dma_start3A_91 = tpu.memref_slice %arg11[%dma_start3A, %dma_start3A_89, %dma_start3A_90] : memref<6x128x128xf32, #tpu.memory_space<vmem>> -> memref<1x128x128xf32, #tpu.memory_space<vmem>>
    %dma_start3A_92 = tpu.memref_squeeze %dma_start3A_91 : memref<1x128x128xf32, #tpu.memory_space<vmem>> -> memref<128x128xf32, #tpu.memory_space<vmem>>
    %dma_start3A_93 = arith.constant 0 : i32
    %dma_start3A_94 = tpu.memref_slice %arg7[%dma_start3A_93] : memref<5120xi32, #tpu.memory_space<vmem>> -> memref<128xi32, #tpu.memory_space<vmem>>
    %dma_start3A_95 = arith.constant 0 : i32
    %dma_start3A_96 = arith.constant 0 : i32
    %dma_start3A_97 = tpu.memref_slice %arg2[%dma_start3A_95, %dma_start3A_96] : memref<10000x128xf32, #tpu.memory_space<hbm>> -> memref<10000x128xf32, #tpu.memory_space<hbm>>
    tpu.enqueue_indirect_dma source(%dma_start3A_97 : memref<10000x128xf32, #tpu.memory_space<hbm>>) target(%dma_start3A_92 : memref<128x128xf32, #tpu.memory_space<vmem>>) offsets(%dma_start3A_94 : memref<128xi32, #tpu.memory_space<vmem>>) semaphore(%arg12 : memref<!tpu.dma_semaphore, #tpu.memory_space<semaphore_mem>>)
    %dma_start3A_98 = arith.constant 1 : i32
    %dma_start3A_99 = arith.constant 0 : i32
    %dma_start3A_100 = arith.constant 0 : i32
    %dma_start3A_101 = tpu.memref_slice %arg11[%dma_start3A_98, %dma_start3A_99, %dma_start3A_100] : memref<6x128x128xf32, #tpu.memory_space<vmem>> -> memref<1x128x128xf32, #tpu.memory_space<vmem>>
    %dma_start3A_102 = tpu.memref_squeeze %dma_start3A_101 : memref<1x128x128xf32, #tpu.memory_space<vmem>> -> memref<128x128xf32, #tpu.memory_space<vmem>>
    %dma_start3A_103 = arith.constant 128 : i32
    %dma_start3A_104 = tpu.memref_slice %arg7[%dma_start3A_103] : memref<5120xi32, #tpu.memory_space<vmem>> -> memref<128xi32, #tpu.memory_space<vmem>>
    %dma_start3A_105 = arith.constant 0 : i32
    %dma_start3A_106 = arith.constant 0 : i32
    %dma_start3A_107 = tpu.memref_slice %arg2[%dma_start3A_105, %dma_start3A_106] : memref<10000x128xf32, #tpu.memory_space<hbm>> -> memref<10000x128xf32, #tpu.memory_space<hbm>>
    tpu.enqueue_indirect_dma source(%dma_start3A_107 : memref<10000x128xf32, #tpu.memory_space<hbm>>) target(%dma_start3A_102 : memref<128x128xf32, #tpu.memory_space<vmem>>) offsets(%dma_start3A_104 : memref<128xi32, #tpu.memory_space<vmem>>) semaphore(%arg12 : memref<!tpu.dma_semaphore, #tpu.memory_space<semaphore_mem>>)
    %dma_start3A_108 = arith.constant 2 : i32
    %dma_start3A_109 = arith.constant 0 : i32
    %dma_start3A_110 = arith.constant 0 : i32
    %dma_start3A_111 = tpu.memref_slice %arg11[%dma_start3A_108, %dma_start3A_109, %dma_start3A_110] : memref<6x128x128xf32, #tpu.memory_space<vmem>> -> memref<1x128x128xf32, #tpu.memory_space<vmem>>
    %dma_start3A_112 = tpu.memref_squeeze %dma_start3A_111 : memref<1x128x128xf32, #tpu.memory_space<vmem>> -> memref<128x128xf32, #tpu.memory_space<vmem>>
    %dma_start3A_113 = arith.constant 256 : i32
    %dma_start3A_114 = tpu.memref_slice %arg7[%dma_start3A_113] : memref<5120xi32, #tpu.memory_space<vmem>> -> memref<128xi32, #tpu.memory_space<vmem>>
    %dma_start3A_115 = arith.constant 0 : i32
    %dma_start3A_116 = arith.constant 0 : i32
    %dma_start3A_117 = tpu.memref_slice %arg2[%dma_start3A_115, %dma_start3A_116] : memref<10000x128xf32, #tpu.memory_space<hbm>> -> memref<10000x128xf32, #tpu.memory_space<hbm>>
    tpu.enqueue_indirect_dma source(%dma_start3A_117 : memref<10000x128xf32, #tpu.memory_space<hbm>>) target(%dma_start3A_112 : memref<128x128xf32, #tpu.memory_space<vmem>>) offsets(%dma_start3A_114 : memref<128xi32, #tpu.memory_space<vmem>>) semaphore(%arg12 : memref<!tpu.dma_semaphore, #tpu.memory_space<semaphore_mem>>)
    %scan3A_118 = arith.constant 0 : i32
    %scan3A_119 = arith.constant 0 : i32
    %scan3A_120 = arith.constant 40 : i32
    %scan3A_121 = arith.addi %scan3A_119, %scan3A_120 : i32
    %scan3A_122 = arith.constant 1 : i32
    scf.for %scan3A_159 = %scan3A_119 to %scan3A_121 step %scan3A_122  : i32 {
      %mul3A_160 = arith.constant 128 : i32
      %mul3A_161 = arith.muli %scan3A_159, %mul3A_160 : i32
      %jit3A = arith.constant 6 : i32
      %eq3A = arith.constant 0 : i32
      %eq3A_162 = arith.cmpi eq, %jit3A, %eq3A : i32
      %jit3A_163 = arith.constant 1 : i32
      %select_n3A = arith.select %eq3A_162, %jit3A_163, %jit3A : i32
      %rem3A = arith.remsi %scan3A_159, %select_n3A : i32
      %ne3A = arith.constant 0 : i32
      %ne3A_164 = arith.cmpi ne, %rem3A, %ne3A : i32
      %lt3A = arith.constant 0 : i32
      %lt3A_165 = arith.cmpi slt, %rem3A, %lt3A : i32
      %lt3A_166 = arith.constant 0 : i32
      %lt3A_167 = arith.cmpi slt, %select_n3A, %lt3A_166 : i32
      %ne3A_168 = arith.xori %lt3A_165, %lt3A_167 : i1
      %and3A = arith.andi %ne3A_168, %ne3A_164 : i1
      %add3A_169 = arith.addi %rem3A, %select_n3A : i32
      %select_n3A_170 = arith.select %and3A, %add3A_169, %rem3A : i32
      %dma_wait3A_171 = arith.constant 0 : i32
      %dma_wait3A_172 = arith.constant 0 : i32
      %dma_wait3A_173 = tpu.memref_slice %arg11[%select_n3A_170, %dma_wait3A_171, %dma_wait3A_172] : memref<6x128x128xf32, #tpu.memory_space<vmem>> -> memref<1x128x128xf32, #tpu.memory_space<vmem>>
      %dma_wait3A_174 = tpu.memref_squeeze %dma_wait3A_173 : memref<1x128x128xf32, #tpu.memory_space<vmem>> -> memref<128x128xf32, #tpu.memory_space<vmem>>
      %dma_wait3A_175 = tpu.memref_slice %arg7[%mul3A_161] : memref<5120xi32, #tpu.memory_space<vmem>> -> memref<128xi32, #tpu.memory_space<vmem>>
      %dma_wait3A_176 = arith.constant 0 : i32
      %dma_wait3A_177 = arith.constant 0 : i32
      %dma_wait3A_178 = tpu.memref_slice %arg2[%dma_wait3A_176, %dma_wait3A_177] : memref<10000x128xf32, #tpu.memory_space<hbm>> -> memref<10000x128xf32, #tpu.memory_space<hbm>>
      tpu.wait_indirect_dma semaphore(%arg12 : memref<!tpu.dma_semaphore, #tpu.memory_space<semaphore_mem>>) src(%dma_wait3A_178 : memref<10000x128xf32, #tpu.memory_space<hbm>>) dst(%dma_wait3A_174 : memref<128x128xf32, #tpu.memory_space<vmem>>)
      %jit3A_179 = arith.constant 6 : i32
      %eq3A_180 = arith.constant 0 : i32
      %eq3A_181 = arith.cmpi eq, %jit3A_179, %eq3A_180 : i32
      %jit3A_182 = arith.constant 1 : i32
      %select_n3A_183 = arith.select %eq3A_181, %jit3A_182, %jit3A_179 : i32
      %rem3A_184 = arith.remsi %scan3A_159, %select_n3A_183 : i32
      %ne3A_185 = arith.constant 0 : i32
      %ne3A_186 = arith.cmpi ne, %rem3A_184, %ne3A_185 : i32
      %lt3A_187 = arith.constant 0 : i32
      %lt3A_188 = arith.cmpi slt, %rem3A_184, %lt3A_187 : i32
      %lt3A_189 = arith.constant 0 : i32
      %lt3A_190 = arith.cmpi slt, %select_n3A_183, %lt3A_189 : i32
      %ne3A_191 = arith.xori %lt3A_188, %lt3A_190 : i1
      %and3A_192 = arith.andi %ne3A_191, %ne3A_186 : i1
      %add3A_193 = arith.addi %rem3A_184, %select_n3A_183 : i32
      %select_n3A_194 = arith.select %and3A_192, %add3A_193, %rem3A_184 : i32
      %dma_start3A_195 = arith.constant 0 : i32
      %dma_start3A_196 = arith.constant 0 : i32
      %dma_start3A_197 = tpu.memref_slice %arg11[%select_n3A_194, %dma_start3A_195, %dma_start3A_196] : memref<6x128x128xf32, #tpu.memory_space<vmem>> -> memref<1x128x128xf32, #tpu.memory_space<vmem>>
      %dma_start3A_198 = tpu.memref_squeeze %dma_start3A_197 : memref<1x128x128xf32, #tpu.memory_space<vmem>> -> memref<128x128xf32, #tpu.memory_space<vmem>>
      %dma_start3A_199 = arith.constant 0 : i32
      %dma_start3A_200 = tpu.memref_slice %arg10[%scan3A_159, %dma_start3A_199] : memref<40x128xi32, #tpu.memory_space<vmem>> -> memref<1x128xi32, #tpu.memory_space<vmem>>
      %dma_start3A_201 = tpu.memref_squeeze %dma_start3A_200 : memref<1x128xi32, #tpu.memory_space<vmem>> -> memref<128xi32, #tpu.memory_space<vmem>>
      %dma_start3A_202 = arith.constant 0 : i32
      %dma_start3A_203 = arith.constant 0 : i32
      %dma_start3A_204 = tpu.memref_slice %arg6[%dma_start3A_202, %dma_start3A_203] : memref<490000x128xf32, #tpu.memory_space<hbm>> -> memref<490000x128xf32, #tpu.memory_space<hbm>>
      tpu.enqueue_indirect_dma source(%dma_start3A_198 : memref<128x128xf32, #tpu.memory_space<vmem>>) target(%dma_start3A_204 : memref<490000x128xf32, #tpu.memory_space<hbm>>) offsets(%dma_start3A_201 : memref<128xi32, #tpu.memory_space<vmem>>) semaphore(%arg13 : memref<!tpu.dma_semaphore, #tpu.memory_space<semaphore_mem>>)
      %ge3A = arith.constant 3 : i32
      %ge3A_205 = arith.cmpi sge, %scan3A_159, %ge3A : i32
      %convert_element_type3A = arith.extui %ge3A_205 : i1 to i32
      %cond3A = arith.constant 0 : i32
      %cond3A_206 = arith.cmpi ne, %convert_element_type3A, %cond3A : i32
      scf.if %cond3A_206 {
        %sub3A = arith.constant 3 : i32
        %sub3A_214 = arith.subi %scan3A_159, %sub3A : i32
        %jit3A_215 = arith.constant 6 : i32
        %eq3A_216 = arith.constant 0 : i32
        %eq3A_217 = arith.cmpi eq, %jit3A_215, %eq3A_216 : i32
        %jit3A_218 = arith.constant 1 : i32
        %select_n3A_219 = arith.select %eq3A_217, %jit3A_218, %jit3A_215 : i32
        %rem3A_220 = arith.remsi %sub3A_214, %select_n3A_219 : i32
        %ne3A_221 = arith.constant 0 : i32
        %ne3A_222 = arith.cmpi ne, %rem3A_220, %ne3A_221 : i32
        %lt3A_223 = arith.constant 0 : i32
        %lt3A_224 = arith.cmpi slt, %rem3A_220, %lt3A_223 : i32
        %lt3A_225 = arith.constant 0 : i32
        %lt3A_226 = arith.cmpi slt, %select_n3A_219, %lt3A_225 : i32
        %ne3A_227 = arith.xori %lt3A_224, %lt3A_226 : i1
        %and3A_228 = arith.andi %ne3A_227, %ne3A_222 : i1
        %add3A_229 = arith.addi %rem3A_220, %select_n3A_219 : i32
        %select_n3A_230 = arith.select %and3A_228, %add3A_229, %rem3A_220 : i32
        %dma_wait3A_231 = arith.constant 0 : i32
        %dma_wait3A_232 = arith.constant 0 : i32
        %dma_wait3A_233 = tpu.memref_slice %arg11[%select_n3A_230, %dma_wait3A_231, %dma_wait3A_232] : memref<6x128x128xf32, #tpu.memory_space<vmem>> -> memref<1x128x128xf32, #tpu.memory_space<vmem>>
        %dma_wait3A_234 = tpu.memref_squeeze %dma_wait3A_233 : memref<1x128x128xf32, #tpu.memory_space<vmem>> -> memref<128x128xf32, #tpu.memory_space<vmem>>
        %dma_wait3A_235 = arith.constant 0 : i32
        %dma_wait3A_236 = tpu.memref_slice %arg10[%sub3A_214, %dma_wait3A_235] : memref<40x128xi32, #tpu.memory_space<vmem>> -> memref<1x128xi32, #tpu.memory_space<vmem>>
        %dma_wait3A_237 = tpu.memref_squeeze %dma_wait3A_236 : memref<1x128xi32, #tpu.memory_space<vmem>> -> memref<128xi32, #tpu.memory_space<vmem>>
        %dma_wait3A_238 = arith.constant 0 : i32
        %dma_wait3A_239 = arith.constant 0 : i32
        %dma_wait3A_240 = tpu.memref_slice %arg6[%dma_wait3A_238, %dma_wait3A_239] : memref<490000x128xf32, #tpu.memory_space<hbm>> -> memref<490000x128xf32, #tpu.memory_space<hbm>>
        tpu.wait_indirect_dma semaphore(%arg13 : memref<!tpu.dma_semaphore, #tpu.memory_space<semaphore_mem>>) src(%dma_wait3A_234 : memref<128x128xf32, #tpu.memory_space<vmem>>) dst(%dma_wait3A_240 : memref<490000x128xf32, #tpu.memory_space<hbm>>)
      } else {
      }
      %add3A_207 = arith.constant 3 : i32
      %add3A_208 = arith.addi %scan3A_159, %add3A_207 : i32
      %lt3A_209 = arith.constant 40 : i32
      %lt3A_210 = arith.cmpi slt, %add3A_208, %lt3A_209 : i32
      %convert_element_type3A_211 = arith.extui %lt3A_210 : i1 to i32
      %cond3A_212 = arith.constant 0 : i32
      %cond3A_213 = arith.cmpi ne, %convert_element_type3A_211, %cond3A_212 : i32
      scf.if %cond3A_213 {
        %add3A_214 = arith.constant 3 : i32
        %add3A_215 = arith.addi %scan3A_159, %add3A_214 : i32
        %mul3A_216 = arith.constant 128 : i32
        %mul3A_217 = arith.muli %add3A_215, %mul3A_216 : i32
        %jit3A_218 = arith.constant 6 : i32
        %eq3A_219 = arith.constant 0 : i32
        %eq3A_220 = arith.cmpi eq, %jit3A_218, %eq3A_219 : i32
        %jit3A_221 = arith.constant 1 : i32
        %select_n3A_222 = arith.select %eq3A_220, %jit3A_221, %jit3A_218 : i32
        %rem3A_223 = arith.remsi %add3A_215, %select_n3A_222 : i32
        %ne3A_224 = arith.constant 0 : i32
        %ne3A_225 = arith.cmpi ne, %rem3A_223, %ne3A_224 : i32
        %lt3A_226 = arith.constant 0 : i32
        %lt3A_227 = arith.cmpi slt, %rem3A_223, %lt3A_226 : i32
        %lt3A_228 = arith.constant 0 : i32
        %lt3A_229 = arith.cmpi slt, %select_n3A_222, %lt3A_228 : i32
        %ne3A_230 = arith.xori %lt3A_227, %lt3A_229 : i1
        %and3A_231 = arith.andi %ne3A_230, %ne3A_225 : i1
        %add3A_232 = arith.addi %rem3A_223, %select_n3A_222 : i32
        %select_n3A_233 = arith.select %and3A_231, %add3A_232, %rem3A_223 : i32
        %dma_start3A_234 = arith.constant 0 : i32
        %dma_start3A_235 = arith.constant 0 : i32
        %dma_start3A_236 = tpu.memref_slice %arg11[%select_n3A_233, %dma_start3A_234, %dma_start3A_235] : memref<6x128x128xf32, #tpu.memory_space<vmem>> -> memref<1x128x128xf32, #tpu.memory_space<vmem>>
        %dma_start3A_237 = tpu.memref_squeeze %dma_start3A_236 : memref<1x128x128xf32, #tpu.memory_space<vmem>> -> memref<128x128xf32, #tpu.memory_space<vmem>>
        %dma_start3A_238 = tpu.memref_slice %arg7[%mul3A_217] : memref<5120xi32, #tpu.memory_space<vmem>> -> memref<128xi32, #tpu.memory_space<vmem>>
        %dma_start3A_239 = arith.constant 0 : i32
        %dma_start3A_240 = arith.constant 0 : i32
        %dma_start3A_241 = tpu.memref_slice %arg2[%dma_start3A_239, %dma_start3A_240] : memref<10000x128xf32, #tpu.memory_space<hbm>> -> memref<10000x128xf32, #tpu.memory_space<hbm>>
        tpu.enqueue_indirect_dma source(%dma_start3A_241 : memref<10000x128xf32, #tpu.memory_space<hbm>>) target(%dma_start3A_237 : memref<128x128xf32, #tpu.memory_space<vmem>>) offsets(%dma_start3A_238 : memref<128xi32, #tpu.memory_space<vmem>>) semaphore(%arg12 : memref<!tpu.dma_semaphore, #tpu.memory_space<semaphore_mem>>)
      } else {
      }
    }
    %scan3A_123 = arith.constant 40 : i32
    %dma_wait3A = arith.constant 1 : i32
    %dma_wait3A_124 = arith.constant 37 : i32
    %dma_wait3A_125 = arith.constant 0 : i32
    %dma_wait3A_126 = arith.constant 0 : i32
    %dma_wait3A_127 = tpu.memref_slice %arg11[%dma_wait3A, %dma_wait3A_125, %dma_wait3A_126] : memref<6x128x128xf32, #tpu.memory_space<vmem>> -> memref<1x128x128xf32, #tpu.memory_space<vmem>>
    %dma_wait3A_128 = tpu.memref_squeeze %dma_wait3A_127 : memref<1x128x128xf32, #tpu.memory_space<vmem>> -> memref<128x128xf32, #tpu.memory_space<vmem>>
    %dma_wait3A_129 = arith.constant 0 : i32
    %dma_wait3A_130 = tpu.memref_slice %arg10[%dma_wait3A_124, %dma_wait3A_129] : memref<40x128xi32, #tpu.memory_space<vmem>> -> memref<1x128xi32, #tpu.memory_space<vmem>>
    %dma_wait3A_131 = tpu.memref_squeeze %dma_wait3A_130 : memref<1x128xi32, #tpu.memory_space<vmem>> -> memref<128xi32, #tpu.memory_space<vmem>>
    %dma_wait3A_132 = arith.constant 0 : i32
    %dma_wait3A_133 = arith.constant 0 : i32
    %dma_wait3A_134 = tpu.memref_slice %arg6[%dma_wait3A_132, %dma_wait3A_133] : memref<490000x128xf32, #tpu.memory_space<hbm>> -> memref<490000x128xf32, #tpu.memory_space<hbm>>
    tpu.wait_indirect_dma semaphore(%arg13 : memref<!tpu.dma_semaphore, #tpu.memory_space<semaphore_mem>>) src(%dma_wait3A_128 : memref<128x128xf32, #tpu.memory_space<vmem>>) dst(%dma_wait3A_134 : memref<490000x128xf32, #tpu.memory_space<hbm>>)
    %dma_wait3A_135 = arith.constant 2 : i32
    %dma_wait3A_136 = arith.constant 38 : i32
    %dma_wait3A_137 = arith.constant 0 : i32
    %dma_wait3A_138 = arith.constant 0 : i32
    %dma_wait3A_139 = tpu.memref_slice %arg11[%dma_wait3A_135, %dma_wait3A_137, %dma_wait3A_138] : memref<6x128x128xf32, #tpu.memory_space<vmem>> -> memref<1x128x128xf32, #tpu.memory_space<vmem>>
    %dma_wait3A_140 = tpu.memref_squeeze %dma_wait3A_139 : memref<1x128x128xf32, #tpu.memory_space<vmem>> -> memref<128x128xf32, #tpu.memory_space<vmem>>
    %dma_wait3A_141 = arith.constant 0 : i32
    %dma_wait3A_142 = tpu.memref_slice %arg10[%dma_wait3A_136, %dma_wait3A_141] : memref<40x128xi32, #tpu.memory_space<vmem>> -> memref<1x128xi32, #tpu.memory_space<vmem>>
    %dma_wait3A_143 = tpu.memref_squeeze %dma_wait3A_142 : memref<1x128xi32, #tpu.memory_space<vmem>> -> memref<128xi32, #tpu.memory_space<vmem>>
    %dma_wait3A_144 = arith.constant 0 : i32
    %dma_wait3A_145 = arith.constant 0 : i32
    %dma_wait3A_146 = tpu.memref_slice %arg6[%dma_wait3A_144, %dma_wait3A_145] : memref<490000x128xf32, #tpu.memory_space<hbm>> -> memref<490000x128xf32, #tpu.memory_space<hbm>>
    tpu.wait_indirect_dma semaphore(%arg13 : memref<!tpu.dma_semaphore, #tpu.memory_space<semaphore_mem>>) src(%dma_wait3A_140 : memref<128x128xf32, #tpu.memory_space<vmem>>) dst(%dma_wait3A_146 : memref<490000x128xf32, #tpu.memory_space<hbm>>)
    %dma_wait3A_147 = arith.constant 3 : i32
    %dma_wait3A_148 = arith.constant 39 : i32
    %dma_wait3A_149 = arith.constant 0 : i32
    %dma_wait3A_150 = arith.constant 0 : i32
    %dma_wait3A_151 = tpu.memref_slice %arg11[%dma_wait3A_147, %dma_wait3A_149, %dma_wait3A_150] : memref<6x128x128xf32, #tpu.memory_space<vmem>> -> memref<1x128x128xf32, #tpu.memory_space<vmem>>
    %dma_wait3A_152 = tpu.memref_squeeze %dma_wait3A_151 : memref<1x128x128xf32, #tpu.memory_space<vmem>> -> memref<128x128xf32, #tpu.memory_space<vmem>>
    %dma_wait3A_153 = arith.constant 0 : i32
    %dma_wait3A_154 = tpu.memref_slice %arg10[%dma_wait3A_148, %dma_wait3A_153] : memref<40x128xi32, #tpu.memory_space<vmem>> -> memref<1x128xi32, #tpu.memory_space<vmem>>
    %dma_wait3A_155 = tpu.memref_squeeze %dma_wait3A_154 : memref<1x128xi32, #tpu.memory_space<vmem>> -> memref<128xi32, #tpu.memory_space<vmem>>
    %dma_wait3A_156 = arith.constant 0 : i32
    %dma_wait3A_157 = arith.constant 0 : i32
    %dma_wait3A_158 = tpu.memref_slice %arg6[%dma_wait3A_156, %dma_wait3A_157] : memref<490000x128xf32, #tpu.memory_space<hbm>> -> memref<490000x128xf32, #tpu.memory_space<hbm>>
    tpu.wait_indirect_dma semaphore(%arg13 : memref<!tpu.dma_semaphore, #tpu.memory_space<semaphore_mem>>) src(%dma_wait3A_152 : memref<128x128xf32, #tpu.memory_space<vmem>>) dst(%dma_wait3A_158 : memref<490000x128xf32, #tpu.memory_space<hbm>>)
    return
  }
}

#map = affine_map<(d0, d1) -> (0)>
module attributes {stable_mosaic.version = 14 : i64} {
  func.func @_k3b(%arg0: i32, %arg1: i32, %arg2: memref<163840xi32, #tpu.memory_space<hbm>>, %arg3: memref<163840xi32, #tpu.memory_space<hbm>>, %arg4: memref<160000xi32, #tpu.memory_space<hbm>>, %arg5: memref<160000xi32, #tpu.memory_space<hbm>>, %arg6: memref<2x5120xi32, #tpu.memory_space<vmem>>, %arg7: memref<2x5120xi32, #tpu.memory_space<vmem>>, %arg8: memref<5120xi32, #tpu.memory_space<vmem>>, %arg9: memref<5120xi32, #tpu.memory_space<vmem>>, %arg10: memref<5120xi32, #tpu.memory_space<vmem>>, %arg11: memref<!tpu.dma_semaphore, #tpu.memory_space<semaphore_mem>>, %arg12: memref<!tpu.dma_semaphore, #tpu.memory_space<semaphore_mem>>) attributes {dimension_semantics = [#tpu.dimension_semantics<core_parallel>, #tpu.dimension_semantics<subcore_parallel>], iteration_bounds = array<i64: 2, 16>, scalar_prefetch = 0 : i64, scratch_operands = 7 : i64, tpu.core_type = #tpu.core_type<sc_vector_subcore>, window_params = [{transform_indices = #map}, {transform_indices = #map}, {transform_indices = #map}, {transform_indices = #map}]} {
    %mul3A = arith.constant 2 : i32
    %mul3A_0 = arith.muli %arg1, %mul3A : i32
    %add3A = arith.addi %mul3A_0, %arg0 : i32
    %mul3A_1 = arith.constant 5000 : i32
    %mul3A_2 = arith.muli %add3A, %mul3A_1 : i32
    %scan3A = arith.constant 0 : i32
    %scan3A_3 = arith.constant 0 : i32
    %scan3A_4 = arith.constant 32 : i32
    %scan3A_5 = arith.addi %scan3A_3, %scan3A_4 : i32
    %scan3A_6 = arith.constant 1 : i32
    scf.for %scan3A_14 = %scan3A_3 to %scan3A_5 step %scan3A_6  : i32 {
      %mul3A_15 = arith.constant 5120 : i32
      %mul3A_16 = arith.muli %scan3A_14, %mul3A_15 : i32
      %jit3A = arith.constant 2 : i32
      %eq3A = arith.constant 0 : i32
      %eq3A_17 = arith.cmpi eq, %jit3A, %eq3A : i32
      %jit3A_18 = arith.constant 1 : i32
      %select_n3A = arith.select %eq3A_17, %jit3A_18, %jit3A : i32
      %rem3A = arith.remsi %scan3A_14, %select_n3A : i32
      %ne3A = arith.constant 0 : i32
      %ne3A_19 = arith.cmpi ne, %rem3A, %ne3A : i32
      %lt3A = arith.constant 0 : i32
      %lt3A_20 = arith.cmpi slt, %rem3A, %lt3A : i32
      %lt3A_21 = arith.constant 0 : i32
      %lt3A_22 = arith.cmpi slt, %select_n3A, %lt3A_21 : i32
      %ne3A_23 = arith.xori %lt3A_20, %lt3A_22 : i1
      %and3A = arith.andi %ne3A_23, %ne3A_19 : i1
      %add3A_24 = arith.addi %rem3A, %select_n3A : i32
      %select_n3A_25 = arith.select %and3A, %add3A_24, %rem3A : i32
      "tpu.region"() ({
        %run_scoped3A = tpu.sem_alloc : memref<!tpu.dma_semaphore, #tpu.memory_space<semaphore_mem>>
        %dma_start3A = arith.constant 0 : i32
        %dma_start3A_50 = tpu.memref_slice %arg6[%select_n3A_25, %dma_start3A] : memref<2x5120xi32, #tpu.memory_space<vmem>> -> memref<1x5120xi32, #tpu.memory_space<vmem>>
        %dma_start3A_51 = tpu.memref_squeeze %dma_start3A_50 : memref<1x5120xi32, #tpu.memory_space<vmem>> -> memref<5120xi32, #tpu.memory_space<vmem>>
        %dma_start3A_52 = tpu.memref_slice %arg2[%mul3A_16] : memref<163840xi32, #tpu.memory_space<hbm>> -> memref<5120xi32, #tpu.memory_space<hbm>>
        %dma_start3A_53 = arith.constant 0 : i32
        %dma_start3A_54 = tpu.memref_slice %arg6[%select_n3A_25, %dma_start3A_53] : memref<2x5120xi32, #tpu.memory_space<vmem>> -> memref<1x5120xi32, #tpu.memory_space<vmem>>
        %dma_start3A_55 = tpu.memref_squeeze %dma_start3A_54 : memref<1x5120xi32, #tpu.memory_space<vmem>> -> memref<5120xi32, #tpu.memory_space<vmem>>
        %dma_start3A_56 = tpu.memref_slice %arg2[%mul3A_16] : memref<163840xi32, #tpu.memory_space<hbm>> -> memref<5120xi32, #tpu.memory_space<hbm>>
        tpu.enqueue_dma source(%dma_start3A_56 : memref<5120xi32, #tpu.memory_space<hbm>>) target(%dma_start3A_55 : memref<5120xi32, #tpu.memory_space<vmem>>) target_semaphore(%run_scoped3A : memref<!tpu.dma_semaphore, #tpu.memory_space<semaphore_mem>>)
        %dma_wait3A = arith.constant 0 : i32
        %dma_wait3A_57 = tpu.memref_slice %arg6[%select_n3A_25, %dma_wait3A] : memref<2x5120xi32, #tpu.memory_space<vmem>> -> memref<1x5120xi32, #tpu.memory_space<vmem>>
        %dma_wait3A_58 = tpu.memref_squeeze %dma_wait3A_57 : memref<1x5120xi32, #tpu.memory_space<vmem>> -> memref<5120xi32, #tpu.memory_space<vmem>>
        %dma_wait3A_59 = tpu.memref_slice %arg2[%mul3A_16] : memref<163840xi32, #tpu.memory_space<hbm>> -> memref<5120xi32, #tpu.memory_space<hbm>>
        %dma_wait3A_60 = arith.constant 0 : i32
        %dma_wait3A_61 = tpu.memref_slice %arg6[%select_n3A_25, %dma_wait3A_60] : memref<2x5120xi32, #tpu.memory_space<vmem>> -> memref<1x5120xi32, #tpu.memory_space<vmem>>
        %dma_wait3A_62 = tpu.memref_squeeze %dma_wait3A_61 : memref<1x5120xi32, #tpu.memory_space<vmem>> -> memref<5120xi32, #tpu.memory_space<vmem>>
        %dma_wait3A_63 = tpu.memref_slice %arg2[%mul3A_16] : memref<163840xi32, #tpu.memory_space<hbm>> -> memref<5120xi32, #tpu.memory_space<hbm>>
        tpu.wait_dma2 semaphore(%run_scoped3A : memref<!tpu.dma_semaphore, #tpu.memory_space<semaphore_mem>>) src(%dma_wait3A_63 : memref<5120xi32, #tpu.memory_space<hbm>>) dst(%dma_wait3A_62 : memref<5120xi32, #tpu.memory_space<vmem>>)
        tpu.yield
      }) : () -> ()
      %mul3A_26 = arith.constant 5120 : i32
      %mul3A_27 = arith.muli %scan3A_14, %mul3A_26 : i32
      %jit3A_28 = arith.constant 2 : i32
      %eq3A_29 = arith.constant 0 : i32
      %eq3A_30 = arith.cmpi eq, %jit3A_28, %eq3A_29 : i32
      %jit3A_31 = arith.constant 1 : i32
      %select_n3A_32 = arith.select %eq3A_30, %jit3A_31, %jit3A_28 : i32
      %rem3A_33 = arith.remsi %scan3A_14, %select_n3A_32 : i32
      %ne3A_34 = arith.constant 0 : i32
      %ne3A_35 = arith.cmpi ne, %rem3A_33, %ne3A_34 : i32
      %lt3A_36 = arith.constant 0 : i32
      %lt3A_37 = arith.cmpi slt, %rem3A_33, %lt3A_36 : i32
      %lt3A_38 = arith.constant 0 : i32
      %lt3A_39 = arith.cmpi slt, %select_n3A_32, %lt3A_38 : i32
      %ne3A_40 = arith.xori %lt3A_37, %lt3A_39 : i1
      %and3A_41 = arith.andi %ne3A_40, %ne3A_35 : i1
      %add3A_42 = arith.addi %rem3A_33, %select_n3A_32 : i32
      %select_n3A_43 = arith.select %and3A_41, %add3A_42, %rem3A_33 : i32
      "tpu.region"() ({
        %run_scoped3A = tpu.sem_alloc : memref<!tpu.dma_semaphore, #tpu.memory_space<semaphore_mem>>
        %dma_start3A = arith.constant 0 : i32
        %dma_start3A_50 = tpu.memref_slice %arg7[%select_n3A_43, %dma_start3A] : memref<2x5120xi32, #tpu.memory_space<vmem>> -> memref<1x5120xi32, #tpu.memory_space<vmem>>
        %dma_start3A_51 = tpu.memref_squeeze %dma_start3A_50 : memref<1x5120xi32, #tpu.memory_space<vmem>> -> memref<5120xi32, #tpu.memory_space<vmem>>
        %dma_start3A_52 = tpu.memref_slice %arg3[%mul3A_27] : memref<163840xi32, #tpu.memory_space<hbm>> -> memref<5120xi32, #tpu.memory_space<hbm>>
        %dma_start3A_53 = arith.constant 0 : i32
        %dma_start3A_54 = tpu.memref_slice %arg7[%select_n3A_43, %dma_start3A_53] : memref<2x5120xi32, #tpu.memory_space<vmem>> -> memref<1x5120xi32, #tpu.memory_space<vmem>>
        %dma_start3A_55 = tpu.memref_squeeze %dma_start3A_54 : memref<1x5120xi32, #tpu.memory_space<vmem>> -> memref<5120xi32, #tpu.memory_space<vmem>>
        %dma_start3A_56 = tpu.memref_slice %arg3[%mul3A_27] : memref<163840xi32, #tpu.memory_space<hbm>> -> memref<5120xi32, #tpu.memory_space<hbm>>
        tpu.enqueue_dma source(%dma_start3A_56 : memref<5120xi32, #tpu.memory_space<hbm>>) target(%dma_start3A_55 : memref<5120xi32, #tpu.memory_space<vmem>>) target_semaphore(%run_scoped3A : memref<!tpu.dma_semaphore, #tpu.memory_space<semaphore_mem>>)
        %dma_wait3A = arith.constant 0 : i32
        %dma_wait3A_57 = tpu.memref_slice %arg7[%select_n3A_43, %dma_wait3A] : memref<2x5120xi32, #tpu.memory_space<vmem>> -> memref<1x5120xi32, #tpu.memory_space<vmem>>
        %dma_wait3A_58 = tpu.memref_squeeze %dma_wait3A_57 : memref<1x5120xi32, #tpu.memory_space<vmem>> -> memref<5120xi32, #tpu.memory_space<vmem>>
        %dma_wait3A_59 = tpu.memref_slice %arg3[%mul3A_27] : memref<163840xi32, #tpu.memory_space<hbm>> -> memref<5120xi32, #tpu.memory_space<hbm>>
        %dma_wait3A_60 = arith.constant 0 : i32
        %dma_wait3A_61 = tpu.memref_slice %arg7[%select_n3A_43, %dma_wait3A_60] : memref<2x5120xi32, #tpu.memory_space<vmem>> -> memref<1x5120xi32, #tpu.memory_space<vmem>>
        %dma_wait3A_62 = tpu.memref_squeeze %dma_wait3A_61 : memref<1x5120xi32, #tpu.memory_space<vmem>> -> memref<5120xi32, #tpu.memory_space<vmem>>
        %dma_wait3A_63 = tpu.memref_slice %arg3[%mul3A_27] : memref<163840xi32, #tpu.memory_space<hbm>> -> memref<5120xi32, #tpu.memory_space<hbm>>
        tpu.wait_dma2 semaphore(%run_scoped3A : memref<!tpu.dma_semaphore, #tpu.memory_space<semaphore_mem>>) src(%dma_wait3A_63 : memref<5120xi32, #tpu.memory_space<hbm>>) dst(%dma_wait3A_62 : memref<5120xi32, #tpu.memory_space<vmem>>)
        tpu.yield
      }) : () -> ()
      %scan3A_44 = arith.constant 0 : i32
      %scan3A_45 = arith.constant 0 : i32
      %scan3A_46 = arith.constant 320 : i32
      %scan3A_47 = arith.addi %scan3A_45, %scan3A_46 : i32
      %scan3A_48 = arith.constant 1 : i32
      scf.for %scan3A_50 = %scan3A_45 to %scan3A_47 step %scan3A_48  : i32 {
        %jit3A_51 = arith.constant 2 : i32
        %eq3A_52 = arith.constant 0 : i32
        %eq3A_53 = arith.cmpi eq, %jit3A_51, %eq3A_52 : i32
        %jit3A_54 = arith.constant 1 : i32
        %select_n3A_55 = arith.select %eq3A_53, %jit3A_54, %jit3A_51 : i32
        %rem3A_56 = arith.remsi %scan3A_14, %select_n3A_55 : i32
        %ne3A_57 = arith.constant 0 : i32
        %ne3A_58 = arith.cmpi ne, %rem3A_56, %ne3A_57 : i32
        %lt3A_59 = arith.constant 0 : i32
        %lt3A_60 = arith.cmpi slt, %rem3A_56, %lt3A_59 : i32
        %lt3A_61 = arith.constant 0 : i32
        %lt3A_62 = arith.cmpi slt, %select_n3A_55, %lt3A_61 : i32
        %ne3A_63 = arith.xori %lt3A_60, %lt3A_62 : i1
        %and3A_64 = arith.andi %ne3A_63, %ne3A_58 : i1
        %add3A_65 = arith.addi %rem3A_56, %select_n3A_55 : i32
        %select_n3A_66 = arith.select %and3A_64, %add3A_65, %rem3A_56 : i32
        %mul3A_67 = arith.constant 16 : i32
        %mul3A_68 = arith.muli %scan3A_50, %mul3A_67 : i32
        %get3A = arith.index_cast %select_n3A_66 : i32 to index
        %get3A_69 = arith.index_cast %mul3A_68 : i32 to index
        %get3A_70 = tpu.vector_load %arg6[%get3A, %get3A_69] {strides = array<i32>} : memref<2x5120xi32, #tpu.memory_space<vmem>>, vector<16xi32>,
        %jit3A_71 = arith.constant 2 : i32
        %eq3A_72 = arith.constant 0 : i32
        %eq3A_73 = arith.cmpi eq, %jit3A_71, %eq3A_72 : i32
        %jit3A_74 = arith.constant 1 : i32
        %select_n3A_75 = arith.select %eq3A_73, %jit3A_74, %jit3A_71 : i32
        %rem3A_76 = arith.remsi %scan3A_14, %select_n3A_75 : i32
        %ne3A_77 = arith.constant 0 : i32
        %ne3A_78 = arith.cmpi ne, %rem3A_76, %ne3A_77 : i32
        %lt3A_79 = arith.constant 0 : i32
        %lt3A_80 = arith.cmpi slt, %rem3A_76, %lt3A_79 : i32
        %lt3A_81 = arith.constant 0 : i32
        %lt3A_82 = arith.cmpi slt, %select_n3A_75, %lt3A_81 : i32
        %ne3A_83 = arith.xori %lt3A_80, %lt3A_82 : i1
        %and3A_84 = arith.andi %ne3A_83, %ne3A_78 : i1
        %add3A_85 = arith.addi %rem3A_76, %select_n3A_75 : i32
        %select_n3A_86 = arith.select %and3A_84, %add3A_85, %rem3A_76 : i32
        %mul3A_87 = arith.constant 16 : i32
        %mul3A_88 = arith.muli %scan3A_50, %mul3A_87 : i32
        %get3A_89 = arith.index_cast %select_n3A_86 : i32 to index
        %get3A_90 = arith.index_cast %mul3A_88 : i32 to index
        %get3A_91 = tpu.vector_load %arg7[%get3A_89, %get3A_90] {strides = array<i32>} : memref<2x5120xi32, #tpu.memory_space<vmem>>, vector<16xi32>,
        %sub3A = vector.broadcast %mul3A_2 : i32 to vector<16xi32>
        %sub3A_92 = arith.subi %get3A_70, %sub3A : vector<16xi32>
        %ge3A = arith.constant 0 : i32
        %ge3A_93 = vector.broadcast %ge3A : i32 to vector<16xi32>
        %ge3A_94 = arith.cmpi sge, %sub3A_92, %ge3A_93 : vector<16xi32>
        %lt3A_95 = arith.constant 5000 : i32
        %lt3A_96 = vector.broadcast %lt3A_95 : i32 to vector<16xi32>
        %lt3A_97 = arith.cmpi slt, %sub3A_92, %lt3A_96 : vector<16xi32>
        %and3A_98 = arith.andi %ge3A_94, %lt3A_97 : vector<16xi1>
        %jit3A_99 = arith.constant 0 : i32
        %broadcast_in_dim3A = vector.broadcast %jit3A_99 : i32 to vector<16xi32>
        %select_n3A_100 = arith.select %and3A_98, %sub3A_92, %broadcast_in_dim3A : vector<16xi1>, vector<16xi32>
        tpu.vector_store_idx %arg8[%select_n3A_100], %get3A_91 masked %and3A_98 : memref<5120xi32, #tpu.memory_space<vmem>>[vector<16xi32>], vector<16xi32>, vector<16xi1>
      }
      %scan3A_49 = arith.constant 320 : i32
    }
    %scan3A_7 = arith.constant 32 : i32
    %scan3A_8 = arith.constant 0 : i32
    %scan3A_9 = arith.constant 0 : i32
    %scan3A_10 = arith.constant 313 : i32
    %scan3A_11 = arith.addi %scan3A_9, %scan3A_10 : i32
    %scan3A_12 = arith.constant 1 : i32
    scf.for %scan3A_14 = %scan3A_9 to %scan3A_11 step %scan3A_12  : i32 {
      %mul3A_15 = arith.constant 16 : i32
      %mul3A_16 = arith.muli %scan3A_14, %mul3A_15 : i32
      %get3A = arith.index_cast %mul3A_16 : i32 to index
      %get3A_17 = tpu.vector_load %arg8[%get3A] {strides = array<i32>} : memref<5120xi32, #tpu.memory_space<vmem>>, vector<16xi32>,
      %and3A = arith.constant 16383 : i32
      %and3A_18 = vector.broadcast %and3A : i32 to vector<16xi32>
      %and3A_19 = arith.andi %get3A_17, %and3A_18 : vector<16xi32>
      %mul3A_20 = arith.constant 16 : i32
      %mul3A_21 = arith.muli %scan3A_14, %mul3A_20 : i32
      %swap3A = arith.index_cast %mul3A_21 : i32 to index
      %swap3A_22 = tpu.vector_load %arg9[%swap3A] {strides = array<i32>} : memref<5120xi32, #tpu.memory_space<vmem>>, vector<16xi32>,
      tpu.vector_store %arg9[%swap3A], %and3A_19 {strides = array<i32>} : memref<5120xi32, #tpu.memory_space<vmem>>, vector<16xi32>,
      %shift_right_arithmetic3A = arith.constant 14 : i32
      %shift_right_arithmetic3A_23 = vector.broadcast %shift_right_arithmetic3A : i32 to vector<16xi32>
      %shift_right_arithmetic3A_24 = arith.shrsi %get3A_17, %shift_right_arithmetic3A_23 : vector<16xi32>
      %mul3A_25 = arith.constant 16 : i32
      %mul3A_26 = arith.muli %scan3A_14, %mul3A_25 : i32
      %swap3A_27 = arith.index_cast %mul3A_26 : i32 to index
      %swap3A_28 = tpu.vector_load %arg10[%swap3A_27] {strides = array<i32>} : memref<5120xi32, #tpu.memory_space<vmem>>, vector<16xi32>,
      tpu.vector_store %arg10[%swap3A_27], %shift_right_arithmetic3A_24 {strides = array<i32>} : memref<5120xi32, #tpu.memory_space<vmem>>, vector<16xi32>,
    }
    %scan3A_13 = arith.constant 313 : i32
    "tpu.region"() ({
      %run_scoped3A = tpu.sem_alloc : memref<!tpu.dma_semaphore, #tpu.memory_space<semaphore_mem>>
      %dma_start3A = arith.constant 0 : i32
      %dma_start3A_14 = tpu.memref_slice %arg9[%dma_start3A] : memref<5120xi32, #tpu.memory_space<vmem>> -> memref<5000xi32, #tpu.memory_space<vmem>>
      %dma_start3A_15 = tpu.memref_slice %arg4[%mul3A_2] : memref<160000xi32, #tpu.memory_space<hbm>> -> memref<5000xi32, #tpu.memory_space<hbm>>
      %dma_start3A_16 = tpu.memref_slice %arg4[%mul3A_2] : memref<160000xi32, #tpu.memory_space<hbm>> -> memref<5000xi32, #tpu.memory_space<hbm>>
      %dma_start3A_17 = arith.constant 0 : i32
      %dma_start3A_18 = tpu.memref_slice %arg9[%dma_start3A_17] : memref<5120xi32, #tpu.memory_space<vmem>> -> memref<5000xi32, #tpu.memory_space<vmem>>
      tpu.enqueue_dma source(%dma_start3A_18 : memref<5000xi32, #tpu.memory_space<vmem>>) target(%dma_start3A_16 : memref<5000xi32, #tpu.memory_space<hbm>>) target_semaphore(%run_scoped3A : memref<!tpu.dma_semaphore, #tpu.memory_space<semaphore_mem>>)
      %dma_wait3A = arith.constant 0 : i32
      %dma_wait3A_19 = tpu.memref_slice %arg9[%dma_wait3A] : memref<5120xi32, #tpu.memory_space<vmem>> -> memref<5000xi32, #tpu.memory_space<vmem>>
      %dma_wait3A_20 = tpu.memref_slice %arg4[%mul3A_2] : memref<160000xi32, #tpu.memory_space<hbm>> -> memref<5000xi32, #tpu.memory_space<hbm>>
      %dma_wait3A_21 = tpu.memref_slice %arg4[%mul3A_2] : memref<160000xi32, #tpu.memory_space<hbm>> -> memref<5000xi32, #tpu.memory_space<hbm>>
      %dma_wait3A_22 = arith.constant 0 : i32
      %dma_wait3A_23 = tpu.memref_slice %arg9[%dma_wait3A_22] : memref<5120xi32, #tpu.memory_space<vmem>> -> memref<5000xi32, #tpu.memory_space<vmem>>
      tpu.wait_dma2 semaphore(%run_scoped3A : memref<!tpu.dma_semaphore, #tpu.memory_space<semaphore_mem>>) src(%dma_wait3A_23 : memref<5000xi32, #tpu.memory_space<vmem>>) dst(%dma_wait3A_21 : memref<5000xi32, #tpu.memory_space<hbm>>)
      tpu.yield
    }) : () -> ()
    "tpu.region"() ({
      %run_scoped3A = tpu.sem_alloc : memref<!tpu.dma_semaphore, #tpu.memory_space<semaphore_mem>>
      %dma_start3A = arith.constant 0 : i32
      %dma_start3A_14 = tpu.memref_slice %arg10[%dma_start3A] : memref<5120xi32, #tpu.memory_space<vmem>> -> memref<5000xi32, #tpu.memory_space<vmem>>
      %dma_start3A_15 = tpu.memref_slice %arg5[%mul3A_2] : memref<160000xi32, #tpu.memory_space<hbm>> -> memref<5000xi32, #tpu.memory_space<hbm>>
      %dma_start3A_16 = tpu.memref_slice %arg5[%mul3A_2] : memref<160000xi32, #tpu.memory_space<hbm>> -> memref<5000xi32, #tpu.memory_space<hbm>>
      %dma_start3A_17 = arith.constant 0 : i32
      %dma_start3A_18 = tpu.memref_slice %arg10[%dma_start3A_17] : memref<5120xi32, #tpu.memory_space<vmem>> -> memref<5000xi32, #tpu.memory_space<vmem>>
      tpu.enqueue_dma source(%dma_start3A_18 : memref<5000xi32, #tpu.memory_space<vmem>>) target(%dma_start3A_16 : memref<5000xi32, #tpu.memory_space<hbm>>) target_semaphore(%run_scoped3A : memref<!tpu.dma_semaphore, #tpu.memory_space<semaphore_mem>>)
      %dma_wait3A = arith.constant 0 : i32
      %dma_wait3A_19 = tpu.memref_slice %arg10[%dma_wait3A] : memref<5120xi32, #tpu.memory_space<vmem>> -> memref<5000xi32, #tpu.memory_space<vmem>>
      %dma_wait3A_20 = tpu.memref_slice %arg5[%mul3A_2] : memref<160000xi32, #tpu.memory_space<hbm>> -> memref<5000xi32, #tpu.memory_space<hbm>>
      %dma_wait3A_21 = tpu.memref_slice %arg5[%mul3A_2] : memref<160000xi32, #tpu.memory_space<hbm>> -> memref<5000xi32, #tpu.memory_space<hbm>>
      %dma_wait3A_22 = arith.constant 0 : i32
      %dma_wait3A_23 = tpu.memref_slice %arg10[%dma_wait3A_22] : memref<5120xi32, #tpu.memory_space<vmem>> -> memref<5000xi32, #tpu.memory_space<vmem>>
      tpu.wait_dma2 semaphore(%run_scoped3A : memref<!tpu.dma_semaphore, #tpu.memory_space<semaphore_mem>>) src(%dma_wait3A_23 : memref<5000xi32, #tpu.memory_space<vmem>>) dst(%dma_wait3A_21 : memref<5000xi32, #tpu.memory_space<hbm>>)
      tpu.yield
    }) : () -> ()
    return
  }
}

#map = affine_map<(d0, d1) -> (0)>
#map1 = affine_map<(d0, d1) -> (0, 0)>
module attributes {stable_mosaic.version = 14 : i64} {
  func.func @_k1(%arg0: i32, %arg1: i32, %arg2: memref<160000xi32, #tpu.memory_space<hbm>>, %arg3: memref<32x10240xi32, #tpu.memory_space<hbm>>, %arg4: memref<5120xi32, #tpu.memory_space<vmem>>, %arg5: memref<10256xi32, #tpu.memory_space<vmem>>) attributes {dimension_semantics = [#tpu.dimension_semantics<core_parallel>, #tpu.dimension_semantics<subcore_parallel>], iteration_bounds = array<i64: 2, 16>, scalar_prefetch = 0 : i64, scratch_operands = 2 : i64, tpu.core_type = #tpu.core_type<sc_vector_subcore>, window_params = [{transform_indices = #map}, {transform_indices = #map1}]} {
    %mul3A = arith.constant 2 : i32
    %mul3A_0 = arith.muli %arg1, %mul3A : i32
    %add3A = arith.addi %mul3A_0, %arg0 : i32
    %broadcast_in_dim3A = arith.constant 0 : i32
    %broadcast_in_dim3A_1 = vector.broadcast %broadcast_in_dim3A : i32 to vector<16xi32>
    %scan3A = arith.constant 0 : i32
    %scan3A_2 = arith.constant 0 : i32
    %scan3A_3 = arith.constant 641 : i32
    %scan3A_4 = arith.addi %scan3A_2, %scan3A_3 : i32
    %scan3A_5 = arith.constant 1 : i32
    scf.for %scan3A_20 = %scan3A_2 to %scan3A_4 step %scan3A_5  : i32 {
      %mul3A_21 = arith.constant 16 : i32
      %mul3A_22 = arith.muli %scan3A_20, %mul3A_21 : i32
      %swap3A_23 = arith.index_cast %mul3A_22 : i32 to index
      %swap3A_24 = tpu.vector_load %arg5[%swap3A_23] {strides = array<i32>} : memref<10256xi32, #tpu.memory_space<vmem>>, vector<16xi32>,
      tpu.vector_store %arg5[%swap3A_23], %broadcast_in_dim3A_1 {strides = array<i32>} : memref<10256xi32, #tpu.memory_space<vmem>>, vector<16xi32>,
    }
    %scan3A_6 = arith.constant 641 : i32
    %mul3A_7 = arith.constant 5000 : i32
    %mul3A_8 = arith.muli %add3A, %mul3A_7 : i32
    "tpu.region"() ({
      %run_scoped3A = tpu.sem_alloc : memref<!tpu.dma_semaphore, #tpu.memory_space<semaphore_mem>>
      %dma_start3A = arith.constant 0 : i32
      %dma_start3A_20 = tpu.memref_slice %arg4[%dma_start3A] : memref<5120xi32, #tpu.memory_space<vmem>> -> memref<5000xi32, #tpu.memory_space<vmem>>
      %dma_start3A_21 = tpu.memref_slice %arg2[%mul3A_8] : memref<160000xi32, #tpu.memory_space<hbm>> -> memref<5000xi32, #tpu.memory_space<hbm>>
      %dma_start3A_22 = arith.constant 0 : i32
      %dma_start3A_23 = tpu.memref_slice %arg4[%dma_start3A_22] : memref<5120xi32, #tpu.memory_space<vmem>> -> memref<5000xi32, #tpu.memory_space<vmem>>
      %dma_start3A_24 = tpu.memref_slice %arg2[%mul3A_8] : memref<160000xi32, #tpu.memory_space<hbm>> -> memref<5000xi32, #tpu.memory_space<hbm>>
      tpu.enqueue_dma source(%dma_start3A_24 : memref<5000xi32, #tpu.memory_space<hbm>>) target(%dma_start3A_23 : memref<5000xi32, #tpu.memory_space<vmem>>) target_semaphore(%run_scoped3A : memref<!tpu.dma_semaphore, #tpu.memory_space<semaphore_mem>>)
      %dma_wait3A = arith.constant 0 : i32
      %dma_wait3A_25 = tpu.memref_slice %arg4[%dma_wait3A] : memref<5120xi32, #tpu.memory_space<vmem>> -> memref<5000xi32, #tpu.memory_space<vmem>>
      %dma_wait3A_26 = tpu.memref_slice %arg2[%mul3A_8] : memref<160000xi32, #tpu.memory_space<hbm>> -> memref<5000xi32, #tpu.memory_space<hbm>>
      %dma_wait3A_27 = arith.constant 0 : i32
      %dma_wait3A_28 = tpu.memref_slice %arg4[%dma_wait3A_27] : memref<5120xi32, #tpu.memory_space<vmem>> -> memref<5000xi32, #tpu.memory_space<vmem>>
      %dma_wait3A_29 = tpu.memref_slice %arg2[%mul3A_8] : memref<160000xi32, #tpu.memory_space<hbm>> -> memref<5000xi32, #tpu.memory_space<hbm>>
      tpu.wait_dma2 semaphore(%run_scoped3A : memref<!tpu.dma_semaphore, #tpu.memory_space<semaphore_mem>>) src(%dma_wait3A_29 : memref<5000xi32, #tpu.memory_space<hbm>>) dst(%dma_wait3A_28 : memref<5000xi32, #tpu.memory_space<vmem>>)
      tpu.yield
    }) : () -> ()
    %get3A = arith.constant 4992 : index
    %get3A_9 = tpu.vector_load %arg4[%get3A] {strides = array<i32>} : memref<5120xi32, #tpu.memory_space<vmem>>, vector<16xi32>,
    %iota3A = tpu.iota {dimensions = array<i32: 0>} : vector<16xi32>
    %lt3A = arith.constant 8 : i32
    %lt3A_10 = vector.broadcast %lt3A : i32 to vector<16xi32>
    %lt3A_11 = arith.cmpi slt, %iota3A, %lt3A_10 : vector<16xi32>
    %jit3A = arith.constant 10000 : i32
    %broadcast_in_dim3A_12 = vector.broadcast %jit3A : i32 to vector<16xi32>
    %select_n3A = arith.select %lt3A_11, %get3A_9, %broadcast_in_dim3A_12 : vector<16xi1>, vector<16xi32>
    %swap3A = arith.constant 4992 : index
    %swap3A_13 = tpu.vector_load %arg4[%swap3A] {strides = array<i32>} : memref<5120xi32, #tpu.memory_space<vmem>>, vector<16xi32>,
    tpu.vector_store %arg4[%swap3A], %select_n3A {strides = array<i32>} : memref<5120xi32, #tpu.memory_space<vmem>>, vector<16xi32>,
    %scan3A_14 = arith.constant 0 : i32
    %scan3A_15 = arith.constant 0 : i32
    %scan3A_16 = arith.constant 313 : i32
    %scan3A_17 = arith.addi %scan3A_15, %scan3A_16 : i32
    %scan3A_18 = arith.constant 1 : i32
    scf.for %scan3A_20 = %scan3A_15 to %scan3A_17 step %scan3A_18  : i32 {
      %mul3A_21 = arith.constant 16 : i32
      %mul3A_22 = arith.muli %scan3A_20, %mul3A_21 : i32
      %get3A_23 = arith.index_cast %mul3A_22 : i32 to index
      %get3A_24 = tpu.vector_load %arg4[%get3A_23] {strides = array<i32>} : memref<5120xi32, #tpu.memory_space<vmem>>, vector<16xi32>,
      %broadcast_in_dim3A_25 = arith.constant true
      %broadcast_in_dim3A_26 = vector.broadcast %broadcast_in_dim3A_25 : i1 to vector<16xi1>
      %unique3A, %unique3A_27 = tpu.scan_count mask(%broadcast_in_dim3A_26 : vector<16xi1>) value(%get3A_24 : vector<16xi32>) : vector<16xi1>, vector<16xi32>
      %gather3A = tpu.vector_load_idx %arg5[%get3A_24] : memref<10256xi32, #tpu.memory_space<vmem>>[vector<16xi32>], vector<16xi32>,
      %add3A_28 = arith.addi %gather3A, %unique3A_27 : vector<16xi32>
      tpu.vector_store_idx %arg5[%get3A_24], %add3A_28 masked %unique3A : memref<10256xi32, #tpu.memory_space<vmem>>[vector<16xi32>], vector<16xi32>, vector<16xi1>
    }
    %scan3A_19 = arith.constant 313 : i32
    "tpu.region"() ({
      %run_scoped3A = tpu.sem_alloc : memref<!tpu.dma_semaphore, #tpu.memory_space<semaphore_mem>>
      %dma_start3A = arith.constant 0 : i32
      %dma_start3A_20 = tpu.memref_slice %arg5[%dma_start3A] : memref<10256xi32, #tpu.memory_space<vmem>> -> memref<10240xi32, #tpu.memory_space<vmem>>
      %dma_start3A_21 = arith.constant 0 : i32
      %dma_start3A_22 = tpu.memref_slice %arg3[%add3A, %dma_start3A_21] : memref<32x10240xi32, #tpu.memory_space<hbm>> -> memref<1x10240xi32, #tpu.memory_space<hbm>>
      %dma_start3A_23 = tpu.memref_squeeze %dma_start3A_22 : memref<1x10240xi32, #tpu.memory_space<hbm>> -> memref<10240xi32, #tpu.memory_space<hbm>>
      %dma_start3A_24 = arith.constant 0 : i32
      %dma_start3A_25 = tpu.memref_slice %arg3[%add3A, %dma_start3A_24] : memref<32x10240xi32, #tpu.memory_space<hbm>> -> memref<1x10240xi32, #tpu.memory_space<hbm>>
      %dma_start3A_26 = tpu.memref_squeeze %dma_start3A_25 : memref<1x10240xi32, #tpu.memory_space<hbm>> -> memref<10240xi32, #tpu.memory_space<hbm>>
      %dma_start3A_27 = arith.constant 0 : i32
      %dma_start3A_28 = tpu.memref_slice %arg5[%dma_start3A_27] : memref<10256xi32, #tpu.memory_space<vmem>> -> memref<10240xi32, #tpu.memory_space<vmem>>
      tpu.enqueue_dma source(%dma_start3A_28 : memref<10240xi32, #tpu.memory_space<vmem>>) target(%dma_start3A_26 : memref<10240xi32, #tpu.memory_space<hbm>>) target_semaphore(%run_scoped3A : memref<!tpu.dma_semaphore, #tpu.memory_space<semaphore_mem>>)
      %dma_wait3A = arith.constant 0 : i32
      %dma_wait3A_29 = tpu.memref_slice %arg5[%dma_wait3A] : memref<10256xi32, #tpu.memory_space<vmem>> -> memref<10240xi32, #tpu.memory_space<vmem>>
      %dma_wait3A_30 = arith.constant 0 : i32
      %dma_wait3A_31 = tpu.memref_slice %arg3[%add3A, %dma_wait3A_30] : memref<32x10240xi32, #tpu.memory_space<hbm>> -> memref<1x10240xi32, #tpu.memory_space<hbm>>
      %dma_wait3A_32 = tpu.memref_squeeze %dma_wait3A_31 : memref<1x10240xi32, #tpu.memory_space<hbm>> -> memref<10240xi32, #tpu.memory_space<hbm>>
      %dma_wait3A_33 = arith.constant 0 : i32
      %dma_wait3A_34 = tpu.memref_slice %arg3[%add3A, %dma_wait3A_33] : memref<32x10240xi32, #tpu.memory_space<hbm>> -> memref<1x10240xi32, #tpu.memory_space<hbm>>
      %dma_wait3A_35 = tpu.memref_squeeze %dma_wait3A_34 : memref<1x10240xi32, #tpu.memory_space<hbm>> -> memref<10240xi32, #tpu.memory_space<hbm>>
      %dma_wait3A_36 = arith.constant 0 : i32
      %dma_wait3A_37 = tpu.memref_slice %arg5[%dma_wait3A_36] : memref<10256xi32, #tpu.memory_space<vmem>> -> memref<10240xi32, #tpu.memory_space<vmem>>
      tpu.wait_dma2 semaphore(%run_scoped3A : memref<!tpu.dma_semaphore, #tpu.memory_space<semaphore_mem>>) src(%dma_wait3A_37 : memref<10240xi32, #tpu.memory_space<vmem>>) dst(%dma_wait3A_35 : memref<10240xi32, #tpu.memory_space<hbm>>)
      tpu.yield
    }) : () -> ()
    return
  }
}

#map = affine_map<(d0, d1) -> (0)>
#map1 = affine_map<(d0, d1) -> (0, 0)>
module attributes {stable_mosaic.version = 14 : i64} {
  func.func @_k3a(%arg0: i32, %arg1: i32, %arg2: memref<160000xi32, #tpu.memory_space<hbm>>, %arg3: memref<160000xi32, #tpu.memory_space<hbm>>, %arg4: memref<10240xi32, #tpu.memory_space<hbm>>, %arg5: memref<32x10240xi32, #tpu.memory_space<hbm>>, %arg6: memref<163840xi32, #tpu.memory_space<hbm>>, %arg7: memref<163840xi32, #tpu.memory_space<hbm>>, %arg8: memref<5120xi32, #tpu.memory_space<vmem>>, %arg9: memref<5120xi32, #tpu.memory_space<vmem>>, %arg10: memref<10256xi32, #tpu.memory_space<vmem>>, %arg11: memref<10256xi32, #tpu.memory_space<vmem>>, %arg12: memref<10256xi32, #tpu.memory_space<vmem>>, %arg13: memref<5120xi32, #tpu.memory_space<vmem>>, %arg14: memref<5120xi32, #tpu.memory_space<vmem>>) attributes {dimension_semantics = [#tpu.dimension_semantics<core_parallel>, #tpu.dimension_semantics<subcore_parallel>], iteration_bounds = array<i64: 2, 16>, scalar_prefetch = 0 : i64, scratch_operands = 7 : i64, tpu.core_type = #tpu.core_type<sc_vector_subcore>, window_params = [{transform_indices = #map}, {transform_indices = #map}, {transform_indices = #map}, {transform_indices = #map1}, {transform_indices = #map}, {transform_indices = #map}]} {
    %mul3A = arith.constant 2 : i32
    %mul3A_0 = arith.muli %arg1, %mul3A : i32
    %add3A = arith.addi %mul3A_0, %arg0 : i32
    %broadcast_in_dim3A = arith.constant 0 : i32
    %broadcast_in_dim3A_1 = vector.broadcast %broadcast_in_dim3A : i32 to vector<16xi32>
    %iota3A = tpu.iota {dimensions = array<i32: 0>} : vector<16xi32>
    %scan3A = arith.constant 0 : i32
    %scan3A_2 = arith.constant 0 : i32
    %scan3A_3 = arith.constant 641 : i32
    %scan3A_4 = arith.addi %scan3A_2, %scan3A_3 : i32
    %scan3A_5 = arith.constant 1 : i32
    scf.for %scan3A_89 = %scan3A_2 to %scan3A_4 step %scan3A_5  : i32 {
      %mul3A_90 = arith.constant 16 : i32
      %mul3A_91 = arith.muli %scan3A_89, %mul3A_90 : i32
      %swap3A_92 = arith.index_cast %mul3A_91 : i32 to index
      %swap3A_93 = tpu.vector_load %arg10[%swap3A_92] {strides = array<i32>} : memref<10256xi32, #tpu.memory_space<vmem>>, vector<16xi32>,
      tpu.vector_store %arg10[%swap3A_92], %broadcast_in_dim3A_1 {strides = array<i32>} : memref<10256xi32, #tpu.memory_space<vmem>>, vector<16xi32>,
    }
    %scan3A_6 = arith.constant 641 : i32
    %mul3A_7 = arith.constant 5000 : i32
    %mul3A_8 = arith.muli %add3A, %mul3A_7 : i32
    "tpu.region"() ({
      %run_scoped3A = tpu.sem_alloc : memref<!tpu.dma_semaphore, #tpu.memory_space<semaphore_mem>>
      %dma_start3A = arith.constant 0 : i32
      %dma_start3A_89 = tpu.memref_slice %arg8[%dma_start3A] : memref<5120xi32, #tpu.memory_space<vmem>> -> memref<5000xi32, #tpu.memory_space<vmem>>
      %dma_start3A_90 = tpu.memref_slice %arg3[%mul3A_8] : memref<160000xi32, #tpu.memory_space<hbm>> -> memref<5000xi32, #tpu.memory_space<hbm>>
      %dma_start3A_91 = arith.constant 0 : i32
      %dma_start3A_92 = tpu.memref_slice %arg8[%dma_start3A_91] : memref<5120xi32, #tpu.memory_space<vmem>> -> memref<5000xi32, #tpu.memory_space<vmem>>
      %dma_start3A_93 = tpu.memref_slice %arg3[%mul3A_8] : memref<160000xi32, #tpu.memory_space<hbm>> -> memref<5000xi32, #tpu.memory_space<hbm>>
      tpu.enqueue_dma source(%dma_start3A_93 : memref<5000xi32, #tpu.memory_space<hbm>>) target(%dma_start3A_92 : memref<5000xi32, #tpu.memory_space<vmem>>) target_semaphore(%run_scoped3A : memref<!tpu.dma_semaphore, #tpu.memory_space<semaphore_mem>>)
      %dma_wait3A = arith.constant 0 : i32
      %dma_wait3A_94 = tpu.memref_slice %arg8[%dma_wait3A] : memref<5120xi32, #tpu.memory_space<vmem>> -> memref<5000xi32, #tpu.memory_space<vmem>>
      %dma_wait3A_95 = tpu.memref_slice %arg3[%mul3A_8] : memref<160000xi32, #tpu.memory_space<hbm>> -> memref<5000xi32, #tpu.memory_space<hbm>>
      %dma_wait3A_96 = arith.constant 0 : i32
      %dma_wait3A_97 = tpu.memref_slice %arg8[%dma_wait3A_96] : memref<5120xi32, #tpu.memory_space<vmem>> -> memref<5000xi32, #tpu.memory_space<vmem>>
      %dma_wait3A_98 = tpu.memref_slice %arg3[%mul3A_8] : memref<160000xi32, #tpu.memory_space<hbm>> -> memref<5000xi32, #tpu.memory_space<hbm>>
      tpu.wait_dma2 semaphore(%run_scoped3A : memref<!tpu.dma_semaphore, #tpu.memory_space<semaphore_mem>>) src(%dma_wait3A_98 : memref<5000xi32, #tpu.memory_space<hbm>>) dst(%dma_wait3A_97 : memref<5000xi32, #tpu.memory_space<vmem>>)
      tpu.yield
    }) : () -> ()
    %mul3A_9 = arith.constant 5000 : i32
    %mul3A_10 = arith.muli %add3A, %mul3A_9 : i32
    "tpu.region"() ({
      %run_scoped3A = tpu.sem_alloc : memref<!tpu.dma_semaphore, #tpu.memory_space<semaphore_mem>>
      %dma_start3A = arith.constant 0 : i32
      %dma_start3A_89 = tpu.memref_slice %arg9[%dma_start3A] : memref<5120xi32, #tpu.memory_space<vmem>> -> memref<5000xi32, #tpu.memory_space<vmem>>
      %dma_start3A_90 = tpu.memref_slice %arg2[%mul3A_10] : memref<160000xi32, #tpu.memory_space<hbm>> -> memref<5000xi32, #tpu.memory_space<hbm>>
      %dma_start3A_91 = arith.constant 0 : i32
      %dma_start3A_92 = tpu.memref_slice %arg9[%dma_start3A_91] : memref<5120xi32, #tpu.memory_space<vmem>> -> memref<5000xi32, #tpu.memory_space<vmem>>
      %dma_start3A_93 = tpu.memref_slice %arg2[%mul3A_10] : memref<160000xi32, #tpu.memory_space<hbm>> -> memref<5000xi32, #tpu.memory_space<hbm>>
      tpu.enqueue_dma source(%dma_start3A_93 : memref<5000xi32, #tpu.memory_space<hbm>>) target(%dma_start3A_92 : memref<5000xi32, #tpu.memory_space<vmem>>) target_semaphore(%run_scoped3A : memref<!tpu.dma_semaphore, #tpu.memory_space<semaphore_mem>>)
      %dma_wait3A = arith.constant 0 : i32
      %dma_wait3A_94 = tpu.memref_slice %arg9[%dma_wait3A] : memref<5120xi32, #tpu.memory_space<vmem>> -> memref<5000xi32, #tpu.memory_space<vmem>>
      %dma_wait3A_95 = tpu.memref_slice %arg2[%mul3A_10] : memref<160000xi32, #tpu.memory_space<hbm>> -> memref<5000xi32, #tpu.memory_space<hbm>>
      %dma_wait3A_96 = arith.constant 0 : i32
      %dma_wait3A_97 = tpu.memref_slice %arg9[%dma_wait3A_96] : memref<5120xi32, #tpu.memory_space<vmem>> -> memref<5000xi32, #tpu.memory_space<vmem>>
      %dma_wait3A_98 = tpu.memref_slice %arg2[%mul3A_10] : memref<160000xi32, #tpu.memory_space<hbm>> -> memref<5000xi32, #tpu.memory_space<hbm>>
      tpu.wait_dma2 semaphore(%run_scoped3A : memref<!tpu.dma_semaphore, #tpu.memory_space<semaphore_mem>>) src(%dma_wait3A_98 : memref<5000xi32, #tpu.memory_space<hbm>>) dst(%dma_wait3A_97 : memref<5000xi32, #tpu.memory_space<vmem>>)
      tpu.yield
    }) : () -> ()
    "tpu.region"() ({
      %run_scoped3A = tpu.sem_alloc : memref<!tpu.dma_semaphore, #tpu.memory_space<semaphore_mem>>
      %dma_start3A = arith.constant 0 : i32
      %dma_start3A_89 = tpu.memref_slice %arg11[%dma_start3A] : memref<10256xi32, #tpu.memory_space<vmem>> -> memref<10240xi32, #tpu.memory_space<vmem>>
      %dma_start3A_90 = arith.constant 0 : i32
      %dma_start3A_91 = tpu.memref_slice %arg11[%dma_start3A_90] : memref<10256xi32, #tpu.memory_space<vmem>> -> memref<10240xi32, #tpu.memory_space<vmem>>
      tpu.enqueue_dma source(%arg4 : memref<10240xi32, #tpu.memory_space<hbm>>) target(%dma_start3A_91 : memref<10240xi32, #tpu.memory_space<vmem>>) target_semaphore(%run_scoped3A : memref<!tpu.dma_semaphore, #tpu.memory_space<semaphore_mem>>)
      %dma_wait3A = arith.constant 0 : i32
      %dma_wait3A_92 = tpu.memref_slice %arg11[%dma_wait3A] : memref<10256xi32, #tpu.memory_space<vmem>> -> memref<10240xi32, #tpu.memory_space<vmem>>
      %dma_wait3A_93 = arith.constant 0 : i32
      %dma_wait3A_94 = tpu.memref_slice %arg11[%dma_wait3A_93] : memref<10256xi32, #tpu.memory_space<vmem>> -> memref<10240xi32, #tpu.memory_space<vmem>>
      tpu.wait_dma2 semaphore(%run_scoped3A : memref<!tpu.dma_semaphore, #tpu.memory_space<semaphore_mem>>) src(%arg4 : memref<10240xi32, #tpu.memory_space<hbm>>) dst(%dma_wait3A_94 : memref<10240xi32, #tpu.memory_space<vmem>>)
      tpu.yield
    }) : () -> ()
    "tpu.region"() ({
      %run_scoped3A = tpu.sem_alloc : memref<!tpu.dma_semaphore, #tpu.memory_space<semaphore_mem>>
      %dma_start3A = arith.constant 0 : i32
      %dma_start3A_89 = tpu.memref_slice %arg12[%dma_start3A] : memref<10256xi32, #tpu.memory_space<vmem>> -> memref<10240xi32, #tpu.memory_space<vmem>>
      %dma_start3A_90 = arith.constant 0 : i32
      %dma_start3A_91 = tpu.memref_slice %arg5[%add3A, %dma_start3A_90] : memref<32x10240xi32, #tpu.memory_space<hbm>> -> memref<1x10240xi32, #tpu.memory_space<hbm>>
      %dma_start3A_92 = tpu.memref_squeeze %dma_start3A_91 : memref<1x10240xi32, #tpu.memory_space<hbm>> -> memref<10240xi32, #tpu.memory_space<hbm>>
      %dma_start3A_93 = arith.constant 0 : i32
      %dma_start3A_94 = tpu.memref_slice %arg12[%dma_start3A_93] : memref<10256xi32, #tpu.memory_space<vmem>> -> memref<10240xi32, #tpu.memory_space<vmem>>
      %dma_start3A_95 = arith.constant 0 : i32
      %dma_start3A_96 = tpu.memref_slice %arg5[%add3A, %dma_start3A_95] : memref<32x10240xi32, #tpu.memory_space<hbm>> -> memref<1x10240xi32, #tpu.memory_space<hbm>>
      %dma_start3A_97 = tpu.memref_squeeze %dma_start3A_96 : memref<1x10240xi32, #tpu.memory_space<hbm>> -> memref<10240xi32, #tpu.memory_space<hbm>>
      tpu.enqueue_dma source(%dma_start3A_97 : memref<10240xi32, #tpu.memory_space<hbm>>) target(%dma_start3A_94 : memref<10240xi32, #tpu.memory_space<vmem>>) target_semaphore(%run_scoped3A : memref<!tpu.dma_semaphore, #tpu.memory_space<semaphore_mem>>)
      %dma_wait3A = arith.constant 0 : i32
      %dma_wait3A_98 = tpu.memref_slice %arg12[%dma_wait3A] : memref<10256xi32, #tpu.memory_space<vmem>> -> memref<10240xi32, #tpu.memory_space<vmem>>
      %dma_wait3A_99 = arith.constant 0 : i32
      %dma_wait3A_100 = tpu.memref_slice %arg5[%add3A, %dma_wait3A_99] : memref<32x10240xi32, #tpu.memory_space<hbm>> -> memref<1x10240xi32, #tpu.memory_space<hbm>>
      %dma_wait3A_101 = tpu.memref_squeeze %dma_wait3A_100 : memref<1x10240xi32, #tpu.memory_space<hbm>> -> memref<10240xi32, #tpu.memory_space<hbm>>
      %dma_wait3A_102 = arith.constant 0 : i32
      %dma_wait3A_103 = tpu.memref_slice %arg12[%dma_wait3A_102] : memref<10256xi32, #tpu.memory_space<vmem>> -> memref<10240xi32, #tpu.memory_space<vmem>>
      %dma_wait3A_104 = arith.constant 0 : i32
      %dma_wait3A_105 = tpu.memref_slice %arg5[%add3A, %dma_wait3A_104] : memref<32x10240xi32, #tpu.memory_space<hbm>> -> memref<1x10240xi32, #tpu.memory_space<hbm>>
      %dma_wait3A_106 = tpu.memref_squeeze %dma_wait3A_105 : memref<1x10240xi32, #tpu.memory_space<hbm>> -> memref<10240xi32, #tpu.memory_space<hbm>>
      tpu.wait_dma2 semaphore(%run_scoped3A : memref<!tpu.dma_semaphore, #tpu.memory_space<semaphore_mem>>) src(%dma_wait3A_106 : memref<10240xi32, #tpu.memory_space<hbm>>) dst(%dma_wait3A_103 : memref<10240xi32, #tpu.memory_space<vmem>>)
      tpu.yield
    }) : () -> ()
    %get3A = arith.constant 4992 : index
    %get3A_11 = tpu.vector_load %arg8[%get3A] {strides = array<i32>} : memref<5120xi32, #tpu.memory_space<vmem>>, vector<16xi32>,
    %lt3A = arith.constant 8 : i32
    %lt3A_12 = vector.broadcast %lt3A : i32 to vector<16xi32>
    %lt3A_13 = arith.cmpi slt, %iota3A, %lt3A_12 : vector<16xi32>
    %jit3A = arith.constant 10000 : i32
    %broadcast_in_dim3A_14 = vector.broadcast %jit3A : i32 to vector<16xi32>
    %select_n3A = arith.select %lt3A_13, %get3A_11, %broadcast_in_dim3A_14 : vector<16xi1>, vector<16xi32>
    %swap3A = arith.constant 4992 : index
    %swap3A_15 = tpu.vector_load %arg8[%swap3A] {strides = array<i32>} : memref<5120xi32, #tpu.memory_space<vmem>>, vector<16xi32>,
    tpu.vector_store %arg8[%swap3A], %select_n3A {strides = array<i32>} : memref<5120xi32, #tpu.memory_space<vmem>>, vector<16xi32>,
    %scan3A_16 = arith.constant 0 : i32
    %scan3A_17 = arith.constant 0 : i32
    %scan3A_18 = arith.constant 313 : i32
    %scan3A_19 = arith.addi %scan3A_17, %scan3A_18 : i32
    %scan3A_20 = arith.constant 1 : i32
    scf.for %scan3A_89 = %scan3A_17 to %scan3A_19 step %scan3A_20  : i32 {
      %mul3A_90 = arith.constant 16 : i32
      %mul3A_91 = arith.muli %scan3A_89, %mul3A_90 : i32
      %get3A_92 = arith.index_cast %mul3A_91 : i32 to index
      %get3A_93 = tpu.vector_load %arg8[%get3A_92] {strides = array<i32>} : memref<5120xi32, #tpu.memory_space<vmem>>, vector<16xi32>,
      %mul3A_94 = arith.constant 16 : i32
      %mul3A_95 = arith.muli %scan3A_89, %mul3A_94 : i32
      %get3A_96 = arith.index_cast %mul3A_95 : i32 to index
      %get3A_97 = tpu.vector_load %arg9[%get3A_96] {strides = array<i32>} : memref<5120xi32, #tpu.memory_space<vmem>>, vector<16xi32>,
      %broadcast_in_dim3A_98 = arith.constant true
      %broadcast_in_dim3A_99 = vector.broadcast %broadcast_in_dim3A_98 : i1 to vector<16xi1>
      %unique3A, %unique3A_100 = tpu.scan_count mask(%broadcast_in_dim3A_99 : vector<16xi1>) value(%get3A_93 : vector<16xi32>) : vector<16xi1>, vector<16xi32>
      %gather3A = tpu.vector_load_idx %arg10[%get3A_93] : memref<10256xi32, #tpu.memory_space<vmem>>[vector<16xi32>], vector<16xi32>,
      %add3A_101 = arith.addi %gather3A, %unique3A_100 : vector<16xi32>
      tpu.vector_store_idx %arg10[%get3A_93], %add3A_101 masked %unique3A : memref<10256xi32, #tpu.memory_space<vmem>>[vector<16xi32>], vector<16xi32>, vector<16xi1>
      %gather3A_102 = tpu.vector_load_idx %arg11[%get3A_93] : memref<10256xi32, #tpu.memory_space<vmem>>[vector<16xi32>], vector<16xi32>,
      %gather3A_103 = tpu.vector_load_idx %arg12[%get3A_93] : memref<10256xi32, #tpu.memory_space<vmem>>[vector<16xi32>], vector<16xi32>,
      %add3A_104 = arith.addi %gather3A_102, %gather3A_103 : vector<16xi32>
      %add3A_105 = arith.addi %add3A_104, %gather3A : vector<16xi32>
      %add3A_106 = arith.addi %add3A_105, %unique3A_100 : vector<16xi32>
      %sub3A = arith.constant 1 : i32
      %sub3A_107 = vector.broadcast %sub3A : i32 to vector<16xi32>
      %sub3A_108 = arith.subi %add3A_106, %sub3A_107 : vector<16xi32>
      %mul3A_109 = arith.constant 16 : i32
      %mul3A_110 = arith.muli %scan3A_89, %mul3A_109 : i32
      %add3A_111 = vector.broadcast %mul3A_110 : i32 to vector<16xi32>
      %add3A_112 = arith.addi %add3A_111, %iota3A : vector<16xi32>
      %lt3A_113 = arith.constant 5000 : i32
      %lt3A_114 = vector.broadcast %lt3A_113 : i32 to vector<16xi32>
      %lt3A_115 = arith.cmpi slt, %add3A_112, %lt3A_114 : vector<16xi32>
      %jit3A_116 = arith.constant 1073741824 : i32
      %broadcast_in_dim3A_117 = vector.broadcast %jit3A_116 : i32 to vector<16xi32>
      %select_n3A_118 = arith.select %lt3A_115, %sub3A_108, %broadcast_in_dim3A_117 : vector<16xi1>, vector<16xi32>
      %mul3A_119 = arith.constant 16 : i32
      %mul3A_120 = arith.muli %scan3A_89, %mul3A_119 : i32
      %swap3A_121 = arith.index_cast %mul3A_120 : i32 to index
      %swap3A_122 = tpu.vector_load %arg13[%swap3A_121] {strides = array<i32>} : memref<5120xi32, #tpu.memory_space<vmem>>, vector<16xi32>,
      tpu.vector_store %arg13[%swap3A_121], %select_n3A_118 {strides = array<i32>} : memref<5120xi32, #tpu.memory_space<vmem>>, vector<16xi32>,
      %shift_left3A = arith.constant 14 : i32
      %shift_left3A_123 = vector.broadcast %shift_left3A : i32 to vector<16xi32>
      %shift_left3A_124 = arith.shli %get3A_93, %shift_left3A_123 : vector<16xi32>
      %add3A_125 = arith.addi %get3A_97, %shift_left3A_124 : vector<16xi32>
      %mul3A_126 = arith.constant 16 : i32
      %mul3A_127 = arith.muli %scan3A_89, %mul3A_126 : i32
      %swap3A_128 = arith.index_cast %mul3A_127 : i32 to index
      %swap3A_129 = tpu.vector_load %arg14[%swap3A_128] {strides = array<i32>} : memref<5120xi32, #tpu.memory_space<vmem>>, vector<16xi32>,
      tpu.vector_store %arg14[%swap3A_128], %add3A_125 {strides = array<i32>} : memref<5120xi32, #tpu.memory_space<vmem>>, vector<16xi32>,
    }
    %scan3A_21 = arith.constant 313 : i32
    %broadcast_in_dim3A_22 = arith.constant 0 : i32
    %broadcast_in_dim3A_23 = vector.broadcast %broadcast_in_dim3A_22 : i32 to vector<16xi32>
    %add3A_24 = arith.constant 1073741824 : i32
    %add3A_25 = vector.broadcast %add3A_24 : i32 to vector<16xi32>
    %add3A_26 = arith.addi %broadcast_in_dim3A_23, %add3A_25 : vector<16xi32>
    %swap3A_27 = arith.constant 5008 : index
    %swap3A_28 = tpu.vector_load %arg13[%swap3A_27] {strides = array<i32>} : memref<5120xi32, #tpu.memory_space<vmem>>, vector<16xi32>,
    tpu.vector_store %arg13[%swap3A_27], %add3A_26 {strides = array<i32>} : memref<5120xi32, #tpu.memory_space<vmem>>, vector<16xi32>,
    %swap3A_29 = arith.constant 5008 : index
    %swap3A_30 = tpu.vector_load %arg14[%swap3A_29] {strides = array<i32>} : memref<5120xi32, #tpu.memory_space<vmem>>, vector<16xi32>,
    tpu.vector_store %arg14[%swap3A_29], %broadcast_in_dim3A_1 {strides = array<i32>} : memref<5120xi32, #tpu.memory_space<vmem>>, vector<16xi32>,
    %broadcast_in_dim3A_31 = arith.constant 0 : i32
    %broadcast_in_dim3A_32 = vector.broadcast %broadcast_in_dim3A_31 : i32 to vector<16xi32>
    %add3A_33 = arith.constant 1073741824 : i32
    %add3A_34 = vector.broadcast %add3A_33 : i32 to vector<16xi32>
    %add3A_35 = arith.addi %broadcast_in_dim3A_32, %add3A_34 : vector<16xi32>
    %swap3A_36 = arith.constant 5024 : index
    %swap3A_37 = tpu.vector_load %arg13[%swap3A_36] {strides = array<i32>} : memref<5120xi32, #tpu.memory_space<vmem>>, vector<16xi32>,
    tpu.vector_store %arg13[%swap3A_36], %add3A_35 {strides = array<i32>} : memref<5120xi32, #tpu.memory_space<vmem>>, vector<16xi32>,
    %swap3A_38 = arith.constant 5024 : index
    %swap3A_39 = tpu.vector_load %arg14[%swap3A_38] {strides = array<i32>} : memref<5120xi32, #tpu.memory_space<vmem>>, vector<16xi32>,
    tpu.vector_store %arg14[%swap3A_38], %broadcast_in_dim3A_1 {strides = array<i32>} : memref<5120xi32, #tpu.memory_space<vmem>>, vector<16xi32>,
    %broadcast_in_dim3A_40 = arith.constant 0 : i32
    %broadcast_in_dim3A_41 = vector.broadcast %broadcast_in_dim3A_40 : i32 to vector<16xi32>
    %add3A_42 = arith.constant 1073741824 : i32
    %add3A_43 = vector.broadcast %add3A_42 : i32 to vector<16xi32>
    %add3A_44 = arith.addi %broadcast_in_dim3A_41, %add3A_43 : vector<16xi32>
    %swap3A_45 = arith.constant 5040 : index
    %swap3A_46 = tpu.vector_load %arg13[%swap3A_45] {strides = array<i32>} : memref<5120xi32, #tpu.memory_space<vmem>>, vector<16xi32>,
    tpu.vector_store %arg13[%swap3A_45], %add3A_44 {strides = array<i32>} : memref<5120xi32, #tpu.memory_space<vmem>>, vector<16xi32>,
    %swap3A_47 = arith.constant 5040 : index
    %swap3A_48 = tpu.vector_load %arg14[%swap3A_47] {strides = array<i32>} : memref<5120xi32, #tpu.memory_space<vmem>>, vector<16xi32>,
    tpu.vector_store %arg14[%swap3A_47], %broadcast_in_dim3A_1 {strides = array<i32>} : memref<5120xi32, #tpu.memory_space<vmem>>, vector<16xi32>,
    %broadcast_in_dim3A_49 = arith.constant 0 : i32
    %broadcast_in_dim3A_50 = vector.broadcast %broadcast_in_dim3A_49 : i32 to vector<16xi32>
    %add3A_51 = arith.constant 1073741824 : i32
    %add3A_52 = vector.broadcast %add3A_51 : i32 to vector<16xi32>
    %add3A_53 = arith.addi %broadcast_in_dim3A_50, %add3A_52 : vector<16xi32>
    %swap3A_54 = arith.constant 5056 : index
    %swap3A_55 = tpu.vector_load %arg13[%swap3A_54] {strides = array<i32>} : memref<5120xi32, #tpu.memory_space<vmem>>, vector<16xi32>,
    tpu.vector_store %arg13[%swap3A_54], %add3A_53 {strides = array<i32>} : memref<5120xi32, #tpu.memory_space<vmem>>, vector<16xi32>,
    %swap3A_56 = arith.constant 5056 : index
    %swap3A_57 = tpu.vector_load %arg14[%swap3A_56] {strides = array<i32>} : memref<5120xi32, #tpu.memory_space<vmem>>, vector<16xi32>,
    tpu.vector_store %arg14[%swap3A_56], %broadcast_in_dim3A_1 {strides = array<i32>} : memref<5120xi32, #tpu.memory_space<vmem>>, vector<16xi32>,
    %broadcast_in_dim3A_58 = arith.constant 0 : i32
    %broadcast_in_dim3A_59 = vector.broadcast %broadcast_in_dim3A_58 : i32 to vector<16xi32>
    %add3A_60 = arith.constant 1073741824 : i32
    %add3A_61 = vector.broadcast %add3A_60 : i32 to vector<16xi32>
    %add3A_62 = arith.addi %broadcast_in_dim3A_59, %add3A_61 : vector<16xi32>
    %swap3A_63 = arith.constant 5072 : index
    %swap3A_64 = tpu.vector_load %arg13[%swap3A_63] {strides = array<i32>} : memref<5120xi32, #tpu.memory_space<vmem>>, vector<16xi32>,
    tpu.vector_store %arg13[%swap3A_63], %add3A_62 {strides = array<i32>} : memref<5120xi32, #tpu.memory_space<vmem>>, vector<16xi32>,
    %swap3A_65 = arith.constant 5072 : index
    %swap3A_66 = tpu.vector_load %arg14[%swap3A_65] {strides = array<i32>} : memref<5120xi32, #tpu.memory_space<vmem>>, vector<16xi32>,
    tpu.vector_store %arg14[%swap3A_65], %broadcast_in_dim3A_1 {strides = array<i32>} : memref<5120xi32, #tpu.memory_space<vmem>>, vector<16xi32>,
    %broadcast_in_dim3A_67 = arith.constant 0 : i32
    %broadcast_in_dim3A_68 = vector.broadcast %broadcast_in_dim3A_67 : i32 to vector<16xi32>
    %add3A_69 = arith.constant 1073741824 : i32
    %add3A_70 = vector.broadcast %add3A_69 : i32 to vector<16xi32>
    %add3A_71 = arith.addi %broadcast_in_dim3A_68, %add3A_70 : vector<16xi32>
    %swap3A_72 = arith.constant 5088 : index
    %swap3A_73 = tpu.vector_load %arg13[%swap3A_72] {strides = array<i32>} : memref<5120xi32, #tpu.memory_space<vmem>>, vector<16xi32>,
    tpu.vector_store %arg13[%swap3A_72], %add3A_71 {strides = array<i32>} : memref<5120xi32, #tpu.memory_space<vmem>>, vector<16xi32>,
    %swap3A_74 = arith.constant 5088 : index
    %swap3A_75 = tpu.vector_load %arg14[%swap3A_74] {strides = array<i32>} : memref<5120xi32, #tpu.memory_space<vmem>>, vector<16xi32>,
    tpu.vector_store %arg14[%swap3A_74], %broadcast_in_dim3A_1 {strides = array<i32>} : memref<5120xi32, #tpu.memory_space<vmem>>, vector<16xi32>,
    %broadcast_in_dim3A_76 = arith.constant 0 : i32
    %broadcast_in_dim3A_77 = vector.broadcast %broadcast_in_dim3A_76 : i32 to vector<16xi32>
    %add3A_78 = arith.constant 1073741824 : i32
    %add3A_79 = vector.broadcast %add3A_78 : i32 to vector<16xi32>
    %add3A_80 = arith.addi %broadcast_in_dim3A_77, %add3A_79 : vector<16xi32>
    %swap3A_81 = arith.constant 5104 : index
    %swap3A_82 = tpu.vector_load %arg13[%swap3A_81] {strides = array<i32>} : memref<5120xi32, #tpu.memory_space<vmem>>, vector<16xi32>,
    tpu.vector_store %arg13[%swap3A_81], %add3A_80 {strides = array<i32>} : memref<5120xi32, #tpu.memory_space<vmem>>, vector<16xi32>,
    %swap3A_83 = arith.constant 5104 : index
    %swap3A_84 = tpu.vector_load %arg14[%swap3A_83] {strides = array<i32>} : memref<5120xi32, #tpu.memory_space<vmem>>, vector<16xi32>,
    tpu.vector_store %arg14[%swap3A_83], %broadcast_in_dim3A_1 {strides = array<i32>} : memref<5120xi32, #tpu.memory_space<vmem>>, vector<16xi32>,
    %mul3A_85 = arith.constant 5120 : i32
    %mul3A_86 = arith.muli %add3A, %mul3A_85 : i32
    "tpu.region"() ({
      %run_scoped3A = tpu.sem_alloc : memref<!tpu.dma_semaphore, #tpu.memory_space<semaphore_mem>>
      %dma_start3A = tpu.memref_slice %arg6[%mul3A_86] : memref<163840xi32, #tpu.memory_space<hbm>> -> memref<5120xi32, #tpu.memory_space<hbm>>
      %dma_start3A_89 = tpu.memref_slice %arg6[%mul3A_86] : memref<163840xi32, #tpu.memory_space<hbm>> -> memref<5120xi32, #tpu.memory_space<hbm>>
      tpu.enqueue_dma source(%arg13 : memref<5120xi32, #tpu.memory_space<vmem>>) target(%dma_start3A_89 : memref<5120xi32, #tpu.memory_space<hbm>>) target_semaphore(%run_scoped3A : memref<!tpu.dma_semaphore, #tpu.memory_space<semaphore_mem>>)
      %dma_wait3A = tpu.memref_slice %arg6[%mul3A_86] : memref<163840xi32, #tpu.memory_space<hbm>> -> memref<5120xi32, #tpu.memory_space<hbm>>
      %dma_wait3A_90 = tpu.memref_slice %arg6[%mul3A_86] : memref<163840xi32, #tpu.memory_space<hbm>> -> memref<5120xi32, #tpu.memory_space<hbm>>
      tpu.wait_dma2 semaphore(%run_scoped3A : memref<!tpu.dma_semaphore, #tpu.memory_space<semaphore_mem>>) src(%arg13 : memref<5120xi32, #tpu.memory_space<vmem>>) dst(%dma_wait3A_90 : memref<5120xi32, #tpu.memory_space<hbm>>)
      tpu.yield
    }) : () -> ()
    %mul3A_87 = arith.constant 5120 : i32
    %mul3A_88 = arith.muli %add3A, %mul3A_87 : i32
    "tpu.region"() ({
      %run_scoped3A = tpu.sem_alloc : memref<!tpu.dma_semaphore, #tpu.memory_space<semaphore_mem>>
      %dma_start3A = tpu.memref_slice %arg7[%mul3A_88] : memref<163840xi32, #tpu.memory_space<hbm>> -> memref<5120xi32, #tpu.memory_space<hbm>>
      %dma_start3A_89 = tpu.memref_slice %arg7[%mul3A_88] : memref<163840xi32, #tpu.memory_space<hbm>> -> memref<5120xi32, #tpu.memory_space<hbm>>
      tpu.enqueue_dma source(%arg14 : memref<5120xi32, #tpu.memory_space<vmem>>) target(%dma_start3A_89 : memref<5120xi32, #tpu.memory_space<hbm>>) target_semaphore(%run_scoped3A : memref<!tpu.dma_semaphore, #tpu.memory_space<semaphore_mem>>)
      %dma_wait3A = tpu.memref_slice %arg7[%mul3A_88] : memref<163840xi32, #tpu.memory_space<hbm>> -> memref<5120xi32, #tpu.memory_space<hbm>>
      %dma_wait3A_90 = tpu.memref_slice %arg7[%mul3A_88] : memref<163840xi32, #tpu.memory_space<hbm>> -> memref<5120xi32, #tpu.memory_space<hbm>>
      tpu.wait_dma2 semaphore(%run_scoped3A : memref<!tpu.dma_semaphore, #tpu.memory_space<semaphore_mem>>) src(%arg14 : memref<5120xi32, #tpu.memory_space<vmem>>) dst(%dma_wait3A_90 : memref<5120xi32, #tpu.memory_space<hbm>>)
      tpu.yield
    }) : () -> ()
    return
  }
}

#map = affine_map<(d0, d1) -> (0, 0)>
#map1 = affine_map<(d0, d1) -> (0)>
module attributes {stable_mosaic.version = 14 : i64} {
  func.func @_k4(%arg0: i32, %arg1: i32, %arg2: memref<10000x128xf32, #tpu.memory_space<hbm>>, %arg3: memref<160000xi32, #tpu.memory_space<hbm>>, %arg4: memref<160000xi32, #tpu.memory_space<hbm>>, %arg5: memref<10240xi32, #tpu.memory_space<hbm>>, %arg6: memref<490000x128xf32, #tpu.memory_space<hbm>>, %arg7: memref<5120xi32, #tpu.memory_space<vmem>>, %arg8: memref<5120xi32, #tpu.memory_space<vmem>>, %arg9: memref<10256xi32, #tpu.memory_space<vmem>>, %arg10: memref<40x128xi32, #tpu.memory_space<vmem>>, %arg11: memref<6x128x128xf32, #tpu.memory_space<vmem>>, %arg12: memref<!tpu.dma_semaphore, #tpu.memory_space<semaphore_mem>>, %arg13: memref<!tpu.dma_semaphore, #tpu.memory_space<semaphore_mem>>) attributes {dimension_semantics = [#tpu.dimension_semantics<core_parallel>, #tpu.dimension_semantics<subcore_parallel>], iteration_bounds = array<i64: 2, 16>, scalar_prefetch = 0 : i64, scratch_operands = 7 : i64, tpu.core_type = #tpu.core_type<sc_vector_subcore>, window_params = [{transform_indices = #map}, {transform_indices = #map1}, {transform_indices = #map1}, {transform_indices = #map1}, {transform_indices = #map}]} {
    %mul3A = arith.constant 2 : i32
    %mul3A_0 = arith.muli %arg1, %mul3A : i32
    %add3A = arith.addi %mul3A_0, %arg0 : i32
    %mul3A_1 = arith.constant 5000 : i32
    %mul3A_2 = arith.muli %add3A, %mul3A_1 : i32
    %iota3A = tpu.iota {dimensions = array<i32: 0>} : vector<16xi32>
    %broadcast_in_dim3A = arith.constant 0 : i32
    %broadcast_in_dim3A_3 = vector.broadcast %broadcast_in_dim3A : i32 to vector<16xi32>
    %swap3A = arith.constant 4992 : index
    %swap3A_4 = tpu.vector_load %arg7[%swap3A] {strides = array<i32>} : memref<5120xi32, #tpu.memory_space<vmem>>, vector<16xi32>,
    tpu.vector_store %arg7[%swap3A], %broadcast_in_dim3A_3 {strides = array<i32>} : memref<5120xi32, #tpu.memory_space<vmem>>, vector<16xi32>,
    %swap3A_5 = arith.constant 4992 : index
    %swap3A_6 = tpu.vector_load %arg8[%swap3A_5] {strides = array<i32>} : memref<5120xi32, #tpu.memory_space<vmem>>, vector<16xi32>,
    tpu.vector_store %arg8[%swap3A_5], %broadcast_in_dim3A_3 {strides = array<i32>} : memref<5120xi32, #tpu.memory_space<vmem>>, vector<16xi32>,
    %swap3A_7 = arith.constant 5008 : index
    %swap3A_8 = tpu.vector_load %arg7[%swap3A_7] {strides = array<i32>} : memref<5120xi32, #tpu.memory_space<vmem>>, vector<16xi32>,
    tpu.vector_store %arg7[%swap3A_7], %broadcast_in_dim3A_3 {strides = array<i32>} : memref<5120xi32, #tpu.memory_space<vmem>>, vector<16xi32>,
    %swap3A_9 = arith.constant 5008 : index
    %swap3A_10 = tpu.vector_load %arg8[%swap3A_9] {strides = array<i32>} : memref<5120xi32, #tpu.memory_space<vmem>>, vector<16xi32>,
    tpu.vector_store %arg8[%swap3A_9], %broadcast_in_dim3A_3 {strides = array<i32>} : memref<5120xi32, #tpu.memory_space<vmem>>, vector<16xi32>,
    %swap3A_11 = arith.constant 5024 : index
    %swap3A_12 = tpu.vector_load %arg7[%swap3A_11] {strides = array<i32>} : memref<5120xi32, #tpu.memory_space<vmem>>, vector<16xi32>,
    tpu.vector_store %arg7[%swap3A_11], %broadcast_in_dim3A_3 {strides = array<i32>} : memref<5120xi32, #tpu.memory_space<vmem>>, vector<16xi32>,
    %swap3A_13 = arith.constant 5024 : index
    %swap3A_14 = tpu.vector_load %arg8[%swap3A_13] {strides = array<i32>} : memref<5120xi32, #tpu.memory_space<vmem>>, vector<16xi32>,
    tpu.vector_store %arg8[%swap3A_13], %broadcast_in_dim3A_3 {strides = array<i32>} : memref<5120xi32, #tpu.memory_space<vmem>>, vector<16xi32>,
    %swap3A_15 = arith.constant 5040 : index
    %swap3A_16 = tpu.vector_load %arg7[%swap3A_15] {strides = array<i32>} : memref<5120xi32, #tpu.memory_space<vmem>>, vector<16xi32>,
    tpu.vector_store %arg7[%swap3A_15], %broadcast_in_dim3A_3 {strides = array<i32>} : memref<5120xi32, #tpu.memory_space<vmem>>, vector<16xi32>,
    %swap3A_17 = arith.constant 5040 : index
    %swap3A_18 = tpu.vector_load %arg8[%swap3A_17] {strides = array<i32>} : memref<5120xi32, #tpu.memory_space<vmem>>, vector<16xi32>,
    tpu.vector_store %arg8[%swap3A_17], %broadcast_in_dim3A_3 {strides = array<i32>} : memref<5120xi32, #tpu.memory_space<vmem>>, vector<16xi32>,
    %swap3A_19 = arith.constant 5056 : index
    %swap3A_20 = tpu.vector_load %arg7[%swap3A_19] {strides = array<i32>} : memref<5120xi32, #tpu.memory_space<vmem>>, vector<16xi32>,
    tpu.vector_store %arg7[%swap3A_19], %broadcast_in_dim3A_3 {strides = array<i32>} : memref<5120xi32, #tpu.memory_space<vmem>>, vector<16xi32>,
    %swap3A_21 = arith.constant 5056 : index
    %swap3A_22 = tpu.vector_load %arg8[%swap3A_21] {strides = array<i32>} : memref<5120xi32, #tpu.memory_space<vmem>>, vector<16xi32>,
    tpu.vector_store %arg8[%swap3A_21], %broadcast_in_dim3A_3 {strides = array<i32>} : memref<5120xi32, #tpu.memory_space<vmem>>, vector<16xi32>,
    %swap3A_23 = arith.constant 5072 : index
    %swap3A_24 = tpu.vector_load %arg7[%swap3A_23] {strides = array<i32>} : memref<5120xi32, #tpu.memory_space<vmem>>, vector<16xi32>,
    tpu.vector_store %arg7[%swap3A_23], %broadcast_in_dim3A_3 {strides = array<i32>} : memref<5120xi32, #tpu.memory_space<vmem>>, vector<16xi32>,
    %swap3A_25 = arith.constant 5072 : index
    %swap3A_26 = tpu.vector_load %arg8[%swap3A_25] {strides = array<i32>} : memref<5120xi32, #tpu.memory_space<vmem>>, vector<16xi32>,
    tpu.vector_store %arg8[%swap3A_25], %broadcast_in_dim3A_3 {strides = array<i32>} : memref<5120xi32, #tpu.memory_space<vmem>>, vector<16xi32>,
    %swap3A_27 = arith.constant 5088 : index
    %swap3A_28 = tpu.vector_load %arg7[%swap3A_27] {strides = array<i32>} : memref<5120xi32, #tpu.memory_space<vmem>>, vector<16xi32>,
    tpu.vector_store %arg7[%swap3A_27], %broadcast_in_dim3A_3 {strides = array<i32>} : memref<5120xi32, #tpu.memory_space<vmem>>, vector<16xi32>,
    %swap3A_29 = arith.constant 5088 : index
    %swap3A_30 = tpu.vector_load %arg8[%swap3A_29] {strides = array<i32>} : memref<5120xi32, #tpu.memory_space<vmem>>, vector<16xi32>,
    tpu.vector_store %arg8[%swap3A_29], %broadcast_in_dim3A_3 {strides = array<i32>} : memref<5120xi32, #tpu.memory_space<vmem>>, vector<16xi32>,
    %swap3A_31 = arith.constant 5104 : index
    %swap3A_32 = tpu.vector_load %arg7[%swap3A_31] {strides = array<i32>} : memref<5120xi32, #tpu.memory_space<vmem>>, vector<16xi32>,
    tpu.vector_store %arg7[%swap3A_31], %broadcast_in_dim3A_3 {strides = array<i32>} : memref<5120xi32, #tpu.memory_space<vmem>>, vector<16xi32>,
    %swap3A_33 = arith.constant 5104 : index
    %swap3A_34 = tpu.vector_load %arg8[%swap3A_33] {strides = array<i32>} : memref<5120xi32, #tpu.memory_space<vmem>>, vector<16xi32>,
    tpu.vector_store %arg8[%swap3A_33], %broadcast_in_dim3A_3 {strides = array<i32>} : memref<5120xi32, #tpu.memory_space<vmem>>, vector<16xi32>,
    "tpu.region"() ({
      %run_scoped3A = tpu.sem_alloc : memref<!tpu.dma_semaphore, #tpu.memory_space<semaphore_mem>>
      %dma_start3A_159 = arith.constant 0 : i32
      %dma_start3A_160 = tpu.memref_slice %arg7[%dma_start3A_159] : memref<5120xi32, #tpu.memory_space<vmem>> -> memref<5000xi32, #tpu.memory_space<vmem>>
      %dma_start3A_161 = tpu.memref_slice %arg3[%mul3A_2] : memref<160000xi32, #tpu.memory_space<hbm>> -> memref<5000xi32, #tpu.memory_space<hbm>>
      %dma_start3A_162 = arith.constant 0 : i32
      %dma_start3A_163 = tpu.memref_slice %arg7[%dma_start3A_162] : memref<5120xi32, #tpu.memory_space<vmem>> -> memref<5000xi32, #tpu.memory_space<vmem>>
      %dma_start3A_164 = tpu.memref_slice %arg3[%mul3A_2] : memref<160000xi32, #tpu.memory_space<hbm>> -> memref<5000xi32, #tpu.memory_space<hbm>>
      tpu.enqueue_dma source(%dma_start3A_164 : memref<5000xi32, #tpu.memory_space<hbm>>) target(%dma_start3A_163 : memref<5000xi32, #tpu.memory_space<vmem>>) target_semaphore(%run_scoped3A : memref<!tpu.dma_semaphore, #tpu.memory_space<semaphore_mem>>)
      %dma_wait3A_165 = arith.constant 0 : i32
      %dma_wait3A_166 = tpu.memref_slice %arg7[%dma_wait3A_165] : memref<5120xi32, #tpu.memory_space<vmem>> -> memref<5000xi32, #tpu.memory_space<vmem>>
      %dma_wait3A_167 = tpu.memref_slice %arg3[%mul3A_2] : memref<160000xi32, #tpu.memory_space<hbm>> -> memref<5000xi32, #tpu.memory_space<hbm>>
      %dma_wait3A_168 = arith.constant 0 : i32
      %dma_wait3A_169 = tpu.memref_slice %arg7[%dma_wait3A_168] : memref<5120xi32, #tpu.memory_space<vmem>> -> memref<5000xi32, #tpu.memory_space<vmem>>
      %dma_wait3A_170 = tpu.memref_slice %arg3[%mul3A_2] : memref<160000xi32, #tpu.memory_space<hbm>> -> memref<5000xi32, #tpu.memory_space<hbm>>
      tpu.wait_dma2 semaphore(%run_scoped3A : memref<!tpu.dma_semaphore, #tpu.memory_space<semaphore_mem>>) src(%dma_wait3A_170 : memref<5000xi32, #tpu.memory_space<hbm>>) dst(%dma_wait3A_169 : memref<5000xi32, #tpu.memory_space<vmem>>)
      tpu.yield
    }) : () -> ()
    "tpu.region"() ({
      %run_scoped3A = tpu.sem_alloc : memref<!tpu.dma_semaphore, #tpu.memory_space<semaphore_mem>>
      %dma_start3A_159 = arith.constant 0 : i32
      %dma_start3A_160 = tpu.memref_slice %arg8[%dma_start3A_159] : memref<5120xi32, #tpu.memory_space<vmem>> -> memref<5000xi32, #tpu.memory_space<vmem>>
      %dma_start3A_161 = tpu.memref_slice %arg4[%mul3A_2] : memref<160000xi32, #tpu.memory_space<hbm>> -> memref<5000xi32, #tpu.memory_space<hbm>>
      %dma_start3A_162 = arith.constant 0 : i32
      %dma_start3A_163 = tpu.memref_slice %arg8[%dma_start3A_162] : memref<5120xi32, #tpu.memory_space<vmem>> -> memref<5000xi32, #tpu.memory_space<vmem>>
      %dma_start3A_164 = tpu.memref_slice %arg4[%mul3A_2] : memref<160000xi32, #tpu.memory_space<hbm>> -> memref<5000xi32, #tpu.memory_space<hbm>>
      tpu.enqueue_dma source(%dma_start3A_164 : memref<5000xi32, #tpu.memory_space<hbm>>) target(%dma_start3A_163 : memref<5000xi32, #tpu.memory_space<vmem>>) target_semaphore(%run_scoped3A : memref<!tpu.dma_semaphore, #tpu.memory_space<semaphore_mem>>)
      %dma_wait3A_165 = arith.constant 0 : i32
      %dma_wait3A_166 = tpu.memref_slice %arg8[%dma_wait3A_165] : memref<5120xi32, #tpu.memory_space<vmem>> -> memref<5000xi32, #tpu.memory_space<vmem>>
      %dma_wait3A_167 = tpu.memref_slice %arg4[%mul3A_2] : memref<160000xi32, #tpu.memory_space<hbm>> -> memref<5000xi32, #tpu.memory_space<hbm>>
      %dma_wait3A_168 = arith.constant 0 : i32
      %dma_wait3A_169 = tpu.memref_slice %arg8[%dma_wait3A_168] : memref<5120xi32, #tpu.memory_space<vmem>> -> memref<5000xi32, #tpu.memory_space<vmem>>
      %dma_wait3A_170 = tpu.memref_slice %arg4[%mul3A_2] : memref<160000xi32, #tpu.memory_space<hbm>> -> memref<5000xi32, #tpu.memory_space<hbm>>
      tpu.wait_dma2 semaphore(%run_scoped3A : memref<!tpu.dma_semaphore, #tpu.memory_space<semaphore_mem>>) src(%dma_wait3A_170 : memref<5000xi32, #tpu.memory_space<hbm>>) dst(%dma_wait3A_169 : memref<5000xi32, #tpu.memory_space<vmem>>)
      tpu.yield
    }) : () -> ()
    "tpu.region"() ({
      %run_scoped3A = tpu.sem_alloc : memref<!tpu.dma_semaphore, #tpu.memory_space<semaphore_mem>>
      %dma_start3A_159 = arith.constant 0 : i32
      %dma_start3A_160 = tpu.memref_slice %arg9[%dma_start3A_159] : memref<10256xi32, #tpu.memory_space<vmem>> -> memref<10240xi32, #tpu.memory_space<vmem>>
      %dma_start3A_161 = arith.constant 0 : i32
      %dma_start3A_162 = tpu.memref_slice %arg9[%dma_start3A_161] : memref<10256xi32, #tpu.memory_space<vmem>> -> memref<10240xi32, #tpu.memory_space<vmem>>
      tpu.enqueue_dma source(%arg5 : memref<10240xi32, #tpu.memory_space<hbm>>) target(%dma_start3A_162 : memref<10240xi32, #tpu.memory_space<vmem>>) target_semaphore(%run_scoped3A : memref<!tpu.dma_semaphore, #tpu.memory_space<semaphore_mem>>)
      %dma_wait3A_163 = arith.constant 0 : i32
      %dma_wait3A_164 = tpu.memref_slice %arg9[%dma_wait3A_163] : memref<10256xi32, #tpu.memory_space<vmem>> -> memref<10240xi32, #tpu.memory_space<vmem>>
      %dma_wait3A_165 = arith.constant 0 : i32
      %dma_wait3A_166 = tpu.memref_slice %arg9[%dma_wait3A_165] : memref<10256xi32, #tpu.memory_space<vmem>> -> memref<10240xi32, #tpu.memory_space<vmem>>
      tpu.wait_dma2 semaphore(%run_scoped3A : memref<!tpu.dma_semaphore, #tpu.memory_space<semaphore_mem>>) src(%arg5 : memref<10240xi32, #tpu.memory_space<hbm>>) dst(%dma_wait3A_166 : memref<10240xi32, #tpu.memory_space<vmem>>)
      tpu.yield
    }) : () -> ()
    %scan3A = arith.constant 0 : i32
    %scan3A_35 = arith.constant 0 : i32
    %scan3A_36 = arith.constant 313 : i32
    %scan3A_37 = arith.addi %scan3A_35, %scan3A_36 : i32
    %scan3A_38 = arith.constant 1 : i32
    scf.for %scan3A_159 = %scan3A_35 to %scan3A_37 step %scan3A_38  : i32 {
      %mul3A_160 = arith.constant 16 : i32
      %mul3A_161 = arith.muli %scan3A_159, %mul3A_160 : i32
      %add3A_162 = vector.broadcast %mul3A_161 : i32 to vector<16xi32>
      %add3A_163 = arith.addi %add3A_162, %iota3A : vector<16xi32>
      %mul3A_164 = arith.constant 16 : i32
      %mul3A_165 = arith.muli %scan3A_159, %mul3A_164 : i32
      %get3A = arith.index_cast %mul3A_165 : i32 to index
      %get3A_166 = tpu.vector_load %arg8[%get3A] {strides = array<i32>} : memref<5120xi32, #tpu.memory_space<vmem>>, vector<16xi32>,
      %gather3A = tpu.vector_load_idx %arg9[%get3A_166] : memref<10256xi32, #tpu.memory_space<vmem>>[vector<16xi32>], vector<16xi32>,
      %add3A_167 = vector.broadcast %mul3A_2 : i32 to vector<16xi32>
      %add3A_168 = arith.addi %add3A_167, %add3A_163 : vector<16xi32>
      %sub3A = arith.subi %add3A_168, %gather3A : vector<16xi32>
      %max3A = arith.constant 0 : i32
      %max3A_169 = vector.broadcast %max3A : i32 to vector<16xi32>
      %max3A_170 = arith.maxsi %sub3A, %max3A_169 : vector<16xi32>
      %min3A = arith.constant 48 : i32
      %min3A_171 = vector.broadcast %min3A : i32 to vector<16xi32>
      %min3A_172 = arith.minsi %max3A_170, %min3A_171 : vector<16xi32>
      %mul3A_173 = arith.constant 10000 : i32
      %mul3A_174 = vector.broadcast %mul3A_173 : i32 to vector<16xi32>
      %mul3A_175 = arith.muli %min3A_172, %mul3A_174 : vector<16xi32>
      %add3A_176 = arith.addi %mul3A_175, %get3A_166 : vector<16xi32>
      %lt3A = arith.constant 5000 : i32
      %lt3A_177 = vector.broadcast %lt3A : i32 to vector<16xi32>
      %lt3A_178 = arith.cmpi slt, %add3A_163, %lt3A_177 : vector<16xi32>
      %sub3A_179 = arith.constant 5000 : i32
      %sub3A_180 = vector.broadcast %sub3A_179 : i32 to vector<16xi32>
      %sub3A_181 = arith.subi %add3A_163, %sub3A_180 : vector<16xi32>
      %add3A_182 = arith.constant 480016 : i32
      %add3A_183 = vector.broadcast %add3A_182 : i32 to vector<16xi32>
      %add3A_184 = arith.addi %add3A_183, %sub3A_181 : vector<16xi32>
      %select_n3A = arith.select %lt3A_178, %add3A_176, %add3A_184 : vector<16xi1>, vector<16xi32>
      %jit3A = arith.constant 8 : i32
      %div3A = arith.divsi %scan3A_159, %jit3A : i32
      %sign3A = arith.constant 0 : i32
      %sign3A_185 = arith.cmpi sgt, %scan3A_159, %sign3A : i32
      %sign3A_186 = arith.extui %sign3A_185 : i1 to i32
      %sign3A_187 = arith.constant 0 : i32
      %sign3A_188 = arith.cmpi slt, %scan3A_159, %sign3A_187 : i32
      %sign3A_189 = arith.extui %sign3A_188 : i1 to i32
      %sign3A_190 = arith.subi %sign3A_186, %sign3A_189 : i32
      %sign3A_191 = arith.constant 0 : i32
      %sign3A_192 = arith.cmpi sgt, %jit3A, %sign3A_191 : i32
      %sign3A_193 = arith.extui %sign3A_192 : i1 to i32
      %sign3A_194 = arith.constant 0 : i32
      %sign3A_195 = arith.cmpi slt, %jit3A, %sign3A_194 : i32
      %sign3A_196 = arith.extui %sign3A_195 : i1 to i32
      %sign3A_197 = arith.subi %sign3A_193, %sign3A_196 : i32
      %ne3A = arith.cmpi ne, %sign3A_190, %sign3A_197 : i32
      %rem3A = arith.remsi %scan3A_159, %jit3A : i32
      %ne3A_198 = arith.constant 0 : i32
      %ne3A_199 = arith.cmpi ne, %rem3A, %ne3A_198 : i32
      %and3A = arith.andi %ne3A, %ne3A_199 : i1
      %sub3A_200 = arith.constant 1 : i32
      %sub3A_201 = arith.subi %div3A, %sub3A_200 : i32
      %select_n3A_202 = arith.select %and3A, %sub3A_201, %div3A : i32
      %jit3A_203 = arith.constant 8 : i32
      %eq3A = arith.constant 0 : i32
      %eq3A_204 = arith.cmpi eq, %jit3A_203, %eq3A : i32
      %jit3A_205 = arith.constant 1 : i32
      %select_n3A_206 = arith.select %eq3A_204, %jit3A_205, %jit3A_203 : i32
      %rem3A_207 = arith.remsi %scan3A_159, %select_n3A_206 : i32
      %ne3A_208 = arith.constant 0 : i32
      %ne3A_209 = arith.cmpi ne, %rem3A_207, %ne3A_208 : i32
      %lt3A_210 = arith.constant 0 : i32
      %lt3A_211 = arith.cmpi slt, %rem3A_207, %lt3A_210 : i32
      %lt3A_212 = arith.constant 0 : i32
      %lt3A_213 = arith.cmpi slt, %select_n3A_206, %lt3A_212 : i32
      %ne3A_214 = arith.xori %lt3A_211, %lt3A_213 : i1
      %and3A_215 = arith.andi %ne3A_214, %ne3A_209 : i1
      %add3A_216 = arith.addi %rem3A_207, %select_n3A_206 : i32
      %select_n3A_217 = arith.select %and3A_215, %add3A_216, %rem3A_207 : i32
      %mul3A_218 = arith.constant 16 : i32
      %mul3A_219 = arith.muli %select_n3A_217, %mul3A_218 : i32
      %swap3A_220 = arith.index_cast %select_n3A_202 : i32 to index
      %swap3A_221 = arith.index_cast %mul3A_219 : i32 to index
      %swap3A_222 = tpu.vector_load %arg10[%swap3A_220, %swap3A_221] {strides = array<i32>} : memref<40x128xi32, #tpu.memory_space<vmem>>, vector<16xi32>,
      tpu.vector_store %arg10[%swap3A_220, %swap3A_221], %select_n3A {strides = array<i32>} : memref<40x128xi32, #tpu.memory_space<vmem>>, vector<16xi32>,
    }
    %scan3A_39 = arith.constant 313 : i32
    %add3A_40 = arith.constant 480032 : i32
    %add3A_41 = vector.broadcast %add3A_40 : i32 to vector<16xi32>
    %add3A_42 = arith.addi %add3A_41, %iota3A : vector<16xi32>
    %swap3A_43 = arith.constant 39 : i32
    %swap3A_44 = arith.index_cast %swap3A_43 : i32 to index
    %swap3A_45 = arith.constant 16 : index
    %swap3A_46 = tpu.vector_load %arg10[%swap3A_44, %swap3A_45] {strides = array<i32>} : memref<40x128xi32, #tpu.memory_space<vmem>>, vector<16xi32>,
    tpu.vector_store %arg10[%swap3A_44, %swap3A_45], %add3A_42 {strides = array<i32>} : memref<40x128xi32, #tpu.memory_space<vmem>>, vector<16xi32>,
    %add3A_47 = arith.constant 480048 : i32
    %add3A_48 = vector.broadcast %add3A_47 : i32 to vector<16xi32>
    %add3A_49 = arith.addi %add3A_48, %iota3A : vector<16xi32>
    %swap3A_50 = arith.constant 39 : i32
    %swap3A_51 = arith.index_cast %swap3A_50 : i32 to index
    %swap3A_52 = arith.constant 32 : index
    %swap3A_53 = tpu.vector_load %arg10[%swap3A_51, %swap3A_52] {strides = array<i32>} : memref<40x128xi32, #tpu.memory_space<vmem>>, vector<16xi32>,
    tpu.vector_store %arg10[%swap3A_51, %swap3A_52], %add3A_49 {strides = array<i32>} : memref<40x128xi32, #tpu.memory_space<vmem>>, vector<16xi32>,
    %add3A_54 = arith.constant 480064 : i32
    %add3A_55 = vector.broadcast %add3A_54 : i32 to vector<16xi32>
    %add3A_56 = arith.addi %add3A_55, %iota3A : vector<16xi32>
    %swap3A_57 = arith.constant 39 : i32
    %swap3A_58 = arith.index_cast %swap3A_57 : i32 to index
    %swap3A_59 = arith.constant 48 : index
    %swap3A_60 = tpu.vector_load %arg10[%swap3A_58, %swap3A_59] {strides = array<i32>} : memref<40x128xi32, #tpu.memory_space<vmem>>, vector<16xi32>,
    tpu.vector_store %arg10[%swap3A_58, %swap3A_59], %add3A_56 {strides = array<i32>} : memref<40x128xi32, #tpu.memory_space<vmem>>, vector<16xi32>,
    %add3A_61 = arith.constant 480080 : i32
    %add3A_62 = vector.broadcast %add3A_61 : i32 to vector<16xi32>
    %add3A_63 = arith.addi %add3A_62, %iota3A : vector<16xi32>
    %swap3A_64 = arith.constant 39 : i32
    %swap3A_65 = arith.index_cast %swap3A_64 : i32 to index
    %swap3A_66 = arith.constant 64 : index
    %swap3A_67 = tpu.vector_load %arg10[%swap3A_65, %swap3A_66] {strides = array<i32>} : memref<40x128xi32, #tpu.memory_space<vmem>>, vector<16xi32>,
    tpu.vector_store %arg10[%swap3A_65, %swap3A_66], %add3A_63 {strides = array<i32>} : memref<40x128xi32, #tpu.memory_space<vmem>>, vector<16xi32>,
    %add3A_68 = arith.constant 480096 : i32
    %add3A_69 = vector.broadcast %add3A_68 : i32 to vector<16xi32>
    %add3A_70 = arith.addi %add3A_69, %iota3A : vector<16xi32>
    %swap3A_71 = arith.constant 39 : i32
    %swap3A_72 = arith.index_cast %swap3A_71 : i32 to index
    %swap3A_73 = arith.constant 80 : index
    %swap3A_74 = tpu.vector_load %arg10[%swap3A_72, %swap3A_73] {strides = array<i32>} : memref<40x128xi32, #tpu.memory_space<vmem>>, vector<16xi32>,
    tpu.vector_store %arg10[%swap3A_72, %swap3A_73], %add3A_70 {strides = array<i32>} : memref<40x128xi32, #tpu.memory_space<vmem>>, vector<16xi32>,
    %add3A_75 = arith.constant 480112 : i32
    %add3A_76 = vector.broadcast %add3A_75 : i32 to vector<16xi32>
    %add3A_77 = arith.addi %add3A_76, %iota3A : vector<16xi32>
    %swap3A_78 = arith.constant 39 : i32
    %swap3A_79 = arith.index_cast %swap3A_78 : i32 to index
    %swap3A_80 = arith.constant 96 : index
    %swap3A_81 = tpu.vector_load %arg10[%swap3A_79, %swap3A_80] {strides = array<i32>} : memref<40x128xi32, #tpu.memory_space<vmem>>, vector<16xi32>,
    tpu.vector_store %arg10[%swap3A_79, %swap3A_80], %add3A_77 {strides = array<i32>} : memref<40x128xi32, #tpu.memory_space<vmem>>, vector<16xi32>,
    %add3A_82 = arith.constant 480128 : i32
    %add3A_83 = vector.broadcast %add3A_82 : i32 to vector<16xi32>
    %add3A_84 = arith.addi %add3A_83, %iota3A : vector<16xi32>
    %swap3A_85 = arith.constant 39 : i32
    %swap3A_86 = arith.index_cast %swap3A_85 : i32 to index
    %swap3A_87 = arith.constant 112 : index
    %swap3A_88 = tpu.vector_load %arg10[%swap3A_86, %swap3A_87] {strides = array<i32>} : memref<40x128xi32, #tpu.memory_space<vmem>>, vector<16xi32>,
    tpu.vector_store %arg10[%swap3A_86, %swap3A_87], %add3A_84 {strides = array<i32>} : memref<40x128xi32, #tpu.memory_space<vmem>>, vector<16xi32>,
    %dma_start3A = arith.constant 0 : i32
    %dma_start3A_89 = arith.constant 0 : i32
    %dma_start3A_90 = arith.constant 0 : i32
    %dma_start3A_91 = tpu.memref_slice %arg11[%dma_start3A, %dma_start3A_89, %dma_start3A_90] : memref<6x128x128xf32, #tpu.memory_space<vmem>> -> memref<1x128x128xf32, #tpu.memory_space<vmem>>
    %dma_start3A_92 = tpu.memref_squeeze %dma_start3A_91 : memref<1x128x128xf32, #tpu.memory_space<vmem>> -> memref<128x128xf32, #tpu.memory_space<vmem>>
    %dma_start3A_93 = arith.constant 0 : i32
    %dma_start3A_94 = tpu.memref_slice %arg7[%dma_start3A_93] : memref<5120xi32, #tpu.memory_space<vmem>> -> memref<128xi32, #tpu.memory_space<vmem>>
    %dma_start3A_95 = arith.constant 0 : i32
    %dma_start3A_96 = arith.constant 0 : i32
    %dma_start3A_97 = tpu.memref_slice %arg2[%dma_start3A_95, %dma_start3A_96] : memref<10000x128xf32, #tpu.memory_space<hbm>> -> memref<10000x128xf32, #tpu.memory_space<hbm>>
    tpu.enqueue_indirect_dma source(%dma_start3A_97 : memref<10000x128xf32, #tpu.memory_space<hbm>>) target(%dma_start3A_92 : memref<128x128xf32, #tpu.memory_space<vmem>>) offsets(%dma_start3A_94 : memref<128xi32, #tpu.memory_space<vmem>>) semaphore(%arg12 : memref<!tpu.dma_semaphore, #tpu.memory_space<semaphore_mem>>)
    %dma_start3A_98 = arith.constant 1 : i32
    %dma_start3A_99 = arith.constant 0 : i32
    %dma_start3A_100 = arith.constant 0 : i32
    %dma_start3A_101 = tpu.memref_slice %arg11[%dma_start3A_98, %dma_start3A_99, %dma_start3A_100] : memref<6x128x128xf32, #tpu.memory_space<vmem>> -> memref<1x128x128xf32, #tpu.memory_space<vmem>>
    %dma_start3A_102 = tpu.memref_squeeze %dma_start3A_101 : memref<1x128x128xf32, #tpu.memory_space<vmem>> -> memref<128x128xf32, #tpu.memory_space<vmem>>
    %dma_start3A_103 = arith.constant 128 : i32
    %dma_start3A_104 = tpu.memref_slice %arg7[%dma_start3A_103] : memref<5120xi32, #tpu.memory_space<vmem>> -> memref<128xi32, #tpu.memory_space<vmem>>
    %dma_start3A_105 = arith.constant 0 : i32
    %dma_start3A_106 = arith.constant 0 : i32
    %dma_start3A_107 = tpu.memref_slice %arg2[%dma_start3A_105, %dma_start3A_106] : memref<10000x128xf32, #tpu.memory_space<hbm>> -> memref<10000x128xf32, #tpu.memory_space<hbm>>
    tpu.enqueue_indirect_dma source(%dma_start3A_107 : memref<10000x128xf32, #tpu.memory_space<hbm>>) target(%dma_start3A_102 : memref<128x128xf32, #tpu.memory_space<vmem>>) offsets(%dma_start3A_104 : memref<128xi32, #tpu.memory_space<vmem>>) semaphore(%arg12 : memref<!tpu.dma_semaphore, #tpu.memory_space<semaphore_mem>>)
    %dma_start3A_108 = arith.constant 2 : i32
    %dma_start3A_109 = arith.constant 0 : i32
    %dma_start3A_110 = arith.constant 0 : i32
    %dma_start3A_111 = tpu.memref_slice %arg11[%dma_start3A_108, %dma_start3A_109, %dma_start3A_110] : memref<6x128x128xf32, #tpu.memory_space<vmem>> -> memref<1x128x128xf32, #tpu.memory_space<vmem>>
    %dma_start3A_112 = tpu.memref_squeeze %dma_start3A_111 : memref<1x128x128xf32, #tpu.memory_space<vmem>> -> memref<128x128xf32, #tpu.memory_space<vmem>>
    %dma_start3A_113 = arith.constant 256 : i32
    %dma_start3A_114 = tpu.memref_slice %arg7[%dma_start3A_113] : memref<5120xi32, #tpu.memory_space<vmem>> -> memref<128xi32, #tpu.memory_space<vmem>>
    %dma_start3A_115 = arith.constant 0 : i32
    %dma_start3A_116 = arith.constant 0 : i32
    %dma_start3A_117 = tpu.memref_slice %arg2[%dma_start3A_115, %dma_start3A_116] : memref<10000x128xf32, #tpu.memory_space<hbm>> -> memref<10000x128xf32, #tpu.memory_space<hbm>>
    tpu.enqueue_indirect_dma source(%dma_start3A_117 : memref<10000x128xf32, #tpu.memory_space<hbm>>) target(%dma_start3A_112 : memref<128x128xf32, #tpu.memory_space<vmem>>) offsets(%dma_start3A_114 : memref<128xi32, #tpu.memory_space<vmem>>) semaphore(%arg12 : memref<!tpu.dma_semaphore, #tpu.memory_space<semaphore_mem>>)
    %scan3A_118 = arith.constant 0 : i32
    %scan3A_119 = arith.constant 0 : i32
    %scan3A_120 = arith.constant 40 : i32
    %scan3A_121 = arith.addi %scan3A_119, %scan3A_120 : i32
    %scan3A_122 = arith.constant 1 : i32
    scf.for %scan3A_159 = %scan3A_119 to %scan3A_121 step %scan3A_122  : i32 {
      %mul3A_160 = arith.constant 128 : i32
      %mul3A_161 = arith.muli %scan3A_159, %mul3A_160 : i32
      %jit3A = arith.constant 6 : i32
      %eq3A = arith.constant 0 : i32
      %eq3A_162 = arith.cmpi eq, %jit3A, %eq3A : i32
      %jit3A_163 = arith.constant 1 : i32
      %select_n3A = arith.select %eq3A_162, %jit3A_163, %jit3A : i32
      %rem3A = arith.remsi %scan3A_159, %select_n3A : i32
      %ne3A = arith.constant 0 : i32
      %ne3A_164 = arith.cmpi ne, %rem3A, %ne3A : i32
      %lt3A = arith.constant 0 : i32
      %lt3A_165 = arith.cmpi slt, %rem3A, %lt3A : i32
      %lt3A_166 = arith.constant 0 : i32
      %lt3A_167 = arith.cmpi slt, %select_n3A, %lt3A_166 : i32
      %ne3A_168 = arith.xori %lt3A_165, %lt3A_167 : i1
      %and3A = arith.andi %ne3A_168, %ne3A_164 : i1
      %add3A_169 = arith.addi %rem3A, %select_n3A : i32
      %select_n3A_170 = arith.select %and3A, %add3A_169, %rem3A : i32
      %dma_wait3A_171 = arith.constant 0 : i32
      %dma_wait3A_172 = arith.constant 0 : i32
      %dma_wait3A_173 = tpu.memref_slice %arg11[%select_n3A_170, %dma_wait3A_171, %dma_wait3A_172] : memref<6x128x128xf32, #tpu.memory_space<vmem>> -> memref<1x128x128xf32, #tpu.memory_space<vmem>>
      %dma_wait3A_174 = tpu.memref_squeeze %dma_wait3A_173 : memref<1x128x128xf32, #tpu.memory_space<vmem>> -> memref<128x128xf32, #tpu.memory_space<vmem>>
      %dma_wait3A_175 = tpu.memref_slice %arg7[%mul3A_161] : memref<5120xi32, #tpu.memory_space<vmem>> -> memref<128xi32, #tpu.memory_space<vmem>>
      %dma_wait3A_176 = arith.constant 0 : i32
      %dma_wait3A_177 = arith.constant 0 : i32
      %dma_wait3A_178 = tpu.memref_slice %arg2[%dma_wait3A_176, %dma_wait3A_177] : memref<10000x128xf32, #tpu.memory_space<hbm>> -> memref<10000x128xf32, #tpu.memory_space<hbm>>
      tpu.wait_indirect_dma semaphore(%arg12 : memref<!tpu.dma_semaphore, #tpu.memory_space<semaphore_mem>>) src(%dma_wait3A_178 : memref<10000x128xf32, #tpu.memory_space<hbm>>) dst(%dma_wait3A_174 : memref<128x128xf32, #tpu.memory_space<vmem>>)
      %jit3A_179 = arith.constant 6 : i32
      %eq3A_180 = arith.constant 0 : i32
      %eq3A_181 = arith.cmpi eq, %jit3A_179, %eq3A_180 : i32
      %jit3A_182 = arith.constant 1 : i32
      %select_n3A_183 = arith.select %eq3A_181, %jit3A_182, %jit3A_179 : i32
      %rem3A_184 = arith.remsi %scan3A_159, %select_n3A_183 : i32
      %ne3A_185 = arith.constant 0 : i32
      %ne3A_186 = arith.cmpi ne, %rem3A_184, %ne3A_185 : i32
      %lt3A_187 = arith.constant 0 : i32
      %lt3A_188 = arith.cmpi slt, %rem3A_184, %lt3A_187 : i32
      %lt3A_189 = arith.constant 0 : i32
      %lt3A_190 = arith.cmpi slt, %select_n3A_183, %lt3A_189 : i32
      %ne3A_191 = arith.xori %lt3A_188, %lt3A_190 : i1
      %and3A_192 = arith.andi %ne3A_191, %ne3A_186 : i1
      %add3A_193 = arith.addi %rem3A_184, %select_n3A_183 : i32
      %select_n3A_194 = arith.select %and3A_192, %add3A_193, %rem3A_184 : i32
      %dma_start3A_195 = arith.constant 0 : i32
      %dma_start3A_196 = arith.constant 0 : i32
      %dma_start3A_197 = tpu.memref_slice %arg11[%select_n3A_194, %dma_start3A_195, %dma_start3A_196] : memref<6x128x128xf32, #tpu.memory_space<vmem>> -> memref<1x128x128xf32, #tpu.memory_space<vmem>>
      %dma_start3A_198 = tpu.memref_squeeze %dma_start3A_197 : memref<1x128x128xf32, #tpu.memory_space<vmem>> -> memref<128x128xf32, #tpu.memory_space<vmem>>
      %dma_start3A_199 = arith.constant 0 : i32
      %dma_start3A_200 = tpu.memref_slice %arg10[%scan3A_159, %dma_start3A_199] : memref<40x128xi32, #tpu.memory_space<vmem>> -> memref<1x128xi32, #tpu.memory_space<vmem>>
      %dma_start3A_201 = tpu.memref_squeeze %dma_start3A_200 : memref<1x128xi32, #tpu.memory_space<vmem>> -> memref<128xi32, #tpu.memory_space<vmem>>
      %dma_start3A_202 = arith.constant 0 : i32
      %dma_start3A_203 = arith.constant 0 : i32
      %dma_start3A_204 = tpu.memref_slice %arg6[%dma_start3A_202, %dma_start3A_203] : memref<490000x128xf32, #tpu.memory_space<hbm>> -> memref<490000x128xf32, #tpu.memory_space<hbm>>
      tpu.enqueue_indirect_dma source(%dma_start3A_198 : memref<128x128xf32, #tpu.memory_space<vmem>>) target(%dma_start3A_204 : memref<490000x128xf32, #tpu.memory_space<hbm>>) offsets(%dma_start3A_201 : memref<128xi32, #tpu.memory_space<vmem>>) semaphore(%arg13 : memref<!tpu.dma_semaphore, #tpu.memory_space<semaphore_mem>>)
      %ge3A = arith.constant 3 : i32
      %ge3A_205 = arith.cmpi sge, %scan3A_159, %ge3A : i32
      %convert_element_type3A = arith.extui %ge3A_205 : i1 to i32
      %cond3A = arith.constant 0 : i32
      %cond3A_206 = arith.cmpi ne, %convert_element_type3A, %cond3A : i32
      scf.if %cond3A_206 {
        %sub3A = arith.constant 3 : i32
        %sub3A_214 = arith.subi %scan3A_159, %sub3A : i32
        %jit3A_215 = arith.constant 6 : i32
        %eq3A_216 = arith.constant 0 : i32
        %eq3A_217 = arith.cmpi eq, %jit3A_215, %eq3A_216 : i32
        %jit3A_218 = arith.constant 1 : i32
        %select_n3A_219 = arith.select %eq3A_217, %jit3A_218, %jit3A_215 : i32
        %rem3A_220 = arith.remsi %sub3A_214, %select_n3A_219 : i32
        %ne3A_221 = arith.constant 0 : i32
        %ne3A_222 = arith.cmpi ne, %rem3A_220, %ne3A_221 : i32
        %lt3A_223 = arith.constant 0 : i32
        %lt3A_224 = arith.cmpi slt, %rem3A_220, %lt3A_223 : i32
        %lt3A_225 = arith.constant 0 : i32
        %lt3A_226 = arith.cmpi slt, %select_n3A_219, %lt3A_225 : i32
        %ne3A_227 = arith.xori %lt3A_224, %lt3A_226 : i1
        %and3A_228 = arith.andi %ne3A_227, %ne3A_222 : i1
        %add3A_229 = arith.addi %rem3A_220, %select_n3A_219 : i32
        %select_n3A_230 = arith.select %and3A_228, %add3A_229, %rem3A_220 : i32
        %dma_wait3A_231 = arith.constant 0 : i32
        %dma_wait3A_232 = arith.constant 0 : i32
        %dma_wait3A_233 = tpu.memref_slice %arg11[%select_n3A_230, %dma_wait3A_231, %dma_wait3A_232] : memref<6x128x128xf32, #tpu.memory_space<vmem>> -> memref<1x128x128xf32, #tpu.memory_space<vmem>>
        %dma_wait3A_234 = tpu.memref_squeeze %dma_wait3A_233 : memref<1x128x128xf32, #tpu.memory_space<vmem>> -> memref<128x128xf32, #tpu.memory_space<vmem>>
        %dma_wait3A_235 = arith.constant 0 : i32
        %dma_wait3A_236 = tpu.memref_slice %arg10[%sub3A_214, %dma_wait3A_235] : memref<40x128xi32, #tpu.memory_space<vmem>> -> memref<1x128xi32, #tpu.memory_space<vmem>>
        %dma_wait3A_237 = tpu.memref_squeeze %dma_wait3A_236 : memref<1x128xi32, #tpu.memory_space<vmem>> -> memref<128xi32, #tpu.memory_space<vmem>>
        %dma_wait3A_238 = arith.constant 0 : i32
        %dma_wait3A_239 = arith.constant 0 : i32
        %dma_wait3A_240 = tpu.memref_slice %arg6[%dma_wait3A_238, %dma_wait3A_239] : memref<490000x128xf32, #tpu.memory_space<hbm>> -> memref<490000x128xf32, #tpu.memory_space<hbm>>
        tpu.wait_indirect_dma semaphore(%arg13 : memref<!tpu.dma_semaphore, #tpu.memory_space<semaphore_mem>>) src(%dma_wait3A_234 : memref<128x128xf32, #tpu.memory_space<vmem>>) dst(%dma_wait3A_240 : memref<490000x128xf32, #tpu.memory_space<hbm>>)
      } else {
      }
      %add3A_207 = arith.constant 3 : i32
      %add3A_208 = arith.addi %scan3A_159, %add3A_207 : i32
      %lt3A_209 = arith.constant 40 : i32
      %lt3A_210 = arith.cmpi slt, %add3A_208, %lt3A_209 : i32
      %convert_element_type3A_211 = arith.extui %lt3A_210 : i1 to i32
      %cond3A_212 = arith.constant 0 : i32
      %cond3A_213 = arith.cmpi ne, %convert_element_type3A_211, %cond3A_212 : i32
      scf.if %cond3A_213 {
        %add3A_214 = arith.constant 3 : i32
        %add3A_215 = arith.addi %scan3A_159, %add3A_214 : i32
        %mul3A_216 = arith.constant 128 : i32
        %mul3A_217 = arith.muli %add3A_215, %mul3A_216 : i32
        %jit3A_218 = arith.constant 6 : i32
        %eq3A_219 = arith.constant 0 : i32
        %eq3A_220 = arith.cmpi eq, %jit3A_218, %eq3A_219 : i32
        %jit3A_221 = arith.constant 1 : i32
        %select_n3A_222 = arith.select %eq3A_220, %jit3A_221, %jit3A_218 : i32
        %rem3A_223 = arith.remsi %add3A_215, %select_n3A_222 : i32
        %ne3A_224 = arith.constant 0 : i32
        %ne3A_225 = arith.cmpi ne, %rem3A_223, %ne3A_224 : i32
        %lt3A_226 = arith.constant 0 : i32
        %lt3A_227 = arith.cmpi slt, %rem3A_223, %lt3A_226 : i32
        %lt3A_228 = arith.constant 0 : i32
        %lt3A_229 = arith.cmpi slt, %select_n3A_222, %lt3A_228 : i32
        %ne3A_230 = arith.xori %lt3A_227, %lt3A_229 : i1
        %and3A_231 = arith.andi %ne3A_230, %ne3A_225 : i1
        %add3A_232 = arith.addi %rem3A_223, %select_n3A_222 : i32
        %select_n3A_233 = arith.select %and3A_231, %add3A_232, %rem3A_223 : i32
        %dma_start3A_234 = arith.constant 0 : i32
        %dma_start3A_235 = arith.constant 0 : i32
        %dma_start3A_236 = tpu.memref_slice %arg11[%select_n3A_233, %dma_start3A_234, %dma_start3A_235] : memref<6x128x128xf32, #tpu.memory_space<vmem>> -> memref<1x128x128xf32, #tpu.memory_space<vmem>>
        %dma_start3A_237 = tpu.memref_squeeze %dma_start3A_236 : memref<1x128x128xf32, #tpu.memory_space<vmem>> -> memref<128x128xf32, #tpu.memory_space<vmem>>
        %dma_start3A_238 = tpu.memref_slice %arg7[%mul3A_217] : memref<5120xi32, #tpu.memory_space<vmem>> -> memref<128xi32, #tpu.memory_space<vmem>>
        %dma_start3A_239 = arith.constant 0 : i32
        %dma_start3A_240 = arith.constant 0 : i32
        %dma_start3A_241 = tpu.memref_slice %arg2[%dma_start3A_239, %dma_start3A_240] : memref<10000x128xf32, #tpu.memory_space<hbm>> -> memref<10000x128xf32, #tpu.memory_space<hbm>>
        tpu.enqueue_indirect_dma source(%dma_start3A_241 : memref<10000x128xf32, #tpu.memory_space<hbm>>) target(%dma_start3A_237 : memref<128x128xf32, #tpu.memory_space<vmem>>) offsets(%dma_start3A_238 : memref<128xi32, #tpu.memory_space<vmem>>) semaphore(%arg12 : memref<!tpu.dma_semaphore, #tpu.memory_space<semaphore_mem>>)
      } else {
      }
    }
    %scan3A_123 = arith.constant 40 : i32
    %dma_wait3A = arith.constant 1 : i32
    %dma_wait3A_124 = arith.constant 37 : i32
    %dma_wait3A_125 = arith.constant 0 : i32
    %dma_wait3A_126 = arith.constant 0 : i32
    %dma_wait3A_127 = tpu.memref_slice %arg11[%dma_wait3A, %dma_wait3A_125, %dma_wait3A_126] : memref<6x128x128xf32, #tpu.memory_space<vmem>> -> memref<1x128x128xf32, #tpu.memory_space<vmem>>
    %dma_wait3A_128 = tpu.memref_squeeze %dma_wait3A_127 : memref<1x128x128xf32, #tpu.memory_space<vmem>> -> memref<128x128xf32, #tpu.memory_space<vmem>>
    %dma_wait3A_129 = arith.constant 0 : i32
    %dma_wait3A_130 = tpu.memref_slice %arg10[%dma_wait3A_124, %dma_wait3A_129] : memref<40x128xi32, #tpu.memory_space<vmem>> -> memref<1x128xi32, #tpu.memory_space<vmem>>
    %dma_wait3A_131 = tpu.memref_squeeze %dma_wait3A_130 : memref<1x128xi32, #tpu.memory_space<vmem>> -> memref<128xi32, #tpu.memory_space<vmem>>
    %dma_wait3A_132 = arith.constant 0 : i32
    %dma_wait3A_133 = arith.constant 0 : i32
    %dma_wait3A_134 = tpu.memref_slice %arg6[%dma_wait3A_132, %dma_wait3A_133] : memref<490000x128xf32, #tpu.memory_space<hbm>> -> memref<490000x128xf32, #tpu.memory_space<hbm>>
    tpu.wait_indirect_dma semaphore(%arg13 : memref<!tpu.dma_semaphore, #tpu.memory_space<semaphore_mem>>) src(%dma_wait3A_128 : memref<128x128xf32, #tpu.memory_space<vmem>>) dst(%dma_wait3A_134 : memref<490000x128xf32, #tpu.memory_space<hbm>>)
    %dma_wait3A_135 = arith.constant 2 : i32
    %dma_wait3A_136 = arith.constant 38 : i32
    %dma_wait3A_137 = arith.constant 0 : i32
    %dma_wait3A_138 = arith.constant 0 : i32
    %dma_wait3A_139 = tpu.memref_slice %arg11[%dma_wait3A_135, %dma_wait3A_137, %dma_wait3A_138] : memref<6x128x128xf32, #tpu.memory_space<vmem>> -> memref<1x128x128xf32, #tpu.memory_space<vmem>>
    %dma_wait3A_140 = tpu.memref_squeeze %dma_wait3A_139 : memref<1x128x128xf32, #tpu.memory_space<vmem>> -> memref<128x128xf32, #tpu.memory_space<vmem>>
    %dma_wait3A_141 = arith.constant 0 : i32
    %dma_wait3A_142 = tpu.memref_slice %arg10[%dma_wait3A_136, %dma_wait3A_141] : memref<40x128xi32, #tpu.memory_space<vmem>> -> memref<1x128xi32, #tpu.memory_space<vmem>>
    %dma_wait3A_143 = tpu.memref_squeeze %dma_wait3A_142 : memref<1x128xi32, #tpu.memory_space<vmem>> -> memref<128xi32, #tpu.memory_space<vmem>>
    %dma_wait3A_144 = arith.constant 0 : i32
    %dma_wait3A_145 = arith.constant 0 : i32
    %dma_wait3A_146 = tpu.memref_slice %arg6[%dma_wait3A_144, %dma_wait3A_145] : memref<490000x128xf32, #tpu.memory_space<hbm>> -> memref<490000x128xf32, #tpu.memory_space<hbm>>
    tpu.wait_indirect_dma semaphore(%arg13 : memref<!tpu.dma_semaphore, #tpu.memory_space<semaphore_mem>>) src(%dma_wait3A_140 : memref<128x128xf32, #tpu.memory_space<vmem>>) dst(%dma_wait3A_146 : memref<490000x128xf32, #tpu.memory_space<hbm>>)
    %dma_wait3A_147 = arith.constant 3 : i32
    %dma_wait3A_148 = arith.constant 39 : i32
    %dma_wait3A_149 = arith.constant 0 : i32
    %dma_wait3A_150 = arith.constant 0 : i32
    %dma_wait3A_151 = tpu.memref_slice %arg11[%dma_wait3A_147, %dma_wait3A_149, %dma_wait3A_150] : memref<6x128x128xf32, #tpu.memory_space<vmem>> -> memref<1x128x128xf32, #tpu.memory_space<vmem>>
    %dma_wait3A_152 = tpu.memref_squeeze %dma_wait3A_151 : memref<1x128x128xf32, #tpu.memory_space<vmem>> -> memref<128x128xf32, #tpu.memory_space<vmem>>
    %dma_wait3A_153 = arith.constant 0 : i32
    %dma_wait3A_154 = tpu.memref_slice %arg10[%dma_wait3A_148, %dma_wait3A_153] : memref<40x128xi32, #tpu.memory_space<vmem>> -> memref<1x128xi32, #tpu.memory_space<vmem>>
    %dma_wait3A_155 = tpu.memref_squeeze %dma_wait3A_154 : memref<1x128xi32, #tpu.memory_space<vmem>> -> memref<128xi32, #tpu.memory_space<vmem>>
    %dma_wait3A_156 = arith.constant 0 : i32
    %dma_wait3A_157 = arith.constant 0 : i32
    %dma_wait3A_158 = tpu.memref_slice %arg6[%dma_wait3A_156, %dma_wait3A_157] : memref<490000x128xf32, #tpu.memory_space<hbm>> -> memref<490000x128xf32, #tpu.memory_space<hbm>>
    tpu.wait_indirect_dma semaphore(%arg13 : memref<!tpu.dma_semaphore, #tpu.memory_space<semaphore_mem>>) src(%dma_wait3A_152 : memref<128x128xf32, #tpu.memory_space<vmem>>) dst(%dma_wait3A_158 : memref<490000x128xf32, #tpu.memory_space<hbm>>)
    return
  }
}

module attributes {stable_mosaic.version = 14 : i64} {
  func.func @_k2_body(%arg0: memref<32x80x128xi32, #tpu.memory_space<vmem>>, %arg1: memref<80x128xi32, #tpu.memory_space<vmem>>, %arg2: memref<80x128xi32, #tpu.memory_space<vmem>>, %arg3: memref<32x80x128xi32, #tpu.memory_space<vmem>>, %arg4: memref<5x128xi32, #tpu.memory_space<vmem>>) attributes {dimension_semantics = [], scalar_prefetch = 0 : i64, scratch_operands = 0 : i64, tpu.core_type = #tpu.core_type<tc>} {
    %get3A = arith.constant 0 : index
    %get3A_0 = arith.constant 0 : index
    %get3A_1 = arith.constant 0 : index
    %get3A_2 = vector.load %arg0[%get3A, %get3A_0, %get3A_1] : memref<32x80x128xi32, #tpu.memory_space<vmem>>, vector<32x80x128xi32>
    %reduce_sum3A = arith.constant dense<0> : vector<80x128xi32>
    %reduce_sum3A_3 = vector.multi_reduction <add>, %get3A_2, %reduce_sum3A [0] : vector<32x80x128xi32> to vector<80x128xi32>
    %broadcast_in_dim3A = arith.constant 0 : i32
    %broadcast_in_dim3A_4 = vector.broadcast %broadcast_in_dim3A : i32 to vector<80x1xi32>
    %slice3A = vector.extract_strided_slice %reduce_sum3A_3 {offsets = [0, 0], sizes = [80, 127], strides = [1, 1]} : vector<80x128xi32> to vector<80x127xi32>
    %concatenate3A = tpu.concatenate %broadcast_in_dim3A_4, %slice3A in 1 : vector<80x1xi32>, vector<80x127xi32> -> vector<80x128xi32>
    %add3A = arith.addi %reduce_sum3A_3, %concatenate3A : vector<80x128xi32>
    %broadcast_in_dim3A_5 = arith.constant 0 : i32
    %broadcast_in_dim3A_6 = vector.broadcast %broadcast_in_dim3A_5 : i32 to vector<80x2xi32>
    %slice3A_7 = vector.extract_strided_slice %add3A {offsets = [0, 0], sizes = [80, 126], strides = [1, 1]} : vector<80x128xi32> to vector<80x126xi32>
    %concatenate3A_8 = tpu.concatenate %broadcast_in_dim3A_6, %slice3A_7 in 1 : vector<80x2xi32>, vector<80x126xi32> -> vector<80x128xi32>
    %add3A_9 = arith.addi %add3A, %concatenate3A_8 : vector<80x128xi32>
    %broadcast_in_dim3A_10 = arith.constant 0 : i32
    %broadcast_in_dim3A_11 = vector.broadcast %broadcast_in_dim3A_10 : i32 to vector<80x4xi32>
    %slice3A_12 = vector.extract_strided_slice %add3A_9 {offsets = [0, 0], sizes = [80, 124], strides = [1, 1]} : vector<80x128xi32> to vector<80x124xi32>
    %concatenate3A_13 = tpu.concatenate %broadcast_in_dim3A_11, %slice3A_12 in 1 : vector<80x4xi32>, vector<80x124xi32> -> vector<80x128xi32>
    %add3A_14 = arith.addi %add3A_9, %concatenate3A_13 : vector<80x128xi32>
    %broadcast_in_dim3A_15 = arith.constant 0 : i32
    %broadcast_in_dim3A_16 = vector.broadcast %broadcast_in_dim3A_15 : i32 to vector<80x8xi32>
    %slice3A_17 = vector.extract_strided_slice %add3A_14 {offsets = [0, 0], sizes = [80, 120], strides = [1, 1]} : vector<80x128xi32> to vector<80x120xi32>
    %concatenate3A_18 = tpu.concatenate %broadcast_in_dim3A_16, %slice3A_17 in 1 : vector<80x8xi32>, vector<80x120xi32> -> vector<80x128xi32>
    %add3A_19 = arith.addi %add3A_14, %concatenate3A_18 : vector<80x128xi32>
    %broadcast_in_dim3A_20 = arith.constant 0 : i32
    %broadcast_in_dim3A_21 = vector.broadcast %broadcast_in_dim3A_20 : i32 to vector<80x16xi32>
    %slice3A_22 = vector.extract_strided_slice %add3A_19 {offsets = [0, 0], sizes = [80, 112], strides = [1, 1]} : vector<80x128xi32> to vector<80x112xi32>
    %concatenate3A_23 = tpu.concatenate %broadcast_in_dim3A_21, %slice3A_22 in 1 : vector<80x16xi32>, vector<80x112xi32> -> vector<80x128xi32>
    %add3A_24 = arith.addi %add3A_19, %concatenate3A_23 : vector<80x128xi32>
    %broadcast_in_dim3A_25 = arith.constant 0 : i32
    %broadcast_in_dim3A_26 = vector.broadcast %broadcast_in_dim3A_25 : i32 to vector<80x32xi32>
    %slice3A_27 = vector.extract_strided_slice %add3A_24 {offsets = [0, 0], sizes = [80, 96], strides = [1, 1]} : vector<80x128xi32> to vector<80x96xi32>
    %concatenate3A_28 = tpu.concatenate %broadcast_in_dim3A_26, %slice3A_27 in 1 : vector<80x32xi32>, vector<80x96xi32> -> vector<80x128xi32>
    %add3A_29 = arith.addi %add3A_24, %concatenate3A_28 : vector<80x128xi32>
    %broadcast_in_dim3A_30 = arith.constant 0 : i32
    %broadcast_in_dim3A_31 = vector.broadcast %broadcast_in_dim3A_30 : i32 to vector<80x64xi32>
    %slice3A_32 = vector.extract_strided_slice %add3A_29 {offsets = [0, 0], sizes = [80, 64], strides = [1, 1]} : vector<80x128xi32> to vector<80x64xi32>
    %concatenate3A_33 = tpu.concatenate %broadcast_in_dim3A_31, %slice3A_32 in 1 : vector<80x64xi32>, vector<80x64xi32> -> vector<80x128xi32>
    %add3A_34 = arith.addi %add3A_29, %concatenate3A_33 : vector<80x128xi32>
    %slice3A_35 = vector.extract_strided_slice %add3A_34 {offsets = [0, 127], sizes = [80, 1], strides = [1, 1]} : vector<80x128xi32> to vector<80x1xi32>
    %broadcast_in_dim3A_36 = vector.shape_cast %slice3A_35 : vector<80x1xi32> to vector<80x1xi32>
    %broadcast_in_dim3A_37 = vector.broadcast %broadcast_in_dim3A_36 : vector<80x1xi32> to vector<80x128xi32>
    %broadcast_in_dim3A_38 = arith.constant 0 : i32
    %broadcast_in_dim3A_39 = vector.broadcast %broadcast_in_dim3A_38 : i32 to vector<1x128xi32>
    %slice3A_40 = vector.extract_strided_slice %broadcast_in_dim3A_37 {offsets = [0, 0], sizes = [79, 128], strides = [1, 1]} : vector<80x128xi32> to vector<79x128xi32>
    %concatenate3A_41 = tpu.concatenate %broadcast_in_dim3A_39, %slice3A_40 in 0 : vector<1x128xi32>, vector<79x128xi32> -> vector<80x128xi32>
    %add3A_42 = arith.addi %broadcast_in_dim3A_37, %concatenate3A_41 : vector<80x128xi32>
    %broadcast_in_dim3A_43 = arith.constant 0 : i32
    %broadcast_in_dim3A_44 = vector.broadcast %broadcast_in_dim3A_43 : i32 to vector<2x128xi32>
    %slice3A_45 = vector.extract_strided_slice %add3A_42 {offsets = [0, 0], sizes = [78, 128], strides = [1, 1]} : vector<80x128xi32> to vector<78x128xi32>
    %concatenate3A_46 = tpu.concatenate %broadcast_in_dim3A_44, %slice3A_45 in 0 : vector<2x128xi32>, vector<78x128xi32> -> vector<80x128xi32>
    %add3A_47 = arith.addi %add3A_42, %concatenate3A_46 : vector<80x128xi32>
    %broadcast_in_dim3A_48 = arith.constant 0 : i32
    %broadcast_in_dim3A_49 = vector.broadcast %broadcast_in_dim3A_48 : i32 to vector<4x128xi32>
    %slice3A_50 = vector.extract_strided_slice %add3A_47 {offsets = [0, 0], sizes = [76, 128], strides = [1, 1]} : vector<80x128xi32> to vector<76x128xi32>
    %concatenate3A_51 = tpu.concatenate %broadcast_in_dim3A_49, %slice3A_50 in 0 : vector<4x128xi32>, vector<76x128xi32> -> vector<80x128xi32>
    %add3A_52 = arith.addi %add3A_47, %concatenate3A_51 : vector<80x128xi32>
    %broadcast_in_dim3A_53 = arith.constant 0 : i32
    %broadcast_in_dim3A_54 = vector.broadcast %broadcast_in_dim3A_53 : i32 to vector<8x128xi32>
    %slice3A_55 = vector.extract_strided_slice %add3A_52 {offsets = [0, 0], sizes = [72, 128], strides = [1, 1]} : vector<80x128xi32> to vector<72x128xi32>
    %concatenate3A_56 = tpu.concatenate %broadcast_in_dim3A_54, %slice3A_55 in 0 : vector<8x128xi32>, vector<72x128xi32> -> vector<80x128xi32>
    %add3A_57 = arith.addi %add3A_52, %concatenate3A_56 : vector<80x128xi32>
    %broadcast_in_dim3A_58 = arith.constant 0 : i32
    %broadcast_in_dim3A_59 = vector.broadcast %broadcast_in_dim3A_58 : i32 to vector<16x128xi32>
    %slice3A_60 = vector.extract_strided_slice %add3A_57 {offsets = [0, 0], sizes = [64, 128], strides = [1, 1]} : vector<80x128xi32> to vector<64x128xi32>
    %concatenate3A_61 = tpu.concatenate %broadcast_in_dim3A_59, %slice3A_60 in 0 : vector<16x128xi32>, vector<64x128xi32> -> vector<80x128xi32>
    %add3A_62 = arith.addi %add3A_57, %concatenate3A_61 : vector<80x128xi32>
    %broadcast_in_dim3A_63 = arith.constant 0 : i32
    %broadcast_in_dim3A_64 = vector.broadcast %broadcast_in_dim3A_63 : i32 to vector<32x128xi32>
    %slice3A_65 = vector.extract_strided_slice %add3A_62 {offsets = [0, 0], sizes = [48, 128], strides = [1, 1]} : vector<80x128xi32> to vector<48x128xi32>
    %concatenate3A_66 = tpu.concatenate %broadcast_in_dim3A_64, %slice3A_65 in 0 : vector<32x128xi32>, vector<48x128xi32> -> vector<80x128xi32>
    %add3A_67 = arith.addi %add3A_62, %concatenate3A_66 : vector<80x128xi32>
    %broadcast_in_dim3A_68 = arith.constant 0 : i32
    %broadcast_in_dim3A_69 = vector.broadcast %broadcast_in_dim3A_68 : i32 to vector<64x128xi32>
    %slice3A_70 = vector.extract_strided_slice %add3A_67 {offsets = [0, 0], sizes = [16, 128], strides = [1, 1]} : vector<80x128xi32> to vector<16x128xi32>
    %concatenate3A_71 = tpu.concatenate %broadcast_in_dim3A_69, %slice3A_70 in 0 : vector<64x128xi32>, vector<16x128xi32> -> vector<80x128xi32>
    %add3A_72 = arith.addi %add3A_67, %concatenate3A_71 : vector<80x128xi32>
    %sub3A = arith.subi %add3A_72, %broadcast_in_dim3A_37 : vector<80x128xi32>
    %add3A_73 = arith.addi %sub3A, %add3A_34 : vector<80x128xi32>
    %sub3A_74 = arith.subi %add3A_73, %reduce_sum3A_3 : vector<80x128xi32>
    %swap3A = arith.constant 0 : index
    %swap3A_75 = arith.constant 0 : index
    %swap3A_76 = vector.load %arg1[%swap3A, %swap3A_75] : memref<80x128xi32, #tpu.memory_space<vmem>>, vector<80x128xi32>
    tpu.vector_store %arg1[%swap3A, %swap3A_75], %reduce_sum3A_3 {strides = array<i32>} : memref<80x128xi32, #tpu.memory_space<vmem>>, vector<80x128xi32>,
    %swap3A_77 = arith.constant 0 : index
    %swap3A_78 = arith.constant 0 : index
    %swap3A_79 = vector.load %arg2[%swap3A_77, %swap3A_78] : memref<80x128xi32, #tpu.memory_space<vmem>>, vector<80x128xi32>
    tpu.vector_store %arg2[%swap3A_77, %swap3A_78], %sub3A_74 {strides = array<i32>} : memref<80x128xi32, #tpu.memory_space<vmem>>, vector<80x128xi32>,
    %broadcast_in_dim3A_80 = arith.constant 0 : i32
    %broadcast_in_dim3A_81 = vector.broadcast %broadcast_in_dim3A_80 : i32 to vector<80x128xi32>
    %swap3A_82 = arith.constant 0 : index
    %swap3A_83 = arith.constant 0 : index
    %swap3A_84 = arith.constant 0 : index
    %swap3A_85 = vector.load %arg3[%swap3A_82, %swap3A_83, %swap3A_84] : memref<32x80x128xi32, #tpu.memory_space<vmem>>, vector<1x80x128xi32>
    %swap3A_86 = vector.shape_cast %swap3A_85 : vector<1x80x128xi32> to vector<80x128xi32>
    %swap3A_87 = vector.shape_cast %broadcast_in_dim3A_81 : vector<80x128xi32> to vector<1x80x128xi32>
    tpu.vector_store %arg3[%swap3A_82, %swap3A_83, %swap3A_84], %swap3A_87 {strides = array<i32>} : memref<32x80x128xi32, #tpu.memory_space<vmem>>, vector<1x80x128xi32>,
    %slice3A_88 = vector.extract_strided_slice %get3A_2 {offsets = [0, 0, 0], sizes = [1, 80, 128], strides = [1, 1, 1]} : vector<32x80x128xi32> to vector<1x80x128xi32>
    %squeeze3A = vector.shape_cast %slice3A_88 : vector<1x80x128xi32> to vector<80x128xi32>
    %add3A_89 = arith.addi %broadcast_in_dim3A_81, %squeeze3A : vector<80x128xi32>
    %swap3A_90 = arith.constant 1 : index
    %swap3A_91 = arith.constant 0 : index
    %swap3A_92 = arith.constant 0 : index
    %swap3A_93 = vector.load %arg3[%swap3A_90, %swap3A_91, %swap3A_92] : memref<32x80x128xi32, #tpu.memory_space<vmem>>, vector<1x80x128xi32>
    %swap3A_94 = vector.shape_cast %swap3A_93 : vector<1x80x128xi32> to vector<80x128xi32>
    %swap3A_95 = vector.shape_cast %add3A_89 : vector<80x128xi32> to vector<1x80x128xi32>
    tpu.vector_store %arg3[%swap3A_90, %swap3A_91, %swap3A_92], %swap3A_95 {strides = array<i32>} : memref<32x80x128xi32, #tpu.memory_space<vmem>>, vector<1x80x128xi32>,
    %slice3A_96 = vector.extract_strided_slice %get3A_2 {offsets = [1, 0, 0], sizes = [1, 80, 128], strides = [1, 1, 1]} : vector<32x80x128xi32> to vector<1x80x128xi32>
    %squeeze3A_97 = vector.shape_cast %slice3A_96 : vector<1x80x128xi32> to vector<80x128xi32>
    %add3A_98 = arith.addi %add3A_89, %squeeze3A_97 : vector<80x128xi32>
    %swap3A_99 = arith.constant 2 : index
    %swap3A_100 = arith.constant 0 : index
    %swap3A_101 = arith.constant 0 : index
    %swap3A_102 = vector.load %arg3[%swap3A_99, %swap3A_100, %swap3A_101] : memref<32x80x128xi32, #tpu.memory_space<vmem>>, vector<1x80x128xi32>
    %swap3A_103 = vector.shape_cast %swap3A_102 : vector<1x80x128xi32> to vector<80x128xi32>
    %swap3A_104 = vector.shape_cast %add3A_98 : vector<80x128xi32> to vector<1x80x128xi32>
    tpu.vector_store %arg3[%swap3A_99, %swap3A_100, %swap3A_101], %swap3A_104 {strides = array<i32>} : memref<32x80x128xi32, #tpu.memory_space<vmem>>, vector<1x80x128xi32>,
    %slice3A_105 = vector.extract_strided_slice %get3A_2 {offsets = [2, 0, 0], sizes = [1, 80, 128], strides = [1, 1, 1]} : vector<32x80x128xi32> to vector<1x80x128xi32>
    %squeeze3A_106 = vector.shape_cast %slice3A_105 : vector<1x80x128xi32> to vector<80x128xi32>
    %add3A_107 = arith.addi %add3A_98, %squeeze3A_106 : vector<80x128xi32>
    %swap3A_108 = arith.constant 3 : index
    %swap3A_109 = arith.constant 0 : index
    %swap3A_110 = arith.constant 0 : index
    %swap3A_111 = vector.load %arg3[%swap3A_108, %swap3A_109, %swap3A_110] : memref<32x80x128xi32, #tpu.memory_space<vmem>>, vector<1x80x128xi32>
    %swap3A_112 = vector.shape_cast %swap3A_111 : vector<1x80x128xi32> to vector<80x128xi32>
    %swap3A_113 = vector.shape_cast %add3A_107 : vector<80x128xi32> to vector<1x80x128xi32>
    tpu.vector_store %arg3[%swap3A_108, %swap3A_109, %swap3A_110], %swap3A_113 {strides = array<i32>} : memref<32x80x128xi32, #tpu.memory_space<vmem>>, vector<1x80x128xi32>,
    %slice3A_114 = vector.extract_strided_slice %get3A_2 {offsets = [3, 0, 0], sizes = [1, 80, 128], strides = [1, 1, 1]} : vector<32x80x128xi32> to vector<1x80x128xi32>
    %squeeze3A_115 = vector.shape_cast %slice3A_114 : vector<1x80x128xi32> to vector<80x128xi32>
    %add3A_116 = arith.addi %add3A_107, %squeeze3A_115 : vector<80x128xi32>
    %swap3A_117 = arith.constant 4 : index
    %swap3A_118 = arith.constant 0 : index
    %swap3A_119 = arith.constant 0 : index
    %swap3A_120 = vector.load %arg3[%swap3A_117, %swap3A_118, %swap3A_119] : memref<32x80x128xi32, #tpu.memory_space<vmem>>, vector<1x80x128xi32>
    %swap3A_121 = vector.shape_cast %swap3A_120 : vector<1x80x128xi32> to vector<80x128xi32>
    %swap3A_122 = vector.shape_cast %add3A_116 : vector<80x128xi32> to vector<1x80x128xi32>
    tpu.vector_store %arg3[%swap3A_117, %swap3A_118, %swap3A_119], %swap3A_122 {strides = array<i32>} : memref<32x80x128xi32, #tpu.memory_space<vmem>>, vector<1x80x128xi32>,
    %slice3A_123 = vector.extract_strided_slice %get3A_2 {offsets = [4, 0, 0], sizes = [1, 80, 128], strides = [1, 1, 1]} : vector<32x80x128xi32> to vector<1x80x128xi32>
    %squeeze3A_124 = vector.shape_cast %slice3A_123 : vector<1x80x128xi32> to vector<80x128xi32>
    %add3A_125 = arith.addi %add3A_116, %squeeze3A_124 : vector<80x128xi32>
    %swap3A_126 = arith.constant 5 : index
    %swap3A_127 = arith.constant 0 : index
    %swap3A_128 = arith.constant 0 : index
    %swap3A_129 = vector.load %arg3[%swap3A_126, %swap3A_127, %swap3A_128] : memref<32x80x128xi32, #tpu.memory_space<vmem>>, vector<1x80x128xi32>
    %swap3A_130 = vector.shape_cast %swap3A_129 : vector<1x80x128xi32> to vector<80x128xi32>
    %swap3A_131 = vector.shape_cast %add3A_125 : vector<80x128xi32> to vector<1x80x128xi32>
    tpu.vector_store %arg3[%swap3A_126, %swap3A_127, %swap3A_128], %swap3A_131 {strides = array<i32>} : memref<32x80x128xi32, #tpu.memory_space<vmem>>, vector<1x80x128xi32>,
    %slice3A_132 = vector.extract_strided_slice %get3A_2 {offsets = [5, 0, 0], sizes = [1, 80, 128], strides = [1, 1, 1]} : vector<32x80x128xi32> to vector<1x80x128xi32>
    %squeeze3A_133 = vector.shape_cast %slice3A_132 : vector<1x80x128xi32> to vector<80x128xi32>
    %add3A_134 = arith.addi %add3A_125, %squeeze3A_133 : vector<80x128xi32>
    %swap3A_135 = arith.constant 6 : index
    %swap3A_136 = arith.constant 0 : index
    %swap3A_137 = arith.constant 0 : index
    %swap3A_138 = vector.load %arg3[%swap3A_135, %swap3A_136, %swap3A_137] : memref<32x80x128xi32, #tpu.memory_space<vmem>>, vector<1x80x128xi32>
    %swap3A_139 = vector.shape_cast %swap3A_138 : vector<1x80x128xi32> to vector<80x128xi32>
    %swap3A_140 = vector.shape_cast %add3A_134 : vector<80x128xi32> to vector<1x80x128xi32>
    tpu.vector_store %arg3[%swap3A_135, %swap3A_136, %swap3A_137], %swap3A_140 {strides = array<i32>} : memref<32x80x128xi32, #tpu.memory_space<vmem>>, vector<1x80x128xi32>,
    %slice3A_141 = vector.extract_strided_slice %get3A_2 {offsets = [6, 0, 0], sizes = [1, 80, 128], strides = [1, 1, 1]} : vector<32x80x128xi32> to vector<1x80x128xi32>
    %squeeze3A_142 = vector.shape_cast %slice3A_141 : vector<1x80x128xi32> to vector<80x128xi32>
    %add3A_143 = arith.addi %add3A_134, %squeeze3A_142 : vector<80x128xi32>
    %swap3A_144 = arith.constant 7 : index
    %swap3A_145 = arith.constant 0 : index
    %swap3A_146 = arith.constant 0 : index
    %swap3A_147 = vector.load %arg3[%swap3A_144, %swap3A_145, %swap3A_146] : memref<32x80x128xi32, #tpu.memory_space<vmem>>, vector<1x80x128xi32>
    %swap3A_148 = vector.shape_cast %swap3A_147 : vector<1x80x128xi32> to vector<80x128xi32>
    %swap3A_149 = vector.shape_cast %add3A_143 : vector<80x128xi32> to vector<1x80x128xi32>
    tpu.vector_store %arg3[%swap3A_144, %swap3A_145, %swap3A_146], %swap3A_149 {strides = array<i32>} : memref<32x80x128xi32, #tpu.memory_space<vmem>>, vector<1x80x128xi32>,
    %slice3A_150 = vector.extract_strided_slice %get3A_2 {offsets = [7, 0, 0], sizes = [1, 80, 128], strides = [1, 1, 1]} : vector<32x80x128xi32> to vector<1x80x128xi32>
    %squeeze3A_151 = vector.shape_cast %slice3A_150 : vector<1x80x128xi32> to vector<80x128xi32>
    %add3A_152 = arith.addi %add3A_143, %squeeze3A_151 : vector<80x128xi32>
    %swap3A_153 = arith.constant 8 : index
    %swap3A_154 = arith.constant 0 : index
    %swap3A_155 = arith.constant 0 : index
    %swap3A_156 = vector.load %arg3[%swap3A_153, %swap3A_154, %swap3A_155] : memref<32x80x128xi32, #tpu.memory_space<vmem>>, vector<1x80x128xi32>
    %swap3A_157 = vector.shape_cast %swap3A_156 : vector<1x80x128xi32> to vector<80x128xi32>
    %swap3A_158 = vector.shape_cast %add3A_152 : vector<80x128xi32> to vector<1x80x128xi32>
    tpu.vector_store %arg3[%swap3A_153, %swap3A_154, %swap3A_155], %swap3A_158 {strides = array<i32>} : memref<32x80x128xi32, #tpu.memory_space<vmem>>, vector<1x80x128xi32>,
    %slice3A_159 = vector.extract_strided_slice %get3A_2 {offsets = [8, 0, 0], sizes = [1, 80, 128], strides = [1, 1, 1]} : vector<32x80x128xi32> to vector<1x80x128xi32>
    %squeeze3A_160 = vector.shape_cast %slice3A_159 : vector<1x80x128xi32> to vector<80x128xi32>
    %add3A_161 = arith.addi %add3A_152, %squeeze3A_160 : vector<80x128xi32>
    %swap3A_162 = arith.constant 9 : index
    %swap3A_163 = arith.constant 0 : index
    %swap3A_164 = arith.constant 0 : index
    %swap3A_165 = vector.load %arg3[%swap3A_162, %swap3A_163, %swap3A_164] : memref<32x80x128xi32, #tpu.memory_space<vmem>>, vector<1x80x128xi32>
    %swap3A_166 = vector.shape_cast %swap3A_165 : vector<1x80x128xi32> to vector<80x128xi32>
    %swap3A_167 = vector.shape_cast %add3A_161 : vector<80x128xi32> to vector<1x80x128xi32>
    tpu.vector_store %arg3[%swap3A_162, %swap3A_163, %swap3A_164], %swap3A_167 {strides = array<i32>} : memref<32x80x128xi32, #tpu.memory_space<vmem>>, vector<1x80x128xi32>,
    %slice3A_168 = vector.extract_strided_slice %get3A_2 {offsets = [9, 0, 0], sizes = [1, 80, 128], strides = [1, 1, 1]} : vector<32x80x128xi32> to vector<1x80x128xi32>
    %squeeze3A_169 = vector.shape_cast %slice3A_168 : vector<1x80x128xi32> to vector<80x128xi32>
    %add3A_170 = arith.addi %add3A_161, %squeeze3A_169 : vector<80x128xi32>
    %swap3A_171 = arith.constant 10 : index
    %swap3A_172 = arith.constant 0 : index
    %swap3A_173 = arith.constant 0 : index
    %swap3A_174 = vector.load %arg3[%swap3A_171, %swap3A_172, %swap3A_173] : memref<32x80x128xi32, #tpu.memory_space<vmem>>, vector<1x80x128xi32>
    %swap3A_175 = vector.shape_cast %swap3A_174 : vector<1x80x128xi32> to vector<80x128xi32>
    %swap3A_176 = vector.shape_cast %add3A_170 : vector<80x128xi32> to vector<1x80x128xi32>
    tpu.vector_store %arg3[%swap3A_171, %swap3A_172, %swap3A_173], %swap3A_176 {strides = array<i32>} : memref<32x80x128xi32, #tpu.memory_space<vmem>>, vector<1x80x128xi32>,
    %slice3A_177 = vector.extract_strided_slice %get3A_2 {offsets = [10, 0, 0], sizes = [1, 80, 128], strides = [1, 1, 1]} : vector<32x80x128xi32> to vector<1x80x128xi32>
    %squeeze3A_178 = vector.shape_cast %slice3A_177 : vector<1x80x128xi32> to vector<80x128xi32>
    %add3A_179 = arith.addi %add3A_170, %squeeze3A_178 : vector<80x128xi32>
    %swap3A_180 = arith.constant 11 : index
    %swap3A_181 = arith.constant 0 : index
    %swap3A_182 = arith.constant 0 : index
    %swap3A_183 = vector.load %arg3[%swap3A_180, %swap3A_181, %swap3A_182] : memref<32x80x128xi32, #tpu.memory_space<vmem>>, vector<1x80x128xi32>
    %swap3A_184 = vector.shape_cast %swap3A_183 : vector<1x80x128xi32> to vector<80x128xi32>
    %swap3A_185 = vector.shape_cast %add3A_179 : vector<80x128xi32> to vector<1x80x128xi32>
    tpu.vector_store %arg3[%swap3A_180, %swap3A_181, %swap3A_182], %swap3A_185 {strides = array<i32>} : memref<32x80x128xi32, #tpu.memory_space<vmem>>, vector<1x80x128xi32>,
    %slice3A_186 = vector.extract_strided_slice %get3A_2 {offsets = [11, 0, 0], sizes = [1, 80, 128], strides = [1, 1, 1]} : vector<32x80x128xi32> to vector<1x80x128xi32>
    %squeeze3A_187 = vector.shape_cast %slice3A_186 : vector<1x80x128xi32> to vector<80x128xi32>
    %add3A_188 = arith.addi %add3A_179, %squeeze3A_187 : vector<80x128xi32>
    %swap3A_189 = arith.constant 12 : index
    %swap3A_190 = arith.constant 0 : index
    %swap3A_191 = arith.constant 0 : index
    %swap3A_192 = vector.load %arg3[%swap3A_189, %swap3A_190, %swap3A_191] : memref<32x80x128xi32, #tpu.memory_space<vmem>>, vector<1x80x128xi32>
    %swap3A_193 = vector.shape_cast %swap3A_192 : vector<1x80x128xi32> to vector<80x128xi32>
    %swap3A_194 = vector.shape_cast %add3A_188 : vector<80x128xi32> to vector<1x80x128xi32>
    tpu.vector_store %arg3[%swap3A_189, %swap3A_190, %swap3A_191], %swap3A_194 {strides = array<i32>} : memref<32x80x128xi32, #tpu.memory_space<vmem>>, vector<1x80x128xi32>,
    %slice3A_195 = vector.extract_strided_slice %get3A_2 {offsets = [12, 0, 0], sizes = [1, 80, 128], strides = [1, 1, 1]} : vector<32x80x128xi32> to vector<1x80x128xi32>
    %squeeze3A_196 = vector.shape_cast %slice3A_195 : vector<1x80x128xi32> to vector<80x128xi32>
    %add3A_197 = arith.addi %add3A_188, %squeeze3A_196 : vector<80x128xi32>
    %swap3A_198 = arith.constant 13 : index
    %swap3A_199 = arith.constant 0 : index
    %swap3A_200 = arith.constant 0 : index
    %swap3A_201 = vector.load %arg3[%swap3A_198, %swap3A_199, %swap3A_200] : memref<32x80x128xi32, #tpu.memory_space<vmem>>, vector<1x80x128xi32>
    %swap3A_202 = vector.shape_cast %swap3A_201 : vector<1x80x128xi32> to vector<80x128xi32>
    %swap3A_203 = vector.shape_cast %add3A_197 : vector<80x128xi32> to vector<1x80x128xi32>
    tpu.vector_store %arg3[%swap3A_198, %swap3A_199, %swap3A_200], %swap3A_203 {strides = array<i32>} : memref<32x80x128xi32, #tpu.memory_space<vmem>>, vector<1x80x128xi32>,
    %slice3A_204 = vector.extract_strided_slice %get3A_2 {offsets = [13, 0, 0], sizes = [1, 80, 128], strides = [1, 1, 1]} : vector<32x80x128xi32> to vector<1x80x128xi32>
    %squeeze3A_205 = vector.shape_cast %slice3A_204 : vector<1x80x128xi32> to vector<80x128xi32>
    %add3A_206 = arith.addi %add3A_197, %squeeze3A_205 : vector<80x128xi32>
    %swap3A_207 = arith.constant 14 : index
    %swap3A_208 = arith.constant 0 : index
    %swap3A_209 = arith.constant 0 : index
    %swap3A_210 = vector.load %arg3[%swap3A_207, %swap3A_208, %swap3A_209] : memref<32x80x128xi32, #tpu.memory_space<vmem>>, vector<1x80x128xi32>
    %swap3A_211 = vector.shape_cast %swap3A_210 : vector<1x80x128xi32> to vector<80x128xi32>
    %swap3A_212 = vector.shape_cast %add3A_206 : vector<80x128xi32> to vector<1x80x128xi32>
    tpu.vector_store %arg3[%swap3A_207, %swap3A_208, %swap3A_209], %swap3A_212 {strides = array<i32>} : memref<32x80x128xi32, #tpu.memory_space<vmem>>, vector<1x80x128xi32>,
    %slice3A_213 = vector.extract_strided_slice %get3A_2 {offsets = [14, 0, 0], sizes = [1, 80, 128], strides = [1, 1, 1]} : vector<32x80x128xi32> to vector<1x80x128xi32>
    %squeeze3A_214 = vector.shape_cast %slice3A_213 : vector<1x80x128xi32> to vector<80x128xi32>
    %add3A_215 = arith.addi %add3A_206, %squeeze3A_214 : vector<80x128xi32>
    %swap3A_216 = arith.constant 15 : index
    %swap3A_217 = arith.constant 0 : index
    %swap3A_218 = arith.constant 0 : index
    %swap3A_219 = vector.load %arg3[%swap3A_216, %swap3A_217, %swap3A_218] : memref<32x80x128xi32, #tpu.memory_space<vmem>>, vector<1x80x128xi32>
    %swap3A_220 = vector.shape_cast %swap3A_219 : vector<1x80x128xi32> to vector<80x128xi32>
    %swap3A_221 = vector.shape_cast %add3A_215 : vector<80x128xi32> to vector<1x80x128xi32>
    tpu.vector_store %arg3[%swap3A_216, %swap3A_217, %swap3A_218], %swap3A_221 {strides = array<i32>} : memref<32x80x128xi32, #tpu.memory_space<vmem>>, vector<1x80x128xi32>,
    %slice3A_222 = vector.extract_strided_slice %get3A_2 {offsets = [15, 0, 0], sizes = [1, 80, 128], strides = [1, 1, 1]} : vector<32x80x128xi32> to vector<1x80x128xi32>
    %squeeze3A_223 = vector.shape_cast %slice3A_222 : vector<1x80x128xi32> to vector<80x128xi32>
    %add3A_224 = arith.addi %add3A_215, %squeeze3A_223 : vector<80x128xi32>
    %swap3A_225 = arith.constant 16 : index
    %swap3A_226 = arith.constant 0 : index
    %swap3A_227 = arith.constant 0 : index
    %swap3A_228 = vector.load %arg3[%swap3A_225, %swap3A_226, %swap3A_227] : memref<32x80x128xi32, #tpu.memory_space<vmem>>, vector<1x80x128xi32>
    %swap3A_229 = vector.shape_cast %swap3A_228 : vector<1x80x128xi32> to vector<80x128xi32>
    %swap3A_230 = vector.shape_cast %add3A_224 : vector<80x128xi32> to vector<1x80x128xi32>
    tpu.vector_store %arg3[%swap3A_225, %swap3A_226, %swap3A_227], %swap3A_230 {strides = array<i32>} : memref<32x80x128xi32, #tpu.memory_space<vmem>>, vector<1x80x128xi32>,
    %slice3A_231 = vector.extract_strided_slice %get3A_2 {offsets = [16, 0, 0], sizes = [1, 80, 128], strides = [1, 1, 1]} : vector<32x80x128xi32> to vector<1x80x128xi32>
    %squeeze3A_232 = vector.shape_cast %slice3A_231 : vector<1x80x128xi32> to vector<80x128xi32>
    %add3A_233 = arith.addi %add3A_224, %squeeze3A_232 : vector<80x128xi32>
    %swap3A_234 = arith.constant 17 : index
    %swap3A_235 = arith.constant 0 : index
    %swap3A_236 = arith.constant 0 : index
    %swap3A_237 = vector.load %arg3[%swap3A_234, %swap3A_235, %swap3A_236] : memref<32x80x128xi32, #tpu.memory_space<vmem>>, vector<1x80x128xi32>
    %swap3A_238 = vector.shape_cast %swap3A_237 : vector<1x80x128xi32> to vector<80x128xi32>
    %swap3A_239 = vector.shape_cast %add3A_233 : vector<80x128xi32> to vector<1x80x128xi32>
    tpu.vector_store %arg3[%swap3A_234, %swap3A_235, %swap3A_236], %swap3A_239 {strides = array<i32>} : memref<32x80x128xi32, #tpu.memory_space<vmem>>, vector<1x80x128xi32>,
    %slice3A_240 = vector.extract_strided_slice %get3A_2 {offsets = [17, 0, 0], sizes = [1, 80, 128], strides = [1, 1, 1]} : vector<32x80x128xi32> to vector<1x80x128xi32>
    %squeeze3A_241 = vector.shape_cast %slice3A_240 : vector<1x80x128xi32> to vector<80x128xi32>
    %add3A_242 = arith.addi %add3A_233, %squeeze3A_241 : vector<80x128xi32>
    %swap3A_243 = arith.constant 18 : index
    %swap3A_244 = arith.constant 0 : index
    %swap3A_245 = arith.constant 0 : index
    %swap3A_246 = vector.load %arg3[%swap3A_243, %swap3A_244, %swap3A_245] : memref<32x80x128xi32, #tpu.memory_space<vmem>>, vector<1x80x128xi32>
    %swap3A_247 = vector.shape_cast %swap3A_246 : vector<1x80x128xi32> to vector<80x128xi32>
    %swap3A_248 = vector.shape_cast %add3A_242 : vector<80x128xi32> to vector<1x80x128xi32>
    tpu.vector_store %arg3[%swap3A_243, %swap3A_244, %swap3A_245], %swap3A_248 {strides = array<i32>} : memref<32x80x128xi32, #tpu.memory_space<vmem>>, vector<1x80x128xi32>,
    %slice3A_249 = vector.extract_strided_slice %get3A_2 {offsets = [18, 0, 0], sizes = [1, 80, 128], strides = [1, 1, 1]} : vector<32x80x128xi32> to vector<1x80x128xi32>
    %squeeze3A_250 = vector.shape_cast %slice3A_249 : vector<1x80x128xi32> to vector<80x128xi32>
    %add3A_251 = arith.addi %add3A_242, %squeeze3A_250 : vector<80x128xi32>
    %swap3A_252 = arith.constant 19 : index
    %swap3A_253 = arith.constant 0 : index
    %swap3A_254 = arith.constant 0 : index
    %swap3A_255 = vector.load %arg3[%swap3A_252, %swap3A_253, %swap3A_254] : memref<32x80x128xi32, #tpu.memory_space<vmem>>, vector<1x80x128xi32>
    %swap3A_256 = vector.shape_cast %swap3A_255 : vector<1x80x128xi32> to vector<80x128xi32>
    %swap3A_257 = vector.shape_cast %add3A_251 : vector<80x128xi32> to vector<1x80x128xi32>
    tpu.vector_store %arg3[%swap3A_252, %swap3A_253, %swap3A_254], %swap3A_257 {strides = array<i32>} : memref<32x80x128xi32, #tpu.memory_space<vmem>>, vector<1x80x128xi32>,
    %slice3A_258 = vector.extract_strided_slice %get3A_2 {offsets = [19, 0, 0], sizes = [1, 80, 128], strides = [1, 1, 1]} : vector<32x80x128xi32> to vector<1x80x128xi32>
    %squeeze3A_259 = vector.shape_cast %slice3A_258 : vector<1x80x128xi32> to vector<80x128xi32>
    %add3A_260 = arith.addi %add3A_251, %squeeze3A_259 : vector<80x128xi32>
    %swap3A_261 = arith.constant 20 : index
    %swap3A_262 = arith.constant 0 : index
    %swap3A_263 = arith.constant 0 : index
    %swap3A_264 = vector.load %arg3[%swap3A_261, %swap3A_262, %swap3A_263] : memref<32x80x128xi32, #tpu.memory_space<vmem>>, vector<1x80x128xi32>
    %swap3A_265 = vector.shape_cast %swap3A_264 : vector<1x80x128xi32> to vector<80x128xi32>
    %swap3A_266 = vector.shape_cast %add3A_260 : vector<80x128xi32> to vector<1x80x128xi32>
    tpu.vector_store %arg3[%swap3A_261, %swap3A_262, %swap3A_263], %swap3A_266 {strides = array<i32>} : memref<32x80x128xi32, #tpu.memory_space<vmem>>, vector<1x80x128xi32>,
    %slice3A_267 = vector.extract_strided_slice %get3A_2 {offsets = [20, 0, 0], sizes = [1, 80, 128], strides = [1, 1, 1]} : vector<32x80x128xi32> to vector<1x80x128xi32>
    %squeeze3A_268 = vector.shape_cast %slice3A_267 : vector<1x80x128xi32> to vector<80x128xi32>
    %add3A_269 = arith.addi %add3A_260, %squeeze3A_268 : vector<80x128xi32>
    %swap3A_270 = arith.constant 21 : index
    %swap3A_271 = arith.constant 0 : index
    %swap3A_272 = arith.constant 0 : index
    %swap3A_273 = vector.load %arg3[%swap3A_270, %swap3A_271, %swap3A_272] : memref<32x80x128xi32, #tpu.memory_space<vmem>>, vector<1x80x128xi32>
    %swap3A_274 = vector.shape_cast %swap3A_273 : vector<1x80x128xi32> to vector<80x128xi32>
    %swap3A_275 = vector.shape_cast %add3A_269 : vector<80x128xi32> to vector<1x80x128xi32>
    tpu.vector_store %arg3[%swap3A_270, %swap3A_271, %swap3A_272], %swap3A_275 {strides = array<i32>} : memref<32x80x128xi32, #tpu.memory_space<vmem>>, vector<1x80x128xi32>,
    %slice3A_276 = vector.extract_strided_slice %get3A_2 {offsets = [21, 0, 0], sizes = [1, 80, 128], strides = [1, 1, 1]} : vector<32x80x128xi32> to vector<1x80x128xi32>
    %squeeze3A_277 = vector.shape_cast %slice3A_276 : vector<1x80x128xi32> to vector<80x128xi32>
    %add3A_278 = arith.addi %add3A_269, %squeeze3A_277 : vector<80x128xi32>
    %swap3A_279 = arith.constant 22 : index
    %swap3A_280 = arith.constant 0 : index
    %swap3A_281 = arith.constant 0 : index
    %swap3A_282 = vector.load %arg3[%swap3A_279, %swap3A_280, %swap3A_281] : memref<32x80x128xi32, #tpu.memory_space<vmem>>, vector<1x80x128xi32>
    %swap3A_283 = vector.shape_cast %swap3A_282 : vector<1x80x128xi32> to vector<80x128xi32>
    %swap3A_284 = vector.shape_cast %add3A_278 : vector<80x128xi32> to vector<1x80x128xi32>
    tpu.vector_store %arg3[%swap3A_279, %swap3A_280, %swap3A_281], %swap3A_284 {strides = array<i32>} : memref<32x80x128xi32, #tpu.memory_space<vmem>>, vector<1x80x128xi32>,
    %slice3A_285 = vector.extract_strided_slice %get3A_2 {offsets = [22, 0, 0], sizes = [1, 80, 128], strides = [1, 1, 1]} : vector<32x80x128xi32> to vector<1x80x128xi32>
    %squeeze3A_286 = vector.shape_cast %slice3A_285 : vector<1x80x128xi32> to vector<80x128xi32>
    %add3A_287 = arith.addi %add3A_278, %squeeze3A_286 : vector<80x128xi32>
    %swap3A_288 = arith.constant 23 : index
    %swap3A_289 = arith.constant 0 : index
    %swap3A_290 = arith.constant 0 : index
    %swap3A_291 = vector.load %arg3[%swap3A_288, %swap3A_289, %swap3A_290] : memref<32x80x128xi32, #tpu.memory_space<vmem>>, vector<1x80x128xi32>
    %swap3A_292 = vector.shape_cast %swap3A_291 : vector<1x80x128xi32> to vector<80x128xi32>
    %swap3A_293 = vector.shape_cast %add3A_287 : vector<80x128xi32> to vector<1x80x128xi32>
    tpu.vector_store %arg3[%swap3A_288, %swap3A_289, %swap3A_290], %swap3A_293 {strides = array<i32>} : memref<32x80x128xi32, #tpu.memory_space<vmem>>, vector<1x80x128xi32>,
    %slice3A_294 = vector.extract_strided_slice %get3A_2 {offsets = [23, 0, 0], sizes = [1, 80, 128], strides = [1, 1, 1]} : vector<32x80x128xi32> to vector<1x80x128xi32>
    %squeeze3A_295 = vector.shape_cast %slice3A_294 : vector<1x80x128xi32> to vector<80x128xi32>
    %add3A_296 = arith.addi %add3A_287, %squeeze3A_295 : vector<80x128xi32>
    %swap3A_297 = arith.constant 24 : index
    %swap3A_298 = arith.constant 0 : index
    %swap3A_299 = arith.constant 0 : index
    %swap3A_300 = vector.load %arg3[%swap3A_297, %swap3A_298, %swap3A_299] : memref<32x80x128xi32, #tpu.memory_space<vmem>>, vector<1x80x128xi32>
    %swap3A_301 = vector.shape_cast %swap3A_300 : vector<1x80x128xi32> to vector<80x128xi32>
    %swap3A_302 = vector.shape_cast %add3A_296 : vector<80x128xi32> to vector<1x80x128xi32>
    tpu.vector_store %arg3[%swap3A_297, %swap3A_298, %swap3A_299], %swap3A_302 {strides = array<i32>} : memref<32x80x128xi32, #tpu.memory_space<vmem>>, vector<1x80x128xi32>,
    %slice3A_303 = vector.extract_strided_slice %get3A_2 {offsets = [24, 0, 0], sizes = [1, 80, 128], strides = [1, 1, 1]} : vector<32x80x128xi32> to vector<1x80x128xi32>
    %squeeze3A_304 = vector.shape_cast %slice3A_303 : vector<1x80x128xi32> to vector<80x128xi32>
    %add3A_305 = arith.addi %add3A_296, %squeeze3A_304 : vector<80x128xi32>
    %swap3A_306 = arith.constant 25 : index
    %swap3A_307 = arith.constant 0 : index
    %swap3A_308 = arith.constant 0 : index
    %swap3A_309 = vector.load %arg3[%swap3A_306, %swap3A_307, %swap3A_308] : memref<32x80x128xi32, #tpu.memory_space<vmem>>, vector<1x80x128xi32>
    %swap3A_310 = vector.shape_cast %swap3A_309 : vector<1x80x128xi32> to vector<80x128xi32>
    %swap3A_311 = vector.shape_cast %add3A_305 : vector<80x128xi32> to vector<1x80x128xi32>
    tpu.vector_store %arg3[%swap3A_306, %swap3A_307, %swap3A_308], %swap3A_311 {strides = array<i32>} : memref<32x80x128xi32, #tpu.memory_space<vmem>>, vector<1x80x128xi32>,
    %slice3A_312 = vector.extract_strided_slice %get3A_2 {offsets = [25, 0, 0], sizes = [1, 80, 128], strides = [1, 1, 1]} : vector<32x80x128xi32> to vector<1x80x128xi32>
    %squeeze3A_313 = vector.shape_cast %slice3A_312 : vector<1x80x128xi32> to vector<80x128xi32>
    %add3A_314 = arith.addi %add3A_305, %squeeze3A_313 : vector<80x128xi32>
    %swap3A_315 = arith.constant 26 : index
    %swap3A_316 = arith.constant 0 : index
    %swap3A_317 = arith.constant 0 : index
    %swap3A_318 = vector.load %arg3[%swap3A_315, %swap3A_316, %swap3A_317] : memref<32x80x128xi32, #tpu.memory_space<vmem>>, vector<1x80x128xi32>
    %swap3A_319 = vector.shape_cast %swap3A_318 : vector<1x80x128xi32> to vector<80x128xi32>
    %swap3A_320 = vector.shape_cast %add3A_314 : vector<80x128xi32> to vector<1x80x128xi32>
    tpu.vector_store %arg3[%swap3A_315, %swap3A_316, %swap3A_317], %swap3A_320 {strides = array<i32>} : memref<32x80x128xi32, #tpu.memory_space<vmem>>, vector<1x80x128xi32>,
    %slice3A_321 = vector.extract_strided_slice %get3A_2 {offsets = [26, 0, 0], sizes = [1, 80, 128], strides = [1, 1, 1]} : vector<32x80x128xi32> to vector<1x80x128xi32>
    %squeeze3A_322 = vector.shape_cast %slice3A_321 : vector<1x80x128xi32> to vector<80x128xi32>
    %add3A_323 = arith.addi %add3A_314, %squeeze3A_322 : vector<80x128xi32>
    %swap3A_324 = arith.constant 27 : index
    %swap3A_325 = arith.constant 0 : index
    %swap3A_326 = arith.constant 0 : index
    %swap3A_327 = vector.load %arg3[%swap3A_324, %swap3A_325, %swap3A_326] : memref<32x80x128xi32, #tpu.memory_space<vmem>>, vector<1x80x128xi32>
    %swap3A_328 = vector.shape_cast %swap3A_327 : vector<1x80x128xi32> to vector<80x128xi32>
    %swap3A_329 = vector.shape_cast %add3A_323 : vector<80x128xi32> to vector<1x80x128xi32>
    tpu.vector_store %arg3[%swap3A_324, %swap3A_325, %swap3A_326], %swap3A_329 {strides = array<i32>} : memref<32x80x128xi32, #tpu.memory_space<vmem>>, vector<1x80x128xi32>,
    %slice3A_330 = vector.extract_strided_slice %get3A_2 {offsets = [27, 0, 0], sizes = [1, 80, 128], strides = [1, 1, 1]} : vector<32x80x128xi32> to vector<1x80x128xi32>
    %squeeze3A_331 = vector.shape_cast %slice3A_330 : vector<1x80x128xi32> to vector<80x128xi32>
    %add3A_332 = arith.addi %add3A_323, %squeeze3A_331 : vector<80x128xi32>
    %swap3A_333 = arith.constant 28 : index
    %swap3A_334 = arith.constant 0 : index
    %swap3A_335 = arith.constant 0 : index
    %swap3A_336 = vector.load %arg3[%swap3A_333, %swap3A_334, %swap3A_335] : memref<32x80x128xi32, #tpu.memory_space<vmem>>, vector<1x80x128xi32>
    %swap3A_337 = vector.shape_cast %swap3A_336 : vector<1x80x128xi32> to vector<80x128xi32>
    %swap3A_338 = vector.shape_cast %add3A_332 : vector<80x128xi32> to vector<1x80x128xi32>
    tpu.vector_store %arg3[%swap3A_333, %swap3A_334, %swap3A_335], %swap3A_338 {strides = array<i32>} : memref<32x80x128xi32, #tpu.memory_space<vmem>>, vector<1x80x128xi32>,
    %slice3A_339 = vector.extract_strided_slice %get3A_2 {offsets = [28, 0, 0], sizes = [1, 80, 128], strides = [1, 1, 1]} : vector<32x80x128xi32> to vector<1x80x128xi32>
    %squeeze3A_340 = vector.shape_cast %slice3A_339 : vector<1x80x128xi32> to vector<80x128xi32>
    %add3A_341 = arith.addi %add3A_332, %squeeze3A_340 : vector<80x128xi32>
    %swap3A_342 = arith.constant 29 : index
    %swap3A_343 = arith.constant 0 : index
    %swap3A_344 = arith.constant 0 : index
    %swap3A_345 = vector.load %arg3[%swap3A_342, %swap3A_343, %swap3A_344] : memref<32x80x128xi32, #tpu.memory_space<vmem>>, vector<1x80x128xi32>
    %swap3A_346 = vector.shape_cast %swap3A_345 : vector<1x80x128xi32> to vector<80x128xi32>
    %swap3A_347 = vector.shape_cast %add3A_341 : vector<80x128xi32> to vector<1x80x128xi32>
    tpu.vector_store %arg3[%swap3A_342, %swap3A_343, %swap3A_344], %swap3A_347 {strides = array<i32>} : memref<32x80x128xi32, #tpu.memory_space<vmem>>, vector<1x80x128xi32>,
    %slice3A_348 = vector.extract_strided_slice %get3A_2 {offsets = [29, 0, 0], sizes = [1, 80, 128], strides = [1, 1, 1]} : vector<32x80x128xi32> to vector<1x80x128xi32>
    %squeeze3A_349 = vector.shape_cast %slice3A_348 : vector<1x80x128xi32> to vector<80x128xi32>
    %add3A_350 = arith.addi %add3A_341, %squeeze3A_349 : vector<80x128xi32>
    %swap3A_351 = arith.constant 30 : index
    %swap3A_352 = arith.constant 0 : index
    %swap3A_353 = arith.constant 0 : index
    %swap3A_354 = vector.load %arg3[%swap3A_351, %swap3A_352, %swap3A_353] : memref<32x80x128xi32, #tpu.memory_space<vmem>>, vector<1x80x128xi32>
    %swap3A_355 = vector.shape_cast %swap3A_354 : vector<1x80x128xi32> to vector<80x128xi32>
    %swap3A_356 = vector.shape_cast %add3A_350 : vector<80x128xi32> to vector<1x80x128xi32>
    tpu.vector_store %arg3[%swap3A_351, %swap3A_352, %swap3A_353], %swap3A_356 {strides = array<i32>} : memref<32x80x128xi32, #tpu.memory_space<vmem>>, vector<1x80x128xi32>,
    %slice3A_357 = vector.extract_strided_slice %get3A_2 {offsets = [30, 0, 0], sizes = [1, 80, 128], strides = [1, 1, 1]} : vector<32x80x128xi32> to vector<1x80x128xi32>
    %squeeze3A_358 = vector.shape_cast %slice3A_357 : vector<1x80x128xi32> to vector<80x128xi32>
    %add3A_359 = arith.addi %add3A_350, %squeeze3A_358 : vector<80x128xi32>
    %swap3A_360 = arith.constant 31 : index
    %swap3A_361 = arith.constant 0 : index
    %swap3A_362 = arith.constant 0 : index
    %swap3A_363 = vector.load %arg3[%swap3A_360, %swap3A_361, %swap3A_362] : memref<32x80x128xi32, #tpu.memory_space<vmem>>, vector<1x80x128xi32>
    %swap3A_364 = vector.shape_cast %swap3A_363 : vector<1x80x128xi32> to vector<80x128xi32>
    %swap3A_365 = vector.shape_cast %add3A_359 : vector<80x128xi32> to vector<1x80x128xi32>
    tpu.vector_store %arg3[%swap3A_360, %swap3A_361, %swap3A_362], %swap3A_365 {strides = array<i32>} : memref<32x80x128xi32, #tpu.memory_space<vmem>>, vector<1x80x128xi32>,
    %iota3A = tpu.iota {dimensions = array<i32: 0>} : vector<80x128xi32>
    %mul3A = arith.constant 128 : i32
    %mul3A_366 = vector.broadcast %mul3A : i32 to vector<80x128xi32>
    %mul3A_367 = arith.muli %iota3A, %mul3A_366 : vector<80x128xi32>
    %iota3A_368 = tpu.iota {dimensions = array<i32: 1>} : vector<80x128xi32>
    %add3A_369 = arith.addi %mul3A_367, %iota3A_368 : vector<80x128xi32>
    %ge3A = arith.constant 0 : i32
    %ge3A_370 = vector.broadcast %ge3A : i32 to vector<80x128xi32>
    %ge3A_371 = arith.cmpi sge, %add3A_369, %ge3A_370 : vector<80x128xi32>
    %lt3A = arith.constant 2000 : i32
    %lt3A_372 = vector.broadcast %lt3A : i32 to vector<80x128xi32>
    %lt3A_373 = arith.cmpi slt, %add3A_369, %lt3A_372 : vector<80x128xi32>
    %and3A = arith.andi %ge3A_371, %lt3A_373 : vector<80x128xi1>
    %jit3A = arith.constant 0 : i32
    %broadcast_in_dim3A_374 = vector.broadcast %jit3A : i32 to vector<80x128xi32>
    %select_n3A = arith.select %and3A, %reduce_sum3A_3, %broadcast_in_dim3A_374 : vector<80x128xi1>, vector<80x128xi32>
    %reduce_max3A = vector.shape_cast %select_n3A : vector<80x128xi32> to vector<1x80x128xi32>
    %reduce_max3A_375 = arith.constant dense<-2147483648> : vector<1xi32>
    %reduce_max3A_376 = vector.multi_reduction <maxsi>, %reduce_max3A, %reduce_max3A_375 [1, 2] : vector<1x80x128xi32> to vector<1xi32>
    %reduce_max3A_377 = vector.shape_cast %reduce_max3A_376 : vector<1xi32> to vector<1x1x1xi32>
    %reduce_max3A_378 = vector.extract %reduce_max3A_377[0, 0, 0] : i32 from vector<1x1x1xi32>
    %broadcast_in_dim3A_379 = arith.constant 0 : i32
    %broadcast_in_dim3A_380 = vector.broadcast %broadcast_in_dim3A_379 : i32 to vector<128xi32>
    %add3A_381 = vector.broadcast %reduce_max3A_378 : i32 to vector<128xi32>
    %add3A_382 = arith.addi %broadcast_in_dim3A_380, %add3A_381 : vector<128xi32>
    %swap3A_383 = arith.constant 0 : index
    %swap3A_384 = arith.constant 0 : index
    %swap3A_385 = vector.load %arg4[%swap3A_383, %swap3A_384] : memref<5x128xi32, #tpu.memory_space<vmem>>, vector<1x128xi32>
    %swap3A_386 = vector.shape_cast %swap3A_385 : vector<1x128xi32> to vector<128xi32>
    %swap3A_387 = vector.shape_cast %add3A_382 : vector<128xi32> to vector<1x128xi32>
    tpu.vector_store %arg4[%swap3A_383, %swap3A_384], %swap3A_387 {strides = array<i32>} : memref<5x128xi32, #tpu.memory_space<vmem>>, vector<1x128xi32>,
    %ge3A_388 = arith.constant 2000 : i32
    %ge3A_389 = vector.broadcast %ge3A_388 : i32 to vector<80x128xi32>
    %ge3A_390 = arith.cmpi sge, %add3A_369, %ge3A_389 : vector<80x128xi32>
    %lt3A_391 = arith.constant 4000 : i32
    %lt3A_392 = vector.broadcast %lt3A_391 : i32 to vector<80x128xi32>
    %lt3A_393 = arith.cmpi slt, %add3A_369, %lt3A_392 : vector<80x128xi32>
    %and3A_394 = arith.andi %ge3A_390, %lt3A_393 : vector<80x128xi1>
    %jit3A_395 = arith.constant 0 : i32
    %broadcast_in_dim3A_396 = vector.broadcast %jit3A_395 : i32 to vector<80x128xi32>
    %select_n3A_397 = arith.select %and3A_394, %reduce_sum3A_3, %broadcast_in_dim3A_396 : vector<80x128xi1>, vector<80x128xi32>
    %reduce_max3A_398 = vector.shape_cast %select_n3A_397 : vector<80x128xi32> to vector<1x80x128xi32>
    %reduce_max3A_399 = arith.constant dense<-2147483648> : vector<1xi32>
    %reduce_max3A_400 = vector.multi_reduction <maxsi>, %reduce_max3A_398, %reduce_max3A_399 [1, 2] : vector<1x80x128xi32> to vector<1xi32>
    %reduce_max3A_401 = vector.shape_cast %reduce_max3A_400 : vector<1xi32> to vector<1x1x1xi32>
    %reduce_max3A_402 = vector.extract %reduce_max3A_401[0, 0, 0] : i32 from vector<1x1x1xi32>
    %broadcast_in_dim3A_403 = arith.constant 0 : i32
    %broadcast_in_dim3A_404 = vector.broadcast %broadcast_in_dim3A_403 : i32 to vector<128xi32>
    %add3A_405 = vector.broadcast %reduce_max3A_402 : i32 to vector<128xi32>
    %add3A_406 = arith.addi %broadcast_in_dim3A_404, %add3A_405 : vector<128xi32>
    %swap3A_407 = arith.constant 1 : index
    %swap3A_408 = arith.constant 0 : index
    %swap3A_409 = vector.load %arg4[%swap3A_407, %swap3A_408] : memref<5x128xi32, #tpu.memory_space<vmem>>, vector<1x128xi32>
    %swap3A_410 = vector.shape_cast %swap3A_409 : vector<1x128xi32> to vector<128xi32>
    %swap3A_411 = vector.shape_cast %add3A_406 : vector<128xi32> to vector<1x128xi32>
    tpu.vector_store %arg4[%swap3A_407, %swap3A_408], %swap3A_411 {strides = array<i32>} : memref<5x128xi32, #tpu.memory_space<vmem>>, vector<1x128xi32>,
    %ge3A_412 = arith.constant 4000 : i32
    %ge3A_413 = vector.broadcast %ge3A_412 : i32 to vector<80x128xi32>
    %ge3A_414 = arith.cmpi sge, %add3A_369, %ge3A_413 : vector<80x128xi32>
    %lt3A_415 = arith.constant 6000 : i32
    %lt3A_416 = vector.broadcast %lt3A_415 : i32 to vector<80x128xi32>
    %lt3A_417 = arith.cmpi slt, %add3A_369, %lt3A_416 : vector<80x128xi32>
    %and3A_418 = arith.andi %ge3A_414, %lt3A_417 : vector<80x128xi1>
    %jit3A_419 = arith.constant 0 : i32
    %broadcast_in_dim3A_420 = vector.broadcast %jit3A_419 : i32 to vector<80x128xi32>
    %select_n3A_421 = arith.select %and3A_418, %reduce_sum3A_3, %broadcast_in_dim3A_420 : vector<80x128xi1>, vector<80x128xi32>
    %reduce_max3A_422 = vector.shape_cast %select_n3A_421 : vector<80x128xi32> to vector<1x80x128xi32>
    %reduce_max3A_423 = arith.constant dense<-2147483648> : vector<1xi32>
    %reduce_max3A_424 = vector.multi_reduction <maxsi>, %reduce_max3A_422, %reduce_max3A_423 [1, 2] : vector<1x80x128xi32> to vector<1xi32>
    %reduce_max3A_425 = vector.shape_cast %reduce_max3A_424 : vector<1xi32> to vector<1x1x1xi32>
    %reduce_max3A_426 = vector.extract %reduce_max3A_425[0, 0, 0] : i32 from vector<1x1x1xi32>
    %broadcast_in_dim3A_427 = arith.constant 0 : i32
    %broadcast_in_dim3A_428 = vector.broadcast %broadcast_in_dim3A_427 : i32 to vector<128xi32>
    %add3A_429 = vector.broadcast %reduce_max3A_426 : i32 to vector<128xi32>
    %add3A_430 = arith.addi %broadcast_in_dim3A_428, %add3A_429 : vector<128xi32>
    %swap3A_431 = arith.constant 2 : index
    %swap3A_432 = arith.constant 0 : index
    %swap3A_433 = vector.load %arg4[%swap3A_431, %swap3A_432] : memref<5x128xi32, #tpu.memory_space<vmem>>, vector<1x128xi32>
    %swap3A_434 = vector.shape_cast %swap3A_433 : vector<1x128xi32> to vector<128xi32>
    %swap3A_435 = vector.shape_cast %add3A_430 : vector<128xi32> to vector<1x128xi32>
    tpu.vector_store %arg4[%swap3A_431, %swap3A_432], %swap3A_435 {strides = array<i32>} : memref<5x128xi32, #tpu.memory_space<vmem>>, vector<1x128xi32>,
    %ge3A_436 = arith.constant 6000 : i32
    %ge3A_437 = vector.broadcast %ge3A_436 : i32 to vector<80x128xi32>
    %ge3A_438 = arith.cmpi sge, %add3A_369, %ge3A_437 : vector<80x128xi32>
    %lt3A_439 = arith.constant 8000 : i32
    %lt3A_440 = vector.broadcast %lt3A_439 : i32 to vector<80x128xi32>
    %lt3A_441 = arith.cmpi slt, %add3A_369, %lt3A_440 : vector<80x128xi32>
    %and3A_442 = arith.andi %ge3A_438, %lt3A_441 : vector<80x128xi1>
    %jit3A_443 = arith.constant 0 : i32
    %broadcast_in_dim3A_444 = vector.broadcast %jit3A_443 : i32 to vector<80x128xi32>
    %select_n3A_445 = arith.select %and3A_442, %reduce_sum3A_3, %broadcast_in_dim3A_444 : vector<80x128xi1>, vector<80x128xi32>
    %reduce_max3A_446 = vector.shape_cast %select_n3A_445 : vector<80x128xi32> to vector<1x80x128xi32>
    %reduce_max3A_447 = arith.constant dense<-2147483648> : vector<1xi32>
    %reduce_max3A_448 = vector.multi_reduction <maxsi>, %reduce_max3A_446, %reduce_max3A_447 [1, 2] : vector<1x80x128xi32> to vector<1xi32>
    %reduce_max3A_449 = vector.shape_cast %reduce_max3A_448 : vector<1xi32> to vector<1x1x1xi32>
    %reduce_max3A_450 = vector.extract %reduce_max3A_449[0, 0, 0] : i32 from vector<1x1x1xi32>
    %broadcast_in_dim3A_451 = arith.constant 0 : i32
    %broadcast_in_dim3A_452 = vector.broadcast %broadcast_in_dim3A_451 : i32 to vector<128xi32>
    %add3A_453 = vector.broadcast %reduce_max3A_450 : i32 to vector<128xi32>
    %add3A_454 = arith.addi %broadcast_in_dim3A_452, %add3A_453 : vector<128xi32>
    %swap3A_455 = arith.constant 3 : index
    %swap3A_456 = arith.constant 0 : index
    %swap3A_457 = vector.load %arg4[%swap3A_455, %swap3A_456] : memref<5x128xi32, #tpu.memory_space<vmem>>, vector<1x128xi32>
    %swap3A_458 = vector.shape_cast %swap3A_457 : vector<1x128xi32> to vector<128xi32>
    %swap3A_459 = vector.shape_cast %add3A_454 : vector<128xi32> to vector<1x128xi32>
    tpu.vector_store %arg4[%swap3A_455, %swap3A_456], %swap3A_459 {strides = array<i32>} : memref<5x128xi32, #tpu.memory_space<vmem>>, vector<1x128xi32>,
    %ge3A_460 = arith.constant 8000 : i32
    %ge3A_461 = vector.broadcast %ge3A_460 : i32 to vector<80x128xi32>
    %ge3A_462 = arith.cmpi sge, %add3A_369, %ge3A_461 : vector<80x128xi32>
    %lt3A_463 = arith.constant 10000 : i32
    %lt3A_464 = vector.broadcast %lt3A_463 : i32 to vector<80x128xi32>
    %lt3A_465 = arith.cmpi slt, %add3A_369, %lt3A_464 : vector<80x128xi32>
    %and3A_466 = arith.andi %ge3A_462, %lt3A_465 : vector<80x128xi1>
    %jit3A_467 = arith.constant 0 : i32
    %broadcast_in_dim3A_468 = vector.broadcast %jit3A_467 : i32 to vector<80x128xi32>
    %select_n3A_469 = arith.select %and3A_466, %reduce_sum3A_3, %broadcast_in_dim3A_468 : vector<80x128xi1>, vector<80x128xi32>
    %reduce_max3A_470 = vector.shape_cast %select_n3A_469 : vector<80x128xi32> to vector<1x80x128xi32>
    %reduce_max3A_471 = arith.constant dense<-2147483648> : vector<1xi32>
    %reduce_max3A_472 = vector.multi_reduction <maxsi>, %reduce_max3A_470, %reduce_max3A_471 [1, 2] : vector<1x80x128xi32> to vector<1xi32>
    %reduce_max3A_473 = vector.shape_cast %reduce_max3A_472 : vector<1xi32> to vector<1x1x1xi32>
    %reduce_max3A_474 = vector.extract %reduce_max3A_473[0, 0, 0] : i32 from vector<1x1x1xi32>
    %broadcast_in_dim3A_475 = arith.constant 0 : i32
    %broadcast_in_dim3A_476 = vector.broadcast %broadcast_in_dim3A_475 : i32 to vector<128xi32>
    %add3A_477 = vector.broadcast %reduce_max3A_474 : i32 to vector<128xi32>
    %add3A_478 = arith.addi %broadcast_in_dim3A_476, %add3A_477 : vector<128xi32>
    %swap3A_479 = arith.constant 4 : index
    %swap3A_480 = arith.constant 0 : index
    %swap3A_481 = vector.load %arg4[%swap3A_479, %swap3A_480] : memref<5x128xi32, #tpu.memory_space<vmem>>, vector<1x128xi32>
    %swap3A_482 = vector.shape_cast %swap3A_481 : vector<1x128xi32> to vector<128xi32>
    %swap3A_483 = vector.shape_cast %add3A_478 : vector<128xi32> to vector<1x128xi32>
    tpu.vector_store %arg4[%swap3A_479, %swap3A_480], %swap3A_483 {strides = array<i32>} : memref<5x128xi32, #tpu.memory_space<vmem>>, vector<1x128xi32>,
    return
  }
}

module attributes {stable_mosaic.version = 14 : i64} {
  func.func @_k5_body(%arg0: i32, %arg1: i32, %arg2: memref<5xi32, #tpu.memory_space<smem>>, %arg3: memref<1x2000x128xf32, #tpu.memory_space<vmem>>, %arg4: memref<2000x128xf32, #tpu.memory_space<vmem>>, %arg5: memref<2000x1xi32, #tpu.memory_space<vmem>>, %arg6: memref<2000x1xi32, #tpu.memory_space<vmem>>, %arg7: memref<1250x128xi32, #tpu.memory_space<vmem>>, %arg8: memref<10000x128xf32, #tpu.memory_space<vmem>>, %arg9: memref<128x256xf32, #tpu.memory_space<vmem>>, %arg10: memref<64x256xf32, #tpu.memory_space<vmem>>, %arg11: memref<1x256xf32, #tpu.memory_space<vmem>>, %arg12: memref<128x128xf32, #tpu.memory_space<vmem>>, %arg13: memref<64x128xf32, #tpu.memory_space<vmem>>, %arg14: memref<1x128xf32, #tpu.memory_space<vmem>>, %arg15: memref<1x128xf32, #tpu.memory_space<vmem>>, %arg16: memref<1x128xf32, #tpu.memory_space<vmem>>, %arg17: memref<2000x128xf32, #tpu.memory_space<vmem>>, %arg18: memref<2000x64xf32, #tpu.memory_space<vmem>>, %arg19: memref<2000x64xf32, #tpu.memory_space<vmem>>, %arg20: memref<2000x128xf32, #tpu.memory_space<vmem>>) attributes {dimension_semantics = [#tpu.dimension_semantics<arbitrary>, #tpu.dimension_semantics<arbitrary>], iteration_bounds = array<i64: 5, 48>, scalar_prefetch = 1 : i64, scratch_operands = 3 : i64, tpu.core_type = #tpu.core_type<tc>, window_params = [{transform_indices = @transform_0, window_bounds = array<i64: 1, 2000, 128>}, {transform_indices = @transform_1, window_bounds = array<i64: 2000, 128>}, {transform_indices = @transform_2, window_bounds = array<i64: 2000, 1>}, {transform_indices = @transform_3, window_bounds = array<i64: 2000, 1>}, {pipeline_mode = #tpu.pipeline_mode<synchronous>, transform_indices = @transform_4, window_bounds = array<i64: 1250, 128>}, {pipeline_mode = #tpu.pipeline_mode<synchronous>, transform_indices = @transform_5, window_bounds = array<i64: 10000, 128>}, {pipeline_mode = #tpu.pipeline_mode<synchronous>, transform_indices = @transform_6, window_bounds = array<i64: 128, 256>}, {pipeline_mode = #tpu.pipeline_mode<synchronous>, transform_indices = @transform_7, window_bounds = array<i64: 64, 256>}, {pipeline_mode = #tpu.pipeline_mode<synchronous>, transform_indices = @transform_8, window_bounds = array<i64: 1, 256>}, {pipeline_mode = #tpu.pipeline_mode<synchronous>, transform_indices = @transform_9, window_bounds = array<i64: 128, 128>}, {pipeline_mode = #tpu.pipeline_mode<synchronous>, transform_indices = @transform_10, window_bounds = array<i64: 64, 128>}, {pipeline_mode = #tpu.pipeline_mode<synchronous>, transform_indices = @transform_11, window_bounds = array<i64: 1, 128>}, {pipeline_mode = #tpu.pipeline_mode<synchronous>, transform_indices = @transform_12, window_bounds = array<i64: 1, 128>}, {pipeline_mode = #tpu.pipeline_mode<synchronous>, transform_indices = @transform_13, window_bounds = array<i64: 1, 128>}, {transform_indices = @transform_14, window_bounds = array<i64: 2000, 128>}]} {
    %eq3A = arith.constant 0 : i32
    %eq3A_0 = arith.cmpi eq, %arg1, %eq3A : i32
    %convert_element_type3A = arith.extui %eq3A_0 : i1 to i32
    %cond3A = arith.constant 0 : i32
    %cond3A_1 = arith.cmpi ne, %convert_element_type3A, %cond3A : i32
    scf.if %cond3A_1 {
      %broadcast_in_dim3A = arith.constant 0.000000e+00 : f32
      %broadcast_in_dim3A_11 = vector.broadcast %broadcast_in_dim3A : f32 to vector<2000x64xf32>
      %swap3A = arith.constant 0 : index
      %swap3A_12 = arith.constant 0 : index
      %swap3A_13 = vector.load %arg18[%swap3A, %swap3A_12] : memref<2000x64xf32, #tpu.memory_space<vmem>>, vector<2000x64xf32>
      tpu.vector_store %arg18[%swap3A, %swap3A_12], %broadcast_in_dim3A_11 {strides = array<i32>} : memref<2000x64xf32, #tpu.memory_space<vmem>>, vector<2000x64xf32>,
      %broadcast_in_dim3A_14 = arith.constant 0.000000e+00 : f32
      %broadcast_in_dim3A_15 = vector.broadcast %broadcast_in_dim3A_14 : f32 to vector<2000x64xf32>
      %swap3A_16 = arith.constant 0 : index
      %swap3A_17 = arith.constant 0 : index
      %swap3A_18 = vector.load %arg19[%swap3A_16, %swap3A_17] : memref<2000x64xf32, #tpu.memory_space<vmem>>, vector<2000x64xf32>
      tpu.vector_store %arg19[%swap3A_16, %swap3A_17], %broadcast_in_dim3A_15 {strides = array<i32>} : memref<2000x64xf32, #tpu.memory_space<vmem>>, vector<2000x64xf32>,
    } else {
    }
    %get3A = arith.index_cast %arg0 : i32 to index
    %get3A_2 = memref.load %arg2[%get3A] : memref<5xi32, #tpu.memory_space<smem>>
    %lt3A = arith.cmpi slt, %arg1, %get3A_2 : i32
    %convert_element_type3A_3 = arith.extui %lt3A : i1 to i32
    %cond3A_4 = arith.constant 0 : i32
    %cond3A_5 = arith.cmpi ne, %convert_element_type3A_3, %cond3A_4 : i32
    scf.if %cond3A_5 {
      %get3A_11 = arith.constant 0 : index
      %get3A_12 = arith.constant 0 : index
      %get3A_13 = arith.constant 0 : index
      %get3A_14 = vector.load %arg3[%get3A_11, %get3A_12, %get3A_13] : memref<1x2000x128xf32, #tpu.memory_space<vmem>>, vector<1x2000x128xf32>
      %get3A_15 = vector.shape_cast %get3A_14 : vector<1x2000x128xf32> to vector<2000x128xf32>
      %get3A_16 = arith.constant 0 : index
      %get3A_17 = arith.constant 0 : index
      %get3A_18 = vector.load %arg9[%get3A_16, %get3A_17] : memref<128x256xf32, #tpu.memory_space<vmem>>, vector<128x256xf32>
      %dot_general3A = arith.constant dense<0.000000e+00> : vector<2000x256xf32>
      %dot_general3A_19 = tpu.matmul %get3A_15, %get3A_18, %dot_general3A {dimension_numbers = #tpu.dot_dimension_numbers<[1], [0], [0], [1], [0, 0, 1, 1], [], []>, transpose_lhs_hint = false} : vector<2000x128xf32>, vector<128x256xf32>, vector<2000x256xf32> -> vector<2000x256xf32>
      %get3A_20 = arith.constant 0 : index
      %get3A_21 = arith.constant 0 : index
      %get3A_22 = vector.load %arg18[%get3A_20, %get3A_21] : memref<2000x64xf32, #tpu.memory_space<vmem>>, vector<2000x64xf32>
      %get3A_23 = arith.constant 0 : index
      %get3A_24 = arith.constant 0 : index
      %get3A_25 = vector.load %arg10[%get3A_23, %get3A_24] : memref<64x256xf32, #tpu.memory_space<vmem>>, vector<64x256xf32>
      %dot_general3A_26 = arith.constant dense<0.000000e+00> : vector<2000x256xf32>
      %dot_general3A_27 = tpu.matmul %get3A_22, %get3A_25, %dot_general3A_26 {dimension_numbers = #tpu.dot_dimension_numbers<[1], [0], [0], [1], [0, 0, 1, 1], [], []>, transpose_lhs_hint = false} : vector<2000x64xf32>, vector<64x256xf32>, vector<2000x256xf32> -> vector<2000x256xf32>
      %add3A = arith.addf %dot_general3A_19, %dot_general3A_27 : vector<2000x256xf32>
      %get3A_28 = arith.constant 0 : index
      %get3A_29 = arith.constant 0 : index
      %get3A_30 = vector.load %arg11[%get3A_28, %get3A_29] : memref<1x256xf32, #tpu.memory_space<vmem>>, vector<1x256xf32>
      %add3A_31 = vector.broadcast %get3A_30 : vector<1x256xf32> to vector<2000x256xf32>
      %add3A_32 = arith.addf %add3A, %add3A_31 : vector<2000x256xf32>
      %slice3A = vector.extract_strided_slice %add3A_32 {offsets = [0, 0], sizes = [2000, 64], strides = [1, 1]} : vector<2000x256xf32> to vector<2000x64xf32>
      %neg3A = arith.constant 0.000000e+00 : f32
      %neg3A_33 = vector.broadcast %neg3A : f32 to vector<2000x64xf32>
      %neg3A_34 = arith.subf %neg3A_33, %slice3A : vector<2000x64xf32>
      %exp3A = math.exp %neg3A_34 : vector<2000x64xf32>
      %add3A_35 = arith.constant 1.000000e+00 : f32
      %add3A_36 = vector.broadcast %add3A_35 : f32 to vector<2000x64xf32>
      %add3A_37 = arith.addf %add3A_36, %exp3A : vector<2000x64xf32>
      %div3A = arith.constant 1.000000e+00 : f32
      %div3A_38 = vector.broadcast %div3A : f32 to vector<2000x64xf32>
      %div3A_39 = arith.divf %div3A_38, %add3A_37 : vector<2000x64xf32>
      %slice3A_40 = vector.extract_strided_slice %add3A_32 {offsets = [0, 64], sizes = [2000, 64], strides = [1, 1]} : vector<2000x256xf32> to vector<2000x64xf32>
      %neg3A_41 = arith.constant 0.000000e+00 : f32
      %neg3A_42 = vector.broadcast %neg3A_41 : f32 to vector<2000x64xf32>
      %neg3A_43 = arith.subf %neg3A_42, %slice3A_40 : vector<2000x64xf32>
      %exp3A_44 = math.exp %neg3A_43 : vector<2000x64xf32>
      %add3A_45 = arith.constant 1.000000e+00 : f32
      %add3A_46 = vector.broadcast %add3A_45 : f32 to vector<2000x64xf32>
      %add3A_47 = arith.addf %add3A_46, %exp3A_44 : vector<2000x64xf32>
      %div3A_48 = arith.constant 1.000000e+00 : f32
      %div3A_49 = vector.broadcast %div3A_48 : f32 to vector<2000x64xf32>
      %div3A_50 = arith.divf %div3A_49, %add3A_47 : vector<2000x64xf32>
      %slice3A_51 = vector.extract_strided_slice %add3A_32 {offsets = [0, 128], sizes = [2000, 64], strides = [1, 1]} : vector<2000x256xf32> to vector<2000x64xf32>
      %tanh3A = math.tanh %slice3A_51 : vector<2000x64xf32>
      %slice3A_52 = vector.extract_strided_slice %add3A_32 {offsets = [0, 192], sizes = [2000, 64], strides = [1, 1]} : vector<2000x256xf32> to vector<2000x64xf32>
      %neg3A_53 = arith.constant 0.000000e+00 : f32
      %neg3A_54 = vector.broadcast %neg3A_53 : f32 to vector<2000x64xf32>
      %neg3A_55 = arith.subf %neg3A_54, %slice3A_52 : vector<2000x64xf32>
      %exp3A_56 = math.exp %neg3A_55 : vector<2000x64xf32>
      %add3A_57 = arith.constant 1.000000e+00 : f32
      %add3A_58 = vector.broadcast %add3A_57 : f32 to vector<2000x64xf32>
      %add3A_59 = arith.addf %add3A_58, %exp3A_56 : vector<2000x64xf32>
      %div3A_60 = arith.constant 1.000000e+00 : f32
      %div3A_61 = vector.broadcast %div3A_60 : f32 to vector<2000x64xf32>
      %div3A_62 = arith.divf %div3A_61, %add3A_59 : vector<2000x64xf32>
      %get3A_63 = arith.constant 0 : index
      %get3A_64 = arith.constant 0 : index
      %get3A_65 = vector.load %arg19[%get3A_63, %get3A_64] : memref<2000x64xf32, #tpu.memory_space<vmem>>, vector<2000x64xf32>
      %mul3A = arith.mulf %div3A_50, %get3A_65 : vector<2000x64xf32>
      %mul3A_66 = arith.mulf %div3A_39, %tanh3A : vector<2000x64xf32>
      %add3A_67 = arith.addf %mul3A, %mul3A_66 : vector<2000x64xf32>
      %tanh3A_68 = math.tanh %add3A_67 : vector<2000x64xf32>
      %mul3A_69 = arith.mulf %div3A_62, %tanh3A_68 : vector<2000x64xf32>
      %get3A_70 = arith.constant 0 : index
      %get3A_71 = arith.constant 0 : index
      %get3A_72 = vector.load %arg5[%get3A_70, %get3A_71] : memref<2000x1xi32, #tpu.memory_space<vmem>>, vector<2000x1xi32>
      %gt3A = vector.broadcast %arg1 : i32 to vector<2000x1xi32>
      %gt3A_73 = arith.cmpi sgt, %get3A_72, %gt3A : vector<2000x1xi32>
      %get3A_74 = arith.constant 0 : index
      %get3A_75 = arith.constant 0 : index
      %get3A_76 = vector.load %arg18[%get3A_74, %get3A_75] : memref<2000x64xf32, #tpu.memory_space<vmem>>, vector<2000x64xf32>
      %broadcast_in_dim3A = vector.shape_cast %gt3A_73 : vector<2000x1xi1> to vector<2000x1xi1>
      %broadcast_in_dim3A_77 = vector.broadcast %broadcast_in_dim3A : vector<2000x1xi1> to vector<2000x64xi1>
      %select_n3A = arith.select %broadcast_in_dim3A_77, %mul3A_69, %get3A_76 : vector<2000x64xi1>, vector<2000x64xf32>
      %swap3A = arith.constant 0 : index
      %swap3A_78 = arith.constant 0 : index
      %swap3A_79 = vector.load %arg18[%swap3A, %swap3A_78] : memref<2000x64xf32, #tpu.memory_space<vmem>>, vector<2000x64xf32>
      tpu.vector_store %arg18[%swap3A, %swap3A_78], %select_n3A {strides = array<i32>} : memref<2000x64xf32, #tpu.memory_space<vmem>>, vector<2000x64xf32>,
      %get3A_80 = arith.constant 0 : index
      %get3A_81 = arith.constant 0 : index
      %get3A_82 = vector.load %arg19[%get3A_80, %get3A_81] : memref<2000x64xf32, #tpu.memory_space<vmem>>, vector<2000x64xf32>
      %broadcast_in_dim3A_83 = vector.shape_cast %gt3A_73 : vector<2000x1xi1> to vector<2000x1xi1>
      %broadcast_in_dim3A_84 = vector.broadcast %broadcast_in_dim3A_83 : vector<2000x1xi1> to vector<2000x64xi1>
      %select_n3A_85 = arith.select %broadcast_in_dim3A_84, %add3A_67, %get3A_82 : vector<2000x64xi1>, vector<2000x64xf32>
      %swap3A_86 = arith.constant 0 : index
      %swap3A_87 = arith.constant 0 : index
      %swap3A_88 = vector.load %arg19[%swap3A_86, %swap3A_87] : memref<2000x64xf32, #tpu.memory_space<vmem>>, vector<2000x64xf32>
      tpu.vector_store %arg19[%swap3A_86, %swap3A_87], %select_n3A_85 {strides = array<i32>} : memref<2000x64xf32, #tpu.memory_space<vmem>>, vector<2000x64xf32>,
    } else {
    }
    %eq3A_6 = arith.constant 47 : i32
    %eq3A_7 = arith.cmpi eq, %arg1, %eq3A_6 : i32
    %convert_element_type3A_8 = arith.extui %eq3A_7 : i1 to i32
    %cond3A_9 = arith.constant 0 : i32
    %cond3A_10 = arith.cmpi ne, %convert_element_type3A_8, %cond3A_9 : i32
    scf.if %cond3A_10 {
      %get3A_11 = arith.constant 0 : index
      %get3A_12 = arith.constant 0 : index
      %get3A_13 = vector.load %arg5[%get3A_11, %get3A_12] : memref<2000x1xi32, #tpu.memory_space<vmem>>, vector<2000x1xi32>
      %reduce_max3A = vector.shape_cast %get3A_13 : vector<2000x1xi32> to vector<1x2000x1xi32>
      %reduce_max3A_14 = arith.constant dense<-2147483648> : vector<1xi32>
      %reduce_max3A_15 = vector.multi_reduction <maxsi>, %reduce_max3A, %reduce_max3A_14 [1, 2] : vector<1x2000x1xi32> to vector<1xi32>
      %reduce_max3A_16 = vector.shape_cast %reduce_max3A_15 : vector<1xi32> to vector<1x1x1xi32>
      %reduce_max3A_17 = vector.extract %reduce_max3A_16[0, 0, 0] : i32 from vector<1x1x1xi32>
      %while3A = arith.constant 48 : i32
      %while3A_18 = scf.while (%while3A_72 = %while3A) : (i32) -> i32 {
        %lt3A_73 = arith.cmpi slt, %while3A_72, %reduce_max3A_17 : i32
        scf.condition(%lt3A_73) %while3A_72 : i32
      } do {
      ^bb0(%while3A_72: i32):
        %scan3A = arith.constant 0 : i32
        %scan3A_73 = arith.constant 0 : i32
        %scan3A_74 = arith.constant 2000 : i32
        %scan3A_75 = arith.addi %scan3A_73, %scan3A_74 : i32
        %scan3A_76 = arith.constant 1 : i32
        scf.for %scan3A_162 = %scan3A_73 to %scan3A_75 step %scan3A_76  : i32 {
          %get3A_163 = arith.index_cast %scan3A_162 : i32 to index
          %get3A_164 = arith.constant 0 : index
          %get3A_165 = vector.load %arg5[%get3A_163, %get3A_164] : memref<2000x1xi32, #tpu.memory_space<vmem>>, vector<1x1xi32>
          %get3A_166 = vector.extract %get3A_165[0, 0] : i32 from vector<1x1xi32>
          %gt3A_167 = arith.cmpi sgt, %get3A_166, %while3A_72 : i32
          %convert_element_type3A_168 = arith.extui %gt3A_167 : i1 to i32
          %cond3A_169 = arith.constant 0 : i32
          %cond3A_170 = arith.cmpi ne, %convert_element_type3A_168, %cond3A_169 : i32
          scf.if %cond3A_170 {
            %get3A_171 = arith.index_cast %scan3A_162 : i32 to index
            %get3A_172 = arith.constant 0 : index
            %get3A_173 = vector.load %arg6[%get3A_171, %get3A_172] : memref<2000x1xi32, #tpu.memory_space<vmem>>, vector<1x1xi32>
            %get3A_174 = vector.extract %get3A_173[0, 0] : i32 from vector<1x1xi32>
            %add3A_175 = arith.addi %get3A_174, %while3A_72 : i32
            %jit3A = arith.constant 128 : i32
            %div3A_176 = arith.divsi %add3A_175, %jit3A : i32
            %sign3A = arith.constant 0 : i32
            %sign3A_177 = arith.cmpi sgt, %add3A_175, %sign3A : i32
            %sign3A_178 = arith.extui %sign3A_177 : i1 to i32
            %sign3A_179 = arith.constant 0 : i32
            %sign3A_180 = arith.cmpi slt, %add3A_175, %sign3A_179 : i32
            %sign3A_181 = arith.extui %sign3A_180 : i1 to i32
            %sign3A_182 = arith.subi %sign3A_178, %sign3A_181 : i32
            %sign3A_183 = arith.constant 0 : i32
            %sign3A_184 = arith.cmpi sgt, %jit3A, %sign3A_183 : i32
            %sign3A_185 = arith.extui %sign3A_184 : i1 to i32
            %sign3A_186 = arith.constant 0 : i32
            %sign3A_187 = arith.cmpi slt, %jit3A, %sign3A_186 : i32
            %sign3A_188 = arith.extui %sign3A_187 : i1 to i32
            %sign3A_189 = arith.subi %sign3A_185, %sign3A_188 : i32
            %ne3A = arith.cmpi ne, %sign3A_182, %sign3A_189 : i32
            %rem3A = arith.remsi %add3A_175, %jit3A : i32
            %ne3A_190 = arith.constant 0 : i32
            %ne3A_191 = arith.cmpi ne, %rem3A, %ne3A_190 : i32
            %and3A = arith.andi %ne3A, %ne3A_191 : i1
            %sub3A_192 = arith.constant 1 : i32
            %sub3A_193 = arith.subi %div3A_176, %sub3A_192 : i32
            %select_n3A_194 = arith.select %and3A, %sub3A_193, %div3A_176 : i32
            %get3A_195 = arith.index_cast %select_n3A_194 : i32 to index
            %get3A_196 = arith.constant 0 : index
            %get3A_197 = vector.load %arg7[%get3A_195, %get3A_196] : memref<1250x128xi32, #tpu.memory_space<vmem>>, vector<1x128xi32>
            %iota3A = tpu.iota {dimensions = array<i32: 1>} : vector<1x128xi32>
            %jit3A_198 = arith.constant 128 : i32
            %eq3A_199 = arith.constant 0 : i32
            %eq3A_200 = arith.cmpi eq, %jit3A_198, %eq3A_199 : i32
            %jit3A_201 = arith.constant 1 : i32
            %select_n3A_202 = arith.select %eq3A_200, %jit3A_201, %jit3A_198 : i32
            %rem3A_203 = arith.remsi %add3A_175, %select_n3A_202 : i32
            %ne3A_204 = arith.constant 0 : i32
            %ne3A_205 = arith.cmpi ne, %rem3A_203, %ne3A_204 : i32
            %lt3A_206 = arith.constant 0 : i32
            %lt3A_207 = arith.cmpi slt, %rem3A_203, %lt3A_206 : i32
            %lt3A_208 = arith.constant 0 : i32
            %lt3A_209 = arith.cmpi slt, %select_n3A_202, %lt3A_208 : i32
            %ne3A_210 = arith.xori %lt3A_207, %lt3A_209 : i1
            %and3A_211 = arith.andi %ne3A_210, %ne3A_205 : i1
            %add3A_212 = arith.addi %rem3A_203, %select_n3A_202 : i32
            %select_n3A_213 = arith.select %and3A_211, %add3A_212, %rem3A_203 : i32
            %eq3A_214 = vector.broadcast %select_n3A_213 : i32 to vector<1x128xi32>
            %eq3A_215 = arith.cmpi eq, %iota3A, %eq3A_214 : vector<1x128xi32>
            %jit3A_216 = arith.constant 0 : i32
            %broadcast_in_dim3A_217 = vector.broadcast %jit3A_216 : i32 to vector<1x128xi32>
            %select_n3A_218 = arith.select %eq3A_215, %get3A_197, %broadcast_in_dim3A_217 : vector<1x128xi1>, vector<1x128xi32>
            %reduce_sum3A_219 = vector.shape_cast %select_n3A_218 : vector<1x128xi32> to vector<1x1x128xi32>
            %reduce_sum3A_220 = arith.constant dense<0> : vector<1xi32>
            %reduce_sum3A_221 = vector.multi_reduction <add>, %reduce_sum3A_219, %reduce_sum3A_220 [1, 2] : vector<1x1x128xi32> to vector<1xi32>
            %reduce_sum3A_222 = vector.shape_cast %reduce_sum3A_221 : vector<1xi32> to vector<1x1x1xi32>
            %reduce_sum3A_223 = vector.extract %reduce_sum3A_222[0, 0, 0] : i32 from vector<1x1x1xi32>
            %get3A_224 = arith.index_cast %reduce_sum3A_223 : i32 to index
            %get3A_225 = arith.constant 0 : index
            %get3A_226 = vector.load %arg8[%get3A_224, %get3A_225] : memref<10000x128xf32, #tpu.memory_space<vmem>>, vector<1x128xf32>
            %swap3A_227 = arith.index_cast %scan3A_162 : i32 to index
            %swap3A_228 = arith.constant 0 : index
            %swap3A_229 = vector.load %arg20[%swap3A_227, %swap3A_228] : memref<2000x128xf32, #tpu.memory_space<vmem>>, vector<1x128xf32>
            tpu.vector_store %arg20[%swap3A_227, %swap3A_228], %get3A_226 {strides = array<i32>} : memref<2000x128xf32, #tpu.memory_space<vmem>>, vector<1x128xf32>,
          } else {
          }
        }
        %scan3A_77 = arith.constant 2000 : i32
        %get3A_78 = arith.constant 0 : index
        %get3A_79 = arith.constant 0 : index
        %get3A_80 = vector.load %arg20[%get3A_78, %get3A_79] : memref<2000x128xf32, #tpu.memory_space<vmem>>, vector<2000x128xf32>
        %get3A_81 = arith.constant 0 : index
        %get3A_82 = arith.constant 0 : index
        %get3A_83 = vector.load %arg9[%get3A_81, %get3A_82] : memref<128x256xf32, #tpu.memory_space<vmem>>, vector<128x256xf32>
        %dot_general3A_84 = arith.constant dense<0.000000e+00> : vector<2000x256xf32>
        %dot_general3A_85 = tpu.matmul %get3A_80, %get3A_83, %dot_general3A_84 {dimension_numbers = #tpu.dot_dimension_numbers<[1], [0], [0], [1], [0, 0, 1, 1], [], []>, transpose_lhs_hint = false} : vector<2000x128xf32>, vector<128x256xf32>, vector<2000x256xf32> -> vector<2000x256xf32>
        %get3A_86 = arith.constant 0 : index
        %get3A_87 = arith.constant 0 : index
        %get3A_88 = vector.load %arg18[%get3A_86, %get3A_87] : memref<2000x64xf32, #tpu.memory_space<vmem>>, vector<2000x64xf32>
        %get3A_89 = arith.constant 0 : index
        %get3A_90 = arith.constant 0 : index
        %get3A_91 = vector.load %arg10[%get3A_89, %get3A_90] : memref<64x256xf32, #tpu.memory_space<vmem>>, vector<64x256xf32>
        %dot_general3A_92 = arith.constant dense<0.000000e+00> : vector<2000x256xf32>
        %dot_general3A_93 = tpu.matmul %get3A_88, %get3A_91, %dot_general3A_92 {dimension_numbers = #tpu.dot_dimension_numbers<[1], [0], [0], [1], [0, 0, 1, 1], [], []>, transpose_lhs_hint = false} : vector<2000x64xf32>, vector<64x256xf32>, vector<2000x256xf32> -> vector<2000x256xf32>
        %add3A_94 = arith.addf %dot_general3A_85, %dot_general3A_93 : vector<2000x256xf32>
        %get3A_95 = arith.constant 0 : index
        %get3A_96 = arith.constant 0 : index
        %get3A_97 = vector.load %arg11[%get3A_95, %get3A_96] : memref<1x256xf32, #tpu.memory_space<vmem>>, vector<1x256xf32>
        %add3A_98 = vector.broadcast %get3A_97 : vector<1x256xf32> to vector<2000x256xf32>
        %add3A_99 = arith.addf %add3A_94, %add3A_98 : vector<2000x256xf32>
        %slice3A = vector.extract_strided_slice %add3A_99 {offsets = [0, 0], sizes = [2000, 64], strides = [1, 1]} : vector<2000x256xf32> to vector<2000x64xf32>
        %neg3A = arith.constant 0.000000e+00 : f32
        %neg3A_100 = vector.broadcast %neg3A : f32 to vector<2000x64xf32>
        %neg3A_101 = arith.subf %neg3A_100, %slice3A : vector<2000x64xf32>
        %exp3A = math.exp %neg3A_101 : vector<2000x64xf32>
        %add3A_102 = arith.constant 1.000000e+00 : f32
        %add3A_103 = vector.broadcast %add3A_102 : f32 to vector<2000x64xf32>
        %add3A_104 = arith.addf %add3A_103, %exp3A : vector<2000x64xf32>
        %div3A_105 = arith.constant 1.000000e+00 : f32
        %div3A_106 = vector.broadcast %div3A_105 : f32 to vector<2000x64xf32>
        %div3A_107 = arith.divf %div3A_106, %add3A_104 : vector<2000x64xf32>
        %slice3A_108 = vector.extract_strided_slice %add3A_99 {offsets = [0, 64], sizes = [2000, 64], strides = [1, 1]} : vector<2000x256xf32> to vector<2000x64xf32>
        %neg3A_109 = arith.constant 0.000000e+00 : f32
        %neg3A_110 = vector.broadcast %neg3A_109 : f32 to vector<2000x64xf32>
        %neg3A_111 = arith.subf %neg3A_110, %slice3A_108 : vector<2000x64xf32>
        %exp3A_112 = math.exp %neg3A_111 : vector<2000x64xf32>
        %add3A_113 = arith.constant 1.000000e+00 : f32
        %add3A_114 = vector.broadcast %add3A_113 : f32 to vector<2000x64xf32>
        %add3A_115 = arith.addf %add3A_114, %exp3A_112 : vector<2000x64xf32>
        %div3A_116 = arith.constant 1.000000e+00 : f32
        %div3A_117 = vector.broadcast %div3A_116 : f32 to vector<2000x64xf32>
        %div3A_118 = arith.divf %div3A_117, %add3A_115 : vector<2000x64xf32>
        %slice3A_119 = vector.extract_strided_slice %add3A_99 {offsets = [0, 128], sizes = [2000, 64], strides = [1, 1]} : vector<2000x256xf32> to vector<2000x64xf32>
        %tanh3A = math.tanh %slice3A_119 : vector<2000x64xf32>
        %slice3A_120 = vector.extract_strided_slice %add3A_99 {offsets = [0, 192], sizes = [2000, 64], strides = [1, 1]} : vector<2000x256xf32> to vector<2000x64xf32>
        %neg3A_121 = arith.constant 0.000000e+00 : f32
        %neg3A_122 = vector.broadcast %neg3A_121 : f32 to vector<2000x64xf32>
        %neg3A_123 = arith.subf %neg3A_122, %slice3A_120 : vector<2000x64xf32>
        %exp3A_124 = math.exp %neg3A_123 : vector<2000x64xf32>
        %add3A_125 = arith.constant 1.000000e+00 : f32
        %add3A_126 = vector.broadcast %add3A_125 : f32 to vector<2000x64xf32>
        %add3A_127 = arith.addf %add3A_126, %exp3A_124 : vector<2000x64xf32>
        %div3A_128 = arith.constant 1.000000e+00 : f32
        %div3A_129 = vector.broadcast %div3A_128 : f32 to vector<2000x64xf32>
        %div3A_130 = arith.divf %div3A_129, %add3A_127 : vector<2000x64xf32>
        %get3A_131 = arith.constant 0 : index
        %get3A_132 = arith.constant 0 : index
        %get3A_133 = vector.load %arg19[%get3A_131, %get3A_132] : memref<2000x64xf32, #tpu.memory_space<vmem>>, vector<2000x64xf32>
        %mul3A_134 = arith.mulf %div3A_118, %get3A_133 : vector<2000x64xf32>
        %mul3A_135 = arith.mulf %div3A_107, %tanh3A : vector<2000x64xf32>
        %add3A_136 = arith.addf %mul3A_134, %mul3A_135 : vector<2000x64xf32>
        %tanh3A_137 = math.tanh %add3A_136 : vector<2000x64xf32>
        %mul3A_138 = arith.mulf %div3A_130, %tanh3A_137 : vector<2000x64xf32>
        %get3A_139 = arith.constant 0 : index
        %get3A_140 = arith.constant 0 : index
        %get3A_141 = vector.load %arg5[%get3A_139, %get3A_140] : memref<2000x1xi32, #tpu.memory_space<vmem>>, vector<2000x1xi32>
        %gt3A = vector.broadcast %while3A_72 : i32 to vector<2000x1xi32>
        %gt3A_142 = arith.cmpi sgt, %get3A_141, %gt3A : vector<2000x1xi32>
        %get3A_143 = arith.constant 0 : index
        %get3A_144 = arith.constant 0 : index
        %get3A_145 = vector.load %arg18[%get3A_143, %get3A_144] : memref<2000x64xf32, #tpu.memory_space<vmem>>, vector<2000x64xf32>
        %broadcast_in_dim3A_146 = vector.shape_cast %gt3A_142 : vector<2000x1xi1> to vector<2000x1xi1>
        %broadcast_in_dim3A_147 = vector.broadcast %broadcast_in_dim3A_146 : vector<2000x1xi1> to vector<2000x64xi1>
        %select_n3A = arith.select %broadcast_in_dim3A_147, %mul3A_138, %get3A_145 : vector<2000x64xi1>, vector<2000x64xf32>
        %swap3A_148 = arith.constant 0 : index
        %swap3A_149 = arith.constant 0 : index
        %swap3A_150 = vector.load %arg18[%swap3A_148, %swap3A_149] : memref<2000x64xf32, #tpu.memory_space<vmem>>, vector<2000x64xf32>
        tpu.vector_store %arg18[%swap3A_148, %swap3A_149], %select_n3A {strides = array<i32>} : memref<2000x64xf32, #tpu.memory_space<vmem>>, vector<2000x64xf32>,
        %get3A_151 = arith.constant 0 : index
        %get3A_152 = arith.constant 0 : index
        %get3A_153 = vector.load %arg19[%get3A_151, %get3A_152] : memref<2000x64xf32, #tpu.memory_space<vmem>>, vector<2000x64xf32>
        %broadcast_in_dim3A_154 = vector.shape_cast %gt3A_142 : vector<2000x1xi1> to vector<2000x1xi1>
        %broadcast_in_dim3A_155 = vector.broadcast %broadcast_in_dim3A_154 : vector<2000x1xi1> to vector<2000x64xi1>
        %select_n3A_156 = arith.select %broadcast_in_dim3A_155, %add3A_136, %get3A_153 : vector<2000x64xi1>, vector<2000x64xf32>
        %swap3A_157 = arith.constant 0 : index
        %swap3A_158 = arith.constant 0 : index
        %swap3A_159 = vector.load %arg19[%swap3A_157, %swap3A_158] : memref<2000x64xf32, #tpu.memory_space<vmem>>, vector<2000x64xf32>
        tpu.vector_store %arg19[%swap3A_157, %swap3A_158], %select_n3A_156 {strides = array<i32>} : memref<2000x64xf32, #tpu.memory_space<vmem>>, vector<2000x64xf32>,
        %add3A_160 = arith.constant 1 : i32
        %add3A_161 = arith.addi %while3A_72, %add3A_160 : i32
        scf.yield %add3A_161 : i32
      }
      %get3A_19 = arith.constant 0 : index
      %get3A_20 = arith.constant 0 : index
      %get3A_21 = vector.load %arg4[%get3A_19, %get3A_20] : memref<2000x128xf32, #tpu.memory_space<vmem>>, vector<2000x128xf32>
      %get3A_22 = arith.constant 0 : index
      %get3A_23 = arith.constant 0 : index
      %get3A_24 = vector.load %arg12[%get3A_22, %get3A_23] : memref<128x128xf32, #tpu.memory_space<vmem>>, vector<128x128xf32>
      %dot_general3A = arith.constant dense<0.000000e+00> : vector<2000x128xf32>
      %dot_general3A_25 = tpu.matmul %get3A_21, %get3A_24, %dot_general3A {dimension_numbers = #tpu.dot_dimension_numbers<[1], [0], [0], [1], [0, 0, 1, 1], [], []>, transpose_lhs_hint = false} : vector<2000x128xf32>, vector<128x128xf32>, vector<2000x128xf32> -> vector<2000x128xf32>
      %get3A_26 = arith.constant 0 : index
      %get3A_27 = arith.constant 0 : index
      %get3A_28 = vector.load %arg18[%get3A_26, %get3A_27] : memref<2000x64xf32, #tpu.memory_space<vmem>>, vector<2000x64xf32>
      %get3A_29 = arith.constant 0 : index
      %get3A_30 = arith.constant 0 : index
      %get3A_31 = vector.load %arg13[%get3A_29, %get3A_30] : memref<64x128xf32, #tpu.memory_space<vmem>>, vector<64x128xf32>
      %dot_general3A_32 = arith.constant dense<0.000000e+00> : vector<2000x128xf32>
      %dot_general3A_33 = tpu.matmul %get3A_28, %get3A_31, %dot_general3A_32 {dimension_numbers = #tpu.dot_dimension_numbers<[1], [0], [0], [1], [0, 0, 1, 1], [], []>, transpose_lhs_hint = false} : vector<2000x64xf32>, vector<64x128xf32>, vector<2000x128xf32> -> vector<2000x128xf32>
      %add3A = arith.addf %dot_general3A_25, %dot_general3A_33 : vector<2000x128xf32>
      %get3A_34 = arith.constant 0 : index
      %get3A_35 = arith.constant 0 : index
      %get3A_36 = vector.load %arg14[%get3A_34, %get3A_35] : memref<1x128xf32, #tpu.memory_space<vmem>>, vector<1x128xf32>
      %add3A_37 = vector.broadcast %get3A_36 : vector<1x128xf32> to vector<2000x128xf32>
      %add3A_38 = arith.addf %add3A, %add3A_37 : vector<2000x128xf32>
      %max3A = arith.constant 0.000000e+00 : f32
      %max3A_39 = vector.broadcast %max3A : f32 to vector<2000x128xf32>
      %max3A_40 = arith.maximumf %add3A_38, %max3A_39 : vector<2000x128xf32>
      %reduce_sum3A = arith.constant dense<0.000000e+00> : vector<2000xf32>
      %reduce_sum3A_41 = vector.multi_reduction <add>, %max3A_40, %reduce_sum3A [1] : vector<2000x128xf32> to vector<2000xf32>
      %broadcast_in_dim3A = vector.shape_cast %reduce_sum3A_41 : vector<2000xf32> to vector<2000x1xf32>
      %div3A = arith.constant 1.280000e+02 : f32
      %div3A_42 = vector.broadcast %div3A : f32 to vector<2000x1xf32>
      %div3A_43 = arith.divf %broadcast_in_dim3A, %div3A_42 : vector<2000x1xf32>
      %sub3A = vector.broadcast %div3A_43 : vector<2000x1xf32> to vector<2000x128xf32>
      %sub3A_44 = arith.subf %max3A_40, %sub3A : vector<2000x128xf32>
      %integer_pow3A = arith.mulf %sub3A_44, %sub3A_44 : vector<2000x128xf32>
      %reduce_sum3A_45 = arith.constant dense<0.000000e+00> : vector<2000xf32>
      %reduce_sum3A_46 = vector.multi_reduction <add>, %integer_pow3A, %reduce_sum3A_45 [1] : vector<2000x128xf32> to vector<2000xf32>
      %broadcast_in_dim3A_47 = vector.shape_cast %reduce_sum3A_46 : vector<2000xf32> to vector<2000x1xf32>
      %div3A_48 = arith.constant 1.280000e+02 : f32
      %div3A_49 = vector.broadcast %div3A_48 : f32 to vector<2000x1xf32>
      %div3A_50 = arith.divf %broadcast_in_dim3A_47, %div3A_49 : vector<2000x1xf32>
      %sub3A_51 = vector.broadcast %div3A_43 : vector<2000x1xf32> to vector<2000x128xf32>
      %sub3A_52 = arith.subf %max3A_40, %sub3A_51 : vector<2000x128xf32>
      %add3A_53 = arith.constant 9.99999974E-6 : f32
      %add3A_54 = vector.broadcast %add3A_53 : f32 to vector<2000x1xf32>
      %add3A_55 = arith.addf %div3A_50, %add3A_54 : vector<2000x1xf32>
      %rsqrt3A = math.rsqrt %add3A_55 : vector<2000x1xf32>
      %mul3A = vector.broadcast %rsqrt3A : vector<2000x1xf32> to vector<2000x128xf32>
      %mul3A_56 = arith.mulf %sub3A_52, %mul3A : vector<2000x128xf32>
      %get3A_57 = arith.constant 0 : index
      %get3A_58 = arith.constant 0 : index
      %get3A_59 = vector.load %arg15[%get3A_57, %get3A_58] : memref<1x128xf32, #tpu.memory_space<vmem>>, vector<1x128xf32>
      %mul3A_60 = vector.broadcast %get3A_59 : vector<1x128xf32> to vector<2000x128xf32>
      %mul3A_61 = arith.mulf %mul3A_56, %mul3A_60 : vector<2000x128xf32>
      %get3A_62 = arith.constant 0 : index
      %get3A_63 = arith.constant 0 : index
      %get3A_64 = vector.load %arg16[%get3A_62, %get3A_63] : memref<1x128xf32, #tpu.memory_space<vmem>>, vector<1x128xf32>
      %add3A_65 = vector.broadcast %get3A_64 : vector<1x128xf32> to vector<2000x128xf32>
      %add3A_66 = arith.addf %mul3A_61, %add3A_65 : vector<2000x128xf32>
      %max3A_67 = arith.constant 0.000000e+00 : f32
      %max3A_68 = vector.broadcast %max3A_67 : f32 to vector<2000x128xf32>
      %max3A_69 = arith.maximumf %add3A_66, %max3A_68 : vector<2000x128xf32>
      %swap3A = arith.constant 0 : index
      %swap3A_70 = arith.constant 0 : index
      %swap3A_71 = vector.load %arg17[%swap3A, %swap3A_70] : memref<2000x128xf32, #tpu.memory_space<vmem>>, vector<2000x128xf32>
      tpu.vector_store %arg17[%swap3A, %swap3A_70], %max3A_69 {strides = array<i32>} : memref<2000x128xf32, #tpu.memory_space<vmem>>, vector<2000x128xf32>,
    } else {
    }
    return
  }
  func.func @transform_0(%arg0: i32, %arg1: i32, %arg2: memref<5xi32, #tpu.memory_space<smem>>) -> (i32, i32, i32) {
    %get3A = arith.index_cast %arg0 : i32 to index
    %get3A_0 = memref.load %arg2[%get3A] : memref<5xi32, #tpu.memory_space<smem>>
    %sub3A = arith.constant 1 : i32
    %sub3A_1 = arith.subi %get3A_0, %sub3A : i32
    %min3A = arith.minsi %arg1, %sub3A_1 : i32
    %max3A = arith.constant 0 : i32
    %max3A_2 = arith.maxsi %min3A, %max3A : i32
    %c0_i32 = arith.constant 0 : i32
    %c0_i32_3 = arith.constant 0 : i32
    return %max3A_2, %arg0, %c0_i32 : i32, i32, i32
  }
  func.func @transform_1(%arg0: i32, %arg1: i32, %arg2: memref<5xi32, #tpu.memory_space<smem>>) -> (i32, i32) {
    %c0_i32 = arith.constant 0 : i32
    %c0_i32_0 = arith.constant 0 : i32
    return %arg0, %c0_i32 : i32, i32
  }
  func.func @transform_2(%arg0: i32, %arg1: i32, %arg2: memref<5xi32, #tpu.memory_space<smem>>) -> (i32, i32) {
    %c0_i32 = arith.constant 0 : i32
    %c0_i32_0 = arith.constant 0 : i32
    return %arg0, %c0_i32 : i32, i32
  }
  func.func @transform_3(%arg0: i32, %arg1: i32, %arg2: memref<5xi32, #tpu.memory_space<smem>>) -> (i32, i32) {
    %c0_i32 = arith.constant 0 : i32
    %c0_i32_0 = arith.constant 0 : i32
    return %arg0, %c0_i32 : i32, i32
  }
  func.func @transform_4(%arg0: i32, %arg1: i32, %arg2: memref<5xi32, #tpu.memory_space<smem>>) -> (i32, i32) {
    %c0_i32 = arith.constant 0 : i32
    %c0_i32_0 = arith.constant 0 : i32
    %c0_i32_1 = arith.constant 0 : i32
    return %c0_i32, %c0_i32_0 : i32, i32
  }
  func.func @transform_5(%arg0: i32, %arg1: i32, %arg2: memref<5xi32, #tpu.memory_space<smem>>) -> (i32, i32) {
    %c0_i32 = arith.constant 0 : i32
    %c0_i32_0 = arith.constant 0 : i32
    %c0_i32_1 = arith.constant 0 : i32
    return %c0_i32, %c0_i32_0 : i32, i32
  }
  func.func @transform_6(%arg0: i32, %arg1: i32, %arg2: memref<5xi32, #tpu.memory_space<smem>>) -> (i32, i32) {
    %c0_i32 = arith.constant 0 : i32
    %c0_i32_0 = arith.constant 0 : i32
    %c0_i32_1 = arith.constant 0 : i32
    return %c0_i32, %c0_i32_0 : i32, i32
  }
  func.func @transform_7(%arg0: i32, %arg1: i32, %arg2: memref<5xi32, #tpu.memory_space<smem>>) -> (i32, i32) {
    %c0_i32 = arith.constant 0 : i32
    %c0_i32_0 = arith.constant 0 : i32
    %c0_i32_1 = arith.constant 0 : i32
    return %c0_i32, %c0_i32_0 : i32, i32
  }
  func.func @transform_8(%arg0: i32, %arg1: i32, %arg2: memref<5xi32, #tpu.memory_space<smem>>) -> (i32, i32) {
    %c0_i32 = arith.constant 0 : i32
    %c0_i32_0 = arith.constant 0 : i32
    %c0_i32_1 = arith.constant 0 : i32
    return %c0_i32, %c0_i32_0 : i32, i32
  }
  func.func @transform_9(%arg0: i32, %arg1: i32, %arg2: memref<5xi32, #tpu.memory_space<smem>>) -> (i32, i32) {
    %c0_i32 = arith.constant 0 : i32
    %c0_i32_0 = arith.constant 0 : i32
    %c0_i32_1 = arith.constant 0 : i32
    return %c0_i32, %c0_i32_0 : i32, i32
  }
  func.func @transform_10(%arg0: i32, %arg1: i32, %arg2: memref<5xi32, #tpu.memory_space<smem>>) -> (i32, i32) {
    %c0_i32 = arith.constant 0 : i32
    %c0_i32_0 = arith.constant 0 : i32
    %c0_i32_1 = arith.constant 0 : i32
    return %c0_i32, %c0_i32_0 : i32, i32
  }
  func.func @transform_11(%arg0: i32, %arg1: i32, %arg2: memref<5xi32, #tpu.memory_space<smem>>) -> (i32, i32) {
    %c0_i32 = arith.constant 0 : i32
    %c0_i32_0 = arith.constant 0 : i32
    %c0_i32_1 = arith.constant 0 : i32
    return %c0_i32, %c0_i32_0 : i32, i32
  }
  func.func @transform_12(%arg0: i32, %arg1: i32, %arg2: memref<5xi32, #tpu.memory_space<smem>>) -> (i32, i32) {
    %c0_i32 = arith.constant 0 : i32
    %c0_i32_0 = arith.constant 0 : i32
    %c0_i32_1 = arith.constant 0 : i32
    return %c0_i32, %c0_i32_0 : i32, i32
  }
  func.func @transform_13(%arg0: i32, %arg1: i32, %arg2: memref<5xi32, #tpu.memory_space<smem>>) -> (i32, i32) {
    %c0_i32 = arith.constant 0 : i32
    %c0_i32_0 = arith.constant 0 : i32
    %c0_i32_1 = arith.constant 0 : i32
    return %c0_i32, %c0_i32_0 : i32, i32
  }
  func.func @transform_14(%arg0: i32, %arg1: i32, %arg2: memref<5xi32, #tpu.memory_space<smem>>) -> (i32, i32) {
    %c0_i32 = arith.constant 0 : i32
    %c0_i32_0 = arith.constant 0 : i32
    return %arg0, %c0_i32 : i32, i32
  }
}

module attributes {stable_mosaic.version = 14 : i64} {
  func.func @_k5_body(%arg0: i32, %arg1: i32, %arg2: memref<5xi32, #tpu.memory_space<smem>>, %arg3: memref<1x2000x128xf32, #tpu.memory_space<vmem>>, %arg4: memref<2000x128xf32, #tpu.memory_space<vmem>>, %arg5: memref<2000x1xi32, #tpu.memory_space<vmem>>, %arg6: memref<2000x1xi32, #tpu.memory_space<vmem>>, %arg7: memref<1250x128xi32, #tpu.memory_space<vmem>>, %arg8: memref<10000x128xf32, #tpu.memory_space<vmem>>, %arg9: memref<128x256xf32, #tpu.memory_space<vmem>>, %arg10: memref<64x256xf32, #tpu.memory_space<vmem>>, %arg11: memref<1x256xf32, #tpu.memory_space<vmem>>, %arg12: memref<128x128xf32, #tpu.memory_space<vmem>>, %arg13: memref<64x128xf32, #tpu.memory_space<vmem>>, %arg14: memref<1x128xf32, #tpu.memory_space<vmem>>, %arg15: memref<1x128xf32, #tpu.memory_space<vmem>>, %arg16: memref<1x128xf32, #tpu.memory_space<vmem>>, %arg17: memref<2000x128xf32, #tpu.memory_space<vmem>>, %arg18: memref<2000x64xf32, #tpu.memory_space<vmem>>, %arg19: memref<2000x64xf32, #tpu.memory_space<vmem>>, %arg20: memref<2000x128xf32, #tpu.memory_space<vmem>>) attributes {dimension_semantics = [#tpu.dimension_semantics<arbitrary>, #tpu.dimension_semantics<arbitrary>], iteration_bounds = array<i64: 5, 48>, scalar_prefetch = 1 : i64, scratch_operands = 3 : i64, tpu.core_type = #tpu.core_type<tc>, window_params = [{transform_indices = @transform_0, window_bounds = array<i64: 1, 2000, 128>}, {transform_indices = @transform_1, window_bounds = array<i64: 2000, 128>}, {transform_indices = @transform_2, window_bounds = array<i64: 2000, 1>}, {transform_indices = @transform_3, window_bounds = array<i64: 2000, 1>}, {pipeline_mode = #tpu.pipeline_mode<synchronous>, transform_indices = @transform_4, window_bounds = array<i64: 1250, 128>}, {pipeline_mode = #tpu.pipeline_mode<synchronous>, transform_indices = @transform_5, window_bounds = array<i64: 10000, 128>}, {pipeline_mode = #tpu.pipeline_mode<synchronous>, transform_indices = @transform_6, window_bounds = array<i64: 128, 256>}, {pipeline_mode = #tpu.pipeline_mode<synchronous>, transform_indices = @transform_7, window_bounds = array<i64: 64, 256>}, {pipeline_mode = #tpu.pipeline_mode<synchronous>, transform_indices = @transform_8, window_bounds = array<i64: 1, 256>}, {pipeline_mode = #tpu.pipeline_mode<synchronous>, transform_indices = @transform_9, window_bounds = array<i64: 128, 128>}, {pipeline_mode = #tpu.pipeline_mode<synchronous>, transform_indices = @transform_10, window_bounds = array<i64: 64, 128>}, {pipeline_mode = #tpu.pipeline_mode<synchronous>, transform_indices = @transform_11, window_bounds = array<i64: 1, 128>}, {pipeline_mode = #tpu.pipeline_mode<synchronous>, transform_indices = @transform_12, window_bounds = array<i64: 1, 128>}, {pipeline_mode = #tpu.pipeline_mode<synchronous>, transform_indices = @transform_13, window_bounds = array<i64: 1, 128>}, {transform_indices = @transform_14, window_bounds = array<i64: 2000, 128>}]} {
    %eq3A = arith.constant 0 : i32
    %eq3A_0 = arith.cmpi eq, %arg1, %eq3A : i32
    %convert_element_type3A = arith.extui %eq3A_0 : i1 to i32
    %cond3A = arith.constant 0 : i32
    %cond3A_1 = arith.cmpi ne, %convert_element_type3A, %cond3A : i32
    scf.if %cond3A_1 {
      %broadcast_in_dim3A = arith.constant 0.000000e+00 : f32
      %broadcast_in_dim3A_11 = vector.broadcast %broadcast_in_dim3A : f32 to vector<2000x64xf32>
      %swap3A = arith.constant 0 : index
      %swap3A_12 = arith.constant 0 : index
      %swap3A_13 = vector.load %arg18[%swap3A, %swap3A_12] : memref<2000x64xf32, #tpu.memory_space<vmem>>, vector<2000x64xf32>
      tpu.vector_store %arg18[%swap3A, %swap3A_12], %broadcast_in_dim3A_11 {strides = array<i32>} : memref<2000x64xf32, #tpu.memory_space<vmem>>, vector<2000x64xf32>,
      %broadcast_in_dim3A_14 = arith.constant 0.000000e+00 : f32
      %broadcast_in_dim3A_15 = vector.broadcast %broadcast_in_dim3A_14 : f32 to vector<2000x64xf32>
      %swap3A_16 = arith.constant 0 : index
      %swap3A_17 = arith.constant 0 : index
      %swap3A_18 = vector.load %arg19[%swap3A_16, %swap3A_17] : memref<2000x64xf32, #tpu.memory_space<vmem>>, vector<2000x64xf32>
      tpu.vector_store %arg19[%swap3A_16, %swap3A_17], %broadcast_in_dim3A_15 {strides = array<i32>} : memref<2000x64xf32, #tpu.memory_space<vmem>>, vector<2000x64xf32>,
    } else {
    }
    %get3A = arith.index_cast %arg0 : i32 to index
    %get3A_2 = memref.load %arg2[%get3A] : memref<5xi32, #tpu.memory_space<smem>>
    %lt3A = arith.cmpi slt, %arg1, %get3A_2 : i32
    %convert_element_type3A_3 = arith.extui %lt3A : i1 to i32
    %cond3A_4 = arith.constant 0 : i32
    %cond3A_5 = arith.cmpi ne, %convert_element_type3A_3, %cond3A_4 : i32
    scf.if %cond3A_5 {
      %get3A_11 = arith.constant 0 : index
      %get3A_12 = arith.constant 0 : index
      %get3A_13 = arith.constant 0 : index
      %get3A_14 = vector.load %arg3[%get3A_11, %get3A_12, %get3A_13] : memref<1x2000x128xf32, #tpu.memory_space<vmem>>, vector<1x2000x128xf32>
      %get3A_15 = vector.shape_cast %get3A_14 : vector<1x2000x128xf32> to vector<2000x128xf32>
      %get3A_16 = arith.constant 0 : index
      %get3A_17 = arith.constant 0 : index
      %get3A_18 = vector.load %arg9[%get3A_16, %get3A_17] : memref<128x256xf32, #tpu.memory_space<vmem>>, vector<128x256xf32>
      %dot_general3A = arith.constant dense<0.000000e+00> : vector<2000x256xf32>
      %dot_general3A_19 = tpu.matmul %get3A_15, %get3A_18, %dot_general3A {dimension_numbers = #tpu.dot_dimension_numbers<[1], [0], [0], [1], [0, 0, 1, 1], [], []>, transpose_lhs_hint = false} : vector<2000x128xf32>, vector<128x256xf32>, vector<2000x256xf32> -> vector<2000x256xf32>
      %get3A_20 = arith.constant 0 : index
      %get3A_21 = arith.constant 0 : index
      %get3A_22 = vector.load %arg18[%get3A_20, %get3A_21] : memref<2000x64xf32, #tpu.memory_space<vmem>>, vector<2000x64xf32>
      %get3A_23 = arith.constant 0 : index
      %get3A_24 = arith.constant 0 : index
      %get3A_25 = vector.load %arg10[%get3A_23, %get3A_24] : memref<64x256xf32, #tpu.memory_space<vmem>>, vector<64x256xf32>
      %dot_general3A_26 = arith.constant dense<0.000000e+00> : vector<2000x256xf32>
      %dot_general3A_27 = tpu.matmul %get3A_22, %get3A_25, %dot_general3A_26 {dimension_numbers = #tpu.dot_dimension_numbers<[1], [0], [0], [1], [0, 0, 1, 1], [], []>, transpose_lhs_hint = false} : vector<2000x64xf32>, vector<64x256xf32>, vector<2000x256xf32> -> vector<2000x256xf32>
      %add3A = arith.addf %dot_general3A_19, %dot_general3A_27 : vector<2000x256xf32>
      %get3A_28 = arith.constant 0 : index
      %get3A_29 = arith.constant 0 : index
      %get3A_30 = vector.load %arg11[%get3A_28, %get3A_29] : memref<1x256xf32, #tpu.memory_space<vmem>>, vector<1x256xf32>
      %add3A_31 = vector.broadcast %get3A_30 : vector<1x256xf32> to vector<2000x256xf32>
      %add3A_32 = arith.addf %add3A, %add3A_31 : vector<2000x256xf32>
      %slice3A = vector.extract_strided_slice %add3A_32 {offsets = [0, 0], sizes = [2000, 64], strides = [1, 1]} : vector<2000x256xf32> to vector<2000x64xf32>
      %neg3A = arith.constant 0.000000e+00 : f32
      %neg3A_33 = vector.broadcast %neg3A : f32 to vector<2000x64xf32>
      %neg3A_34 = arith.subf %neg3A_33, %slice3A : vector<2000x64xf32>
      %exp3A = math.exp %neg3A_34 : vector<2000x64xf32>
      %add3A_35 = arith.constant 1.000000e+00 : f32
      %add3A_36 = vector.broadcast %add3A_35 : f32 to vector<2000x64xf32>
      %add3A_37 = arith.addf %add3A_36, %exp3A : vector<2000x64xf32>
      %div3A = arith.constant 1.000000e+00 : f32
      %div3A_38 = vector.broadcast %div3A : f32 to vector<2000x64xf32>
      %div3A_39 = arith.divf %div3A_38, %add3A_37 : vector<2000x64xf32>
      %slice3A_40 = vector.extract_strided_slice %add3A_32 {offsets = [0, 64], sizes = [2000, 64], strides = [1, 1]} : vector<2000x256xf32> to vector<2000x64xf32>
      %neg3A_41 = arith.constant 0.000000e+00 : f32
      %neg3A_42 = vector.broadcast %neg3A_41 : f32 to vector<2000x64xf32>
      %neg3A_43 = arith.subf %neg3A_42, %slice3A_40 : vector<2000x64xf32>
      %exp3A_44 = math.exp %neg3A_43 : vector<2000x64xf32>
      %add3A_45 = arith.constant 1.000000e+00 : f32
      %add3A_46 = vector.broadcast %add3A_45 : f32 to vector<2000x64xf32>
      %add3A_47 = arith.addf %add3A_46, %exp3A_44 : vector<2000x64xf32>
      %div3A_48 = arith.constant 1.000000e+00 : f32
      %div3A_49 = vector.broadcast %div3A_48 : f32 to vector<2000x64xf32>
      %div3A_50 = arith.divf %div3A_49, %add3A_47 : vector<2000x64xf32>
      %slice3A_51 = vector.extract_strided_slice %add3A_32 {offsets = [0, 128], sizes = [2000, 64], strides = [1, 1]} : vector<2000x256xf32> to vector<2000x64xf32>
      %tanh3A = math.tanh %slice3A_51 : vector<2000x64xf32>
      %slice3A_52 = vector.extract_strided_slice %add3A_32 {offsets = [0, 192], sizes = [2000, 64], strides = [1, 1]} : vector<2000x256xf32> to vector<2000x64xf32>
      %neg3A_53 = arith.constant 0.000000e+00 : f32
      %neg3A_54 = vector.broadcast %neg3A_53 : f32 to vector<2000x64xf32>
      %neg3A_55 = arith.subf %neg3A_54, %slice3A_52 : vector<2000x64xf32>
      %exp3A_56 = math.exp %neg3A_55 : vector<2000x64xf32>
      %add3A_57 = arith.constant 1.000000e+00 : f32
      %add3A_58 = vector.broadcast %add3A_57 : f32 to vector<2000x64xf32>
      %add3A_59 = arith.addf %add3A_58, %exp3A_56 : vector<2000x64xf32>
      %div3A_60 = arith.constant 1.000000e+00 : f32
      %div3A_61 = vector.broadcast %div3A_60 : f32 to vector<2000x64xf32>
      %div3A_62 = arith.divf %div3A_61, %add3A_59 : vector<2000x64xf32>
      %get3A_63 = arith.constant 0 : index
      %get3A_64 = arith.constant 0 : index
      %get3A_65 = vector.load %arg19[%get3A_63, %get3A_64] : memref<2000x64xf32, #tpu.memory_space<vmem>>, vector<2000x64xf32>
      %mul3A = arith.mulf %div3A_50, %get3A_65 : vector<2000x64xf32>
      %mul3A_66 = arith.mulf %div3A_39, %tanh3A : vector<2000x64xf32>
      %add3A_67 = arith.addf %mul3A, %mul3A_66 : vector<2000x64xf32>
      %tanh3A_68 = math.tanh %add3A_67 : vector<2000x64xf32>
      %mul3A_69 = arith.mulf %div3A_62, %tanh3A_68 : vector<2000x64xf32>
      %get3A_70 = arith.constant 0 : index
      %get3A_71 = arith.constant 0 : index
      %get3A_72 = vector.load %arg5[%get3A_70, %get3A_71] : memref<2000x1xi32, #tpu.memory_space<vmem>>, vector<2000x1xi32>
      %gt3A = vector.broadcast %arg1 : i32 to vector<2000x1xi32>
      %gt3A_73 = arith.cmpi sgt, %get3A_72, %gt3A : vector<2000x1xi32>
      %get3A_74 = arith.constant 0 : index
      %get3A_75 = arith.constant 0 : index
      %get3A_76 = vector.load %arg18[%get3A_74, %get3A_75] : memref<2000x64xf32, #tpu.memory_space<vmem>>, vector<2000x64xf32>
      %broadcast_in_dim3A = vector.shape_cast %gt3A_73 : vector<2000x1xi1> to vector<2000x1xi1>
      %broadcast_in_dim3A_77 = vector.broadcast %broadcast_in_dim3A : vector<2000x1xi1> to vector<2000x64xi1>
      %select_n3A = arith.select %broadcast_in_dim3A_77, %mul3A_69, %get3A_76 : vector<2000x64xi1>, vector<2000x64xf32>
      %swap3A = arith.constant 0 : index
      %swap3A_78 = arith.constant 0 : index
      %swap3A_79 = vector.load %arg18[%swap3A, %swap3A_78] : memref<2000x64xf32, #tpu.memory_space<vmem>>, vector<2000x64xf32>
      tpu.vector_store %arg18[%swap3A, %swap3A_78], %select_n3A {strides = array<i32>} : memref<2000x64xf32, #tpu.memory_space<vmem>>, vector<2000x64xf32>,
      %get3A_80 = arith.constant 0 : index
      %get3A_81 = arith.constant 0 : index
      %get3A_82 = vector.load %arg19[%get3A_80, %get3A_81] : memref<2000x64xf32, #tpu.memory_space<vmem>>, vector<2000x64xf32>
      %broadcast_in_dim3A_83 = vector.shape_cast %gt3A_73 : vector<2000x1xi1> to vector<2000x1xi1>
      %broadcast_in_dim3A_84 = vector.broadcast %broadcast_in_dim3A_83 : vector<2000x1xi1> to vector<2000x64xi1>
      %select_n3A_85 = arith.select %broadcast_in_dim3A_84, %add3A_67, %get3A_82 : vector<2000x64xi1>, vector<2000x64xf32>
      %swap3A_86 = arith.constant 0 : index
      %swap3A_87 = arith.constant 0 : index
      %swap3A_88 = vector.load %arg19[%swap3A_86, %swap3A_87] : memref<2000x64xf32, #tpu.memory_space<vmem>>, vector<2000x64xf32>
      tpu.vector_store %arg19[%swap3A_86, %swap3A_87], %select_n3A_85 {strides = array<i32>} : memref<2000x64xf32, #tpu.memory_space<vmem>>, vector<2000x64xf32>,
    } else {
    }
    %eq3A_6 = arith.constant 47 : i32
    %eq3A_7 = arith.cmpi eq, %arg1, %eq3A_6 : i32
    %convert_element_type3A_8 = arith.extui %eq3A_7 : i1 to i32
    %cond3A_9 = arith.constant 0 : i32
    %cond3A_10 = arith.cmpi ne, %convert_element_type3A_8, %cond3A_9 : i32
    scf.if %cond3A_10 {
      %get3A_11 = arith.constant 0 : index
      %get3A_12 = arith.constant 0 : index
      %get3A_13 = vector.load %arg5[%get3A_11, %get3A_12] : memref<2000x1xi32, #tpu.memory_space<vmem>>, vector<2000x1xi32>
      %reduce_max3A = vector.shape_cast %get3A_13 : vector<2000x1xi32> to vector<1x2000x1xi32>
      %reduce_max3A_14 = arith.constant dense<-2147483648> : vector<1xi32>
      %reduce_max3A_15 = vector.multi_reduction <maxsi>, %reduce_max3A, %reduce_max3A_14 [1, 2] : vector<1x2000x1xi32> to vector<1xi32>
      %reduce_max3A_16 = vector.shape_cast %reduce_max3A_15 : vector<1xi32> to vector<1x1x1xi32>
      %reduce_max3A_17 = vector.extract %reduce_max3A_16[0, 0, 0] : i32 from vector<1x1x1xi32>
      %while3A = arith.constant 48 : i32
      %while3A_18 = scf.while (%while3A_69 = %while3A) : (i32) -> i32 {
        %lt3A_70 = arith.cmpi slt, %while3A_69, %reduce_max3A_17 : i32
        scf.condition(%lt3A_70) %while3A_69 : i32
      } do {
      ^bb0(%while3A_69: i32):
        %scan3A = arith.constant 0 : i32
        %scan3A_70 = arith.constant 0 : i32
        %scan3A_71 = arith.constant 2000 : i32
        %scan3A_72 = arith.addi %scan3A_70, %scan3A_71 : i32
        %scan3A_73 = arith.constant 1 : i32
        scf.for %scan3A_159 = %scan3A_70 to %scan3A_72 step %scan3A_73  : i32 {
          %get3A_160 = arith.index_cast %scan3A_159 : i32 to index
          %get3A_161 = arith.constant 0 : index
          %get3A_162 = vector.load %arg5[%get3A_160, %get3A_161] : memref<2000x1xi32, #tpu.memory_space<vmem>>, vector<1x1xi32>
          %get3A_163 = vector.extract %get3A_162[0, 0] : i32 from vector<1x1xi32>
          %gt3A_164 = arith.cmpi sgt, %get3A_163, %while3A_69 : i32
          %convert_element_type3A_165 = arith.extui %gt3A_164 : i1 to i32
          %cond3A_166 = arith.constant 0 : i32
          %cond3A_167 = arith.cmpi ne, %convert_element_type3A_165, %cond3A_166 : i32
          scf.if %cond3A_167 {
            %get3A_168 = arith.index_cast %scan3A_159 : i32 to index
            %get3A_169 = arith.constant 0 : index
            %get3A_170 = vector.load %arg6[%get3A_168, %get3A_169] : memref<2000x1xi32, #tpu.memory_space<vmem>>, vector<1x1xi32>
            %get3A_171 = vector.extract %get3A_170[0, 0] : i32 from vector<1x1xi32>
            %add3A_172 = arith.addi %get3A_171, %while3A_69 : i32
            %jit3A = arith.constant 128 : i32
            %div3A_173 = arith.divsi %add3A_172, %jit3A : i32
            %sign3A = arith.constant 0 : i32
            %sign3A_174 = arith.cmpi sgt, %add3A_172, %sign3A : i32
            %sign3A_175 = arith.extui %sign3A_174 : i1 to i32
            %sign3A_176 = arith.constant 0 : i32
            %sign3A_177 = arith.cmpi slt, %add3A_172, %sign3A_176 : i32
            %sign3A_178 = arith.extui %sign3A_177 : i1 to i32
            %sign3A_179 = arith.subi %sign3A_175, %sign3A_178 : i32
            %sign3A_180 = arith.constant 0 : i32
            %sign3A_181 = arith.cmpi sgt, %jit3A, %sign3A_180 : i32
            %sign3A_182 = arith.extui %sign3A_181 : i1 to i32
            %sign3A_183 = arith.constant 0 : i32
            %sign3A_184 = arith.cmpi slt, %jit3A, %sign3A_183 : i32
            %sign3A_185 = arith.extui %sign3A_184 : i1 to i32
            %sign3A_186 = arith.subi %sign3A_182, %sign3A_185 : i32
            %ne3A = arith.cmpi ne, %sign3A_179, %sign3A_186 : i32
            %rem3A = arith.remsi %add3A_172, %jit3A : i32
            %ne3A_187 = arith.constant 0 : i32
            %ne3A_188 = arith.cmpi ne, %rem3A, %ne3A_187 : i32
            %and3A = arith.andi %ne3A, %ne3A_188 : i1
            %sub3A_189 = arith.constant 1 : i32
            %sub3A_190 = arith.subi %div3A_173, %sub3A_189 : i32
            %select_n3A_191 = arith.select %and3A, %sub3A_190, %div3A_173 : i32
            %get3A_192 = arith.index_cast %select_n3A_191 : i32 to index
            %get3A_193 = arith.constant 0 : index
            %get3A_194 = vector.load %arg7[%get3A_192, %get3A_193] : memref<1250x128xi32, #tpu.memory_space<vmem>>, vector<1x128xi32>
            %iota3A = tpu.iota {dimensions = array<i32: 1>} : vector<1x128xi32>
            %jit3A_195 = arith.constant 128 : i32
            %eq3A_196 = arith.constant 0 : i32
            %eq3A_197 = arith.cmpi eq, %jit3A_195, %eq3A_196 : i32
            %jit3A_198 = arith.constant 1 : i32
            %select_n3A_199 = arith.select %eq3A_197, %jit3A_198, %jit3A_195 : i32
            %rem3A_200 = arith.remsi %add3A_172, %select_n3A_199 : i32
            %ne3A_201 = arith.constant 0 : i32
            %ne3A_202 = arith.cmpi ne, %rem3A_200, %ne3A_201 : i32
            %lt3A_203 = arith.constant 0 : i32
            %lt3A_204 = arith.cmpi slt, %rem3A_200, %lt3A_203 : i32
            %lt3A_205 = arith.constant 0 : i32
            %lt3A_206 = arith.cmpi slt, %select_n3A_199, %lt3A_205 : i32
            %ne3A_207 = arith.xori %lt3A_204, %lt3A_206 : i1
            %and3A_208 = arith.andi %ne3A_207, %ne3A_202 : i1
            %add3A_209 = arith.addi %rem3A_200, %select_n3A_199 : i32
            %select_n3A_210 = arith.select %and3A_208, %add3A_209, %rem3A_200 : i32
            %eq3A_211 = vector.broadcast %select_n3A_210 : i32 to vector<1x128xi32>
            %eq3A_212 = arith.cmpi eq, %iota3A, %eq3A_211 : vector<1x128xi32>
            %jit3A_213 = arith.constant 0 : i32
            %broadcast_in_dim3A_214 = vector.broadcast %jit3A_213 : i32 to vector<1x128xi32>
            %select_n3A_215 = arith.select %eq3A_212, %get3A_194, %broadcast_in_dim3A_214 : vector<1x128xi1>, vector<1x128xi32>
            %reduce_sum3A_216 = vector.shape_cast %select_n3A_215 : vector<1x128xi32> to vector<1x1x128xi32>
            %reduce_sum3A_217 = arith.constant dense<0> : vector<1xi32>
            %reduce_sum3A_218 = vector.multi_reduction <add>, %reduce_sum3A_216, %reduce_sum3A_217 [1, 2] : vector<1x1x128xi32> to vector<1xi32>
            %reduce_sum3A_219 = vector.shape_cast %reduce_sum3A_218 : vector<1xi32> to vector<1x1x1xi32>
            %reduce_sum3A_220 = vector.extract %reduce_sum3A_219[0, 0, 0] : i32 from vector<1x1x1xi32>
            %get3A_221 = arith.index_cast %reduce_sum3A_220 : i32 to index
            %get3A_222 = arith.constant 0 : index
            %get3A_223 = vector.load %arg8[%get3A_221, %get3A_222] : memref<10000x128xf32, #tpu.memory_space<vmem>>, vector<1x128xf32>
            %swap3A_224 = arith.index_cast %scan3A_159 : i32 to index
            %swap3A_225 = arith.constant 0 : index
            %swap3A_226 = vector.load %arg20[%swap3A_224, %swap3A_225] : memref<2000x128xf32, #tpu.memory_space<vmem>>, vector<1x128xf32>
            tpu.vector_store %arg20[%swap3A_224, %swap3A_225], %get3A_223 {strides = array<i32>} : memref<2000x128xf32, #tpu.memory_space<vmem>>, vector<1x128xf32>,
          } else {
          }
        }
        %scan3A_74 = arith.constant 2000 : i32
        %get3A_75 = arith.constant 0 : index
        %get3A_76 = arith.constant 0 : index
        %get3A_77 = vector.load %arg20[%get3A_75, %get3A_76] : memref<2000x128xf32, #tpu.memory_space<vmem>>, vector<2000x128xf32>
        %get3A_78 = arith.constant 0 : index
        %get3A_79 = arith.constant 0 : index
        %get3A_80 = vector.load %arg9[%get3A_78, %get3A_79] : memref<128x256xf32, #tpu.memory_space<vmem>>, vector<128x256xf32>
        %dot_general3A_81 = arith.constant dense<0.000000e+00> : vector<2000x256xf32>
        %dot_general3A_82 = tpu.matmul %get3A_77, %get3A_80, %dot_general3A_81 {dimension_numbers = #tpu.dot_dimension_numbers<[1], [0], [0], [1], [0, 0, 1, 1], [], []>, transpose_lhs_hint = false} : vector<2000x128xf32>, vector<128x256xf32>, vector<2000x256xf32> -> vector<2000x256xf32>
        %get3A_83 = arith.constant 0 : index
        %get3A_84 = arith.constant 0 : index
        %get3A_85 = vector.load %arg18[%get3A_83, %get3A_84] : memref<2000x64xf32, #tpu.memory_space<vmem>>, vector<2000x64xf32>
        %get3A_86 = arith.constant 0 : index
        %get3A_87 = arith.constant 0 : index
        %get3A_88 = vector.load %arg10[%get3A_86, %get3A_87] : memref<64x256xf32, #tpu.memory_space<vmem>>, vector<64x256xf32>
        %dot_general3A_89 = arith.constant dense<0.000000e+00> : vector<2000x256xf32>
        %dot_general3A_90 = tpu.matmul %get3A_85, %get3A_88, %dot_general3A_89 {dimension_numbers = #tpu.dot_dimension_numbers<[1], [0], [0], [1], [0, 0, 1, 1], [], []>, transpose_lhs_hint = false} : vector<2000x64xf32>, vector<64x256xf32>, vector<2000x256xf32> -> vector<2000x256xf32>
        %add3A_91 = arith.addf %dot_general3A_82, %dot_general3A_90 : vector<2000x256xf32>
        %get3A_92 = arith.constant 0 : index
        %get3A_93 = arith.constant 0 : index
        %get3A_94 = vector.load %arg11[%get3A_92, %get3A_93] : memref<1x256xf32, #tpu.memory_space<vmem>>, vector<1x256xf32>
        %add3A_95 = vector.broadcast %get3A_94 : vector<1x256xf32> to vector<2000x256xf32>
        %add3A_96 = arith.addf %add3A_91, %add3A_95 : vector<2000x256xf32>
        %slice3A = vector.extract_strided_slice %add3A_96 {offsets = [0, 0], sizes = [2000, 64], strides = [1, 1]} : vector<2000x256xf32> to vector<2000x64xf32>
        %neg3A = arith.constant 0.000000e+00 : f32
        %neg3A_97 = vector.broadcast %neg3A : f32 to vector<2000x64xf32>
        %neg3A_98 = arith.subf %neg3A_97, %slice3A : vector<2000x64xf32>
        %exp3A = math.exp %neg3A_98 : vector<2000x64xf32>
        %add3A_99 = arith.constant 1.000000e+00 : f32
        %add3A_100 = vector.broadcast %add3A_99 : f32 to vector<2000x64xf32>
        %add3A_101 = arith.addf %add3A_100, %exp3A : vector<2000x64xf32>
        %div3A_102 = arith.constant 1.000000e+00 : f32
        %div3A_103 = vector.broadcast %div3A_102 : f32 to vector<2000x64xf32>
        %div3A_104 = arith.divf %div3A_103, %add3A_101 : vector<2000x64xf32>
        %slice3A_105 = vector.extract_strided_slice %add3A_96 {offsets = [0, 64], sizes = [2000, 64], strides = [1, 1]} : vector<2000x256xf32> to vector<2000x64xf32>
        %neg3A_106 = arith.constant 0.000000e+00 : f32
        %neg3A_107 = vector.broadcast %neg3A_106 : f32 to vector<2000x64xf32>
        %neg3A_108 = arith.subf %neg3A_107, %slice3A_105 : vector<2000x64xf32>
        %exp3A_109 = math.exp %neg3A_108 : vector<2000x64xf32>
        %add3A_110 = arith.constant 1.000000e+00 : f32
        %add3A_111 = vector.broadcast %add3A_110 : f32 to vector<2000x64xf32>
        %add3A_112 = arith.addf %add3A_111, %exp3A_109 : vector<2000x64xf32>
        %div3A_113 = arith.constant 1.000000e+00 : f32
        %div3A_114 = vector.broadcast %div3A_113 : f32 to vector<2000x64xf32>
        %div3A_115 = arith.divf %div3A_114, %add3A_112 : vector<2000x64xf32>
        %slice3A_116 = vector.extract_strided_slice %add3A_96 {offsets = [0, 128], sizes = [2000, 64], strides = [1, 1]} : vector<2000x256xf32> to vector<2000x64xf32>
        %tanh3A = math.tanh %slice3A_116 : vector<2000x64xf32>
        %slice3A_117 = vector.extract_strided_slice %add3A_96 {offsets = [0, 192], sizes = [2000, 64], strides = [1, 1]} : vector<2000x256xf32> to vector<2000x64xf32>
        %neg3A_118 = arith.constant 0.000000e+00 : f32
        %neg3A_119 = vector.broadcast %neg3A_118 : f32 to vector<2000x64xf32>
        %neg3A_120 = arith.subf %neg3A_119, %slice3A_117 : vector<2000x64xf32>
        %exp3A_121 = math.exp %neg3A_120 : vector<2000x64xf32>
        %add3A_122 = arith.constant 1.000000e+00 : f32
        %add3A_123 = vector.broadcast %add3A_122 : f32 to vector<2000x64xf32>
        %add3A_124 = arith.addf %add3A_123, %exp3A_121 : vector<2000x64xf32>
        %div3A_125 = arith.constant 1.000000e+00 : f32
        %div3A_126 = vector.broadcast %div3A_125 : f32 to vector<2000x64xf32>
        %div3A_127 = arith.divf %div3A_126, %add3A_124 : vector<2000x64xf32>
        %get3A_128 = arith.constant 0 : index
        %get3A_129 = arith.constant 0 : index
        %get3A_130 = vector.load %arg19[%get3A_128, %get3A_129] : memref<2000x64xf32, #tpu.memory_space<vmem>>, vector<2000x64xf32>
        %mul3A_131 = arith.mulf %div3A_115, %get3A_130 : vector<2000x64xf32>
        %mul3A_132 = arith.mulf %div3A_104, %tanh3A : vector<2000x64xf32>
        %add3A_133 = arith.addf %mul3A_131, %mul3A_132 : vector<2000x64xf32>
        %tanh3A_134 = math.tanh %add3A_133 : vector<2000x64xf32>
        %mul3A_135 = arith.mulf %div3A_127, %tanh3A_134 : vector<2000x64xf32>
        %get3A_136 = arith.constant 0 : index
        %get3A_137 = arith.constant 0 : index
        %get3A_138 = vector.load %arg5[%get3A_136, %get3A_137] : memref<2000x1xi32, #tpu.memory_space<vmem>>, vector<2000x1xi32>
        %gt3A = vector.broadcast %while3A_69 : i32 to vector<2000x1xi32>
        %gt3A_139 = arith.cmpi sgt, %get3A_138, %gt3A : vector<2000x1xi32>
        %get3A_140 = arith.constant 0 : index
        %get3A_141 = arith.constant 0 : index
        %get3A_142 = vector.load %arg18[%get3A_140, %get3A_141] : memref<2000x64xf32, #tpu.memory_space<vmem>>, vector<2000x64xf32>
        %broadcast_in_dim3A_143 = vector.shape_cast %gt3A_139 : vector<2000x1xi1> to vector<2000x1xi1>
        %broadcast_in_dim3A_144 = vector.broadcast %broadcast_in_dim3A_143 : vector<2000x1xi1> to vector<2000x64xi1>
        %select_n3A = arith.select %broadcast_in_dim3A_144, %mul3A_135, %get3A_142 : vector<2000x64xi1>, vector<2000x64xf32>
        %swap3A_145 = arith.constant 0 : index
        %swap3A_146 = arith.constant 0 : index
        %swap3A_147 = vector.load %arg18[%swap3A_145, %swap3A_146] : memref<2000x64xf32, #tpu.memory_space<vmem>>, vector<2000x64xf32>
        tpu.vector_store %arg18[%swap3A_145, %swap3A_146], %select_n3A {strides = array<i32>} : memref<2000x64xf32, #tpu.memory_space<vmem>>, vector<2000x64xf32>,
        %get3A_148 = arith.constant 0 : index
        %get3A_149 = arith.constant 0 : index
        %get3A_150 = vector.load %arg19[%get3A_148, %get3A_149] : memref<2000x64xf32, #tpu.memory_space<vmem>>, vector<2000x64xf32>
        %broadcast_in_dim3A_151 = vector.shape_cast %gt3A_139 : vector<2000x1xi1> to vector<2000x1xi1>
        %broadcast_in_dim3A_152 = vector.broadcast %broadcast_in_dim3A_151 : vector<2000x1xi1> to vector<2000x64xi1>
        %select_n3A_153 = arith.select %broadcast_in_dim3A_152, %add3A_133, %get3A_150 : vector<2000x64xi1>, vector<2000x64xf32>
        %swap3A_154 = arith.constant 0 : index
        %swap3A_155 = arith.constant 0 : index
        %swap3A_156 = vector.load %arg19[%swap3A_154, %swap3A_155] : memref<2000x64xf32, #tpu.memory_space<vmem>>, vector<2000x64xf32>
        tpu.vector_store %arg19[%swap3A_154, %swap3A_155], %select_n3A_153 {strides = array<i32>} : memref<2000x64xf32, #tpu.memory_space<vmem>>, vector<2000x64xf32>,
        %add3A_157 = arith.constant 1 : i32
        %add3A_158 = arith.addi %while3A_69, %add3A_157 : i32
        scf.yield %add3A_158 : i32
      }
      %get3A_19 = arith.constant 0 : index
      %get3A_20 = arith.constant 0 : index
      %get3A_21 = vector.load %arg4[%get3A_19, %get3A_20] : memref<2000x128xf32, #tpu.memory_space<vmem>>, vector<2000x128xf32>
      %get3A_22 = arith.constant 0 : index
      %get3A_23 = arith.constant 0 : index
      %get3A_24 = vector.load %arg12[%get3A_22, %get3A_23] : memref<128x128xf32, #tpu.memory_space<vmem>>, vector<128x128xf32>
      %dot_general3A = arith.constant dense<0.000000e+00> : vector<2000x128xf32>
      %dot_general3A_25 = tpu.matmul %get3A_21, %get3A_24, %dot_general3A {dimension_numbers = #tpu.dot_dimension_numbers<[1], [0], [0], [1], [0, 0, 1, 1], [], []>, transpose_lhs_hint = false} : vector<2000x128xf32>, vector<128x128xf32>, vector<2000x128xf32> -> vector<2000x128xf32>
      %get3A_26 = arith.constant 0 : index
      %get3A_27 = arith.constant 0 : index
      %get3A_28 = vector.load %arg18[%get3A_26, %get3A_27] : memref<2000x64xf32, #tpu.memory_space<vmem>>, vector<2000x64xf32>
      %get3A_29 = arith.constant 0 : index
      %get3A_30 = arith.constant 0 : index
      %get3A_31 = vector.load %arg13[%get3A_29, %get3A_30] : memref<64x128xf32, #tpu.memory_space<vmem>>, vector<64x128xf32>
      %dot_general3A_32 = arith.constant dense<0.000000e+00> : vector<2000x128xf32>
      %dot_general3A_33 = tpu.matmul %get3A_28, %get3A_31, %dot_general3A_32 {dimension_numbers = #tpu.dot_dimension_numbers<[1], [0], [0], [1], [0, 0, 1, 1], [], []>, transpose_lhs_hint = false} : vector<2000x64xf32>, vector<64x128xf32>, vector<2000x128xf32> -> vector<2000x128xf32>
      %add3A = arith.addf %dot_general3A_25, %dot_general3A_33 : vector<2000x128xf32>
      %get3A_34 = arith.constant 0 : index
      %get3A_35 = arith.constant 0 : index
      %get3A_36 = vector.load %arg14[%get3A_34, %get3A_35] : memref<1x128xf32, #tpu.memory_space<vmem>>, vector<1x128xf32>
      %add3A_37 = vector.broadcast %get3A_36 : vector<1x128xf32> to vector<2000x128xf32>
      %add3A_38 = arith.addf %add3A, %add3A_37 : vector<2000x128xf32>
      %max3A = arith.constant 0.000000e+00 : f32
      %max3A_39 = vector.broadcast %max3A : f32 to vector<2000x128xf32>
      %max3A_40 = arith.maximumf %add3A_38, %max3A_39 : vector<2000x128xf32>
      %reduce_sum3A = arith.constant dense<0.000000e+00> : vector<2000xf32>
      %reduce_sum3A_41 = vector.multi_reduction <add>, %max3A_40, %reduce_sum3A [1] : vector<2000x128xf32> to vector<2000xf32>
      %broadcast_in_dim3A = vector.shape_cast %reduce_sum3A_41 : vector<2000xf32> to vector<2000x1xf32>
      %div3A = arith.constant 1.280000e+02 : f32
      %div3A_42 = vector.broadcast %div3A : f32 to vector<2000x1xf32>
      %div3A_43 = arith.divf %broadcast_in_dim3A, %div3A_42 : vector<2000x1xf32>
      %sub3A = vector.broadcast %div3A_43 : vector<2000x1xf32> to vector<2000x128xf32>
      %sub3A_44 = arith.subf %max3A_40, %sub3A : vector<2000x128xf32>
      %integer_pow3A = arith.mulf %sub3A_44, %sub3A_44 : vector<2000x128xf32>
      %reduce_sum3A_45 = arith.constant dense<0.000000e+00> : vector<2000xf32>
      %reduce_sum3A_46 = vector.multi_reduction <add>, %integer_pow3A, %reduce_sum3A_45 [1] : vector<2000x128xf32> to vector<2000xf32>
      %broadcast_in_dim3A_47 = vector.shape_cast %reduce_sum3A_46 : vector<2000xf32> to vector<2000x1xf32>
      %div3A_48 = arith.constant 1.280000e+02 : f32
      %div3A_49 = vector.broadcast %div3A_48 : f32 to vector<2000x1xf32>
      %div3A_50 = arith.divf %broadcast_in_dim3A_47, %div3A_49 : vector<2000x1xf32>
      %sub3A_51 = vector.broadcast %div3A_43 : vector<2000x1xf32> to vector<2000x128xf32>
      %sub3A_52 = arith.subf %max3A_40, %sub3A_51 : vector<2000x128xf32>
      %add3A_53 = arith.constant 9.99999974E-6 : f32
      %add3A_54 = vector.broadcast %add3A_53 : f32 to vector<2000x1xf32>
      %add3A_55 = arith.addf %div3A_50, %add3A_54 : vector<2000x1xf32>
      %rsqrt3A = math.rsqrt %add3A_55 : vector<2000x1xf32>
      %mul3A = vector.broadcast %rsqrt3A : vector<2000x1xf32> to vector<2000x128xf32>
      %mul3A_56 = arith.mulf %sub3A_52, %mul3A : vector<2000x128xf32>
      %get3A_57 = arith.constant 0 : index
      %get3A_58 = arith.constant 0 : index
      %get3A_59 = vector.load %arg15[%get3A_57, %get3A_58] : memref<1x128xf32, #tpu.memory_space<vmem>>, vector<1x128xf32>
      %mul3A_60 = vector.broadcast %get3A_59 : vector<1x128xf32> to vector<2000x128xf32>
      %mul3A_61 = arith.mulf %mul3A_56, %mul3A_60 : vector<2000x128xf32>
      %get3A_62 = arith.constant 0 : index
      %get3A_63 = arith.constant 0 : index
      %get3A_64 = vector.load %arg16[%get3A_62, %get3A_63] : memref<1x128xf32, #tpu.memory_space<vmem>>, vector<1x128xf32>
      %add3A_65 = vector.broadcast %get3A_64 : vector<1x128xf32> to vector<2000x128xf32>
      %add3A_66 = arith.addf %mul3A_61, %add3A_65 : vector<2000x128xf32>
      %swap3A = arith.constant 0 : index
      %swap3A_67 = arith.constant 0 : index
      %swap3A_68 = vector.load %arg17[%swap3A, %swap3A_67] : memref<2000x128xf32, #tpu.memory_space<vmem>>, vector<2000x128xf32>
      tpu.vector_store %arg17[%swap3A, %swap3A_67], %add3A_66 {strides = array<i32>} : memref<2000x128xf32, #tpu.memory_space<vmem>>, vector<2000x128xf32>,
    } else {
    }
    return
  }
  func.func @transform_0(%arg0: i32, %arg1: i32, %arg2: memref<5xi32, #tpu.memory_space<smem>>) -> (i32, i32, i32) {
    %get3A = arith.index_cast %arg0 : i32 to index
    %get3A_0 = memref.load %arg2[%get3A] : memref<5xi32, #tpu.memory_space<smem>>
    %sub3A = arith.constant 1 : i32
    %sub3A_1 = arith.subi %get3A_0, %sub3A : i32
    %min3A = arith.minsi %arg1, %sub3A_1 : i32
    %max3A = arith.constant 0 : i32
    %max3A_2 = arith.maxsi %min3A, %max3A : i32
    %c0_i32 = arith.constant 0 : i32
    %c0_i32_3 = arith.constant 0 : i32
    return %max3A_2, %arg0, %c0_i32 : i32, i32, i32
  }
  func.func @transform_1(%arg0: i32, %arg1: i32, %arg2: memref<5xi32, #tpu.memory_space<smem>>) -> (i32, i32) {
    %c0_i32 = arith.constant 0 : i32
    %c0_i32_0 = arith.constant 0 : i32
    return %arg0, %c0_i32 : i32, i32
  }
  func.func @transform_2(%arg0: i32, %arg1: i32, %arg2: memref<5xi32, #tpu.memory_space<smem>>) -> (i32, i32) {
    %c0_i32 = arith.constant 0 : i32
    %c0_i32_0 = arith.constant 0 : i32
    return %arg0, %c0_i32 : i32, i32
  }
  func.func @transform_3(%arg0: i32, %arg1: i32, %arg2: memref<5xi32, #tpu.memory_space<smem>>) -> (i32, i32) {
    %c0_i32 = arith.constant 0 : i32
    %c0_i32_0 = arith.constant 0 : i32
    return %arg0, %c0_i32 : i32, i32
  }
  func.func @transform_4(%arg0: i32, %arg1: i32, %arg2: memref<5xi32, #tpu.memory_space<smem>>) -> (i32, i32) {
    %c0_i32 = arith.constant 0 : i32
    %c0_i32_0 = arith.constant 0 : i32
    %c0_i32_1 = arith.constant 0 : i32
    return %c0_i32, %c0_i32_0 : i32, i32
  }
  func.func @transform_5(%arg0: i32, %arg1: i32, %arg2: memref<5xi32, #tpu.memory_space<smem>>) -> (i32, i32) {
    %c0_i32 = arith.constant 0 : i32
    %c0_i32_0 = arith.constant 0 : i32
    %c0_i32_1 = arith.constant 0 : i32
    return %c0_i32, %c0_i32_0 : i32, i32
  }
  func.func @transform_6(%arg0: i32, %arg1: i32, %arg2: memref<5xi32, #tpu.memory_space<smem>>) -> (i32, i32) {
    %c0_i32 = arith.constant 0 : i32
    %c0_i32_0 = arith.constant 0 : i32
    %c0_i32_1 = arith.constant 0 : i32
    return %c0_i32, %c0_i32_0 : i32, i32
  }
  func.func @transform_7(%arg0: i32, %arg1: i32, %arg2: memref<5xi32, #tpu.memory_space<smem>>) -> (i32, i32) {
    %c0_i32 = arith.constant 0 : i32
    %c0_i32_0 = arith.constant 0 : i32
    %c0_i32_1 = arith.constant 0 : i32
    return %c0_i32, %c0_i32_0 : i32, i32
  }
  func.func @transform_8(%arg0: i32, %arg1: i32, %arg2: memref<5xi32, #tpu.memory_space<smem>>) -> (i32, i32) {
    %c0_i32 = arith.constant 0 : i32
    %c0_i32_0 = arith.constant 0 : i32
    %c0_i32_1 = arith.constant 0 : i32
    return %c0_i32, %c0_i32_0 : i32, i32
  }
  func.func @transform_9(%arg0: i32, %arg1: i32, %arg2: memref<5xi32, #tpu.memory_space<smem>>) -> (i32, i32) {
    %c0_i32 = arith.constant 0 : i32
    %c0_i32_0 = arith.constant 0 : i32
    %c0_i32_1 = arith.constant 0 : i32
    return %c0_i32, %c0_i32_0 : i32, i32
  }
  func.func @transform_10(%arg0: i32, %arg1: i32, %arg2: memref<5xi32, #tpu.memory_space<smem>>) -> (i32, i32) {
    %c0_i32 = arith.constant 0 : i32
    %c0_i32_0 = arith.constant 0 : i32
    %c0_i32_1 = arith.constant 0 : i32
    return %c0_i32, %c0_i32_0 : i32, i32
  }
  func.func @transform_11(%arg0: i32, %arg1: i32, %arg2: memref<5xi32, #tpu.memory_space<smem>>) -> (i32, i32) {
    %c0_i32 = arith.constant 0 : i32
    %c0_i32_0 = arith.constant 0 : i32
    %c0_i32_1 = arith.constant 0 : i32
    return %c0_i32, %c0_i32_0 : i32, i32
  }
  func.func @transform_12(%arg0: i32, %arg1: i32, %arg2: memref<5xi32, #tpu.memory_space<smem>>) -> (i32, i32) {
    %c0_i32 = arith.constant 0 : i32
    %c0_i32_0 = arith.constant 0 : i32
    %c0_i32_1 = arith.constant 0 : i32
    return %c0_i32, %c0_i32_0 : i32, i32
  }
  func.func @transform_13(%arg0: i32, %arg1: i32, %arg2: memref<5xi32, #tpu.memory_space<smem>>) -> (i32, i32) {
    %c0_i32 = arith.constant 0 : i32
    %c0_i32_0 = arith.constant 0 : i32
    %c0_i32_1 = arith.constant 0 : i32
    return %c0_i32, %c0_i32_0 : i32, i32
  }
  func.func @transform_14(%arg0: i32, %arg1: i32, %arg2: memref<5xi32, #tpu.memory_space<smem>>) -> (i32, i32) {
    %c0_i32 = arith.constant 0 : i32
    %c0_i32_0 = arith.constant 0 : i32
    return %arg0, %c0_i32 : i32, i32
  }
}

</mosaic_0001>

<sc_bundles>
// kernel: kernel.10.cloned.1.call-start
scs
__scs_entry_jumppad:
0x0: {  	(pc) =	sbr.rel $0x88, $3  }
0x1: {  	(tag) =	ssettag $0x0;
	lr =	simm.s32 $0x1  }
0x2: {  	[smem:$0x3F8F] =	sst lr;
	_ =	strace $0xD0000000  }
0x3: {  	_ = 	snop  }
0x4: {  	_ = 	snop  }
0x5: {  	_ = 	snop  }
0x6: {  	_ = 	snop  }
0x7: {  	_ = 	snop  }
__scs_overlays_trampoline_lowered:
0x8: {  	[smem:$0x3F9E] =	sst s0  }
0x9: {  	[smem:$0x3F9F] =	sst s1  }
0xa: {  	[smem:$0x3FA0] =	sst s2  }
0xb: {  	[smem:$0x3FA1] =	sst s3  }
0xc: {  	[smem:$0x3FA2] =	sst s4  }
0xd: {  	[smem:$0x3FA3] =	sst s5  }
0xe: {  	[smem:$0x3FA4] =	sst s6  }
0xf: {  	[smem:$0x3FA5] =	sst s7  }
0x10: {  	[smem:$0x3FA6] =	sst s8  }
0x11: {  	[smem:$0x3FA7] =	sst s9;
	s0 =	simm.s32 @!p0 $0x0  }
0x12: {  	s1 =	sld [smem:$0x3F8D];
	s0 =	simm.s32 @p0 $0x1  }
0x13: {  	[smem:$0x3FA8] =	sst s0;
	s0 =	simm.s32 @!p1 $0x0  }
0x14: {  	s2 =	sld [smem:$0x3F8C];
	s0 =	simm.s32 @p1 $0x1  }
0x15: {  	[smem:$0x3FA9] =	sst s0;
	s0 =	simm.s32 @!p2 $0x0  }
0x16: {  	s3 =	sld [smem:$0x3FDB];
	s0 =	simm.s32 @p2 $0x1  }
0x17: {  	s4 =	simm.s32 $0x1BF5;
	[smem:$0x3FAB] =	sst s0  }
0x18: {  	s0 =	sld [smem:$0x3F8E];
	_ =	swait.ge [sflag:s4], $0x0  }
0x19: {  	s7 =	sld [smem:$0x3F8F]  }
0x1a: {  	s8 =	sadd.s32 $0xFFFFE003, lr  }
0x1b: {  	s9 =	sadd.s32 $0xFFFFFEF7, lr;
	s5 =	simm.s32 $0xFFFFFFFF;
	p2 =	slt.u32 s8, $0xFFFFF086  }
0x1c: {  	p1 =	slt.u32 s9, $0xF7A;
	s5 =	simm.s32 @!p2 $0x0  }
0x1d: {  	s5 =	simm.s32 @p1 $0x1;
	p0 =	seq.s32 s7, s2  }
0x1e: {  	s7 =	smul.u32 @!p0 $0xF7A, s2;
	p2 =	seq.s32 @!p0 s5, $0x0  }
0x1f: {  	s9 =	smul.u32 $0xF7A, s1;
	s8 =	simm.s32 @!p0 $0x1BF5;
	p2 =	por !p2, p0  }
0x20: {  	[sflag:s8] =	ssyncset.s32 @!p0 $0xFFFFF086;
	s6 =	sadd.s32 @!p0 s3, s7;
	s7 =	simm.s32 @!p0 $0x108  }
0x21: {  	s3 =	sadd.s32 s3, s9;
	s6 =	sadd.s32 @!p0 $0x88, s6;
	s7 =	simm.s32 @p2 $0x1082  }
0x22: {  	[simem:s7], [sflag:s8] =	dma.local @!p0 [hbm:s6], $0xF7A  }
0x23: {  	s9 =	sor.u32 $0xD0000000, s2;
	s6 =	simm.s32 $0x108;
	_ =	swait.ge @!p0 [sflag:s8], $0x0  }
0x24: {  	s3 =	sadd.s32 $0x88, s3;
	s6 =	simm.s32 @!p1 $0x1082;
	[sflag:s4] =	ssyncset.s32 $0xFFFFF086  }
0x25: {  	[simem:s6], [sflag:s4] =	dma.local [hbm:s3], $0xF7A  }
0x26: {  	[smem:$0x3F8F] =	sst s1;
	(tag) =	ssettag s2;
	_ =	strace s9  }
0x27: {  	s1 =	sld [smem:$0x3F9F]  }
0x28: {  	s2 =	sld [smem:$0x3FA0]  }
0x29: {  	s4 =	sld [smem:$0x3FA2]  }
0x2a: {  	p0 =	seq.s32 s5, $0x0;
	s5 =	sld [smem:$0x3FA3]  }
0x2b: {  	s6 =	sld [smem:$0x3FA4]  }
0x2c: {  	s7 =	sld [smem:$0x3FA5]  }
0x2d: {  	s3 =	simm.s32 $0x108;
	s8 =	sld [smem:$0x3FA6]  }
0x2e: {  	s3 =	simm.s32 @!p0 $0x1082;
	s9 =	sld [smem:$0x3FA7]  }
0x2f: {  	lr =	sadd.s32 s0, s3;
	s0 =	sld [smem:$0x3F9E]  }
0x30: {  	s3 =	sld [smem:$0x3FA1]  }
0x31: {  	[smem:$0x3FAA] =	sst s10  }
0x32: {  	s10 =	sld [smem:$0x3FA8];
	_ =	sdelay $0x3  }
0x33: {  	p0 =	seq.s32 s10, $0x1;
	s10 =	sld [smem:$0x3FAA];
	_ =	sdelay $0x3  }
0x34: {  	[smem:$0x3FAA] =	sst s10  }
0x35: {  	s10 =	sld [smem:$0x3FA9];
	_ =	sdelay $0x3  }
0x36: {  	p1 =	seq.s32 s10, $0x1;
	s10 =	sld [smem:$0x3FAA];
	_ =	sdelay $0x3  }
0x37: {  	[smem:$0x3FAA] =	sst s10  }
0x38: {  	s10 =	sld [smem:$0x3FAB]  }
0x39: {  	_ = 	snop;
	(pc) =	sbr.ind lr, $3  }
0x3a: {  	_ = 	snop  }
0x3b: {  	_ = 	snop  }
0x3c: {  	p2 =	seq.s32 s10, $0x1;
	s10 =	sld [smem:$0x3FAA]  }
0x3d: {  	_ =	shalt  }
0x3e: {  	_ =	shalt  }
0x3f: {  	_ =	shalt  }
0x40: {  	_ =	shalt  }
0x41: {  	_ =	shalt  }
0x42: {  	_ =	shalt  }
0x43: {  	_ =	shalt  }
0x44: {  	_ =	shalt  }
0x45: {  	_ =	shalt  }
0x46: {  	_ =	shalt  }
0x47: {  	_ =	shalt  }
0x48: {  	_ =	shalt  }
0x49: {  	_ =	shalt  }
0x4a: {  	_ =	shalt  }
0x4b: {  	_ =	shalt  }
0x4c: {  	_ =	shalt  }
0x4d: {  	_ =	shalt  }
0x4e: {  	_ =	shalt  }
0x4f: {  	_ =	shalt  }
0x50: {  	_ =	shalt  }
0x51: {  	_ =	shalt  }
0x52: {  	_ =	shalt  }
0x53: {  	_ =	shalt  }
0x54: {  	_ =	shalt  }
0x55: {  	_ =	shalt  }
0x56: {  	_ =	shalt  }
0x57: {  	_ =	shalt  }
0x58: {  	_ =	shalt  }
0x59: {  	_ =	shalt  }
0x5a: {  	_ =	shalt  }
0x5b: {  	_ =	shalt  }
0x5c: {  	_ =	shalt  }
0x5d: {  	_ =	shalt  }
0x5e: {  	_ =	shalt  }
0x5f: {  	_ =	shalt  }
0x60: {  	_ =	shalt  }
0x61: {  	_ =	shalt  }
0x62: {  	_ =	shalt  }
0x63: {  	_ =	shalt  }
0x64: {  	_ =	shalt  }
0x65: {  	_ =	shalt  }
0x66: {  	_ =	shalt  }
0x67: {  	_ =	shalt  }
0x68: {  	_ =	shalt  }
0x69: {  	_ =	shalt  }
0x6a: {  	_ =	shalt  }
0x6b: {  	_ =	shalt  }
0x6c: {  	_ =	shalt  }
0x6d: {  	_ =	shalt  }
0x6e: {  	_ =	shalt  }
0x6f: {  	_ =	shalt  }
0x70: {  	_ =	shalt  }
0x71: {  	_ =	shalt  }
0x72: {  	_ =	shalt  }
0x73: {  	_ =	shalt  }
0x74: {  	_ =	shalt  }
0x75: {  	_ =	shalt  }
0x76: {  	_ =	shalt  }
0x77: {  	_ =	shalt  }
0x78: {  	_ =	shalt  }
0x79: {  	_ =	shalt  }
0x7a: {  	_ =	shalt  }
0x7b: {  	_ =	shalt  }
0x7c: {  	_ =	shalt  }
0x7d: {  	_ =	shalt  }
0x7e: {  	_ =	shalt  }
0x7f: {  	_ =	shalt  }
0x80: {  	_ =	shalt  }
0x81: {  	_ =	shalt  }
0x82: {  	_ =	shalt  }
0x83: {  	_ =	shalt  }
0x84: {  	_ =	shalt  }
0x85: {  	_ =	shalt  }
0x86: {  	_ =	shalt  }
0x87: {  	_ =	shalt  }
.Lfunc_end0:
.L_simem_size_0:
called_computation_lowered:
.L_overlay_start_0:
0x88: {  	s2 =	sld [smem:$0x3FD9]  }
0x89: {  	s3 =	sld [smem:$0x3FFE];
	_ =	sdelay $0x1  }
0x8a: {  	s1 =	srdreg.scid  }
0x8b: {  	s0 =	sand.u32 $0x1, s1  }
0x8c: {  	s17 =	sshll.u32 s0, $0xA;
	s2 =	sadd.s32 s3, s2  }
0x8d: {  	s2 =	sadd.s32 s2, s17  }
0x8e: {  	[smem:$0x3FB6] =	sst s2  }
0x8f: {  	_ = 	snop  }
0x90: {  	s2 =	sld [smem:$0x3FD0];
	(tm) =	ssettm $0x1  }
0x91: {  	s18 =	sld [smem:$0x3FFB];
	_ =	sdelay $0x3  }
0x92: {  	_ =	strace s18  }
0x93: {  	s3 =	sld [smem:$0x3FFC];
	_ =	sdelay $0x3  }
0x94: {  	_ =	strace s3  }
0x95: {  	s3 =	sld [smem:$0x3FFD];
	_ =	sdelay $0x3  }
0x96: {  	_ =	strace s3  }
0x97: {  	_ =	strace $0x8FFFFFFF  }
0x98: {  	s19 =	sld [smem:$0x3FDB];
	_ =	sdelay $0x1  }
0x99: {  	s4 =	simm.s32 $_scs_section_size  }
0x9a: {  	s5 =	simm.s32 $_size__tile_overlayer_lowered;
	s6 =	simm.s32 $_tile_overlayer_lowered  }
0x9b: {  	s22 =	simm.s32 $0x1BFF;
	s21 =	sshll.u32 s6, $0x1;
	s3 =	sadd.s32 s4, s19  }
0x9c: {  	s7 =	simm.s32 $0x0;
	s20 =	sshll.u32 s5, $0x1;
	s5 =	sadd.s32 s21, s3  }
0x9d: {  	[timem:s7], [sflag:s22] =	dma.local [hbm:s5], s20  }
0x9e: {  	_ =	swait.ge [sflag:s22], s20  }
0x9f: {  	s4 =	ssub.s32 $0x0, s20;
	[sflag:s22] =	ssyncset.done $0x0  }
0xa0: {  	[sflag:s22] =	ssyncadd.s32 s4;
	_ =	sdelay $0x1  }
0xa1: {  	s23 =	simm.s32 $0x1B8B  }
0xa2: {  	_ =	swait.ge [sflag:s23], $0x1  }
0xa3: {  	[sflag:s23] =	ssyncset.done $0x0  }
0xa4: {  	s25 =	simm.s32 $0x1B8E;
	s24 =	sld [smem:$0x3FFE];
	[sflag:s23] =	ssyncadd.s32 $0xFFFFFFFF  }
0xa5: {  	s26 =	simm.s32 $execute0_lowered;
	[smem:$0x3FD2] =	sst s25  }
0xa6: {  	s5 =	sshll.u32 s26, $0x1;
	_ =	strace $0x80000046;
	[dreg:$0x1] =	wrdreg $0xFFFFFFFF  }
0xa7: {  	s28 =	simm.s32 $_size_execute0_lowered;
	s3 =	sadd.s32 s3, s5;
	[dreg:$0x0] =	wrdreg $0x0  }
0xa8: {  	s5 =	sshll.u32 s28, $0x1;
	[dreg:$0x2] =	wrdreg s3  }
0xa9: {  	[dreg:$0x3] =	wrdreg s5  }
0xaa: {  	[dreg:$0x4] =	wrdreg $0xC0  }
0xab: {  	_ =	task [dreg:s7], $0x5FFFF  }
0xac: {  	[dreg:$0x1] =	wrdreg $0xFFFFFFFF  }
0xad: {  	[dreg:$0x0] =	wrdreg $0x60  }
0xae: {  	[dreg:$0x2] =	wrdreg s24  }
0xaf: {  	[dreg:$0x3] =	wrdreg s2  }
0xb0: {  	[dreg:$0x4] =	wrdreg $0x9  }
0xb1: {  	_ =	task.clear_ibuf [dreg:s7], $0x5FFFF;
	_ =	strace $0x90000046  }
0xb2: {  	s29 =	simm.s32 $0x9;
	_ =	strace $0x80000048  }
0xb3: {  	_ =	swait.ge [sflag:s29], $0x1  }
0xb4: {  	[sflag:s29] =	ssyncadd.s32 $0xFFFFFFFF  }
0xb5: {  	_ =	strace $0x90000048  }
0xb6: {  	_ =	sfence  }
0xb7: {  	s30 =	sld [smem:$0x0];
	_ =	sdelay $0x2  }
0xb8: {  	s31 =	sshll.u32 s1, $0xD;
	s1 =	sshrl.u32 s1, $0x2  }
0xb9: {  	s3 =	sand.u32 $0x4000, s31;
	s1 =	sadd.s32 s1, s30  }
0xba: {  	s0 =	sor.u32 s3, s0;
	s1 =	sshll.u32 s1, $0x11  }
0xbb: {  	s0 =	sor.u32 s1, s0  }
0xbc: {  	s0 =	sadd.s32 $0x8F2B, s0  }
0xbd: {  	[sflag:s0] =	ssyncadd.remote.s32 $0x1  }
0xbe: {  	_ =	sfence.sel $0xFFFF  }
0xbf: {  	[dreg:$0x0] =	wrdreg $0xFFFFFFFF;
	(pc) =	sbr.abs _section_cstart, $3  }
0xc0: {  	[dreg:$0x1] =	wrdreg $0xFFFFFFFF  }
0xc1: {  	_ =	task.clear_ibuf [dreg:s7], $0x2FFFF;
	_ =	strace $0x9FFFFFFF  }
0xc2: {  	(tm) =	ssettm $0x7FFFFFFF  }
0xc3: {  	_ =	shalt  }
tec
execute0_lowered:
.L_overlay_start_1:
0x0: {  	(tag) =	ssettag $0x1  }
0x1: {  	s3 =	rddreg [dreg:$0x0];
	s1 =	srdreg.scid  }
0x2: {  	s0 =	stileid.u32;
	s4 =	rddreg [dreg:$0x1];
	s9 =	simm.s32 $0x400  }
0x3: {  	s5 =	sand.u32 $0x1, s1;
	s2 =	sshll.u32 s0, $0x1;
	s8 =	sshrl.u32 s0, $0x2  }
0x4: {  	s1 =	rddreg [dreg:$0x2];
	s6 =	sor.u32 s5, s2;
	s8 =	smul.u32 $0x14000, s8  }
0x5: {  	s2 =	simm.s32 $0x0;
	s5 =	ssub.s32 $0x2, s5;
	s7 =	smul.u32 $0x271, s6  }
0x6: {  	[smem:$0x7FF] =	sst s2;
	s6 =	sshll.u32 s6, $0x7;
	s31 =	sshrl.u32 s5, $0x1  }
0x7: {  	_ =	strace $0x80000047;
	s6 =	sand.u32 $0x380, s6;
	s5 =	ssub.s32 s5, s31  }
0x8: {  	s3 =	sadd.s32 s7, s3;
	s6 =	sor.u32 s8, s6;
	s5 =	smax.u32 s5, $0x1  }
0x9: {  	s7 =	simm.s32 $0x1400;
	s8 =	simm.s32 $0x80;
	s6 =	sshrl.u32 s6, $0x3  }
0xa: {  	v0 =	vimm.s32 $0x0;
	vm0 =	vmmov $0xff;
	s3 =	sadd.s32 $0xA800, s3;
	s4 =	sadd.s32 s4, s6;
	s6 =	simm.s32 $0x1  }
.LBB2_1:
0xb: {  	s10 =	simm.s32 $0x40;
	s11 =	simm.s32 $0x0  }
.LBB2_2:
0xc: {  	p0 =	sne.s32 s10, $0xA000;
	[tilespmem:s11+$0x1400] =	vst v0;
	s11 =	smov.u32 s10;
	s10 =	sadd.s32 $0x40, s10  }
.Ltmp0:
0xd: {  	(pc) =	sbr.rel @p0 .LBB2_2-.Ltmp0, $2  }
0xe: {  	_ =	sdelay $0x2  }
0xf: {  	s11 =	sshra.s32 s11, $0x2  }
0x10: {  	[tilespmem:s11+$0x1400] =	vst v0;
	s10 =	simm.s32 $0x0  }
0x11: {  	[tilespmem:s10], [sflag:$0x1] =	stream.linear.gather [hbm4b:s3+s10], $0x1388, $0x38;
	[tilespmem:$0x3C80] =	vst v63  }
0x12: {  	_ =	swait.ge [sflag:s6], $0x1388  }
0x13: {  	[sflag:s6] =	ssyncset.done $0x0  }
0x14: {  	[sflag:s6] =	ssyncadd.s32 $0xFFFFEC78  }
0x15: {  	v1 =	vld [tilespmem:$0x1380];
	_ =	sdelay $0x4  }
0x16: {  	v1 =	vnsel vm0, $0x2710, v1  }
0x17: {  	s11 =	simm.s32 $0x0;
	s10 =	simm.s32 $0x40;
	[tilespmem:$0x1380] =	vst v1  }
.LBB2_4:
0x18: {  	p0 =	sne.s32 s10, $0x4E00;
	v1 =	vld [tilespmem:s11+$0x0];
	_ =	sdelay $0x4  }
0x19: {  	(xrf1) =	vunique.msk.u32 $0xffff, v1;
	_ =	sdelay $0xc  }
0x1a: {  	v2 =	vld.idx.msk [tilespmem:v1+s7+$0x0], $0xffff  }
0x1b: {  	_, v3, vm1 =	vpop (xrf1);
	_ =	sdelay $0x1  }
.Ltmp1:
0x1c: {  	(pc) =	sbr.rel @p0 .LBB2_4-.Ltmp1, $3  }
0x1d: {  	_ =	sdelay $0x1  }
0x1e: {  	v2 =	vadd.s32 v2, v3  }
0x1f: {  	s11 =	sshra.s32 s10, $0x2;
	s10 =	sadd.s32 $0x40, s10;
	[tilespmem:v1+s7+$0x0] =	vst.idx.msk vm1, v2  }
0x20: {  	v1 =	vld [tilespmem:s11+$0x0];
	_ =	sdelay $0x4  }
0x21: {  	(xrf1) =	vunique.msk.u32 $0xffff, v1;
	_ =	sdelay $0xd  }
0x22: {  	v2 =	vld.idx.msk [tilespmem:v1+s7+$0x0], $0xffff;
	_, v3, vm1 =	vpop (xrf1);
	_ =	sdelay $0x3  }
0x23: {  	s2 =	sadd.s32 $0x1, s2  }
0x24: {  	p0 =	sne.s32 s2, s5;
	v2 =	vadd.s32 v2, v3  }
.Ltmp2:
0x25: {  	[tilespmem:v1+s7+$0x0] =	vst.idx.msk vm1, v2;
	(pc) =	sbr.rel @p0 .LBB2_1-.Ltmp2, $4  }
0x26: {  	[hbm4b:s4+s8] =	stream.strided.scatter [tilespmem:s7], [sflag:$0x1], $0x2800, s9, s8, $0x38;
	[tilespmem:$0x3C80] =	vst v63  }
0x27: {  	_ =	swait.ge [sflag:s6], $0x2800  }
0x28: {  	[sflag:s6] =	ssyncset.done $0x0  }
0x29: {  	[sflag:s6] =	ssyncadd.s32 $0xFFFFD800  }
0x2a: {  	_ =	sfence.sel $0x180000  }
0x2b: {  	[bflag:$0x0] =	sbarrier.arrive $0xFFFF  }
0x2c: {  	p0 =	sne.s32 s0, $0x0;
	_ =	strace $0x90000047  }
0x2d: {  	s0 =	sadd.s32 @!p0 $0x100000, s1;
	[bflag:$0x2] =	sbarrier.arrive $0xFFFF  }
0x2e: {  	[sflag:s0] =	ssyncadd.tile.s32 @!p0 $0x1;
	_ =	shalt  }
.Lfunc_end2:
_tile_overlayer_lowered:
.L_overlay_start_2:
0x2f: {  	(tag) =	ssettag $0x2  }
0x30: {  	s0 =	rddreg [dreg:$0x0];
	s2 =	stileid.u32  }
0x31: {  	s1 =	rddreg [dreg:$0x1];
	p0 =	sne.s32 s2, $0x0  }
0x32: {  	s3 =	rddreg [dreg:$0x2];
	[bflag:$0x3] =	sbarrier.arrive $0xFFFF;
	s2 =	simm.s32 @!p0 $0x1C01  }
0x33: {  	[timem:s3], [sflag:s2] =	dma.local @!p0 [hbm:s0], s1  }
0x34: {  	s0 =	simm.s32 @!p0 $0x1  }
0x35: {  	_ =	swait.ge @!p0 [sflag:s0], s1  }
0x36: {  	s1 =	ssub.s32 @!p0 $0x0, s1;
	[sflag:s0] =	ssyncset.done @!p0 $0x0  }
0x37: {  	[sflag:s0] =	ssyncadd.s32 @!p0 s1  }
0x38: {  	[bflag:$0x3] =	sbarrier.arrive $0xFFFF  }
0x39: {  	_ =	shalt  }

// kernel: kernel.13.cloned.1.call-start
scs
__scs_entry_jumppad:
0x0: {  	(pc) =	sbr.rel $0x88, $3  }
0x1: {  	(tag) =	ssettag $0x0;
	lr =	simm.s32 $0x1  }
0x2: {  	[smem:$0x3F8F] =	sst lr;
	_ =	strace $0xD0000000  }
0x3: {  	_ = 	snop  }
0x4: {  	_ = 	snop  }
0x5: {  	_ = 	snop  }
0x6: {  	_ = 	snop  }
0x7: {  	_ = 	snop  }
__scs_overlays_trampoline_lowered:
0x8: {  	[smem:$0x3F9E] =	sst s0  }
0x9: {  	[smem:$0x3F9F] =	sst s1  }
0xa: {  	[smem:$0x3FA0] =	sst s2  }
0xb: {  	[smem:$0x3FA1] =	sst s3  }
0xc: {  	[smem:$0x3FA2] =	sst s4  }
0xd: {  	[smem:$0x3FA3] =	sst s5  }
0xe: {  	[smem:$0x3FA4] =	sst s6  }
0xf: {  	[smem:$0x3FA5] =	sst s7  }
0x10: {  	[smem:$0x3FA6] =	sst s8  }
0x11: {  	[smem:$0x3FA7] =	sst s9;
	s0 =	simm.s32 @!p0 $0x0  }
0x12: {  	s1 =	sld [smem:$0x3F8D];
	s0 =	simm.s32 @p0 $0x1  }
0x13: {  	[smem:$0x3FA8] =	sst s0;
	s0 =	simm.s32 @!p1 $0x0  }
0x14: {  	s2 =	sld [smem:$0x3F8C];
	s0 =	simm.s32 @p1 $0x1  }
0x15: {  	[smem:$0x3FA9] =	sst s0;
	s0 =	simm.s32 @!p2 $0x0  }
0x16: {  	s3 =	sld [smem:$0x3FDB];
	s0 =	simm.s32 @p2 $0x1  }
0x17: {  	s4 =	simm.s32 $0x1BF5;
	[smem:$0x3FAB] =	sst s0  }
0x18: {  	s0 =	sld [smem:$0x3F8E];
	_ =	swait.ge [sflag:s4], $0x0  }
0x19: {  	s7 =	sld [smem:$0x3F8F]  }
0x1a: {  	s8 =	sadd.s32 $0xFFFFE003, lr  }
0x1b: {  	s9 =	sadd.s32 $0xFFFFFEF7, lr;
	s5 =	simm.s32 $0xFFFFFFFF;
	p2 =	slt.u32 s8, $0xFFFFF086  }
0x1c: {  	p1 =	slt.u32 s9, $0xF7A;
	s5 =	simm.s32 @!p2 $0x0  }
0x1d: {  	s5 =	simm.s32 @p1 $0x1;
	p0 =	seq.s32 s7, s2  }
0x1e: {  	s7 =	smul.u32 @!p0 $0xF7A, s2;
	p2 =	seq.s32 @!p0 s5, $0x0  }
0x1f: {  	s9 =	smul.u32 $0xF7A, s1;
	s8 =	simm.s32 @!p0 $0x1BF5;
	p2 =	por !p2, p0  }
0x20: {  	[sflag:s8] =	ssyncset.s32 @!p0 $0xFFFFF086;
	s6 =	sadd.s32 @!p0 s3, s7;
	s7 =	simm.s32 @!p0 $0x108  }
0x21: {  	s3 =	sadd.s32 s3, s9;
	s6 =	sadd.s32 @!p0 $0x88, s6;
	s7 =	simm.s32 @p2 $0x1082  }
0x22: {  	[simem:s7], [sflag:s8] =	dma.local @!p0 [hbm:s6], $0xF7A  }
0x23: {  	s9 =	sor.u32 $0xD0000000, s2;
	s6 =	simm.s32 $0x108;
	_ =	swait.ge @!p0 [sflag:s8], $0x0  }
0x24: {  	s3 =	sadd.s32 $0x88, s3;
	s6 =	simm.s32 @!p1 $0x1082;
	[sflag:s4] =	ssyncset.s32 $0xFFFFF086  }
0x25: {  	[simem:s6], [sflag:s4] =	dma.local [hbm:s3], $0xF7A  }
0x26: {  	[smem:$0x3F8F] =	sst s1;
	(tag) =	ssettag s2;
	_ =	strace s9  }
0x27: {  	s1 =	sld [smem:$0x3F9F]  }
0x28: {  	s2 =	sld [smem:$0x3FA0]  }
0x29: {  	s4 =	sld [smem:$0x3FA2]  }
0x2a: {  	p0 =	seq.s32 s5, $0x0;
	s5 =	sld [smem:$0x3FA3]  }
0x2b: {  	s6 =	sld [smem:$0x3FA4]  }
0x2c: {  	s7 =	sld [smem:$0x3FA5]  }
0x2d: {  	s3 =	simm.s32 $0x108;
	s8 =	sld [smem:$0x3FA6]  }
0x2e: {  	s3 =	simm.s32 @!p0 $0x1082;
	s9 =	sld [smem:$0x3FA7]  }
0x2f: {  	lr =	sadd.s32 s0, s3;
	s0 =	sld [smem:$0x3F9E]  }
0x30: {  	s3 =	sld [smem:$0x3FA1]  }
0x31: {  	[smem:$0x3FAA] =	sst s10  }
0x32: {  	s10 =	sld [smem:$0x3FA8];
	_ =	sdelay $0x3  }
0x33: {  	p0 =	seq.s32 s10, $0x1;
	s10 =	sld [smem:$0x3FAA];
	_ =	sdelay $0x3  }
0x34: {  	[smem:$0x3FAA] =	sst s10  }
0x35: {  	s10 =	sld [smem:$0x3FA9];
	_ =	sdelay $0x3  }
0x36: {  	p1 =	seq.s32 s10, $0x1;
	s10 =	sld [smem:$0x3FAA];
	_ =	sdelay $0x3  }
0x37: {  	[smem:$0x3FAA] =	sst s10  }
0x38: {  	s10 =	sld [smem:$0x3FAB]  }
0x39: {  	_ = 	snop;
	(pc) =	sbr.ind lr, $3  }
0x3a: {  	_ = 	snop  }
0x3b: {  	_ = 	snop  }
0x3c: {  	p2 =	seq.s32 s10, $0x1;
	s10 =	sld [smem:$0x3FAA]  }
0x3d: {  	_ =	shalt  }
0x3e: {  	_ =	shalt  }
0x3f: {  	_ =	shalt  }
0x40: {  	_ =	shalt  }
0x41: {  	_ =	shalt  }
0x42: {  	_ =	shalt  }
0x43: {  	_ =	shalt  }
0x44: {  	_ =	shalt  }
0x45: {  	_ =	shalt  }
0x46: {  	_ =	shalt  }
0x47: {  	_ =	shalt  }
0x48: {  	_ =	shalt  }
0x49: {  	_ =	shalt  }
0x4a: {  	_ =	shalt  }
0x4b: {  	_ =	shalt  }
0x4c: {  	_ =	shalt  }
0x4d: {  	_ =	shalt  }
0x4e: {  	_ =	shalt  }
0x4f: {  	_ =	shalt  }
0x50: {  	_ =	shalt  }
0x51: {  	_ =	shalt  }
0x52: {  	_ =	shalt  }
0x53: {  	_ =	shalt  }
0x54: {  	_ =	shalt  }
0x55: {  	_ =	shalt  }
0x56: {  	_ =	shalt  }
0x57: {  	_ =	shalt  }
0x58: {  	_ =	shalt  }
0x59: {  	_ =	shalt  }
0x5a: {  	_ =	shalt  }
0x5b: {  	_ =	shalt  }
0x5c: {  	_ =	shalt  }
0x5d: {  	_ =	shalt  }
0x5e: {  	_ =	shalt  }
0x5f: {  	_ =	shalt  }
0x60: {  	_ =	shalt  }
0x61: {  	_ =	shalt  }
0x62: {  	_ =	shalt  }
0x63: {  	_ =	shalt  }
0x64: {  	_ =	shalt  }
0x65: {  	_ =	shalt  }
0x66: {  	_ =	shalt  }
0x67: {  	_ =	shalt  }
0x68: {  	_ =	shalt  }
0x69: {  	_ =	shalt  }
0x6a: {  	_ =	shalt  }
0x6b: {  	_ =	shalt  }
0x6c: {  	_ =	shalt  }
0x6d: {  	_ =	shalt  }
0x6e: {  	_ =	shalt  }
0x6f: {  	_ =	shalt  }
0x70: {  	_ =	shalt  }
0x71: {  	_ =	shalt  }
0x72: {  	_ =	shalt  }
0x73: {  	_ =	shalt  }
0x74: {  	_ =	shalt  }
0x75: {  	_ =	shalt  }
0x76: {  	_ =	shalt  }
0x77: {  	_ =	shalt  }
0x78: {  	_ =	shalt  }
0x79: {  	_ =	shalt  }
0x7a: {  	_ =	shalt  }
0x7b: {  	_ =	shalt  }
0x7c: {  	_ =	shalt  }
0x7d: {  	_ =	shalt  }
0x7e: {  	_ =	shalt  }
0x7f: {  	_ =	shalt  }
0x80: {  	_ =	shalt  }
0x81: {  	_ =	shalt  }
0x82: {  	_ =	shalt  }
0x83: {  	_ =	shalt  }
0x84: {  	_ =	shalt  }
0x85: {  	_ =	shalt  }
0x86: {  	_ =	shalt  }
0x87: {  	_ =	shalt  }
.Lfunc_end0:
.L_simem_size_0:
called_computation.1_lowered:
.L_overlay_start_0:
0x88: {  	s2 =	sld [smem:$0x3FD9]  }
0x89: {  	s3 =	sld [smem:$0x3FFE];
	_ =	sdelay $0x1  }
0x8a: {  	s1 =	srdreg.scid  }
0x8b: {  	s0 =	sand.u32 $0x1, s1  }
0x8c: {  	s17 =	sshll.u32 s0, $0xA;
	s2 =	sadd.s32 s3, s2  }
0x8d: {  	s2 =	sadd.s32 s2, s17  }
0x8e: {  	[smem:$0x3FB6] =	sst s2  }
0x8f: {  	_ = 	snop  }
0x90: {  	s2 =	sld [smem:$0x3FD0];
	(tm) =	ssettm $0x1  }
0x91: {  	s18 =	sld [smem:$0x3FFB];
	_ =	sdelay $0x3  }
0x92: {  	_ =	strace s18  }
0x93: {  	s3 =	sld [smem:$0x3FFC];
	_ =	sdelay $0x3  }
0x94: {  	_ =	strace s3  }
0x95: {  	s3 =	sld [smem:$0x3FFD];
	_ =	sdelay $0x3  }
0x96: {  	_ =	strace s3  }
0x97: {  	_ =	strace $0x8FFFFFFF  }
0x98: {  	s19 =	sld [smem:$0x3FDB];
	_ =	sdelay $0x1  }
0x99: {  	s4 =	simm.s32 $_scs_section_size  }
0x9a: {  	s5 =	simm.s32 $_size__tile_overlayer_lowered;
	s6 =	simm.s32 $_tile_overlayer_lowered  }
0x9b: {  	s22 =	simm.s32 $0x1BFF;
	s21 =	sshll.u32 s6, $0x1;
	s3 =	sadd.s32 s4, s19  }
0x9c: {  	s7 =	simm.s32 $0x0;
	s20 =	sshll.u32 s5, $0x1;
	s5 =	sadd.s32 s21, s3  }
0x9d: {  	[timem:s7], [sflag:s22] =	dma.local [hbm:s5], s20  }
0x9e: {  	_ =	swait.ge [sflag:s22], s20  }
0x9f: {  	s4 =	ssub.s32 $0x0, s20;
	[sflag:s22] =	ssyncset.done $0x0  }
0xa0: {  	[sflag:s22] =	ssyncadd.s32 s4;
	_ =	sdelay $0x1  }
0xa1: {  	s23 =	simm.s32 $0x1B8B  }
0xa2: {  	_ =	swait.ge [sflag:s23], $0x1  }
0xa3: {  	[sflag:s23] =	ssyncset.done $0x0  }
0xa4: {  	s25 =	simm.s32 $0x1B8E;
	s24 =	sld [smem:$0x3FFE];
	[sflag:s23] =	ssyncadd.s32 $0xFFFFFFFF  }
0xa5: {  	s26 =	simm.s32 $execute0_lowered;
	[smem:$0x3FD2] =	sst s25  }
0xa6: {  	s5 =	sshll.u32 s26, $0x1;
	_ =	strace $0x80000049;
	[dreg:$0x1] =	wrdreg $0xFFFFFFFF  }
0xa7: {  	s28 =	simm.s32 $_size_execute0_lowered;
	s3 =	sadd.s32 s3, s5;
	[dreg:$0x0] =	wrdreg $0x0  }
0xa8: {  	s5 =	sshll.u32 s28, $0x1;
	[dreg:$0x2] =	wrdreg s3  }
0xa9: {  	[dreg:$0x3] =	wrdreg s5  }
0xaa: {  	[dreg:$0x4] =	wrdreg $0xC0  }
0xab: {  	_ =	task [dreg:s7], $0x5FFFF  }
0xac: {  	[dreg:$0x1] =	wrdreg $0xFFFFFFFF  }
0xad: {  	[dreg:$0x0] =	wrdreg $0x60  }
0xae: {  	[dreg:$0x2] =	wrdreg s24  }
0xaf: {  	[dreg:$0x3] =	wrdreg s2  }
0xb0: {  	[dreg:$0x4] =	wrdreg $0x9  }
0xb1: {  	_ =	task.clear_ibuf [dreg:s7], $0x5FFFF;
	_ =	strace $0x90000049  }
0xb2: {  	s29 =	simm.s32 $0x9;
	_ =	strace $0x8000004B  }
0xb3: {  	_ =	swait.ge [sflag:s29], $0x1  }
0xb4: {  	[sflag:s29] =	ssyncadd.s32 $0xFFFFFFFF  }
0xb5: {  	_ =	strace $0x9000004B  }
0xb6: {  	_ =	sfence  }
0xb7: {  	s30 =	sld [smem:$0x0];
	_ =	sdelay $0x2  }
0xb8: {  	s31 =	sshll.u32 s1, $0xD;
	s1 =	sshrl.u32 s1, $0x2  }
0xb9: {  	s3 =	sand.u32 $0x4000, s31;
	s1 =	sadd.s32 s1, s30  }
0xba: {  	s0 =	sor.u32 s3, s0;
	s1 =	sshll.u32 s1, $0x11  }
0xbb: {  	s0 =	sor.u32 s1, s0  }
0xbc: {  	s0 =	sadd.s32 $0x8F2B, s0  }
0xbd: {  	[sflag:s0] =	ssyncadd.remote.s32 $0x1  }
0xbe: {  	_ =	sfence.sel $0xFFFF  }
0xbf: {  	[dreg:$0x0] =	wrdreg $0xFFFFFFFF;
	(pc) =	sbr.abs _section_cstart, $3  }
0xc0: {  	[dreg:$0x1] =	wrdreg $0xFFFFFFFF  }
0xc1: {  	_ =	task.clear_ibuf [dreg:s7], $0x2FFFF;
	_ =	strace $0x9FFFFFFF  }
0xc2: {  	(tm) =	ssettm $0x7FFFFFFF  }
0xc3: {  	_ =	shalt  }
tec
execute0_lowered:
.L_overlay_start_1:
0x0: {  	(tag) =	ssettag $0x1  }
0x1: {  	s4 =	rddreg [dreg:$0x0];
	s1 =	srdreg.scid  }
0x2: {  	s0 =	stileid.u32;
	s6 =	rddreg [dreg:$0x1]  }
0x3: {  	s2 =	simm.s32 $0x0;
	s12 =	simm.s32 $0x80;
	s13 =	simm.s32 $0x400  }
0x4: {  	s14 =	simm.s32 $0x7900;
	s15 =	simm.s32 $0x2800;
	s16 =	simm.s32 $0xA180  }
0x5: {  	s17 =	simm.s32 $0xB580;
	s3 =	sand.u32 $0x1, s1;
	s1 =	rddreg [dreg:$0x2]  }
0x6: {  	s18 =	simm.s32 $0x0;
	s5 =	sshll.u32 s0, $0x1;
	[smem:$0x7FF] =	sst s2  }
0x7: {  	s8 =	sshrl.u32 s0, $0x2;
	s5 =	sor.u32 s3, s5;
	_ =	strace $0x8000004A  }
0x8: {  	s8 =	smul.u32 $0x14000, s8;
	s10 =	ssub.s32 $0x2, s3;
	s3 =	sadd.s32 $0xF800, s4  }
0x9: {  	s7 =	smul.u32 $0x271, s5;
	s9 =	sshll.u32 s5, $0x7;
	s11 =	sshrl.u32 s10, $0x1  }
0xa: {  	s5 =	smul.u32 $0x280, s5;
	s9 =	sand.u32 $0x380, s9;
	s10 =	ssub.s32 s10, s11  }
0xb: {  	v0 =	vlaneseq.u32;
	s11 =	simm.s32 $0x5080;
	s7 =	sadd.s32 s7, s4;
	s8 =	sor.u32 s8, s9  }
0xc: {  	v1 =	vmul.u32 $0xFFFFFFFF, v0;
	s31 =	sadd.s32 s5, s4;
	s9 =	smax.u32 s10, $0x1;
	s10 =	simm.s32 $0x1  }
0xd: {  	vm0 =	vmmov $0xff;
	s8 =	sshrl.u32 s8, $0x3;
	s4 =	sadd.s32 $0xA800, s7;
	s5 =	sadd.s32 $0x5800, s7  }
0xe: {  	v2 =	vimm.s32 $0x40000000;
	v0 =	vimm.s32 $0x0;
	v1 =	vadd.s32 $0x1388, v1;
	s7 =	sadd.s32 $0x10600, s31;
	s6 =	sadd.s32 s6, s8;
	s8 =	sadd.s32 $0x15600, s31  }
.LBB2_1:
0xf: {  	s19 =	simm.s32 $0x40;
	s20 =	simm.s32 $0x0  }
.LBB2_2:
0x10: {  	p0 =	sne.s32 s19, $0xA000;
	[tilespmem:s20+$0x2800] =	vst v0;
	s20 =	smov.u32 s19;
	s19 =	sadd.s32 $0x40, s19  }
.Ltmp0:
0x11: {  	(pc) =	sbr.rel @p0 .LBB2_2-.Ltmp0, $2  }
0x12: {  	_ =	sdelay $0x2  }
0x13: {  	s20 =	sshra.s32 s20, $0x2  }
0x14: {  	[tilespmem:s20+$0x2800] =	vst v0;
	s19 =	simm.s32 $0x0  }
0x15: {  	[tilespmem:s19], [sflag:$0x1] =	stream.linear.gather [hbm4b:s4+s19], $0x1388, $0x38;
	[tilespmem:$0xC980] =	vst v63  }
0x16: {  	_ =	swait.ge [sflag:s10], $0x1388  }
0x17: {  	[sflag:s10] =	ssyncset.done $0x0  }
0x18: {  	s31 =	simm.s32 $0x1400;
	[sflag:s10] =	ssyncadd.s32 $0xFFFFEC78  }
0x19: {  	[tilespmem:s31], [sflag:$0x1] =	stream.linear.gather [hbm4b:s5+s19], $0x1388, $0x38;
	[tilespmem:$0xC980] =	vst v63  }
0x1a: {  	_ =	swait.ge [sflag:s10], $0x1388  }
0x1b: {  	[sflag:s10] =	ssyncset.done $0x0  }
0x1c: {  	[sflag:s10] =	ssyncadd.s32 $0xFFFFEC78  }
0x1d: {  	[tilespmem:s11], [sflag:$0x1] =	stream.linear.gather [hbm4b:s3+s19], $0x2800, $0x38;
	[tilespmem:$0xC980] =	vst v63  }
0x1e: {  	_ =	swait.ge [sflag:s10], $0x2800  }
0x1f: {  	[sflag:s10] =	ssyncset.done $0x0  }
0x20: {  	[sflag:s10] =	ssyncadd.s32 $0xFFFFD800  }
0x21: {  	[tilespmem:s14], [sflag:$0x1] =	stream.strided.gather [hbm4b:s6+s12], $0x2800, s13, s12, $0x38;
	[tilespmem:$0xC980] =	vst v63  }
0x22: {  	_ =	swait.ge [sflag:s10], $0x2800  }
0x23: {  	[sflag:s10] =	ssyncset.done $0x0  }
0x24: {  	[sflag:s10] =	ssyncadd.s32 $0xFFFFD800  }
0x25: {  	v3 =	vld [tilespmem:$0x1380];
	_ =	sdelay $0x4  }
0x26: {  	v3 =	vnsel vm0, $0x2710, v3  }
0x27: {  	[tilespmem:$0x1380] =	vst v3  }
0x28: {  	v3 =	vld [tilespmem:s19+$0x0];
	_ =	sdelay $0x4  }
0x29: {  	(xrf1) =	vunique.msk.u32 $0xffff, v3;
	_ =	sdelay $0xd  }
0x2a: {  	v4 =	vld.idx.msk [tilespmem:v3+s15+$0x0], $0xffff;
	_, v5, vm1 =	vpop (xrf1);
	_ =	sdelay $0x4  }
0x2b: {  	v4 =	vadd.s32 v5, v4  }
0x2c: {  	v6 =	vld [tilespmem:s31+$0x0];
	[tilespmem:v3+s15+$0x0] =	vst.idx.msk vm1, v4  }
0x2d: {  	v5 =	vld.idx.msk [tilespmem:v3+s11+$0x0], $0xffff  }
0x2e: {  	v7 =	vld.idx.msk [tilespmem:v3+s14+$0x0], $0xffff;
	_ =	sdelay $0x3  }
0x2f: {  	v4 =	vadd.s32 v5, v4  }
0x30: {  	v5 =	vmov s19;
	v4 =	vadd.s32 v7, v4  }
0x31: {  	vm1 =	vlt.u32 v5, v1;
	v4 =	vadd.s32 $0xFFFFFFFF, v4  }
0x32: {  	v3 =	vshll.u32 v3, $0xE;
	s19 =	simm.s32 $0xA180;
	v4 =	vnsel vm1, $0x40000000, v4  }
0x33: {  	s20 =	simm.s32 $0xB580;
	v3 =	vadd.s32 v3, v6;
	[tilespmem:s19+$0x0] =	vst v4  }
0x34: {  	s21 =	simm.s32 $0x10;
	[tilespmem:s20+$0x0] =	vst v3  }
0x35: {  	s22 =	simm.s32 $0x1410;
	v4 =	vld [tilespmem:s21+$0x0]  }
0x36: {  	s23 =	simm.s32 $0x20;
	s24 =	simm.s32 $0x10;
	v3 =	vld [tilespmem:s22+$0x0]  }
.LBB2_4:
0x37: {  	p0 =	sne.s32 s23, $0x1380;
	_ =	sdelay $0x2  }
0x38: {  	v5 =	vshll.u32 v4, $0xE;
	(xrf1) =	vunique.msk.u32 $0xffff, v4;
	_ =	sdelay $0xc  }
0x39: {  	v6 =	vld.idx.msk [tilespmem:v4+s15+$0x0], $0xffff  }
0x3a: {  	_, v7, vm1 =	vpop (xrf1);
	_ =	sdelay $0x4  }
0x3b: {  	v6 =	vadd.s32 v7, v6  }
0x3c: {  	[tilespmem:v4+s15+$0x0] =	vst.idx.msk vm1, v6  }
0x3d: {  	v7 =	vld.idx.msk [tilespmem:v4+s11+$0x0], $0xffff  }
0x3e: {  	v4 =	vld.idx.msk [tilespmem:v4+s14+$0x0], $0xffff;
	_ =	sdelay $0x4  }
0x3f: {  	v6 =	vadd.s32 v7, v6  }
0x40: {  	v4 =	vadd.s32 v4, v6;
	v6 =	vmov s21;
	s21 =	smov.u32 s23  }
0x41: {  	v4 =	vadd.s32 $0xFFFFFFFF, v4;
	vm1 =	vlt.u32 v6, v1  }
.Ltmp1:
0x42: {  	s19 =	sadd.s32 $0x10, s19;
	v4 =	vnsel vm1, $0x40000000, v4;
	(pc) =	sbr.rel @p0 .LBB2_4-.Ltmp1, $4  }
0x43: {  	s20 =	sadd.s32 $0x10, s20;
	v3 =	vadd.s32 v5, v3;
	[tilespmem:s19+$0x0] =	vst v4  }
0x44: {  	s24 =	sadd.s32 $0x10, s24;
	[tilespmem:s20+$0x0] =	vst v3  }
0x45: {  	s22 =	sadd.s32 $0x10, s22;
	v4 =	vld [tilespmem:s24+$0x0]  }
0x46: {  	s23 =	sadd.s32 $0x10, s23;
	v3 =	vld [tilespmem:s22+$0x0]  }
0x47: {  	_ =	sdelay $0x2  }
0x48: {  	(xrf1) =	vunique.msk.u32 $0xffff, v4;
	_ =	sdelay $0xd  }
0x49: {  	v5 =	vld.idx.msk [tilespmem:v4+s15+$0x0], $0xffff;
	_, v6, vm1 =	vpop (xrf1);
	_ =	sdelay $0x4  }
0x4a: {  	v5 =	vadd.s32 v6, v5  }
0x4b: {  	[tilespmem:v4+s15+$0x0] =	vst.idx.msk vm1, v5  }
0x4c: {  	v61 =	vld.idx.msk [tilespmem:v4+s11+$0x0], $0xffff  }
0x4d: {  	v7 =	vld.idx.msk [tilespmem:v4+s14+$0x0], $0xffff;
	_ =	sdelay $0x3  }
0x4e: {  	v5 =	vadd.s32 v61, v5  }
0x4f: {  	v62 =	vmov s21;
	v5 =	vadd.s32 v7, v5  }
0x50: {  	vm1 =	vlt.u32 v62, v1;
	v5 =	vadd.s32 $0xFFFFFFFF, v5  }
0x51: {  	s19 =	sadd.s32 $0x10, s19;
	v63 =	vshll.u32 v4, $0xE;
	v5 =	vnsel vm1, $0x40000000, v5  }
0x52: {  	s31 =	sadd.s32 $0x10, s20;
	v3 =	vadd.s32 v63, v3;
	[tilespmem:s19+$0x0] =	vst v5  }
0x53: {  	[tilespmem:s31+$0x0] =	vst v3  }
0x54: {  	[tilespmem:$0xB510] =	vst v2  }
0x55: {  	[tilespmem:$0xC910] =	vst v0  }
0x56: {  	[tilespmem:$0xB520] =	vst v2  }
0x57: {  	[tilespmem:$0xC920] =	vst v0  }
0x58: {  	[tilespmem:$0xB530] =	vst v2  }
0x59: {  	[tilespmem:$0xC930] =	vst v0  }
0x5a: {  	[tilespmem:$0xB540] =	vst v2  }
0x5b: {  	[tilespmem:$0xC940] =	vst v0  }
0x5c: {  	[tilespmem:$0xB550] =	vst v2  }
0x5d: {  	[tilespmem:$0xC950] =	vst v0  }
0x5e: {  	[tilespmem:$0xB560] =	vst v2  }
0x5f: {  	[tilespmem:$0xC960] =	vst v0  }
0x60: {  	[tilespmem:$0xB570] =	vst v2  }
0x61: {  	[tilespmem:$0xC970] =	vst v0  }
0x62: {  	[hbm4b:s7+s2] =	stream.linear.scatter [tilespmem:s16], [sflag:$0x1], $0x1400, $0x38;
	[tilespmem:$0xC980] =	vst v63  }
0x63: {  	s18 =	sadd.s32 $0x1, s18;
	_ =	swait.ge [sflag:s10], $0x1400  }
0x64: {  	p0 =	sne.s32 s18, s9;
	[sflag:s10] =	ssyncset.done $0x0  }
.Ltmp2:
0x65: {  	[sflag:s10] =	ssyncadd.s32 $0xFFFFEC00;
	(pc) =	sbr.rel @p0 .LBB2_1-.Ltmp2, $4  }
0x66: {  	[hbm4b:s8+s2] =	stream.linear.scatter [tilespmem:s17], [sflag:$0x1], $0x1400, $0x38;
	[tilespmem:$0xC980] =	vst v63  }
0x67: {  	_ =	swait.ge [sflag:s10], $0x1400  }
0x68: {  	[sflag:s10] =	ssyncset.done $0x0  }
0x69: {  	[sflag:s10] =	ssyncadd.s32 $0xFFFFEC00  }
0x6a: {  	_ =	sfence.sel $0x180000  }
0x6b: {  	[bflag:$0x0] =	sbarrier.arrive $0xFFFF  }
0x6c: {  	p0 =	sne.s32 s0, $0x0;
	_ =	strace $0x9000004A  }
0x6d: {  	s0 =	sadd.s32 @!p0 $0x100000, s1;
	[bflag:$0x2] =	sbarrier.arrive $0xFFFF  }
0x6e: {  	[sflag:s0] =	ssyncadd.tile.s32 @!p0 $0x1;
	_ =	shalt  }
.Lfunc_end2:
_tile_overlayer_lowered:
.L_overlay_start_2:
0x6f: {  	(tag) =	ssettag $0x2  }
0x70: {  	s0 =	rddreg [dreg:$0x0];
	s2 =	stileid.u32  }
0x71: {  	s1 =	rddreg [dreg:$0x1];
	p0 =	sne.s32 s2, $0x0  }
0x72: {  	s3 =	rddreg [dreg:$0x2];
	[bflag:$0x3] =	sbarrier.arrive $0xFFFF;
	s2 =	simm.s32 @!p0 $0x1C01  }
0x73: {  	[timem:s3], [sflag:s2] =	dma.local @!p0 [hbm:s0], s1  }
0x74: {  	s0 =	simm.s32 @!p0 $0x1  }
0x75: {  	_ =	swait.ge @!p0 [sflag:s0], s1  }
0x76: {  	s1 =	ssub.s32 @!p0 $0x0, s1;
	[sflag:s0] =	ssyncset.done @!p0 $0x0  }
0x77: {  	[sflag:s0] =	ssyncadd.s32 @!p0 s1  }
0x78: {  	[bflag:$0x3] =	sbarrier.arrive $0xFFFF  }
0x79: {  	_ =	shalt  }

// kernel: kernel.16.cloned.1.call-start
scs
__scs_entry_jumppad:
0x0: {  	(pc) =	sbr.rel $0x88, $3  }
0x1: {  	(tag) =	ssettag $0x0;
	lr =	simm.s32 $0x1  }
0x2: {  	[smem:$0x3F8F] =	sst lr;
	_ =	strace $0xD0000000  }
0x3: {  	_ = 	snop  }
0x4: {  	_ = 	snop  }
0x5: {  	_ = 	snop  }
0x6: {  	_ = 	snop  }
0x7: {  	_ = 	snop  }
__scs_overlays_trampoline_lowered:
0x8: {  	[smem:$0x3F9E] =	sst s0  }
0x9: {  	[smem:$0x3F9F] =	sst s1  }
0xa: {  	[smem:$0x3FA0] =	sst s2  }
0xb: {  	[smem:$0x3FA1] =	sst s3  }
0xc: {  	[smem:$0x3FA2] =	sst s4  }
0xd: {  	[smem:$0x3FA3] =	sst s5  }
0xe: {  	[smem:$0x3FA4] =	sst s6  }
0xf: {  	[smem:$0x3FA5] =	sst s7  }
0x10: {  	[smem:$0x3FA6] =	sst s8  }
0x11: {  	[smem:$0x3FA7] =	sst s9;
	s0 =	simm.s32 @!p0 $0x0  }
0x12: {  	s1 =	sld [smem:$0x3F8D];
	s0 =	simm.s32 @p0 $0x1  }
0x13: {  	[smem:$0x3FA8] =	sst s0;
	s0 =	simm.s32 @!p1 $0x0  }
0x14: {  	s2 =	sld [smem:$0x3F8C];
	s0 =	simm.s32 @p1 $0x1  }
0x15: {  	[smem:$0x3FA9] =	sst s0;
	s0 =	simm.s32 @!p2 $0x0  }
0x16: {  	s3 =	sld [smem:$0x3FDB];
	s0 =	simm.s32 @p2 $0x1  }
0x17: {  	s4 =	simm.s32 $0x1BF5;
	[smem:$0x3FAB] =	sst s0  }
0x18: {  	s0 =	sld [smem:$0x3F8E];
	_ =	swait.ge [sflag:s4], $0x0  }
0x19: {  	s7 =	sld [smem:$0x3F8F]  }
0x1a: {  	s8 =	sadd.s32 $0xFFFFE003, lr  }
0x1b: {  	s9 =	sadd.s32 $0xFFFFFEF7, lr;
	s5 =	simm.s32 $0xFFFFFFFF;
	p2 =	slt.u32 s8, $0xFFFFF086  }
0x1c: {  	p1 =	slt.u32 s9, $0xF7A;
	s5 =	simm.s32 @!p2 $0x0  }
0x1d: {  	s5 =	simm.s32 @p1 $0x1;
	p0 =	seq.s32 s7, s2  }
0x1e: {  	s7 =	smul.u32 @!p0 $0xF7A, s2;
	p2 =	seq.s32 @!p0 s5, $0x0  }
0x1f: {  	s9 =	smul.u32 $0xF7A, s1;
	s8 =	simm.s32 @!p0 $0x1BF5;
	p2 =	por !p2, p0  }
0x20: {  	[sflag:s8] =	ssyncset.s32 @!p0 $0xFFFFF086;
	s6 =	sadd.s32 @!p0 s3, s7;
	s7 =	simm.s32 @!p0 $0x108  }
0x21: {  	s3 =	sadd.s32 s3, s9;
	s6 =	sadd.s32 @!p0 $0x88, s6;
	s7 =	simm.s32 @p2 $0x1082  }
0x22: {  	[simem:s7], [sflag:s8] =	dma.local @!p0 [hbm:s6], $0xF7A  }
0x23: {  	s9 =	sor.u32 $0xD0000000, s2;
	s6 =	simm.s32 $0x108;
	_ =	swait.ge @!p0 [sflag:s8], $0x0  }
0x24: {  	s3 =	sadd.s32 $0x88, s3;
	s6 =	simm.s32 @!p1 $0x1082;
	[sflag:s4] =	ssyncset.s32 $0xFFFFF086  }
0x25: {  	[simem:s6], [sflag:s4] =	dma.local [hbm:s3], $0xF7A  }
0x26: {  	[smem:$0x3F8F] =	sst s1;
	(tag) =	ssettag s2;
	_ =	strace s9  }
0x27: {  	s1 =	sld [smem:$0x3F9F]  }
0x28: {  	s2 =	sld [smem:$0x3FA0]  }
0x29: {  	s4 =	sld [smem:$0x3FA2]  }
0x2a: {  	p0 =	seq.s32 s5, $0x0;
	s5 =	sld [smem:$0x3FA3]  }
0x2b: {  	s6 =	sld [smem:$0x3FA4]  }
0x2c: {  	s7 =	sld [smem:$0x3FA5]  }
0x2d: {  	s3 =	simm.s32 $0x108;
	s8 =	sld [smem:$0x3FA6]  }
0x2e: {  	s3 =	simm.s32 @!p0 $0x1082;
	s9 =	sld [smem:$0x3FA7]  }
0x2f: {  	lr =	sadd.s32 s0, s3;
	s0 =	sld [smem:$0x3F9E]  }
0x30: {  	s3 =	sld [smem:$0x3FA1]  }
0x31: {  	[smem:$0x3FAA] =	sst s10  }
0x32: {  	s10 =	sld [smem:$0x3FA8];
	_ =	sdelay $0x3  }
0x33: {  	p0 =	seq.s32 s10, $0x1;
	s10 =	sld [smem:$0x3FAA];
	_ =	sdelay $0x3  }
0x34: {  	[smem:$0x3FAA] =	sst s10  }
0x35: {  	s10 =	sld [smem:$0x3FA9];
	_ =	sdelay $0x3  }
0x36: {  	p1 =	seq.s32 s10, $0x1;
	s10 =	sld [smem:$0x3FAA];
	_ =	sdelay $0x3  }
0x37: {  	[smem:$0x3FAA] =	sst s10  }
0x38: {  	s10 =	sld [smem:$0x3FAB]  }
0x39: {  	_ = 	snop;
	(pc) =	sbr.ind lr, $3  }
0x3a: {  	_ = 	snop  }
0x3b: {  	_ = 	snop  }
0x3c: {  	p2 =	seq.s32 s10, $0x1;
	s10 =	sld [smem:$0x3FAA]  }
0x3d: {  	_ =	shalt  }
0x3e: {  	_ =	shalt  }
0x3f: {  	_ =	shalt  }
0x40: {  	_ =	shalt  }
0x41: {  	_ =	shalt  }
0x42: {  	_ =	shalt  }
0x43: {  	_ =	shalt  }
0x44: {  	_ =	shalt  }
0x45: {  	_ =	shalt  }
0x46: {  	_ =	shalt  }
0x47: {  	_ =	shalt  }
0x48: {  	_ =	shalt  }
0x49: {  	_ =	shalt  }
0x4a: {  	_ =	shalt  }
0x4b: {  	_ =	shalt  }
0x4c: {  	_ =	shalt  }
0x4d: {  	_ =	shalt  }
0x4e: {  	_ =	shalt  }
0x4f: {  	_ =	shalt  }
0x50: {  	_ =	shalt  }
0x51: {  	_ =	shalt  }
0x52: {  	_ =	shalt  }
0x53: {  	_ =	shalt  }
0x54: {  	_ =	shalt  }
0x55: {  	_ =	shalt  }
0x56: {  	_ =	shalt  }
0x57: {  	_ =	shalt  }
0x58: {  	_ =	shalt  }
0x59: {  	_ =	shalt  }
0x5a: {  	_ =	shalt  }
0x5b: {  	_ =	shalt  }
0x5c: {  	_ =	shalt  }
0x5d: {  	_ =	shalt  }
0x5e: {  	_ =	shalt  }
0x5f: {  	_ =	shalt  }
0x60: {  	_ =	shalt  }
0x61: {  	_ =	shalt  }
0x62: {  	_ =	shalt  }
0x63: {  	_ =	shalt  }
0x64: {  	_ =	shalt  }
0x65: {  	_ =	shalt  }
0x66: {  	_ =	shalt  }
0x67: {  	_ =	shalt  }
0x68: {  	_ =	shalt  }
0x69: {  	_ =	shalt  }
0x6a: {  	_ =	shalt  }
0x6b: {  	_ =	shalt  }
0x6c: {  	_ =	shalt  }
0x6d: {  	_ =	shalt  }
0x6e: {  	_ =	shalt  }
0x6f: {  	_ =	shalt  }
0x70: {  	_ =	shalt  }
0x71: {  	_ =	shalt  }
0x72: {  	_ =	shalt  }
0x73: {  	_ =	shalt  }
0x74: {  	_ =	shalt  }
0x75: {  	_ =	shalt  }
0x76: {  	_ =	shalt  }
0x77: {  	_ =	shalt  }
0x78: {  	_ =	shalt  }
0x79: {  	_ =	shalt  }
0x7a: {  	_ =	shalt  }
0x7b: {  	_ =	shalt  }
0x7c: {  	_ =	shalt  }
0x7d: {  	_ =	shalt  }
0x7e: {  	_ =	shalt  }
0x7f: {  	_ =	shalt  }
0x80: {  	_ =	shalt  }
0x81: {  	_ =	shalt  }
0x82: {  	_ =	shalt  }
0x83: {  	_ =	shalt  }
0x84: {  	_ =	shalt  }
0x85: {  	_ =	shalt  }
0x86: {  	_ =	shalt  }
0x87: {  	_ =	shalt  }
.Lfunc_end0:
.L_simem_size_0:
called_computation.2_lowered:
.L_overlay_start_0:
0x88: {  	s2 =	sld [smem:$0x3FD9]  }
0x89: {  	s3 =	sld [smem:$0x3FFE];
	_ =	sdelay $0x1  }
0x8a: {  	s1 =	srdreg.scid  }
0x8b: {  	s0 =	sand.u32 $0x1, s1  }
0x8c: {  	s16 =	sshll.u32 s0, $0xA;
	s2 =	sadd.s32 s3, s2  }
0x8d: {  	s2 =	sadd.s32 s2, s16  }
0x8e: {  	[smem:$0x3FB6] =	sst s2  }
0x8f: {  	_ = 	snop  }
0x90: {  	(tm) =	ssettm $0x1  }
0x91: {  	s17 =	sld [smem:$0x3FFB];
	_ =	sdelay $0x3  }
0x92: {  	_ =	strace s17  }
0x93: {  	s2 =	sld [smem:$0x3FFC];
	_ =	sdelay $0x3  }
0x94: {  	_ =	strace s2  }
0x95: {  	s2 =	sld [smem:$0x3FFD];
	_ =	sdelay $0x3  }
0x96: {  	_ =	strace s2  }
0x97: {  	_ =	strace $0x8FFFFFFF  }
0x98: {  	s18 =	sld [smem:$0x3FDB];
	_ =	sdelay $0x1  }
0x99: {  	s19 =	simm.s32 $_scs_section_size  }
0x9a: {  	s4 =	simm.s32 $_size__tile_overlayer_lowered;
	s5 =	simm.s32 $_tile_overlayer_lowered  }
0x9b: {  	s22 =	simm.s32 $0x1BFF;
	s21 =	sshll.u32 s5, $0x1;
	s2 =	sadd.s32 s19, s18  }
0x9c: {  	s6 =	simm.s32 $0x0;
	s20 =	sshll.u32 s4, $0x1;
	s4 =	sadd.s32 s21, s2  }
0x9d: {  	[timem:s6], [sflag:s22] =	dma.local [hbm:s4], s20  }
0x9e: {  	_ =	swait.ge [sflag:s22], s20  }
0x9f: {  	s3 =	ssub.s32 $0x0, s20;
	[sflag:s22] =	ssyncset.done $0x0  }
0xa0: {  	[sflag:s22] =	ssyncadd.s32 s3;
	_ =	sdelay $0x1  }
0xa1: {  	s23 =	simm.s32 $0x1B8B  }
0xa2: {  	_ =	swait.ge [sflag:s23], $0x1  }
0xa3: {  	[sflag:s23] =	ssyncset.done $0x0  }
0xa4: {  	s25 =	simm.s32 $0x1B8E;
	s24 =	sld [smem:$0x3FFE];
	[sflag:s23] =	ssyncadd.s32 $0xFFFFFFFF  }
0xa5: {  	s26 =	simm.s32 $execute0_lowered;
	[smem:$0x3FD2] =	sst s25  }
0xa6: {  	s4 =	sshll.u32 s26, $0x1;
	_ =	strace $0x8000004C;
	[dreg:$0x1] =	wrdreg $0xFFFFFFFF  }
0xa7: {  	s28 =	simm.s32 $_size_execute0_lowered;
	s2 =	sadd.s32 s2, s4;
	[dreg:$0x0] =	wrdreg $0x0  }
0xa8: {  	s4 =	sshll.u32 s28, $0x1;
	[dreg:$0x2] =	wrdreg s2  }
0xa9: {  	[dreg:$0x3] =	wrdreg s4  }
0xaa: {  	[dreg:$0x4] =	wrdreg $0xC0  }
0xab: {  	_ =	task [dreg:s6], $0x5FFFF  }
0xac: {  	[dreg:$0x1] =	wrdreg $0xFFFFFFFF  }
0xad: {  	[dreg:$0x0] =	wrdreg $0x60  }
0xae: {  	[dreg:$0x2] =	wrdreg s24  }
0xaf: {  	[dreg:$0x3] =	wrdreg $0x9  }
0xb0: {  	_ =	task.clear_ibuf [dreg:s6], $0x4FFFF;
	_ =	strace $0x9000004C  }
0xb1: {  	s29 =	simm.s32 $0x9;
	_ =	strace $0x8000004E  }
0xb2: {  	_ =	swait.ge [sflag:s29], $0x1  }
0xb3: {  	[sflag:s29] =	ssyncadd.s32 $0xFFFFFFFF  }
0xb4: {  	_ =	strace $0x9000004E  }
0xb5: {  	_ =	sfence  }
0xb6: {  	s30 =	sld [smem:$0x0];
	_ =	sdelay $0x2  }
0xb7: {  	s31 =	sshll.u32 s1, $0xD;
	s1 =	sshrl.u32 s1, $0x2  }
0xb8: {  	s3 =	sand.u32 $0x4000, s31;
	s1 =	sadd.s32 s1, s30  }
0xb9: {  	s0 =	sor.u32 s3, s0;
	s1 =	sshll.u32 s1, $0x11  }
0xba: {  	s0 =	sor.u32 s1, s0  }
0xbb: {  	s0 =	sadd.s32 $0x8F2B, s0  }
0xbc: {  	[sflag:s0] =	ssyncadd.remote.s32 $0x1  }
0xbd: {  	_ =	sfence.sel $0xFFFF  }
0xbe: {  	[dreg:$0x0] =	wrdreg $0xFFFFFFFF;
	(pc) =	sbr.abs _section_cstart, $3  }
0xbf: {  	[dreg:$0x1] =	wrdreg $0xFFFFFFFF  }
0xc0: {  	_ =	task.clear_ibuf [dreg:s6], $0x2FFFF;
	_ =	strace $0x9FFFFFFF  }
0xc1: {  	(tm) =	ssettm $0x7FFFFFFF  }
tec
execute0_lowered:
.L_overlay_start_1:
0x0: {  	(tag) =	ssettag $0x1  }
0x1: {  	s1 =	srdreg.scid;
	s0 =	stileid.u32  }
0x2: {  	s5 =	rddreg [dreg:$0x0];
	s2 =	simm.s32 $0x0;
	s8 =	simm.s32 $0x1  }
0x3: {  	s9 =	simm.s32 $0x5000;
	s4 =	sand.u32 $0x1, s1;
	s3 =	sshll.u32 s0, $0x1  }
0x4: {  	s11 =	simm.s32 $0x7800;
	s12 =	simm.s32 $0x0;
	s3 =	sor.u32 s4, s3  }
0x5: {  	[smem:$0x7FF] =	sst s2;
	s7 =	ssub.s32 $0x2, s4;
	s10 =	smul.u32 $0x1388, s3  }
0x6: {  	s1 =	rddreg [dreg:$0x1];
	_ =	strace $0x8000004D;
	s31 =	sshrl.u32 s7, $0x1  }
0x7: {  	s4 =	sadd.s32 $0x15600, s5;
	s7 =	ssub.s32 s7, s31;
	s6 =	sshrl.u32 s10, $0x3  }
0x8: {  	s3 =	sadd.s32 $0x10600, s5;
	s7 =	smax.u32 s7, $0x1;
	s6 =	sadd.s32 s6, s5  }
0x9: {  	v0 =	vmov s10;
	s10 =	simm.s32 $0x6400;
	s5 =	sadd.s32 $0xA800, s6;
	s6 =	sadd.s32 $0x5800, s6  }
.LBB2_1:
0xa: {  	p0 =	por $0x0, $0x0;
	s13 =	simm.s32 $0x0  }
.LBB2_2:
0xb: {  	s14 =	simm.s32 $0x1;
	s16 =	smul.u32 $0x280, s13  }
0xc: {  	s31 =	sshll.u32 s13, $0x7;
	s19 =	simm.s32 $0x10;
	s14 =	simm.s32 @!p0 $0x0  }
0xd: {  	s17 =	sshll.u32 s14, $0x7;
	s14 =	sand.u32 $0x80, s31;
	s18 =	sadd.s32 s3, s16  }
0xe: {  	s15 =	sor.u32 $0x2800, s17;
	s21 =	sadd.s32 $0x0, s18;
	s20 =	sadd.s32 $0x100, s17  }
.LBB2_3:
0xf: {  	[tilespmem:s17], [sflag:$0x1] =	stream.linear.gather [hbm4b:s21+s2], $0x80, $0x38;
	[tilespmem:$0x8C00] =	vst v63  }
0x10: {  	s21 =	smov.u32 s19;
	s17 =	smov.u32 s20;
	p1 =	sne.s32 s19, $0x270  }
.Ltmp0:
0x11: {  	s19 =	sadd.s32 $0x10, s19;
	(pc) =	sbr.rel @p1 .LBB2_3-.Ltmp0, $2  }
0x12: {  	_ =	sdelay $0x2  }
0x13: {  	s20 =	sadd.s32 $0x100, s20;
	s21 =	sadd.s32 s21, s18  }
0x14: {  	[tilespmem:s17], [sflag:$0x1] =	stream.linear.gather [hbm4b:s21+s2], $0x80, $0x38;
	[tilespmem:$0x8C00] =	vst v63  }
0x15: {  	_ =	swait.ge [sflag:s8], $0x1400  }
0x16: {  	s16 =	sadd.s32 s4, s16;
	s17 =	simm.s32 $0x10;
	[sflag:s8] =	ssyncset.done $0x0  }
0x17: {  	s18 =	sadd.s32 $0x100, s15;
	s19 =	sadd.s32 $0x0, s16;
	[sflag:s8] =	ssyncadd.s32 $0xFFFFEC00  }
.LBB2_5:
0x18: {  	[tilespmem:s15], [sflag:$0x1] =	stream.linear.gather [hbm4b:s19+s2], $0x80, $0x38;
	[tilespmem:$0x8C00] =	vst v63  }
0x19: {  	s19 =	smov.u32 s17;
	s15 =	smov.u32 s18;
	p1 =	sne.s32 s17, $0x270  }
.Ltmp1:
0x1a: {  	s17 =	sadd.s32 $0x10, s17;
	(pc) =	sbr.rel @p1 .LBB2_5-.Ltmp1, $2  }
0x1b: {  	_ =	sdelay $0x2  }
0x1c: {  	s18 =	sadd.s32 $0x100, s18;
	s19 =	sadd.s32 s19, s16  }
0x1d: {  	[tilespmem:s15], [sflag:$0x1] =	stream.linear.gather [hbm4b:s19+s2], $0x80, $0x38;
	[tilespmem:$0x8C00] =	vst v63  }
0x1e: {  	s31 =	simm.s32 $0x0  }
0x1f: {  	_ =	swait.ge [sflag:s8], $0x1400;
	s16 =	sand.u32 $0x70, s31;
	s15 =	sand.u32 $0x3F00, s31  }
0x20: {  	[sflag:s8] =	ssyncset.done $0x0;
	s15 =	sor.u32 s15, s16  }
0x21: {  	[sflag:s8] =	ssyncadd.s32 $0xFFFFEC00;
	s16 =	sor.u32 s14, s15  }
0x22: {  	v1 =	vld [tilespmem:s16+$0x0];
	_ =	sdelay $0x4  }
0x23: {  	v2 =	vsub.s32 v1, v0  }
0x24: {  	vm0 =	vlt.u32 v2, $0x1388  }
0x25: {  	v1 =	vld [tilespmem:s16+$0x2800];
	v2 =	vnsel vm0, $0x0, v2;
	_ =	sdelay $0x1  }
0x26: {  	s17 =	simm.s32 $0x10;
	s15 =	simm.s32 $0x20  }
0x27: {  	s17 =	sand.u32 $0x70, s17;
	s18 =	sand.u32 $0x3F00, s15;
	s16 =	simm.s32 $0x20  }
.LBB2_7:
0x28: {  	p1 =	sne.s32 s16, $0x13F0;
	s17 =	sor.u32 s18, s17  }
0x29: {  	s17 =	sor.u32 s14, s17;
	[tilespmem:v2+s9+$0x0] =	vst.idx.msk vm0, v1  }
0x2a: {  	v1 =	vld [tilespmem:s17+$0x0];
	_ =	sdelay $0x4  }
0x2b: {  	v2 =	vsub.s32 v1, v0  }
.Ltmp2:
0x2c: {  	vm0 =	vlt.u32 v2, $0x1388;
	(pc) =	sbr.rel @p1 .LBB2_7-.Ltmp2, $3  }
0x2d: {  	v1 =	vld [tilespmem:s17+$0x2800];
	v2 =	vnsel vm0, $0x0, v2;
	_ =	sdelay $0x1  }
0x2e: {  	s15 =	sadd.s32 $0x20, s15  }
0x2f: {  	s18 =	sand.u32 $0x3F00, s15;
	s17 =	sand.u32 $0x70, s16;
	s16 =	sadd.s32 $0x10, s16  }
0x30: {  	_ =	sdelay $0x3  }
0x31: {  	s15 =	sor.u32 s18, s17  }
0x32: {  	s14 =	sor.u32 s14, s15;
	[tilespmem:v2+s9+$0x0] =	vst.idx.msk vm0, v1  }
0x33: {  	v1 =	vld [tilespmem:s14+$0x0];
	_ =	sdelay $0x4  }
0x34: {  	v1 =	vsub.s32 v1, v0  }
0x35: {  	s13 =	sadd.s32 $0x1, s13;
	vm15 =	vlt.u32 v1, $0x1388  }
0x36: {  	p1 =	sne.s32 s13, $0x20;
	v2 =	vld [tilespmem:s14+$0x2800];
	v1 =	vnsel vm15, $0x0, v1  }
.Ltmp3:
0x37: {  	_ = 	snop;
	(pc) =	sbr.rel @p1 .LBB2_2-.Ltmp3, $2  }
0x38: {  	_ =	sdelay $0x2  }
0x39: {  	p0 =	por !p0, !p0;
	[tilespmem:v1+s9+$0x0] =	vst.idx.msk vm15, v2  }
0x3a: {  	s13 =	simm.s32 $0x0  }
0x3b: {  	v1 =	vld [tilespmem:s13+$0x5000]  }
0x3c: {  	s14 =	simm.s32 $0x40  }
.LBB2_10:
0x3d: {  	p0 =	sne.s32 s14, $0x4E00  }
.Ltmp4:
0x3e: {  	_ = 	snop;
	(pc) =	sbr.rel @p0 .LBB2_10-.Ltmp4, $4  }
0x3f: {  	_ = 	snop  }
0x40: {  	s15 =	sshra.s32 s14, $0x2;
	s14 =	sadd.s32 $0x40, s14;
	v2 =	vand.u32 $0x3FFF, v1;
	v3 =	vshra.s32 v1, $0xE  }
0x41: {  	v1 =	vld [tilespmem:s15+$0x5000];
	[tilespmem:s13+$0x7800] =	vst v3  }
0x42: {  	[tilespmem:s13+$0x6400] =	vst v2;
	s13 =	smov.u32 s15  }
0x43: {  	_ =	sdelay $0x2  }
0x44: {  	v2 =	vshra.s32 v1, $0xE  }
0x45: {  	v1 =	vand.u32 $0x3FFF, v1;
	[tilespmem:s13+$0x7800] =	vst v2  }
0x46: {  	[tilespmem:s13+$0x6400] =	vst v1  }
0x47: {  	[hbm4b:s5+s2] =	stream.linear.scatter [tilespmem:s10], [sflag:$0x1], $0x1388, $0x38;
	[tilespmem:$0x8C00] =	vst v63  }
0x48: {  	s12 =	sadd.s32 $0x1, s12;
	_ =	swait.ge [sflag:s8], $0x1388  }
0x49: {  	p0 =	sne.s32 s12, s7;
	[sflag:s8] =	ssyncset.done $0x0  }
.Ltmp5:
0x4a: {  	[sflag:s8] =	ssyncadd.s32 $0xFFFFEC78;
	(pc) =	sbr.rel @p0 .LBB2_1-.Ltmp5, $4  }
0x4b: {  	[hbm4b:s6+s2] =	stream.linear.scatter [tilespmem:s11], [sflag:$0x1], $0x1388, $0x38;
	[tilespmem:$0x8C00] =	vst v63  }
0x4c: {  	_ =	swait.ge [sflag:s8], $0x1388  }
0x4d: {  	[sflag:s8] =	ssyncset.done $0x0  }
0x4e: {  	[sflag:s8] =	ssyncadd.s32 $0xFFFFEC78  }
0x4f: {  	_ =	sfence.sel $0x180000  }
0x50: {  	[bflag:$0x0] =	sbarrier.arrive $0xFFFF  }
0x51: {  	p0 =	sne.s32 s0, $0x0;
	_ =	strace $0x9000004D  }
0x52: {  	s0 =	sadd.s32 @!p0 $0x100000, s1;
	[bflag:$0x2] =	sbarrier.arrive $0xFFFF  }
0x53: {  	[sflag:s0] =	ssyncadd.tile.s32 @!p0 $0x1;
	_ =	shalt  }
.Lfunc_end2:
_tile_overlayer_lowered:
.L_overlay_start_2:
0x54: {  	(tag) =	ssettag $0x2  }
0x55: {  	s0 =	rddreg [dreg:$0x0];
	s2 =	stileid.u32  }
0x56: {  	s1 =	rddreg [dreg:$0x1];
	p0 =	sne.s32 s2, $0x0  }
0x57: {  	s3 =	rddreg [dreg:$0x2];
	[bflag:$0x3] =	sbarrier.arrive $0xFFFF;
	s2 =	simm.s32 @!p0 $0x1C01  }
0x58: {  	[timem:s3], [sflag:s2] =	dma.local @!p0 [hbm:s0], s1  }
0x59: {  	s0 =	simm.s32 @!p0 $0x1  }
0x5a: {  	_ =	swait.ge @!p0 [sflag:s0], s1  }
0x5b: {  	s1 =	ssub.s32 @!p0 $0x0, s1;
	[sflag:s0] =	ssyncset.done @!p0 $0x0  }
0x5c: {  	[sflag:s0] =	ssyncadd.s32 @!p0 s1  }
0x5d: {  	[bflag:$0x3] =	sbarrier.arrive $0xFFFF  }
0x5e: {  	_ =	shalt  }

// kernel: kernel.19.cloned.1.call-start
scs
__scs_entry_jumppad:
0x0: {  	(pc) =	sbr.rel $0x88, $3  }
0x1: {  	(tag) =	ssettag $0x0;
	lr =	simm.s32 $0x1  }
0x2: {  	[smem:$0x3F8F] =	sst lr;
	_ =	strace $0xD0000000  }
0x3: {  	_ = 	snop  }
0x4: {  	_ = 	snop  }
0x5: {  	_ = 	snop  }
0x6: {  	_ = 	snop  }
0x7: {  	_ = 	snop  }
__scs_overlays_trampoline_lowered:
0x8: {  	[smem:$0x3F9E] =	sst s0  }
0x9: {  	[smem:$0x3F9F] =	sst s1  }
0xa: {  	[smem:$0x3FA0] =	sst s2  }
0xb: {  	[smem:$0x3FA1] =	sst s3  }
0xc: {  	[smem:$0x3FA2] =	sst s4  }
0xd: {  	[smem:$0x3FA3] =	sst s5  }
0xe: {  	[smem:$0x3FA4] =	sst s6  }
0xf: {  	[smem:$0x3FA5] =	sst s7  }
0x10: {  	[smem:$0x3FA6] =	sst s8  }
0x11: {  	[smem:$0x3FA7] =	sst s9;
	s0 =	simm.s32 @!p0 $0x0  }
0x12: {  	s1 =	sld [smem:$0x3F8D];
	s0 =	simm.s32 @p0 $0x1  }
0x13: {  	[smem:$0x3FA8] =	sst s0;
	s0 =	simm.s32 @!p1 $0x0  }
0x14: {  	s2 =	sld [smem:$0x3F8C];
	s0 =	simm.s32 @p1 $0x1  }
0x15: {  	[smem:$0x3FA9] =	sst s0;
	s0 =	simm.s32 @!p2 $0x0  }
0x16: {  	s3 =	sld [smem:$0x3FDB];
	s0 =	simm.s32 @p2 $0x1  }
0x17: {  	s4 =	simm.s32 $0x1BF5;
	[smem:$0x3FAB] =	sst s0  }
0x18: {  	s0 =	sld [smem:$0x3F8E];
	_ =	swait.ge [sflag:s4], $0x0  }
0x19: {  	s7 =	sld [smem:$0x3F8F]  }
0x1a: {  	s8 =	sadd.s32 $0xFFFFE003, lr  }
0x1b: {  	s9 =	sadd.s32 $0xFFFFFEF7, lr;
	s5 =	simm.s32 $0xFFFFFFFF;
	p2 =	slt.u32 s8, $0xFFFFF086  }
0x1c: {  	p1 =	slt.u32 s9, $0xF7A;
	s5 =	simm.s32 @!p2 $0x0  }
0x1d: {  	s5 =	simm.s32 @p1 $0x1;
	p0 =	seq.s32 s7, s2  }
0x1e: {  	s7 =	smul.u32 @!p0 $0xF7A, s2;
	p2 =	seq.s32 @!p0 s5, $0x0  }
0x1f: {  	s9 =	smul.u32 $0xF7A, s1;
	s8 =	simm.s32 @!p0 $0x1BF5;
	p2 =	por !p2, p0  }
0x20: {  	[sflag:s8] =	ssyncset.s32 @!p0 $0xFFFFF086;
	s6 =	sadd.s32 @!p0 s3, s7;
	s7 =	simm.s32 @!p0 $0x108  }
0x21: {  	s3 =	sadd.s32 s3, s9;
	s6 =	sadd.s32 @!p0 $0x88, s6;
	s7 =	simm.s32 @p2 $0x1082  }
0x22: {  	[simem:s7], [sflag:s8] =	dma.local @!p0 [hbm:s6], $0xF7A  }
0x23: {  	s9 =	sor.u32 $0xD0000000, s2;
	s6 =	simm.s32 $0x108;
	_ =	swait.ge @!p0 [sflag:s8], $0x0  }
0x24: {  	s3 =	sadd.s32 $0x88, s3;
	s6 =	simm.s32 @!p1 $0x1082;
	[sflag:s4] =	ssyncset.s32 $0xFFFFF086  }
0x25: {  	[simem:s6], [sflag:s4] =	dma.local [hbm:s3], $0xF7A  }
0x26: {  	[smem:$0x3F8F] =	sst s1;
	(tag) =	ssettag s2;
	_ =	strace s9  }
0x27: {  	s1 =	sld [smem:$0x3F9F]  }
0x28: {  	s2 =	sld [smem:$0x3FA0]  }
0x29: {  	s4 =	sld [smem:$0x3FA2]  }
0x2a: {  	p0 =	seq.s32 s5, $0x0;
	s5 =	sld [smem:$0x3FA3]  }
0x2b: {  	s6 =	sld [smem:$0x3FA4]  }
0x2c: {  	s7 =	sld [smem:$0x3FA5]  }
0x2d: {  	s3 =	simm.s32 $0x108;
	s8 =	sld [smem:$0x3FA6]  }
0x2e: {  	s3 =	simm.s32 @!p0 $0x1082;
	s9 =	sld [smem:$0x3FA7]  }
0x2f: {  	lr =	sadd.s32 s0, s3;
	s0 =	sld [smem:$0x3F9E]  }
0x30: {  	s3 =	sld [smem:$0x3FA1]  }
0x31: {  	[smem:$0x3FAA] =	sst s10  }
0x32: {  	s10 =	sld [smem:$0x3FA8];
	_ =	sdelay $0x3  }
0x33: {  	p0 =	seq.s32 s10, $0x1;
	s10 =	sld [smem:$0x3FAA];
	_ =	sdelay $0x3  }
0x34: {  	[smem:$0x3FAA] =	sst s10  }
0x35: {  	s10 =	sld [smem:$0x3FA9];
	_ =	sdelay $0x3  }
0x36: {  	p1 =	seq.s32 s10, $0x1;
	s10 =	sld [smem:$0x3FAA];
	_ =	sdelay $0x3  }
0x37: {  	[smem:$0x3FAA] =	sst s10  }
0x38: {  	s10 =	sld [smem:$0x3FAB]  }
0x39: {  	_ = 	snop;
	(pc) =	sbr.ind lr, $3  }
0x3a: {  	_ = 	snop  }
0x3b: {  	_ = 	snop  }
0x3c: {  	p2 =	seq.s32 s10, $0x1;
	s10 =	sld [smem:$0x3FAA]  }
0x3d: {  	_ =	shalt  }
0x3e: {  	_ =	shalt  }
0x3f: {  	_ =	shalt  }
0x40: {  	_ =	shalt  }
0x41: {  	_ =	shalt  }
0x42: {  	_ =	shalt  }
0x43: {  	_ =	shalt  }
0x44: {  	_ =	shalt  }
0x45: {  	_ =	shalt  }
0x46: {  	_ =	shalt  }
0x47: {  	_ =	shalt  }
0x48: {  	_ =	shalt  }
0x49: {  	_ =	shalt  }
0x4a: {  	_ =	shalt  }
0x4b: {  	_ =	shalt  }
0x4c: {  	_ =	shalt  }
0x4d: {  	_ =	shalt  }
0x4e: {  	_ =	shalt  }
0x4f: {  	_ =	shalt  }
0x50: {  	_ =	shalt  }
0x51: {  	_ =	shalt  }
0x52: {  	_ =	shalt  }
0x53: {  	_ =	shalt  }
0x54: {  	_ =	shalt  }
0x55: {  	_ =	shalt  }
0x56: {  	_ =	shalt  }
0x57: {  	_ =	shalt  }
0x58: {  	_ =	shalt  }
0x59: {  	_ =	shalt  }
0x5a: {  	_ =	shalt  }
0x5b: {  	_ =	shalt  }
0x5c: {  	_ =	shalt  }
0x5d: {  	_ =	shalt  }
0x5e: {  	_ =	shalt  }
0x5f: {  	_ =	shalt  }
0x60: {  	_ =	shalt  }
0x61: {  	_ =	shalt  }
0x62: {  	_ =	shalt  }
0x63: {  	_ =	shalt  }
0x64: {  	_ =	shalt  }
0x65: {  	_ =	shalt  }
0x66: {  	_ =	shalt  }
0x67: {  	_ =	shalt  }
0x68: {  	_ =	shalt  }
0x69: {  	_ =	shalt  }
0x6a: {  	_ =	shalt  }
0x6b: {  	_ =	shalt  }
0x6c: {  	_ =	shalt  }
0x6d: {  	_ =	shalt  }
0x6e: {  	_ =	shalt  }
0x6f: {  	_ =	shalt  }
0x70: {  	_ =	shalt  }
0x71: {  	_ =	shalt  }
0x72: {  	_ =	shalt  }
0x73: {  	_ =	shalt  }
0x74: {  	_ =	shalt  }
0x75: {  	_ =	shalt  }
0x76: {  	_ =	shalt  }
0x77: {  	_ =	shalt  }
0x78: {  	_ =	shalt  }
0x79: {  	_ =	shalt  }
0x7a: {  	_ =	shalt  }
0x7b: {  	_ =	shalt  }
0x7c: {  	_ =	shalt  }
0x7d: {  	_ =	shalt  }
0x7e: {  	_ =	shalt  }
0x7f: {  	_ =	shalt  }
0x80: {  	_ =	shalt  }
0x81: {  	_ =	shalt  }
0x82: {  	_ =	shalt  }
0x83: {  	_ =	shalt  }
0x84: {  	_ =	shalt  }
0x85: {  	_ =	shalt  }
0x86: {  	_ =	shalt  }
0x87: {  	_ =	shalt  }
.Lfunc_end0:
.L_simem_size_0:
called_computation.3_lowered:
.L_overlay_start_0:
0x88: {  	s2 =	sld [smem:$0x3FD9]  }
0x89: {  	s3 =	sld [smem:$0x3FFE];
	_ =	sdelay $0x1  }
0x8a: {  	s1 =	srdreg.scid  }
0x8b: {  	s0 =	sand.u32 $0x1, s1  }
0x8c: {  	s17 =	sshll.u32 s0, $0xA;
	s2 =	sadd.s32 s3, s2  }
0x8d: {  	s2 =	sadd.s32 s2, s17  }
0x8e: {  	[smem:$0x3FB6] =	sst s2  }
0x8f: {  	_ = 	snop  }
0x90: {  	s2 =	sld [smem:$0x3FC9];
	(tm) =	ssettm $0x1  }
0x91: {  	s18 =	sld [smem:$0x3FFB];
	_ =	sdelay $0x3  }
0x92: {  	_ =	strace s18  }
0x93: {  	s3 =	sld [smem:$0x3FFC];
	_ =	sdelay $0x3  }
0x94: {  	_ =	strace s3  }
0x95: {  	s3 =	sld [smem:$0x3FFD];
	_ =	sdelay $0x3  }
0x96: {  	_ =	strace s3  }
0x97: {  	_ =	strace $0x8FFFFFFF  }
0x98: {  	s19 =	sld [smem:$0x3FDB];
	_ =	sdelay $0x1  }
0x99: {  	s4 =	simm.s32 $_scs_section_size  }
0x9a: {  	s5 =	simm.s32 $_size__tile_overlayer_lowered;
	s6 =	simm.s32 $_tile_overlayer_lowered  }
0x9b: {  	s22 =	simm.s32 $0x1BFF;
	s21 =	sshll.u32 s6, $0x1;
	s3 =	sadd.s32 s4, s19  }
0x9c: {  	s7 =	simm.s32 $0x0;
	s20 =	sshll.u32 s5, $0x1;
	s5 =	sadd.s32 s21, s3  }
0x9d: {  	[timem:s7], [sflag:s22] =	dma.local [hbm:s5], s20  }
0x9e: {  	_ =	swait.ge [sflag:s22], s20  }
0x9f: {  	s4 =	ssub.s32 $0x0, s20;
	[sflag:s22] =	ssyncset.done $0x0  }
0xa0: {  	[sflag:s22] =	ssyncadd.s32 s4;
	_ =	sdelay $0x1  }
0xa1: {  	s23 =	simm.s32 $0x1B8B  }
0xa2: {  	_ =	swait.ge [sflag:s23], $0x1  }
0xa3: {  	[sflag:s23] =	ssyncset.done $0x0  }
0xa4: {  	s25 =	simm.s32 $0x1B8E;
	s24 =	sld [smem:$0x3FFE];
	[sflag:s23] =	ssyncadd.s32 $0xFFFFFFFF  }
0xa5: {  	s26 =	simm.s32 $execute0_lowered;
	[smem:$0x3FD2] =	sst s25  }
0xa6: {  	s5 =	sshll.u32 s26, $0x1;
	_ =	strace $0x8000004F;
	[dreg:$0x1] =	wrdreg $0xFFFFFFFF  }
0xa7: {  	s28 =	simm.s32 $_size_execute0_lowered;
	s3 =	sadd.s32 s3, s5;
	[dreg:$0x0] =	wrdreg $0x0  }
0xa8: {  	s5 =	sshll.u32 s28, $0x1;
	[dreg:$0x2] =	wrdreg s3  }
0xa9: {  	[dreg:$0x3] =	wrdreg s5  }
0xaa: {  	[dreg:$0x4] =	wrdreg $0xC0  }
0xab: {  	_ =	task [dreg:s7], $0x5FFFF  }
0xac: {  	[dreg:$0x1] =	wrdreg $0xFFFFFFFF  }
0xad: {  	[dreg:$0x0] =	wrdreg $0x60  }
0xae: {  	[dreg:$0x2] =	wrdreg s2  }
0xaf: {  	[dreg:$0x3] =	wrdreg s24  }
0xb0: {  	[dreg:$0x4] =	wrdreg $0x9  }
0xb1: {  	_ =	task.clear_ibuf [dreg:s7], $0x5FFFF;
	_ =	strace $0x9000004F  }
0xb2: {  	s29 =	simm.s32 $0x9;
	_ =	strace $0x80000051  }
0xb3: {  	_ =	swait.ge [sflag:s29], $0x1  }
0xb4: {  	[sflag:s29] =	ssyncadd.s32 $0xFFFFFFFF  }
0xb5: {  	_ =	strace $0x90000051  }
0xb6: {  	_ =	sfence  }
0xb7: {  	s30 =	sld [smem:$0x0];
	_ =	sdelay $0x2  }
0xb8: {  	s31 =	sshll.u32 s1, $0xD;
	s1 =	sshrl.u32 s1, $0x2  }
0xb9: {  	s3 =	sand.u32 $0x4000, s31;
	s1 =	sadd.s32 s1, s30  }
0xba: {  	s0 =	sor.u32 s3, s0;
	s1 =	sshll.u32 s1, $0x11  }
0xbb: {  	s0 =	sor.u32 s1, s0  }
0xbc: {  	s0 =	sadd.s32 $0x8F2B, s0  }
0xbd: {  	[sflag:s0] =	ssyncadd.remote.s32 $0x1  }
0xbe: {  	_ =	sfence.sel $0xFFFF  }
0xbf: {  	[dreg:$0x0] =	wrdreg $0xFFFFFFFF;
	(pc) =	sbr.abs _section_cstart, $3  }
0xc0: {  	[dreg:$0x1] =	wrdreg $0xFFFFFFFF  }
0xc1: {  	_ =	task.clear_ibuf [dreg:s7], $0x2FFFF;
	_ =	strace $0x9FFFFFFF  }
0xc2: {  	(tm) =	ssettm $0x7FFFFFFF  }
0xc3: {  	_ =	shalt  }
tec
execute0_lowered:
.L_overlay_start_1:
0x0: {  	(tag) =	ssettag $0x1  }
0x1: {  	s1 =	srdreg.scid  }
0x2: {  	s0 =	stileid.u32;
	s2 =	rddreg [dreg:$0x0]  }
0x3: {  	s5 =	rddreg [dreg:$0x1];
	s3 =	simm.s32 $0x0;
	s10 =	simm.s32 $0x1400  }
0x4: {  	s11 =	simm.s32 $0x2800;
	s12 =	simm.s32 $0x80;
	s13 =	simm.s32 $0x6480  }
0x5: {  	s14 =	simm.s32 $0xA480;
	s15 =	simm.s32 $0x100;
	s16 =	simm.s32 $0xE480  }
0x6: {  	s17 =	simm.s32 $0x1;
	s4 =	sand.u32 $0x1, s1;
	s30 =	sshll.u32 s0, $0x1  }
0x7: {  	s18 =	simm.s32 $0x2;
	s19 =	simm.s32 $0x0;
	s1 =	sor.u32 s4, s30  }
0x8: {  	[smem:$0x7FF] =	sst s3;
	s31 =	ssub.s32 $0x2, s4;
	s8 =	smul.u32 $0x1388, s1  }
0x9: {  	v1 =	vlaneseq.u32;
	v2 =	vimm.s32 $0x0;
	s4 =	sadd.s32 $0xF800, s5;
	s1 =	rddreg [dreg:$0x2];
	s9 =	sshrl.u32 s31, $0x1  }
0xa: {  	v3 =	vadd.s32 $0x73F88, v1;
	v4 =	vor.u32 $0x75320, v1;
	v5 =	vor.u32 $0x75330, v1;
	_ =	strace $0x80000050;
	s9 =	ssub.s32 s31, s9;
	s6 =	sshrl.u32 s8, $0x3  }
0xb: {  	v6 =	vor.u32 $0x75340, v1;
	v7 =	vor.u32 $0x75350, v1;
	v0 =	vmov s8;
	s8 =	smax.u32 s9, $0x1;
	s9 =	simm.s32 $0x3;
	s7 =	sadd.s32 s6, s5  }
0xc: {  	v8 =	vor.u32 $0x75360, v1;
	v9 =	vor.u32 $0x75370, v1;
	v10 =	vor.u32 $0x75380, v1;
	s5 =	sadd.s32 $0x10600, s5;
	s6 =	sadd.s32 $0xA800, s7;
	s7 =	sadd.s32 $0x5800, s7  }
.LBB2_1:
0xd: {  	[tilespmem:$0x1380] =	vst v2  }
0xe: {  	[tilespmem:$0x2780] =	vst v2  }
0xf: {  	[tilespmem:$0x1390] =	vst v2  }
0x10: {  	[tilespmem:$0x2790] =	vst v2  }
0x11: {  	[tilespmem:$0x13A0] =	vst v2  }
0x12: {  	[tilespmem:$0x27A0] =	vst v2  }
0x13: {  	[tilespmem:$0x13B0] =	vst v2  }
0x14: {  	[tilespmem:$0x27B0] =	vst v2  }
0x15: {  	[tilespmem:$0x13C0] =	vst v2  }
0x16: {  	[tilespmem:$0x27C0] =	vst v2  }
0x17: {  	[tilespmem:$0x13D0] =	vst v2  }
0x18: {  	[tilespmem:$0x27D0] =	vst v2  }
0x19: {  	[tilespmem:$0x13E0] =	vst v2  }
0x1a: {  	[tilespmem:$0x27E0] =	vst v2  }
0x1b: {  	[tilespmem:$0x13F0] =	vst v2  }
0x1c: {  	[tilespmem:$0x27F0] =	vst v2  }
0x1d: {  	[tilespmem:s3], [sflag:$0x3] =	stream.linear.gather [hbm4b:s6+s3], $0x1388, $0x38;
	[tilespmem:$0x1E480] =	vst v63  }
0x1e: {  	_ =	swait.ge [sflag:s9], $0x1388  }
0x1f: {  	[sflag:s9] =	ssyncset.done $0x0  }
0x20: {  	[sflag:s9] =	ssyncadd.s32 $0xFFFFEC78  }
0x21: {  	[tilespmem:s10], [sflag:$0x3] =	stream.linear.gather [hbm4b:s7+s3], $0x1388, $0x38;
	[tilespmem:$0x1E480] =	vst v63  }
0x22: {  	_ =	swait.ge [sflag:s9], $0x1388  }
0x23: {  	[sflag:s9] =	ssyncset.done $0x0  }
0x24: {  	[sflag:s9] =	ssyncadd.s32 $0xFFFFEC78  }
0x25: {  	[tilespmem:s11], [sflag:$0x3] =	stream.linear.gather [hbm4b:s4+s3], $0x2800, $0x38;
	[tilespmem:$0x1E480] =	vst v63  }
0x26: {  	_ =	swait.ge [sflag:s9], $0x2800  }
0x27: {  	[sflag:s9] =	ssyncset.done $0x0  }
0x28: {  	s20 =	simm.s32 $0x0;
	[sflag:s9] =	ssyncadd.s32 $0xFFFFD800  }
0x29: {  	v11 =	vld [tilespmem:s20+$0x1400];
	_ =	sdelay $0x7  }
0x2a: {  	v12 =	vld.idx.msk [tilespmem:v11+s11+$0x0], $0xffff;
	_ =	sdelay $0x2  }
0x2b: {  	v13 =	vor.u32 s3, v1  }
0x2c: {  	v14 =	vadd.s32 v0, v13  }
0x2d: {  	v12 =	vsub.s32 v14, v12  }
0x2e: {  	vm0 =	vgt.s32 v12, $0x0  }
0x2f: {  	v12 =	vnsel vm0, $0x0, v12  }
0x30: {  	v12 =	vmin.u32 v12, $0x30  }
0x31: {  	v12 =	vmul.u32 $0x2710, v12  }
0x32: {  	s31 =	sand.u32 $0x7E00, s3  }
0x33: {  	v63 =	vadd.s32 s3, v3;
	s21 =	sand.u32 $0x70, s3;
	vm15 =	vlt.u32 v13, $0x1388;
	s22 =	sshrl.u32 s31, $0x2;
	v11 =	vadd.s32 v11, v12  }
0x34: {  	s23 =	simm.s32 $0x10;
	s21 =	sor.u32 s21, s22;
	v11 =	vsel vm15, v11, v63  }
0x35: {  	s22 =	simm.s32 $0x80;
	s20 =	simm.s32 $0x40;
	[tilespmem:s21+$0x5080] =	vst v11;
	s21 =	simm.s32 $0x0  }
.LBB2_2:
0x36: {  	p0 =	sne.s32 s22, $0x4E00;
	v11 =	vld [tilespmem:s23+$0x1400];
	_ =	sdelay $0x7  }
0x37: {  	v12 =	vld.idx.msk [tilespmem:v11+s11+$0x0], $0xffff;
	_ =	sdelay $0x2  }
0x38: {  	s21 =	sadd.s32 $0x10, s21  }
0x39: {  	v13 =	vor.u32 s21, v1  }
0x3a: {  	v14 =	vadd.s32 v0, v13  }
0x3b: {  	v12 =	vsub.s32 v14, v12  }
0x3c: {  	vm0 =	vgt.s32 v12, $0x0  }
0x3d: {  	v12 =	vnsel vm0, $0x0, v12  }
0x3e: {  	v12 =	vmin.u32 v12, $0x30  }
.Ltmp0:
0x3f: {  	v12 =	vmul.u32 $0x2710, v12;
	(pc) =	sbr.rel @p0 .LBB2_2-.Ltmp0, $4  }
0x40: {  	s23 =	sand.u32 $0x7E00, s20;
	s20 =	smov.u32 s22  }
0x41: {  	s24 =	sand.u32 $0x70, s21;
	s23 =	sshrl.u32 s23, $0x2;
	vm0 =	vlt.u32 v13, $0x1388;
	v11 =	vadd.s32 v11, v12;
	v12 =	vadd.s32 s21, v3  }
0x42: {  	s24 =	sor.u32 s24, s23;
	v11 =	vsel vm0, v11, v12  }
0x43: {  	s22 =	sadd.s32 $0x40, s22;
	s23 =	sshra.s32 s20, $0x2;
	[tilespmem:s24+$0x5080] =	vst v11  }
0x44: {  	v11 =	vld [tilespmem:s23+$0x1400];
	_ =	sdelay $0x7  }
0x45: {  	v12 =	vld.idx.msk [tilespmem:v11+s11+$0x0], $0xffff;
	_ =	sdelay $0x1  }
0x46: {  	s21 =	sadd.s32 $0x10, s21  }
0x47: {  	v13 =	vor.u32 s21, v1  }
0x48: {  	v14 =	vadd.s32 v0, v13  }
0x49: {  	v12 =	vsub.s32 v14, v12  }
0x4a: {  	vm0 =	vgt.s32 v12, $0x0  }
0x4b: {  	v12 =	vnsel vm0, $0x0, v12  }
0x4c: {  	v12 =	vmin.u32 v12, $0x30  }
0x4d: {  	v12 =	vmul.u32 $0x2710, v12  }
0x4e: {  	s20 =	sand.u32 $0x7E00, s20  }
0x4f: {  	v63 =	vadd.s32 s21, v3;
	s21 =	sand.u32 $0x70, s21;
	s20 =	sshrl.u32 s20, $0x2;
	vm15 =	vlt.u32 v13, $0x1388;
	v11 =	vadd.s32 v11, v12  }
0x50: {  	s20 =	sor.u32 s21, s20;
	v11 =	vsel vm15, v11, v63  }
0x51: {  	[tilespmem:s20+$0x5080] =	vst v11  }
0x52: {  	[tilespmem:$0x6410] =	vst v4  }
0x53: {  	[tilespmem:$0x6420] =	vst v5  }
0x54: {  	[tilespmem:$0x6430] =	vst v6  }
0x55: {  	[tilespmem:$0x6440] =	vst v7  }
0x56: {  	[tilespmem:$0x6450] =	vst v8  }
0x57: {  	[tilespmem:$0x6460] =	vst v9  }
0x58: {  	s20 =	simm.s32 $0x0;
	[tilespmem:$0x6470] =	vst v10  }
0x59: {  	[tilespmem:s13], [sflag:$0x1] =	stream.indirect.gather [hbm4b:s2+s12], $0x80, s20, s12, $0xb8;
	[tilespmem:$0x1E480] =	vst v63  }
0x5a: {  	_ = 	snop  }
0x5b: {  	[tilespmem:s14], [sflag:$0x1] =	stream.indirect.gather [hbm4b:s2+s12], $0x80, s12, s12, $0xb8;
	[tilespmem:$0x1E480] =	vst v63  }
0x5c: {  	s22 =	simm.s32 $0x5080;
	s21 =	simm.s32 $0x180  }
0x5d: {  	[tilespmem:s16], [sflag:$0x1] =	stream.indirect.gather [hbm4b:s2+s12], $0x80, s15, s12, $0xb8;
	[tilespmem:$0x1E480] =	vst v63  }
.LBB2_4:
0x5e: {  	s23 =	smul.u32 $0xAB, s20;
	_ =	sdelay $0x1  }
0x5f: {  	s23 =	sshrl.u32 s23, $0xA  }
0x60: {  	s23 =	sand.u32 $0x3F, s23  }
0x61: {  	s23 =	smul.u32 $0x6, s23;
	_ =	sdelay $0x1  }
0x62: {  	s23 =	ssub.s32 s20, s23  }
0x63: {  	_ =	swait.ge [sflag:s17], $0x4000;
	s23 =	sand.u32 $0xFF, s23  }
0x64: {  	[sflag:s17] =	ssyncset.done $0x0;
	s23 =	sshll.u32 s23, $0xE  }
0x65: {  	p0 =	slt.u32 s20, $0x3;
	[sflag:s17] =	ssyncadd.s32 $0xFFFFC000;
	s23 =	sadd.s32 $0x6480, s23  }
0x66: {  	[hbm4b:s5+s12] =	stream.indirect.scatter [tilespmem:s23], [sflag:$0x2], $0x80, s22, s12, $0xb8;
	[tilespmem:$0x1E480] =	vst v63  }
0x67: {  	s23 =	simm.s32 @!p0 $0x2  }
0x68: {  	p1 =	sgt.u32 @!p0 s20, $0x24;
	_ =	swait.ge @!p0 [sflag:s23], $0x4000  }
0x69: {  	p1 =	por p0, !p1;
	[sflag:s23] =	ssyncset.done @!p0 $0x0  }
0x6a: {  	[sflag:s23] =	ssyncadd.s32 @!p0 $0xFFFFC000;
	s23 =	sadd.s32 @p1 $0x3, s20  }
0x6b: {  	s24 =	smul.u32 @p1 $0xAB, s23;
	_ =	sdelay $0x1  }
0x6c: {  	s24 =	sshrl.u32 @p1 s24, $0xA  }
0x6d: {  	s24 =	sand.u32 @p1 $0x3F, s24  }
0x6e: {  	s24 =	smul.u32 @p1 $0x6, s24  }
0x6f: {  	s20 =	sadd.s32 $0x1, s20  }
0x70: {  	p0 =	sne.s32 s20, $0x28;
	s23 =	ssub.s32 @p1 s23, s24  }
.Ltmp1:
0x71: {  	s23 =	sand.u32 @p1 $0xFF, s23;
	(pc) =	sbr.rel @p0 .LBB2_4-.Ltmp1, $4  }
0x72: {  	s23 =	sshll.u32 @p1 s23, $0xE  }
0x73: {  	s23 =	sadd.s32 @p1 $0x6480, s23  }
0x74: {  	[tilespmem:s23], [sflag:$0x1] =	stream.indirect.gather @p1 [hbm4b:s2+s12], $0x80, s21, s12, $0xb8;
	[tilespmem:$0x1E480] =	vst v63  }
0x75: {  	s22 =	sadd.s32 $0x80, s22;
	s21 =	sadd.s32 $0x80, s21  }
0x76: {  	_ =	swait.ge [sflag:s18], $0x4000  }
0x77: {  	[sflag:s18] =	ssyncset.done $0x0  }
0x78: {  	s19 =	sadd.s32 $0x1, s19;
	[sflag:s18] =	ssyncadd.s32 $0xFFFFC000  }
0x79: {  	p0 =	sne.s32 s19, s8;
	_ =	swait.ge [sflag:s18], $0x4000  }
.Ltmp2:
0x7a: {  	[sflag:s18] =	ssyncset.done $0x0;
	(pc) =	sbr.rel @p0 .LBB2_1-.Ltmp2, $4  }
0x7b: {  	[sflag:s18] =	ssyncadd.s32 $0xFFFFC000  }
0x7c: {  	_ =	swait.ge [sflag:s18], $0x4000  }
0x7d: {  	[sflag:s18] =	ssyncset.done $0x0  }
0x7e: {  	[sflag:s18] =	ssyncadd.s32 $0xFFFFC000  }
0x7f: {  	_ =	sfence.sel $0x180000  }
0x80: {  	[bflag:$0x0] =	sbarrier.arrive $0xFFFF  }
0x81: {  	p0 =	sne.s32 s0, $0x0;
	_ =	strace $0x90000050  }
0x82: {  	s0 =	sadd.s32 @!p0 $0x100000, s1;
	[bflag:$0x2] =	sbarrier.arrive $0xFFFF  }
0x83: {  	[sflag:s0] =	ssyncadd.tile.s32 @!p0 $0x1;
	_ =	shalt  }
.Lfunc_end2:
_tile_overlayer_lowered:
.L_overlay_start_2:
0x84: {  	(tag) =	ssettag $0x2  }
0x85: {  	s0 =	rddreg [dreg:$0x0];
	s2 =	stileid.u32  }
0x86: {  	s1 =	rddreg [dreg:$0x1];
	p0 =	sne.s32 s2, $0x0  }
0x87: {  	s3 =	rddreg [dreg:$0x2];
	[bflag:$0x3] =	sbarrier.arrive $0xFFFF;
	s2 =	simm.s32 @!p0 $0x1C03  }
0x88: {  	[timem:s3], [sflag:s2] =	dma.local @!p0 [hbm:s0], s1  }
0x89: {  	s0 =	simm.s32 @!p0 $0x3  }
0x8a: {  	_ =	swait.ge @!p0 [sflag:s0], s1  }
0x8b: {  	s1 =	ssub.s32 @!p0 $0x0, s1;
	[sflag:s0] =	ssyncset.done @!p0 $0x0  }
0x8c: {  	[sflag:s0] =	ssyncadd.s32 @!p0 s1  }
0x8d: {  	[bflag:$0x3] =	sbarrier.arrive $0xFFFF  }
0x8e: {  	_ =	shalt  }

// kernel: kernel.22.cloned.1.call-start
scs
__scs_entry_jumppad:
0x0: {  	(pc) =	sbr.rel $0x88, $3  }
0x1: {  	(tag) =	ssettag $0x0;
	lr =	simm.s32 $0x1  }
0x2: {  	[smem:$0x3F8F] =	sst lr;
	_ =	strace $0xD0000000  }
0x3: {  	_ = 	snop  }
0x4: {  	_ = 	snop  }
0x5: {  	_ = 	snop  }
0x6: {  	_ = 	snop  }
0x7: {  	_ = 	snop  }
__scs_overlays_trampoline_lowered:
0x8: {  	[smem:$0x3F9E] =	sst s0  }
0x9: {  	[smem:$0x3F9F] =	sst s1  }
0xa: {  	[smem:$0x3FA0] =	sst s2  }
0xb: {  	[smem:$0x3FA1] =	sst s3  }
0xc: {  	[smem:$0x3FA2] =	sst s4  }
0xd: {  	[smem:$0x3FA3] =	sst s5  }
0xe: {  	[smem:$0x3FA4] =	sst s6  }
0xf: {  	[smem:$0x3FA5] =	sst s7  }
0x10: {  	[smem:$0x3FA6] =	sst s8  }
0x11: {  	[smem:$0x3FA7] =	sst s9;
	s0 =	simm.s32 @!p0 $0x0  }
0x12: {  	s1 =	sld [smem:$0x3F8D];
	s0 =	simm.s32 @p0 $0x1  }
0x13: {  	[smem:$0x3FA8] =	sst s0;
	s0 =	simm.s32 @!p1 $0x0  }
0x14: {  	s2 =	sld [smem:$0x3F8C];
	s0 =	simm.s32 @p1 $0x1  }
0x15: {  	[smem:$0x3FA9] =	sst s0;
	s0 =	simm.s32 @!p2 $0x0  }
0x16: {  	s3 =	sld [smem:$0x3FDB];
	s0 =	simm.s32 @p2 $0x1  }
0x17: {  	s4 =	simm.s32 $0x1BF5;
	[smem:$0x3FAB] =	sst s0  }
0x18: {  	s0 =	sld [smem:$0x3F8E];
	_ =	swait.ge [sflag:s4], $0x0  }
0x19: {  	s7 =	sld [smem:$0x3F8F]  }
0x1a: {  	s8 =	sadd.s32 $0xFFFFE003, lr  }
0x1b: {  	s9 =	sadd.s32 $0xFFFFFEF7, lr;
	s5 =	simm.s32 $0xFFFFFFFF;
	p2 =	slt.u32 s8, $0xFFFFF086  }
0x1c: {  	p1 =	slt.u32 s9, $0xF7A;
	s5 =	simm.s32 @!p2 $0x0  }
0x1d: {  	s5 =	simm.s32 @p1 $0x1;
	p0 =	seq.s32 s7, s2  }
0x1e: {  	s7 =	smul.u32 @!p0 $0xF7A, s2;
	p2 =	seq.s32 @!p0 s5, $0x0  }
0x1f: {  	s9 =	smul.u32 $0xF7A, s1;
	s8 =	simm.s32 @!p0 $0x1BF5;
	p2 =	por !p2, p0  }
0x20: {  	[sflag:s8] =	ssyncset.s32 @!p0 $0xFFFFF086;
	s6 =	sadd.s32 @!p0 s3, s7;
	s7 =	simm.s32 @!p0 $0x108  }
0x21: {  	s3 =	sadd.s32 s3, s9;
	s6 =	sadd.s32 @!p0 $0x88, s6;
	s7 =	simm.s32 @p2 $0x1082  }
0x22: {  	[simem:s7], [sflag:s8] =	dma.local @!p0 [hbm:s6], $0xF7A  }
0x23: {  	s9 =	sor.u32 $0xD0000000, s2;
	s6 =	simm.s32 $0x108;
	_ =	swait.ge @!p0 [sflag:s8], $0x0  }
0x24: {  	s3 =	sadd.s32 $0x88, s3;
	s6 =	simm.s32 @!p1 $0x1082;
	[sflag:s4] =	ssyncset.s32 $0xFFFFF086  }
0x25: {  	[simem:s6], [sflag:s4] =	dma.local [hbm:s3], $0xF7A  }
0x26: {  	[smem:$0x3F8F] =	sst s1;
	(tag) =	ssettag s2;
	_ =	strace s9  }
0x27: {  	s1 =	sld [smem:$0x3F9F]  }
0x28: {  	s2 =	sld [smem:$0x3FA0]  }
0x29: {  	s4 =	sld [smem:$0x3FA2]  }
0x2a: {  	p0 =	seq.s32 s5, $0x0;
	s5 =	sld [smem:$0x3FA3]  }
0x2b: {  	s6 =	sld [smem:$0x3FA4]  }
0x2c: {  	s7 =	sld [smem:$0x3FA5]  }
0x2d: {  	s3 =	simm.s32 $0x108;
	s8 =	sld [smem:$0x3FA6]  }
0x2e: {  	s3 =	simm.s32 @!p0 $0x1082;
	s9 =	sld [smem:$0x3FA7]  }
0x2f: {  	lr =	sadd.s32 s0, s3;
	s0 =	sld [smem:$0x3F9E]  }
0x30: {  	s3 =	sld [smem:$0x3FA1]  }
0x31: {  	[smem:$0x3FAA] =	sst s10  }
0x32: {  	s10 =	sld [smem:$0x3FA8];
	_ =	sdelay $0x3  }
0x33: {  	p0 =	seq.s32 s10, $0x1;
	s10 =	sld [smem:$0x3FAA];
	_ =	sdelay $0x3  }
0x34: {  	[smem:$0x3FAA] =	sst s10  }
0x35: {  	s10 =	sld [smem:$0x3FA9];
	_ =	sdelay $0x3  }
0x36: {  	p1 =	seq.s32 s10, $0x1;
	s10 =	sld [smem:$0x3FAA];
	_ =	sdelay $0x3  }
0x37: {  	[smem:$0x3FAA] =	sst s10  }
0x38: {  	s10 =	sld [smem:$0x3FAB]  }
0x39: {  	_ = 	snop;
	(pc) =	sbr.ind lr, $3  }
0x3a: {  	_ = 	snop  }
0x3b: {  	_ = 	snop  }
0x3c: {  	p2 =	seq.s32 s10, $0x1;
	s10 =	sld [smem:$0x3FAA]  }
0x3d: {  	_ =	shalt  }
0x3e: {  	_ =	shalt  }
0x3f: {  	_ =	shalt  }
0x40: {  	_ =	shalt  }
0x41: {  	_ =	shalt  }
0x42: {  	_ =	shalt  }
0x43: {  	_ =	shalt  }
0x44: {  	_ =	shalt  }
0x45: {  	_ =	shalt  }
0x46: {  	_ =	shalt  }
0x47: {  	_ =	shalt  }
0x48: {  	_ =	shalt  }
0x49: {  	_ =	shalt  }
0x4a: {  	_ =	shalt  }
0x4b: {  	_ =	shalt  }
0x4c: {  	_ =	shalt  }
0x4d: {  	_ =	shalt  }
0x4e: {  	_ =	shalt  }
0x4f: {  	_ =	shalt  }
0x50: {  	_ =	shalt  }
0x51: {  	_ =	shalt  }
0x52: {  	_ =	shalt  }
0x53: {  	_ =	shalt  }
0x54: {  	_ =	shalt  }
0x55: {  	_ =	shalt  }
0x56: {  	_ =	shalt  }
0x57: {  	_ =	shalt  }
0x58: {  	_ =	shalt  }
0x59: {  	_ =	shalt  }
0x5a: {  	_ =	shalt  }
0x5b: {  	_ =	shalt  }
0x5c: {  	_ =	shalt  }
0x5d: {  	_ =	shalt  }
0x5e: {  	_ =	shalt  }
0x5f: {  	_ =	shalt  }
0x60: {  	_ =	shalt  }
0x61: {  	_ =	shalt  }
0x62: {  	_ =	shalt  }
0x63: {  	_ =	shalt  }
0x64: {  	_ =	shalt  }
0x65: {  	_ =	shalt  }
0x66: {  	_ =	shalt  }
0x67: {  	_ =	shalt  }
0x68: {  	_ =	shalt  }
0x69: {  	_ =	shalt  }
0x6a: {  	_ =	shalt  }
0x6b: {  	_ =	shalt  }
0x6c: {  	_ =	shalt  }
0x6d: {  	_ =	shalt  }
0x6e: {  	_ =	shalt  }
0x6f: {  	_ =	shalt  }
0x70: {  	_ =	shalt  }
0x71: {  	_ =	shalt  }
0x72: {  	_ =	shalt  }
0x73: {  	_ =	shalt  }
0x74: {  	_ =	shalt  }
0x75: {  	_ =	shalt  }
0x76: {  	_ =	shalt  }
0x77: {  	_ =	shalt  }
0x78: {  	_ =	shalt  }
0x79: {  	_ =	shalt  }
0x7a: {  	_ =	shalt  }
0x7b: {  	_ =	shalt  }
0x7c: {  	_ =	shalt  }
0x7d: {  	_ =	shalt  }
0x7e: {  	_ =	shalt  }
0x7f: {  	_ =	shalt  }
0x80: {  	_ =	shalt  }
0x81: {  	_ =	shalt  }
0x82: {  	_ =	shalt  }
0x83: {  	_ =	shalt  }
0x84: {  	_ =	shalt  }
0x85: {  	_ =	shalt  }
0x86: {  	_ =	shalt  }
0x87: {  	_ =	shalt  }
.Lfunc_end0:
.L_simem_size_0:
called_computation.4_lowered:
.L_overlay_start_0:
0x88: {  	s2 =	sld [smem:$0x3FD9]  }
0x89: {  	s3 =	sld [smem:$0x3FFE];
	_ =	sdelay $0x1  }
0x8a: {  	s1 =	srdreg.scid  }
0x8b: {  	s0 =	sand.u32 $0x1, s1  }
0x8c: {  	s17 =	sshll.u32 s0, $0xA;
	s2 =	sadd.s32 s3, s2  }
0x8d: {  	s2 =	sadd.s32 s2, s17  }
0x8e: {  	[smem:$0x3FB6] =	sst s2  }
0x8f: {  	_ = 	snop  }
0x90: {  	s2 =	sld [smem:$0x3FD0];
	(tm) =	ssettm $0x1  }
0x91: {  	s18 =	sld [smem:$0x3FFB];
	_ =	sdelay $0x3  }
0x92: {  	_ =	strace s18  }
0x93: {  	s3 =	sld [smem:$0x3FFC];
	_ =	sdelay $0x3  }
0x94: {  	_ =	strace s3  }
0x95: {  	s3 =	sld [smem:$0x3FFD];
	_ =	sdelay $0x3  }
0x96: {  	_ =	strace s3  }
0x97: {  	_ =	strace $0x8FFFFFFF  }
0x98: {  	s19 =	sld [smem:$0x3FDB];
	_ =	sdelay $0x1  }
0x99: {  	s4 =	simm.s32 $_scs_section_size  }
0x9a: {  	s5 =	simm.s32 $_size__tile_overlayer_lowered;
	s6 =	simm.s32 $_tile_overlayer_lowered  }
0x9b: {  	s22 =	simm.s32 $0x1BFF;
	s21 =	sshll.u32 s6, $0x1;
	s3 =	sadd.s32 s4, s19  }
0x9c: {  	s7 =	simm.s32 $0x0;
	s20 =	sshll.u32 s5, $0x1;
	s5 =	sadd.s32 s21, s3  }
0x9d: {  	[timem:s7], [sflag:s22] =	dma.local [hbm:s5], s20  }
0x9e: {  	_ =	swait.ge [sflag:s22], s20  }
0x9f: {  	s4 =	ssub.s32 $0x0, s20;
	[sflag:s22] =	ssyncset.done $0x0  }
0xa0: {  	[sflag:s22] =	ssyncadd.s32 s4;
	_ =	sdelay $0x1  }
0xa1: {  	s23 =	simm.s32 $0x1B8B  }
0xa2: {  	_ =	swait.ge [sflag:s23], $0x1  }
0xa3: {  	[sflag:s23] =	ssyncset.done $0x0  }
0xa4: {  	s25 =	simm.s32 $0x1B8E;
	s24 =	sld [smem:$0x3FFE];
	[sflag:s23] =	ssyncadd.s32 $0xFFFFFFFF  }
0xa5: {  	s26 =	simm.s32 $execute0_lowered;
	[smem:$0x3FD2] =	sst s25  }
0xa6: {  	s5 =	sshll.u32 s26, $0x1;
	_ =	strace $0x80000052;
	[dreg:$0x1] =	wrdreg $0xFFFFFFFF  }
0xa7: {  	s28 =	simm.s32 $_size_execute0_lowered;
	s3 =	sadd.s32 s3, s5;
	[dreg:$0x0] =	wrdreg $0x0  }
0xa8: {  	s5 =	sshll.u32 s28, $0x1;
	[dreg:$0x2] =	wrdreg s3  }
0xa9: {  	[dreg:$0x3] =	wrdreg s5  }
0xaa: {  	[dreg:$0x4] =	wrdreg $0xC0  }
0xab: {  	_ =	task [dreg:s7], $0x5FFFF  }
0xac: {  	[dreg:$0x1] =	wrdreg $0xFFFFFFFF  }
0xad: {  	[dreg:$0x0] =	wrdreg $0x60  }
0xae: {  	[dreg:$0x2] =	wrdreg s2  }
0xaf: {  	[dreg:$0x3] =	wrdreg s24  }
0xb0: {  	[dreg:$0x4] =	wrdreg $0x9  }
0xb1: {  	_ =	task.clear_ibuf [dreg:s7], $0x5FFFF;
	_ =	strace $0x90000052  }
0xb2: {  	s29 =	simm.s32 $0x9;
	_ =	strace $0x80000054  }
0xb3: {  	_ =	swait.ge [sflag:s29], $0x1  }
0xb4: {  	[sflag:s29] =	ssyncadd.s32 $0xFFFFFFFF  }
0xb5: {  	_ =	strace $0x90000054  }
0xb6: {  	_ =	sfence  }
0xb7: {  	s30 =	sld [smem:$0x0];
	_ =	sdelay $0x2  }
0xb8: {  	s31 =	sshll.u32 s1, $0xD;
	s1 =	sshrl.u32 s1, $0x2  }
0xb9: {  	s3 =	sand.u32 $0x4000, s31;
	s1 =	sadd.s32 s1, s30  }
0xba: {  	s0 =	sor.u32 s3, s0;
	s1 =	sshll.u32 s1, $0x11  }
0xbb: {  	s0 =	sor.u32 s1, s0  }
0xbc: {  	s0 =	sadd.s32 $0x8F2B, s0  }
0xbd: {  	[sflag:s0] =	ssyncadd.remote.s32 $0x1  }
0xbe: {  	_ =	sfence.sel $0xFFFF  }
0xbf: {  	[dreg:$0x0] =	wrdreg $0xFFFFFFFF;
	(pc) =	sbr.abs _section_cstart, $3  }
0xc0: {  	[dreg:$0x1] =	wrdreg $0xFFFFFFFF  }
0xc1: {  	_ =	task.clear_ibuf [dreg:s7], $0x2FFFF;
	_ =	strace $0x9FFFFFFF  }
0xc2: {  	(tm) =	ssettm $0x7FFFFFFF  }
0xc3: {  	_ =	shalt  }
tec
execute0_lowered:
.L_overlay_start_1:
0x0: {  	(tag) =	ssettag $0x1  }
0x1: {  	s1 =	srdreg.scid  }
0x2: {  	s0 =	stileid.u32;
	s2 =	rddreg [dreg:$0x0]  }
0x3: {  	s5 =	rddreg [dreg:$0x1];
	s3 =	simm.s32 $0x0;
	s10 =	simm.s32 $0x1400  }
0x4: {  	s11 =	simm.s32 $0x2800;
	s12 =	simm.s32 $0x80;
	s13 =	simm.s32 $0x6480  }
0x5: {  	s14 =	simm.s32 $0xA480;
	s15 =	simm.s32 $0x100;
	s16 =	simm.s32 $0xE480  }
0x6: {  	s17 =	simm.s32 $0x1;
	s4 =	sand.u32 $0x1, s1;
	s30 =	sshll.u32 s0, $0x1  }
0x7: {  	s18 =	simm.s32 $0x2;
	s19 =	simm.s32 $0x0;
	s1 =	sor.u32 s4, s30  }
0x8: {  	[smem:$0x7FF] =	sst s3;
	s31 =	ssub.s32 $0x2, s4;
	s8 =	smul.u32 $0x1388, s1  }
0x9: {  	v1 =	vlaneseq.u32;
	v2 =	vimm.s32 $0x0;
	s4 =	sadd.s32 $0xF800, s5;
	s1 =	rddreg [dreg:$0x2];
	s9 =	sshrl.u32 s31, $0x1  }
0xa: {  	v3 =	vadd.s32 $0x73F88, v1;
	v4 =	vor.u32 $0x75320, v1;
	v5 =	vor.u32 $0x75330, v1;
	_ =	strace $0x80000053;
	s9 =	ssub.s32 s31, s9;
	s6 =	sshrl.u32 s8, $0x3  }
0xb: {  	v6 =	vor.u32 $0x75340, v1;
	v7 =	vor.u32 $0x75350, v1;
	v0 =	vmov s8;
	s8 =	smax.u32 s9, $0x1;
	s9 =	simm.s32 $0x3;
	s7 =	sadd.s32 s6, s5  }
0xc: {  	v8 =	vor.u32 $0x75360, v1;
	v9 =	vor.u32 $0x75370, v1;
	v10 =	vor.u32 $0x75380, v1;
	s5 =	sadd.s32 $0x10000, s5;
	s6 =	sadd.s32 $0xA800, s7;
	s7 =	sadd.s32 $0x5800, s7  }
.LBB2_1:
0xd: {  	[tilespmem:$0x1380] =	vst v2  }
0xe: {  	[tilespmem:$0x2780] =	vst v2  }
0xf: {  	[tilespmem:$0x1390] =	vst v2  }
0x10: {  	[tilespmem:$0x2790] =	vst v2  }
0x11: {  	[tilespmem:$0x13A0] =	vst v2  }
0x12: {  	[tilespmem:$0x27A0] =	vst v2  }
0x13: {  	[tilespmem:$0x13B0] =	vst v2  }
0x14: {  	[tilespmem:$0x27B0] =	vst v2  }
0x15: {  	[tilespmem:$0x13C0] =	vst v2  }
0x16: {  	[tilespmem:$0x27C0] =	vst v2  }
0x17: {  	[tilespmem:$0x13D0] =	vst v2  }
0x18: {  	[tilespmem:$0x27D0] =	vst v2  }
0x19: {  	[tilespmem:$0x13E0] =	vst v2  }
0x1a: {  	[tilespmem:$0x27E0] =	vst v2  }
0x1b: {  	[tilespmem:$0x13F0] =	vst v2  }
0x1c: {  	[tilespmem:$0x27F0] =	vst v2  }
0x1d: {  	[tilespmem:s3], [sflag:$0x3] =	stream.linear.gather [hbm4b:s6+s3], $0x1388, $0x38;
	[tilespmem:$0x1E480] =	vst v63  }
0x1e: {  	_ =	swait.ge [sflag:s9], $0x1388  }
0x1f: {  	[sflag:s9] =	ssyncset.done $0x0  }
0x20: {  	[sflag:s9] =	ssyncadd.s32 $0xFFFFEC78  }
0x21: {  	[tilespmem:s10], [sflag:$0x3] =	stream.linear.gather [hbm4b:s7+s3], $0x1388, $0x38;
	[tilespmem:$0x1E480] =	vst v63  }
0x22: {  	_ =	swait.ge [sflag:s9], $0x1388  }
0x23: {  	[sflag:s9] =	ssyncset.done $0x0  }
0x24: {  	[sflag:s9] =	ssyncadd.s32 $0xFFFFEC78  }
0x25: {  	[tilespmem:s11], [sflag:$0x3] =	stream.linear.gather [hbm4b:s4+s3], $0x2800, $0x38;
	[tilespmem:$0x1E480] =	vst v63  }
0x26: {  	_ =	swait.ge [sflag:s9], $0x2800  }
0x27: {  	[sflag:s9] =	ssyncset.done $0x0  }
0x28: {  	s20 =	simm.s32 $0x0;
	[sflag:s9] =	ssyncadd.s32 $0xFFFFD800  }
0x29: {  	v11 =	vld [tilespmem:s20+$0x1400];
	_ =	sdelay $0x7  }
0x2a: {  	v12 =	vld.idx.msk [tilespmem:v11+s11+$0x0], $0xffff;
	_ =	sdelay $0x2  }
0x2b: {  	v13 =	vor.u32 s3, v1  }
0x2c: {  	v14 =	vadd.s32 v0, v13  }
0x2d: {  	v12 =	vsub.s32 v14, v12  }
0x2e: {  	vm0 =	vgt.s32 v12, $0x0  }
0x2f: {  	v12 =	vnsel vm0, $0x0, v12  }
0x30: {  	v12 =	vmin.u32 v12, $0x30  }
0x31: {  	v12 =	vmul.u32 $0x2710, v12  }
0x32: {  	s31 =	sand.u32 $0x7E00, s3  }
0x33: {  	v63 =	vadd.s32 s3, v3;
	s21 =	sand.u32 $0x70, s3;
	vm15 =	vlt.u32 v13, $0x1388;
	s22 =	sshrl.u32 s31, $0x2;
	v11 =	vadd.s32 v11, v12  }
0x34: {  	s23 =	simm.s32 $0x10;
	s21 =	sor.u32 s21, s22;
	v11 =	vsel vm15, v11, v63  }
0x35: {  	s22 =	simm.s32 $0x80;
	s20 =	simm.s32 $0x40;
	[tilespmem:s21+$0x5080] =	vst v11;
	s21 =	simm.s32 $0x0  }
.LBB2_2:
0x36: {  	p0 =	sne.s32 s22, $0x4E00;
	v11 =	vld [tilespmem:s23+$0x1400];
	_ =	sdelay $0x7  }
0x37: {  	v12 =	vld.idx.msk [tilespmem:v11+s11+$0x0], $0xffff;
	_ =	sdelay $0x2  }
0x38: {  	s21 =	sadd.s32 $0x10, s21  }
0x39: {  	v13 =	vor.u32 s21, v1  }
0x3a: {  	v14 =	vadd.s32 v0, v13  }
0x3b: {  	v12 =	vsub.s32 v14, v12  }
0x3c: {  	vm0 =	vgt.s32 v12, $0x0  }
0x3d: {  	v12 =	vnsel vm0, $0x0, v12  }
0x3e: {  	v12 =	vmin.u32 v12, $0x30  }
.Ltmp0:
0x3f: {  	v12 =	vmul.u32 $0x2710, v12;
	(pc) =	sbr.rel @p0 .LBB2_2-.Ltmp0, $4  }
0x40: {  	s23 =	sand.u32 $0x7E00, s20;
	s20 =	smov.u32 s22  }
0x41: {  	s24 =	sand.u32 $0x70, s21;
	s23 =	sshrl.u32 s23, $0x2;
	vm0 =	vlt.u32 v13, $0x1388;
	v11 =	vadd.s32 v11, v12;
	v12 =	vadd.s32 s21, v3  }
0x42: {  	s24 =	sor.u32 s24, s23;
	v11 =	vsel vm0, v11, v12  }
0x43: {  	s22 =	sadd.s32 $0x40, s22;
	s23 =	sshra.s32 s20, $0x2;
	[tilespmem:s24+$0x5080] =	vst v11  }
0x44: {  	v11 =	vld [tilespmem:s23+$0x1400];
	_ =	sdelay $0x7  }
0x45: {  	v12 =	vld.idx.msk [tilespmem:v11+s11+$0x0], $0xffff;
	_ =	sdelay $0x1  }
0x46: {  	s21 =	sadd.s32 $0x10, s21  }
0x47: {  	v13 =	vor.u32 s21, v1  }
0x48: {  	v14 =	vadd.s32 v0, v13  }
0x49: {  	v12 =	vsub.s32 v14, v12  }
0x4a: {  	vm0 =	vgt.s32 v12, $0x0  }
0x4b: {  	v12 =	vnsel vm0, $0x0, v12  }
0x4c: {  	v12 =	vmin.u32 v12, $0x30  }
0x4d: {  	v12 =	vmul.u32 $0x2710, v12  }
0x4e: {  	s20 =	sand.u32 $0x7E00, s20  }
0x4f: {  	v63 =	vadd.s32 s21, v3;
	s21 =	sand.u32 $0x70, s21;
	s20 =	sshrl.u32 s20, $0x2;
	vm15 =	vlt.u32 v13, $0x1388;
	v11 =	vadd.s32 v11, v12  }
0x50: {  	s20 =	sor.u32 s21, s20;
	v11 =	vsel vm15, v11, v63  }
0x51: {  	[tilespmem:s20+$0x5080] =	vst v11  }
0x52: {  	[tilespmem:$0x6410] =	vst v4  }
0x53: {  	[tilespmem:$0x6420] =	vst v5  }
0x54: {  	[tilespmem:$0x6430] =	vst v6  }
0x55: {  	[tilespmem:$0x6440] =	vst v7  }
0x56: {  	[tilespmem:$0x6450] =	vst v8  }
0x57: {  	[tilespmem:$0x6460] =	vst v9  }
0x58: {  	s20 =	simm.s32 $0x0;
	[tilespmem:$0x6470] =	vst v10  }
0x59: {  	[tilespmem:s13], [sflag:$0x1] =	stream.indirect.gather [hbm4b:s2+s12], $0x80, s20, s12, $0xb8;
	[tilespmem:$0x1E480] =	vst v63  }
0x5a: {  	_ = 	snop  }
0x5b: {  	[tilespmem:s14], [sflag:$0x1] =	stream.indirect.gather [hbm4b:s2+s12], $0x80, s12, s12, $0xb8;
	[tilespmem:$0x1E480] =	vst v63  }
0x5c: {  	s22 =	simm.s32 $0x5080;
	s21 =	simm.s32 $0x180  }
0x5d: {  	[tilespmem:s16], [sflag:$0x1] =	stream.indirect.gather [hbm4b:s2+s12], $0x80, s15, s12, $0xb8;
	[tilespmem:$0x1E480] =	vst v63  }
.LBB2_4:
0x5e: {  	s23 =	smul.u32 $0xAB, s20;
	_ =	sdelay $0x1  }
0x5f: {  	s23 =	sshrl.u32 s23, $0xA  }
0x60: {  	s23 =	sand.u32 $0x3F, s23  }
0x61: {  	s23 =	smul.u32 $0x6, s23;
	_ =	sdelay $0x1  }
0x62: {  	s23 =	ssub.s32 s20, s23  }
0x63: {  	_ =	swait.ge [sflag:s17], $0x4000;
	s23 =	sand.u32 $0xFF, s23  }
0x64: {  	[sflag:s17] =	ssyncset.done $0x0;
	s23 =	sshll.u32 s23, $0xE  }
0x65: {  	p0 =	slt.u32 s20, $0x3;
	[sflag:s17] =	ssyncadd.s32 $0xFFFFC000;
	s23 =	sadd.s32 $0x6480, s23  }
0x66: {  	[hbm4b:s5+s12] =	stream.indirect.scatter [tilespmem:s23], [sflag:$0x2], $0x80, s22, s12, $0xb8;
	[tilespmem:$0x1E480] =	vst v63  }
0x67: {  	s23 =	simm.s32 @!p0 $0x2  }
0x68: {  	p1 =	sgt.u32 @!p0 s20, $0x24;
	_ =	swait.ge @!p0 [sflag:s23], $0x4000  }
0x69: {  	p1 =	por p0, !p1;
	[sflag:s23] =	ssyncset.done @!p0 $0x0  }
0x6a: {  	[sflag:s23] =	ssyncadd.s32 @!p0 $0xFFFFC000;
	s23 =	sadd.s32 @p1 $0x3, s20  }
0x6b: {  	s24 =	smul.u32 @p1 $0xAB, s23;
	_ =	sdelay $0x1  }
0x6c: {  	s24 =	sshrl.u32 @p1 s24, $0xA  }
0x6d: {  	s24 =	sand.u32 @p1 $0x3F, s24  }
0x6e: {  	s24 =	smul.u32 @p1 $0x6, s24  }
0x6f: {  	s20 =	sadd.s32 $0x1, s20  }
0x70: {  	p0 =	sne.s32 s20, $0x28;
	s23 =	ssub.s32 @p1 s23, s24  }
.Ltmp1:
0x71: {  	s23 =	sand.u32 @p1 $0xFF, s23;
	(pc) =	sbr.rel @p0 .LBB2_4-.Ltmp1, $4  }
0x72: {  	s23 =	sshll.u32 @p1 s23, $0xE  }
0x73: {  	s23 =	sadd.s32 @p1 $0x6480, s23  }
0x74: {  	[tilespmem:s23], [sflag:$0x1] =	stream.indirect.gather @p1 [hbm4b:s2+s12], $0x80, s21, s12, $0xb8;
	[tilespmem:$0x1E480] =	vst v63  }
0x75: {  	s22 =	sadd.s32 $0x80, s22;
	s21 =	sadd.s32 $0x80, s21  }
0x76: {  	_ =	swait.ge [sflag:s18], $0x4000  }
0x77: {  	[sflag:s18] =	ssyncset.done $0x0  }
0x78: {  	s19 =	sadd.s32 $0x1, s19;
	[sflag:s18] =	ssyncadd.s32 $0xFFFFC000  }
0x79: {  	p0 =	sne.s32 s19, s8;
	_ =	swait.ge [sflag:s18], $0x4000  }
.Ltmp2:
0x7a: {  	[sflag:s18] =	ssyncset.done $0x0;
	(pc) =	sbr.rel @p0 .LBB2_1-.Ltmp2, $4  }
0x7b: {  	[sflag:s18] =	ssyncadd.s32 $0xFFFFC000  }
0x7c: {  	_ =	swait.ge [sflag:s18], $0x4000  }
0x7d: {  	[sflag:s18] =	ssyncset.done $0x0  }
0x7e: {  	[sflag:s18] =	ssyncadd.s32 $0xFFFFC000  }
0x7f: {  	_ =	sfence.sel $0x180000  }
0x80: {  	[bflag:$0x0] =	sbarrier.arrive $0xFFFF  }
0x81: {  	p0 =	sne.s32 s0, $0x0;
	_ =	strace $0x90000053  }
0x82: {  	s0 =	sadd.s32 @!p0 $0x100000, s1;
	[bflag:$0x2] =	sbarrier.arrive $0xFFFF  }
0x83: {  	[sflag:s0] =	ssyncadd.tile.s32 @!p0 $0x1;
	_ =	shalt  }
.Lfunc_end2:
_tile_overlayer_lowered:
.L_overlay_start_2:
0x84: {  	(tag) =	ssettag $0x2  }
0x85: {  	s0 =	rddreg [dreg:$0x0];
	s2 =	stileid.u32  }
0x86: {  	s1 =	rddreg [dreg:$0x1];
	p0 =	sne.s32 s2, $0x0  }
0x87: {  	s3 =	rddreg [dreg:$0x2];
	[bflag:$0x3] =	sbarrier.arrive $0xFFFF;
	s2 =	simm.s32 @!p0 $0x1C03  }
0x88: {  	[timem:s3], [sflag:s2] =	dma.local @!p0 [hbm:s0], s1  }
0x89: {  	s0 =	simm.s32 @!p0 $0x3  }
0x8a: {  	_ =	swait.ge @!p0 [sflag:s0], s1  }
0x8b: {  	s1 =	ssub.s32 @!p0 $0x0, s1;
	[sflag:s0] =	ssyncset.done @!p0 $0x0  }
0x8c: {  	[sflag:s0] =	ssyncadd.s32 @!p0 s1  }
0x8d: {  	[bflag:$0x3] =	sbarrier.arrive $0xFFFF  }
0x8e: {  	_ =	shalt  }

</sc_bundles>
